<compile_context>
chip_gen: v7x
topology: tpu7x:2x2x1
jax: 0.10.2.dev20260603
libtpu: 0.0.44.dev20260713+nightly
codegen_flags: <defaults>
</compile_context>

<pallas_src>
import functools

import jax
import jax.numpy as jnp
from jax import lax
from jax.experimental import pallas as pl
from jax.experimental.pallas import tpu as pltpu
from jax.experimental.pallas import tpu_sc as plsc

M = 512
KNN = 8
MRX = 10
MRT = 6

NW = 32
QTOT = 50000
QPW = 1568
NGROUP = QPW // 16

IDX_BITS = 9
IDX_MASK = (1 << IDX_BITS) - 1


def _freq_rows(nfreq):
    i = jax.lax.broadcasted_iota(jnp.int32, (1, nfreq), 1)
    return jnp.exp2(i.astype(jnp.float32))


def _prep_kernel(nodes_ref, t_ref, rrow_ref, W0_ref, b0_ref, W1_ref, b1_ref,
                 W2_ref, b2_ref, W3_ref, b3_ref, W4_ref, b4_ref, Wout_ref,
                 bout_ref, P_ref, invd_ref, nrep_ref):
    nodes = nodes_ref[...]
    nx = nodes[:, 0:1]
    ny = nodes[:, 1:2]
    nz = nodes[:, 2:3]
    fx = _freq_rows(MRX)
    ft = _freq_rows(MRT)
    t = t_ref[0, 0]
    t_col = jnp.full((M, 1), t, jnp.float32)

    parts = [nodes]
    for col in (nx, ny, nz):
        parts.append(jnp.sin(col * fx))
    for col in (nx, ny, nz):
        parts.append(jnp.cos(col * fx))
    parts.append(t_col)
    parts.append(jnp.sin(t_col * ft))
    parts.append(jnp.cos(t_col * ft))
    h0 = jnp.concatenate(parts, axis=1)

    dot = functools.partial(jnp.dot, preferred_element_type=jnp.float32,
                            precision=jax.lax.Precision.HIGHEST)
    h = jax.nn.relu(dot(h0, W0_ref[...]) + b0_ref[...])
    h = jax.nn.relu(dot(h, W1_ref[...]) + b1_ref[...])
    h = jax.nn.relu(dot(h, W2_ref[...]) + b2_ref[...])
    h = jnp.concatenate([h, h0], axis=1)
    h = jax.nn.relu(dot(h, W3_ref[...]) + b3_ref[...])
    h = jax.nn.relu(dot(h, W4_ref[...]) + b4_ref[...])
    out = dot(h, Wout_ref[...]) + bout_ref[...]

    dx = out[:, 0:1]
    dy = out[:, 1:2]
    dz = out[:, 2:3]
    r = out[:, 3:4] + 1.0
    i = out[:, 4:5]
    j = out[:, 5:6]
    k = out[:, 6:7]
    two_s = 2.0 / (r * r + i * i + j * j + k * k + 1e-8)
    R00 = 1.0 - two_s * (j * j + k * k)
    R01 = two_s * (i * j - k * r)
    R02 = two_s * (i * k + j * r)
    R10 = two_s * (i * j + k * r)
    R11 = 1.0 - two_s * (i * i + k * k)
    R12 = two_s * (j * k - i * r)
    R20 = two_s * (i * k - j * r)
    R21 = two_s * (j * k + i * r)
    R22 = 1.0 - two_s * (i * i + j * j)
    cx = nx + dx - (R00 * nx + R01 * ny + R02 * nz)
    cy = ny + dy - (R10 * nx + R11 * ny + R12 * nz)
    cz = nz + dz - (R20 * nx + R21 * ny + R22 * nz)
    P_ref[...] = jnp.concatenate(
        [R00, R01, R02, R10, R11, R12, R20, R21, R22, cx, cy, cz], axis=1)
    rrow = rrow_ref[...]
    invd_ref[...] = 1.0 / (2.0 * rrow * rrow + 1e-8)
    ones = jnp.ones((1, 16), jnp.float32)
    nrep_ref[...] = jnp.concatenate([nx * ones, ny * ones, nz * ones], axis=1)


def _prep(nodes, t, node_radius, W0, b0, W1, b1, W2, b2, W3, b3, W4, b4,
          Wout, bout):
    return pl.pallas_call(
        _prep_kernel,
        out_shape=(jax.ShapeDtypeStruct((M, 12), jnp.float32),
                   jax.ShapeDtypeStruct((1, M), jnp.float32),
                   jax.ShapeDtypeStruct((M, 48), jnp.float32)),
    )(nodes, t.reshape(1, 1), node_radius.reshape(1, -1), W0,
      b0.reshape(1, -1), W1, b1.reshape(1, -1), W2, b2.reshape(1, -1), W3,
      b3.reshape(1, -1), W4, b4.reshape(1, -1), Wout, bout.reshape(1, -1))


@functools.partial(
    pl.kernel,
    mesh=plsc.VectorSubcoreMesh(core_axis_name="c", subcore_axis_name="s"),
    compiler_params=pltpu.CompilerParams(needs_layout_passes=False),
    out_type=jax.ShapeDtypeStruct((QTOT * 3,), jnp.float32),
    scratch_types=[
        pltpu.VMEM((QPW * 3,), jnp.float32),
        pltpu.VMEM((QPW * 3,), jnp.float32),
        pltpu.VMEM((M * 3 * 16,), jnp.float32),
        pltpu.VMEM((M * 12,), jnp.float32),
        pltpu.VMEM((M,), jnp.float32),
    ],
)
def _sc_warp(x_hbm, nodes_hbm, p_hbm, invd_hbm, out_hbm,
             xbuf, obuf, nbuf, pbuf, ibuf):
    wid = lax.axis_index("s") * 2 + lax.axis_index("c")
    base3 = jnp.minimum(wid * (QPW * 3), (QTOT - QPW) * 3)
    pltpu.sync_copy(x_hbm.at[pl.ds(base3, QPW * 3)], xbuf)
    pltpu.sync_copy(nodes_hbm, nbuf)
    pltpu.sync_copy(p_hbm, pbuf)
    pltpu.sync_copy(invd_hbm, ibuf)

    lanes = lax.broadcasted_iota(jnp.int32, (16,), 0)
    big = jnp.full((16,), jnp.uint32(0xFFFFFFFF), jnp.uint32)
    keep = jnp.uint32(0xFFFFFFFF & ~IDX_MASK)

    def group(g, _):
        q3 = (g * 16 + lanes) * 3
        qx = plsc.load_gather(xbuf, [q3])
        qy = plsc.load_gather(xbuf, [q3 + 1])
        qz = plsc.load_gather(xbuf, [q3 + 2])

        def pair_step(qd, carry):
            ms = [list(carry[:KNN]), list(carry[KNN:])]
            for h in range(2):
                m = ms[h]
                kmin = None
                for j in range(4):
                    n = qd * 8 + h * 4 + j
                    dxv = qx - nbuf[pl.ds(n * 48, 16)]
                    dyv = qy - nbuf[pl.ds(n * 48 + 16, 16)]
                    dzv = qz - nbuf[pl.ds(n * 48 + 32, 16)]
                    d2 = dxv * dxv + dyv * dyv + dzv * dzv
                    key = ((plsc.bitcast(d2, jnp.uint32) & keep)
                           | n.astype(jnp.uint32))
                    kmin = key if kmin is None else jnp.minimum(kmin, key)
                for kk in range(KNN):
                    lo = jnp.minimum(m[kk], kmin)
                    kmin = jnp.maximum(m[kk], kmin)
                    m[kk] = lo
            return tuple(ms[0]) + tuple(ms[1])

        mm = lax.fori_loop(0, M // 8, pair_step, (big,) * (2 * KNN), unroll=4)
        m = [jnp.minimum(mm[kk], mm[2 * KNN - 1 - kk]) for kk in range(KNN)]

        cands = []
        for kk in range(KNN):
            base = m[kk] & jnp.uint32(IDX_MASK & ~3)
            for j in range(4):
                gid = (base | jnp.uint32(j)).astype(jnp.int32)
                g48 = gid * 48
                dxv = qx - plsc.load_gather(nbuf, [g48])
                dyv = qy - plsc.load_gather(nbuf, [g48 + 16])
                dzv = qz - plsc.load_gather(nbuf, [g48 + 32])
                d2 = dxv * dxv + dyv * dyv + dzv * dzv
                gk = ((plsc.bitcast(d2, jnp.uint32) & keep)
                      | plsc.bitcast(gid, jnp.uint32))
                cands.append(jnp.where(gk == m[kk], big, gk))
        for key in cands:
            for kk in range(KNN):
                lo = jnp.minimum(m[kk], key)
                key = jnp.maximum(m[kk], key)
                m[kk] = lo

        wsum = jnp.zeros((16,), jnp.float32)
        ax = jnp.zeros((16,), jnp.float32)
        ay = jnp.zeros((16,), jnp.float32)
        az = jnp.zeros((16,), jnp.float32)
        for kk in range(KNN):
            idx = (m[kk] & jnp.uint32(IDX_MASK)).astype(jnp.int32)
            d2a = plsc.bitcast(m[kk] & keep, jnp.float32)
            w = jnp.exp(-d2a * plsc.load_gather(ibuf, [idx]))
            wsum = wsum + w
            i12 = idx * 12
            p0 = plsc.load_gather(pbuf, [i12])
            p1 = plsc.load_gather(pbuf, [i12 + 1])
            p2 = plsc.load_gather(pbuf, [i12 + 2])
            p3 = plsc.load_gather(pbuf, [i12 + 3])
            p4 = plsc.load_gather(pbuf, [i12 + 4])
            p5 = plsc.load_gather(pbuf, [i12 + 5])
            p6 = plsc.load_gather(pbuf, [i12 + 6])
            p7 = plsc.load_gather(pbuf, [i12 + 7])
            p8 = plsc.load_gather(pbuf, [i12 + 8])
            p9 = plsc.load_gather(pbuf, [i12 + 9])
            p10 = plsc.load_gather(pbuf, [i12 + 10])
            p11 = plsc.load_gather(pbuf, [i12 + 11])
            ax = ax + w * (p0 * qx + p1 * qy + p2 * qz + p9)
            ay = ay + w * (p3 * qx + p4 * qy + p5 * qz + p10)
            az = az + w * (p6 * qx + p7 * qy + p8 * qz + p11)
        inv = 1.0 / (wsum + 1e-8)
        plsc.store_scatter(obuf, [q3], ax * inv)
        plsc.store_scatter(obuf, [q3 + 1], ay * inv)
        plsc.store_scatter(obuf, [q3 + 2], az * inv)
        return 0

    lax.fori_loop(0, NGROUP, group, 0)
    pltpu.sync_copy(obuf, out_hbm.at[pl.ds(base3, QPW * 3)])


def kernel(x, t, nodes, node_radius, W0, b0, W1, b1, W2, b2, W3, b3, W4, b4,
           Wout, bout):
    Q = x.shape[0]
    assert Q == QTOT
    P, invd, nrep = _prep(nodes, t, node_radius, W0, b0, W1, b1, W2, b2, W3,
                          b3, W4, b4, Wout, bout)
    warped = _sc_warp(x.reshape(-1), nrep.reshape(-1), P.reshape(-1),
                      invd.reshape(-1))
    return warped.reshape(Q, 3)

# --- scband reference (transcript-rebuilt; emitter-appended) ---
"""Pipeline reference for scband-control-node-warp-61100204753187 (READ-ONLY COPY).

The authoritative reference and input builder live on the scoring server;
editing this copy changes nothing except your own understanding.
"""

import jax, jax.numpy as jnp
import numpy as np

Q = 50000
M = 512
KNN = 8
HID = 256
MRX = 10
MRT = 6


def freq_embed(x, nfreq):
    freqs = 2.0 ** jnp.arange(nfreq, dtype=x.dtype)
    xb = x[..., None] * freqs
    s = jnp.sin(xb).reshape(x.shape[:-1] + (-1,))
    c = jnp.cos(xb).reshape(x.shape[:-1] + (-1,))
    return jnp.concatenate([x, s, c], axis=-1)


def quat_to_mat(q):
    r, i, j, k = q[..., 0], q[..., 1], q[..., 2], q[..., 3]
    two_s = 2.0 / ((q * q).sum(-1) + 1e-8)
    o = jnp.stack([
        1 - two_s * (j * j + k * k), two_s * (i * j - k * r), two_s * (i * k + j * r),
        two_s * (i * j + k * r), 1 - two_s * (i * i + k * k), two_s * (j * k - i * r),
        two_s * (i * k - j * r), two_s * (j * k + i * r), 1 - two_s * (i * i + j * j)
    ], -1)
    return o.reshape(q.shape[:-1] + (3, 3))


def setup_inputs(seed: int = 0):
    key = jax.random.key(seed)
    ks = jax.random.split(key, 12)
    d_in = 3 + 3 * 2 * MRX + 1 + 1 * 2 * MRT  # 76

    def lin(k, i, o):
        return jax.random.normal(k, (i, o), jnp.float32) * (2.0 / i) ** 0.5

    return {
        "x": jax.random.normal(ks[0], (Q, 3), jnp.float32),
        "t": jax.random.uniform(ks[1], (1,), jnp.float32),
        "nodes": jax.random.normal(ks[2], (M, 3), jnp.float32),
        "node_radius": 0.1 + 0.05 * jax.random.uniform(ks[3], (M,), jnp.float32),
        "W0": lin(ks[4], d_in, HID), "b0": jnp.zeros((HID,), jnp.float32),
        "W1": lin(ks[5], HID, HID), "b1": jnp.zeros((HID,), jnp.float32),
        "W2": lin(ks[6], HID, HID), "b2": jnp.zeros((HID,), jnp.float32),
        "W3": lin(ks[7], HID + d_in, HID), "b3": jnp.zeros((HID,), jnp.float32),
        "W4": lin(ks[8], HID, HID), "b4": jnp.zeros((HID,), jnp.float32),
        "Wout": lin(ks[9], HID, 7), "bout": jnp.zeros((7,), jnp.float32),
    }


def reference(x, t, nodes, node_radius, W0, b0, W1, b1, W2, b2, W3, b3, W4, b4, Wout, bout):
    # per-node deformation MLP on (pos-encoded node xyz, pos-encoded time)
    emb_x = freq_embed(nodes, MRX)                          # [M, 63]
    t_b = jnp.broadcast_to(t[None, :], (nodes.shape[0], 1))  # [M, 1]
    emb_t = freq_embed(t_b, MRT)                            # [M, 13]
    h0 = jnp.concatenate([emb_x, emb_t], axis=-1)           # [M, 76]
    h = jax.nn.relu(h0 @ W0 + b0)
    h = jax.nn.relu(h @ W1 + b1)
    h = jax.nn.relu(h @ W2 + b2)
    h = jax.nn.relu(jnp.concatenate([h, h0], axis=-1) @ W3 + b3)  # skip connection
    h = jax.nn.relu(h @ W4 + b4)
    out = h @ Wout + bout                                   # [M, 7]
    d_xyz = out[:, :3]
    d_rot = out[:, 3:7] + jnp.array([1.0, 0.0, 0.0, 0.0], jnp.float32)
    Rm = quat_to_mat(d_rot)                                 # [M, 3, 3]

    # brute-force knn retrieval: queries = gaussians, keys = control nodes
    d2 = ((x[:, None, :] - nodes[None, :, :]) ** 2).sum(-1)  # [Q, M]
    neg_vals, idx = jax.lax.top_k(-d2, KNN)                  # [Q, KNN]
    d2k = -neg_vals
    rk = node_radius[idx]                                    # [Q, KNN]
    w = jnp.exp(-d2k / (2.0 * rk * rk + 1e-8))
    w = w / (w.sum(-1, keepdims=True) + 1e-8)

    # LBS-style blend of per-node rigid transforms
    nk = nodes[idx]                                          # [Q, KNN, 3]
    Rk = Rm[idx]                                             # [Q, KNN, 3, 3]
    dk = d_xyz[idx]                                          # [Q, KNN, 3]
    rel = x[:, None, :] - nk
    rot = jnp.einsum('qkij,qkj->qki', Rk, rel)
    warped_k = rot + nk + dk
    warped = (w[..., None] * warped_k).sum(1)                # [Q, 3]
    return warped

if __name__ == "__main__":
    import jax
    _d = setup_inputs()
    print(jax.jit(kernel)(*tuple(_d.values())))

</pallas_src>

<mosaic_0001>
#map = affine_map<(d0, d1) -> (0)>
module attributes {stable_mosaic.version = 14 : i64} {
  func.func @_sc_warp(%arg0: i32, %arg1: i32, %arg2: memref<150000xf32, #tpu.memory_space<hbm>>, %arg3: memref<24576xf32, #tpu.memory_space<hbm>>, %arg4: memref<6144xf32, #tpu.memory_space<hbm>>, %arg5: memref<512xf32, #tpu.memory_space<hbm>>, %arg6: memref<150000xf32, #tpu.memory_space<hbm>>, %arg7: memref<4704xf32, #tpu.memory_space<vmem>>, %arg8: memref<4704xf32, #tpu.memory_space<vmem>>, %arg9: memref<24576xf32, #tpu.memory_space<vmem>>, %arg10: memref<6144xf32, #tpu.memory_space<vmem>>, %arg11: memref<512xf32, #tpu.memory_space<vmem>>) attributes {dimension_semantics = [#tpu.dimension_semantics<core_parallel>, #tpu.dimension_semantics<subcore_parallel>], iteration_bounds = array<i64: 2, 16>, scalar_prefetch = 0 : i64, scratch_operands = 5 : i64, tpu.core_type = #tpu.core_type<sc_vector_subcore>, window_params = [{transform_indices = #map}, {transform_indices = #map}, {transform_indices = #map}, {transform_indices = #map}, {transform_indices = #map}]} {
    %mul3A = arith.constant 2 : i32
    %mul3A_0 = arith.muli %arg1, %mul3A : i32
    %add3A = arith.addi %mul3A_0, %arg0 : i32
    %mul3A_1 = arith.constant 4704 : i32
    %mul3A_2 = arith.muli %add3A, %mul3A_1 : i32
    %min3A = arith.constant 145296 : i32
    %min3A_3 = arith.minsi %mul3A_2, %min3A : i32
    "tpu.region"() ({
      %run_scoped3A = tpu.sem_alloc : memref<!tpu.dma_semaphore, #tpu.memory_space<semaphore_mem>>
      %dma_start3A = tpu.memref_slice %arg2[%min3A_3] : memref<150000xf32, #tpu.memory_space<hbm>> -> memref<4704xf32, #tpu.memory_space<hbm>>
      %dma_start3A_12 = tpu.memref_slice %arg2[%min3A_3] : memref<150000xf32, #tpu.memory_space<hbm>> -> memref<4704xf32, #tpu.memory_space<hbm>>
      tpu.enqueue_dma source(%dma_start3A_12 : memref<4704xf32, #tpu.memory_space<hbm>>) target(%arg7 : memref<4704xf32, #tpu.memory_space<vmem>>) target_semaphore(%run_scoped3A : memref<!tpu.dma_semaphore, #tpu.memory_space<semaphore_mem>>)
      %dma_wait3A = tpu.memref_slice %arg2[%min3A_3] : memref<150000xf32, #tpu.memory_space<hbm>> -> memref<4704xf32, #tpu.memory_space<hbm>>
      %dma_wait3A_13 = tpu.memref_slice %arg2[%min3A_3] : memref<150000xf32, #tpu.memory_space<hbm>> -> memref<4704xf32, #tpu.memory_space<hbm>>
      tpu.wait_dma2 semaphore(%run_scoped3A : memref<!tpu.dma_semaphore, #tpu.memory_space<semaphore_mem>>) src(%dma_wait3A_13 : memref<4704xf32, #tpu.memory_space<hbm>>) dst(%arg7 : memref<4704xf32, #tpu.memory_space<vmem>>)
      tpu.yield
    }) : () -> ()
    "tpu.region"() ({
      %run_scoped3A = tpu.sem_alloc : memref<!tpu.dma_semaphore, #tpu.memory_space<semaphore_mem>>
      tpu.enqueue_dma source(%arg3 : memref<24576xf32, #tpu.memory_space<hbm>>) target(%arg9 : memref<24576xf32, #tpu.memory_space<vmem>>) target_semaphore(%run_scoped3A : memref<!tpu.dma_semaphore, #tpu.memory_space<semaphore_mem>>)
      tpu.wait_dma2 semaphore(%run_scoped3A : memref<!tpu.dma_semaphore, #tpu.memory_space<semaphore_mem>>) src(%arg3 : memref<24576xf32, #tpu.memory_space<hbm>>) dst(%arg9 : memref<24576xf32, #tpu.memory_space<vmem>>)
      tpu.yield
    }) : () -> ()
    "tpu.region"() ({
      %run_scoped3A = tpu.sem_alloc : memref<!tpu.dma_semaphore, #tpu.memory_space<semaphore_mem>>
      tpu.enqueue_dma source(%arg4 : memref<6144xf32, #tpu.memory_space<hbm>>) target(%arg10 : memref<6144xf32, #tpu.memory_space<vmem>>) target_semaphore(%run_scoped3A : memref<!tpu.dma_semaphore, #tpu.memory_space<semaphore_mem>>)
      tpu.wait_dma2 semaphore(%run_scoped3A : memref<!tpu.dma_semaphore, #tpu.memory_space<semaphore_mem>>) src(%arg4 : memref<6144xf32, #tpu.memory_space<hbm>>) dst(%arg10 : memref<6144xf32, #tpu.memory_space<vmem>>)
      tpu.yield
    }) : () -> ()
    "tpu.region"() ({
      %run_scoped3A = tpu.sem_alloc : memref<!tpu.dma_semaphore, #tpu.memory_space<semaphore_mem>>
      tpu.enqueue_dma source(%arg5 : memref<512xf32, #tpu.memory_space<hbm>>) target(%arg11 : memref<512xf32, #tpu.memory_space<vmem>>) target_semaphore(%run_scoped3A : memref<!tpu.dma_semaphore, #tpu.memory_space<semaphore_mem>>)
      tpu.wait_dma2 semaphore(%run_scoped3A : memref<!tpu.dma_semaphore, #tpu.memory_space<semaphore_mem>>) src(%arg5 : memref<512xf32, #tpu.memory_space<hbm>>) dst(%arg11 : memref<512xf32, #tpu.memory_space<vmem>>)
      tpu.yield
    }) : () -> ()
    %iota3A = tpu.iota {dimensions = array<i32: 0>} : vector<16xi32>
    %broadcast_in_dim3A = arith.constant -1 : i32
    %broadcast_in_dim3A_4 = vector.broadcast %broadcast_in_dim3A : i32 to vector<16xi32>
    %scan3A = arith.constant -512 : i32
    %scan3A_5 = arith.constant 0 : i32
    %scan3A_6 = arith.constant 0 : i32
    %scan3A_7 = arith.constant 98 : i32
    %scan3A_8 = arith.addi %scan3A_6, %scan3A_7 : i32
    %scan3A_9 = arith.constant 1 : i32
    %scan3A_10 = scf.for %scan3A_12 = %scan3A_6 to %scan3A_8 step %scan3A_9 iter_args(%scan3A_13 = %scan3A_5) -> (i32)  : i32 {
      %mul3A_14 = arith.constant 16 : i32
      %mul3A_15 = arith.muli %scan3A_12, %mul3A_14 : i32
      %add3A_16 = vector.broadcast %mul3A_15 : i32 to vector<16xi32>
      %add3A_17 = arith.addi %add3A_16, %iota3A : vector<16xi32>
      %mul3A_18 = arith.constant 3 : i32
      %mul3A_19 = vector.broadcast %mul3A_18 : i32 to vector<16xi32>
      %mul3A_20 = arith.muli %add3A_17, %mul3A_19 : vector<16xi32>
      %gather3A = tpu.vector_load_idx %arg7[%mul3A_20] : memref<4704xf32, #tpu.memory_space<vmem>>[vector<16xi32>], vector<16xf32>,
      %add3A_21 = arith.constant 1 : i32
      %add3A_22 = vector.broadcast %add3A_21 : i32 to vector<16xi32>
      %add3A_23 = arith.addi %mul3A_20, %add3A_22 : vector<16xi32>
      %gather3A_24 = tpu.vector_load_idx %arg7[%add3A_23] : memref<4704xf32, #tpu.memory_space<vmem>>[vector<16xi32>], vector<16xf32>,
      %add3A_25 = arith.constant 2 : i32
      %add3A_26 = vector.broadcast %add3A_25 : i32 to vector<16xi32>
      %add3A_27 = arith.addi %mul3A_20, %add3A_26 : vector<16xi32>
      %gather3A_28 = tpu.vector_load_idx %arg7[%add3A_27] : memref<4704xf32, #tpu.memory_space<vmem>>[vector<16xi32>], vector<16xf32>,
      %scan3A_29 = arith.constant 0 : i32
      %scan3A_30 = arith.constant 64 : i32
      %scan3A_31 = arith.addi %scan3A_29, %scan3A_30 : i32
      %scan3A_32 = arith.constant 4 : i32
      %scan3A_33:16 = scf.for %scan3A_2233 = %scan3A_29 to %scan3A_31 step %scan3A_32 iter_args(%scan3A_2234 = %broadcast_in_dim3A_4, %scan3A_2235 = %broadcast_in_dim3A_4, %scan3A_2236 = %broadcast_in_dim3A_4, %scan3A_2237 = %broadcast_in_dim3A_4, %scan3A_2238 = %broadcast_in_dim3A_4, %scan3A_2239 = %broadcast_in_dim3A_4, %scan3A_2240 = %broadcast_in_dim3A_4, %scan3A_2241 = %broadcast_in_dim3A_4, %scan3A_2242 = %broadcast_in_dim3A_4, %scan3A_2243 = %broadcast_in_dim3A_4, %scan3A_2244 = %broadcast_in_dim3A_4, %scan3A_2245 = %broadcast_in_dim3A_4, %scan3A_2246 = %broadcast_in_dim3A_4, %scan3A_2247 = %broadcast_in_dim3A_4, %scan3A_2248 = %broadcast_in_dim3A_4, %scan3A_2249 = %broadcast_in_dim3A_4) -> (vector<16xi32>, vector<16xi32>, vector<16xi32>, vector<16xi32>, vector<16xi32>, vector<16xi32>, vector<16xi32>, vector<16xi32>, vector<16xi32>, vector<16xi32>, vector<16xi32>, vector<16xi32>, vector<16xi32>, vector<16xi32>, vector<16xi32>, vector<16xi32>)  : i32 {
        %mul3A_2250 = arith.constant 8 : i32
        %mul3A_2251 = arith.muli %scan3A_2233, %mul3A_2250 : i32
        %add3A_2252 = arith.constant 0 : i32
        %add3A_2253 = arith.addi %mul3A_2251, %add3A_2252 : i32
        %add3A_2254 = arith.constant 0 : i32
        %add3A_2255 = arith.addi %add3A_2253, %add3A_2254 : i32
        %mul3A_2256 = arith.constant 48 : i32
        %mul3A_2257 = arith.muli %add3A_2255, %mul3A_2256 : i32
        %get3A = arith.index_cast %mul3A_2257 : i32 to index
        %get3A_2258 = tpu.vector_load %arg9[%get3A] {strides = array<i32>} : memref<24576xf32, #tpu.memory_space<vmem>>, vector<16xf32>,
        %sub3A_2259 = arith.subf %gather3A, %get3A_2258 : vector<16xf32>
        %mul3A_2260 = arith.constant 48 : i32
        %mul3A_2261 = arith.muli %add3A_2255, %mul3A_2260 : i32
        %add3A_2262 = arith.constant 16 : i32
        %add3A_2263 = arith.addi %mul3A_2261, %add3A_2262 : i32
        %get3A_2264 = arith.index_cast %add3A_2263 : i32 to index
        %get3A_2265 = tpu.vector_load %arg9[%get3A_2264] {strides = array<i32>} : memref<24576xf32, #tpu.memory_space<vmem>>, vector<16xf32>,
        %sub3A_2266 = arith.subf %gather3A_24, %get3A_2265 : vector<16xf32>
        %mul3A_2267 = arith.constant 48 : i32
        %mul3A_2268 = arith.muli %add3A_2255, %mul3A_2267 : i32
        %add3A_2269 = arith.constant 32 : i32
        %add3A_2270 = arith.addi %mul3A_2268, %add3A_2269 : i32
        %get3A_2271 = arith.index_cast %add3A_2270 : i32 to index
        %get3A_2272 = tpu.vector_load %arg9[%get3A_2271] {strides = array<i32>} : memref<24576xf32, #tpu.memory_space<vmem>>, vector<16xf32>,
        %sub3A_2273 = arith.subf %gather3A_28, %get3A_2272 : vector<16xf32>
        %mul3A_2274 = arith.mulf %sub3A_2259, %sub3A_2259 : vector<16xf32>
        %mul3A_2275 = arith.mulf %sub3A_2266, %sub3A_2266 : vector<16xf32>
        %add3A_2276 = arith.addf %mul3A_2274, %mul3A_2275 : vector<16xf32>
        %mul3A_2277 = arith.mulf %sub3A_2273, %sub3A_2273 : vector<16xf32>
        %add3A_2278 = arith.addf %add3A_2276, %mul3A_2277 : vector<16xf32>
        %bitcast3A_2279 = vector.bitcast %add3A_2278 : vector<16xf32> to vector<16xi32>
        %and3A_2280 = vector.broadcast %scan3A : i32 to vector<16xi32>
        %and3A_2281 = arith.andi %bitcast3A_2279, %and3A_2280 : vector<16xi32>
        %or3A_2282 = vector.broadcast %add3A_2255 : i32 to vector<16xi32>
        %or3A_2283 = arith.ori %and3A_2281, %or3A_2282 : vector<16xi32>
        %mul3A_2284 = arith.constant 8 : i32
        %mul3A_2285 = arith.muli %scan3A_2233, %mul3A_2284 : i32
        %add3A_2286 = arith.constant 0 : i32
        %add3A_2287 = arith.addi %mul3A_2285, %add3A_2286 : i32
        %add3A_2288 = arith.constant 1 : i32
        %add3A_2289 = arith.addi %add3A_2287, %add3A_2288 : i32
        %mul3A_2290 = arith.constant 48 : i32
        %mul3A_2291 = arith.muli %add3A_2289, %mul3A_2290 : i32
        %get3A_2292 = arith.index_cast %mul3A_2291 : i32 to index
        %get3A_2293 = tpu.vector_load %arg9[%get3A_2292] {strides = array<i32>} : memref<24576xf32, #tpu.memory_space<vmem>>, vector<16xf32>,
        %sub3A_2294 = arith.subf %gather3A, %get3A_2293 : vector<16xf32>
        %mul3A_2295 = arith.constant 48 : i32
        %mul3A_2296 = arith.muli %add3A_2289, %mul3A_2295 : i32
        %add3A_2297 = arith.constant 16 : i32
        %add3A_2298 = arith.addi %mul3A_2296, %add3A_2297 : i32
        %get3A_2299 = arith.index_cast %add3A_2298 : i32 to index
        %get3A_2300 = tpu.vector_load %arg9[%get3A_2299] {strides = array<i32>} : memref<24576xf32, #tpu.memory_space<vmem>>, vector<16xf32>,
        %sub3A_2301 = arith.subf %gather3A_24, %get3A_2300 : vector<16xf32>
        %mul3A_2302 = arith.constant 48 : i32
        %mul3A_2303 = arith.muli %add3A_2289, %mul3A_2302 : i32
        %add3A_2304 = arith.constant 32 : i32
        %add3A_2305 = arith.addi %mul3A_2303, %add3A_2304 : i32
        %get3A_2306 = arith.index_cast %add3A_2305 : i32 to index
        %get3A_2307 = tpu.vector_load %arg9[%get3A_2306] {strides = array<i32>} : memref<24576xf32, #tpu.memory_space<vmem>>, vector<16xf32>,
        %sub3A_2308 = arith.subf %gather3A_28, %get3A_2307 : vector<16xf32>
        %mul3A_2309 = arith.mulf %sub3A_2294, %sub3A_2294 : vector<16xf32>
        %mul3A_2310 = arith.mulf %sub3A_2301, %sub3A_2301 : vector<16xf32>
        %add3A_2311 = arith.addf %mul3A_2309, %mul3A_2310 : vector<16xf32>
        %mul3A_2312 = arith.mulf %sub3A_2308, %sub3A_2308 : vector<16xf32>
        %add3A_2313 = arith.addf %add3A_2311, %mul3A_2312 : vector<16xf32>
        %bitcast3A_2314 = vector.bitcast %add3A_2313 : vector<16xf32> to vector<16xi32>
        %and3A_2315 = vector.broadcast %scan3A : i32 to vector<16xi32>
        %and3A_2316 = arith.andi %bitcast3A_2314, %and3A_2315 : vector<16xi32>
        %or3A_2317 = vector.broadcast %add3A_2289 : i32 to vector<16xi32>
        %or3A_2318 = arith.ori %and3A_2316, %or3A_2317 : vector<16xi32>
        %min3A_2319 = arith.minui %or3A_2283, %or3A_2318 : vector<16xi32>
        %mul3A_2320 = arith.constant 8 : i32
        %mul3A_2321 = arith.muli %scan3A_2233, %mul3A_2320 : i32
        %add3A_2322 = arith.constant 0 : i32
        %add3A_2323 = arith.addi %mul3A_2321, %add3A_2322 : i32
        %add3A_2324 = arith.constant 2 : i32
        %add3A_2325 = arith.addi %add3A_2323, %add3A_2324 : i32
        %mul3A_2326 = arith.constant 48 : i32
        %mul3A_2327 = arith.muli %add3A_2325, %mul3A_2326 : i32
        %get3A_2328 = arith.index_cast %mul3A_2327 : i32 to index
        %get3A_2329 = tpu.vector_load %arg9[%get3A_2328] {strides = array<i32>} : memref<24576xf32, #tpu.memory_space<vmem>>, vector<16xf32>,
        %sub3A_2330 = arith.subf %gather3A, %get3A_2329 : vector<16xf32>
        %mul3A_2331 = arith.constant 48 : i32
        %mul3A_2332 = arith.muli %add3A_2325, %mul3A_2331 : i32
        %add3A_2333 = arith.constant 16 : i32
        %add3A_2334 = arith.addi %mul3A_2332, %add3A_2333 : i32
        %get3A_2335 = arith.index_cast %add3A_2334 : i32 to index
        %get3A_2336 = tpu.vector_load %arg9[%get3A_2335] {strides = array<i32>} : memref<24576xf32, #tpu.memory_space<vmem>>, vector<16xf32>,
        %sub3A_2337 = arith.subf %gather3A_24, %get3A_2336 : vector<16xf32>
        %mul3A_2338 = arith.constant 48 : i32
        %mul3A_2339 = arith.muli %add3A_2325, %mul3A_2338 : i32
        %add3A_2340 = arith.constant 32 : i32
        %add3A_2341 = arith.addi %mul3A_2339, %add3A_2340 : i32
        %get3A_2342 = arith.index_cast %add3A_2341 : i32 to index
        %get3A_2343 = tpu.vector_load %arg9[%get3A_2342] {strides = array<i32>} : memref<24576xf32, #tpu.memory_space<vmem>>, vector<16xf32>,
        %sub3A_2344 = arith.subf %gather3A_28, %get3A_2343 : vector<16xf32>
        %mul3A_2345 = arith.mulf %sub3A_2330, %sub3A_2330 : vector<16xf32>
        %mul3A_2346 = arith.mulf %sub3A_2337, %sub3A_2337 : vector<16xf32>
        %add3A_2347 = arith.addf %mul3A_2345, %mul3A_2346 : vector<16xf32>
        %mul3A_2348 = arith.mulf %sub3A_2344, %sub3A_2344 : vector<16xf32>
        %add3A_2349 = arith.addf %add3A_2347, %mul3A_2348 : vector<16xf32>
        %bitcast3A_2350 = vector.bitcast %add3A_2349 : vector<16xf32> to vector<16xi32>
        %and3A_2351 = vector.broadcast %scan3A : i32 to vector<16xi32>
        %and3A_2352 = arith.andi %bitcast3A_2350, %and3A_2351 : vector<16xi32>
        %or3A_2353 = vector.broadcast %add3A_2325 : i32 to vector<16xi32>
        %or3A_2354 = arith.ori %and3A_2352, %or3A_2353 : vector<16xi32>
        %min3A_2355 = arith.minui %min3A_2319, %or3A_2354 : vector<16xi32>
        %mul3A_2356 = arith.constant 8 : i32
        %mul3A_2357 = arith.muli %scan3A_2233, %mul3A_2356 : i32
        %add3A_2358 = arith.constant 0 : i32
        %add3A_2359 = arith.addi %mul3A_2357, %add3A_2358 : i32
        %add3A_2360 = arith.constant 3 : i32
        %add3A_2361 = arith.addi %add3A_2359, %add3A_2360 : i32
        %mul3A_2362 = arith.constant 48 : i32
        %mul3A_2363 = arith.muli %add3A_2361, %mul3A_2362 : i32
        %get3A_2364 = arith.index_cast %mul3A_2363 : i32 to index
        %get3A_2365 = tpu.vector_load %arg9[%get3A_2364] {strides = array<i32>} : memref<24576xf32, #tpu.memory_space<vmem>>, vector<16xf32>,
        %sub3A_2366 = arith.subf %gather3A, %get3A_2365 : vector<16xf32>
        %mul3A_2367 = arith.constant 48 : i32
        %mul3A_2368 = arith.muli %add3A_2361, %mul3A_2367 : i32
        %add3A_2369 = arith.constant 16 : i32
        %add3A_2370 = arith.addi %mul3A_2368, %add3A_2369 : i32
        %get3A_2371 = arith.index_cast %add3A_2370 : i32 to index
        %get3A_2372 = tpu.vector_load %arg9[%get3A_2371] {strides = array<i32>} : memref<24576xf32, #tpu.memory_space<vmem>>, vector<16xf32>,
        %sub3A_2373 = arith.subf %gather3A_24, %get3A_2372 : vector<16xf32>
        %mul3A_2374 = arith.constant 48 : i32
        %mul3A_2375 = arith.muli %add3A_2361, %mul3A_2374 : i32
        %add3A_2376 = arith.constant 32 : i32
        %add3A_2377 = arith.addi %mul3A_2375, %add3A_2376 : i32
        %get3A_2378 = arith.index_cast %add3A_2377 : i32 to index
        %get3A_2379 = tpu.vector_load %arg9[%get3A_2378] {strides = array<i32>} : memref<24576xf32, #tpu.memory_space<vmem>>, vector<16xf32>,
        %sub3A_2380 = arith.subf %gather3A_28, %get3A_2379 : vector<16xf32>
        %mul3A_2381 = arith.mulf %sub3A_2366, %sub3A_2366 : vector<16xf32>
        %mul3A_2382 = arith.mulf %sub3A_2373, %sub3A_2373 : vector<16xf32>
        %add3A_2383 = arith.addf %mul3A_2381, %mul3A_2382 : vector<16xf32>
        %mul3A_2384 = arith.mulf %sub3A_2380, %sub3A_2380 : vector<16xf32>
        %add3A_2385 = arith.addf %add3A_2383, %mul3A_2384 : vector<16xf32>
        %bitcast3A_2386 = vector.bitcast %add3A_2385 : vector<16xf32> to vector<16xi32>
        %and3A_2387 = vector.broadcast %scan3A : i32 to vector<16xi32>
        %and3A_2388 = arith.andi %bitcast3A_2386, %and3A_2387 : vector<16xi32>
        %or3A_2389 = vector.broadcast %add3A_2361 : i32 to vector<16xi32>
        %or3A_2390 = arith.ori %and3A_2388, %or3A_2389 : vector<16xi32>
        %min3A_2391 = arith.minui %min3A_2355, %or3A_2390 : vector<16xi32>
        %min3A_2392 = arith.minui %scan3A_2234, %min3A_2391 : vector<16xi32>
        %max3A_2393 = arith.maxui %scan3A_2234, %min3A_2391 : vector<16xi32>
        %min3A_2394 = arith.minui %scan3A_2235, %max3A_2393 : vector<16xi32>
        %max3A_2395 = arith.maxui %scan3A_2235, %max3A_2393 : vector<16xi32>
        %min3A_2396 = arith.minui %scan3A_2236, %max3A_2395 : vector<16xi32>
        %max3A_2397 = arith.maxui %scan3A_2236, %max3A_2395 : vector<16xi32>
        %min3A_2398 = arith.minui %scan3A_2237, %max3A_2397 : vector<16xi32>
        %max3A_2399 = arith.maxui %scan3A_2237, %max3A_2397 : vector<16xi32>
        %min3A_2400 = arith.minui %scan3A_2238, %max3A_2399 : vector<16xi32>
        %max3A_2401 = arith.maxui %scan3A_2238, %max3A_2399 : vector<16xi32>
        %min3A_2402 = arith.minui %scan3A_2239, %max3A_2401 : vector<16xi32>
        %max3A_2403 = arith.maxui %scan3A_2239, %max3A_2401 : vector<16xi32>
        %min3A_2404 = arith.minui %scan3A_2240, %max3A_2403 : vector<16xi32>
        %max3A_2405 = arith.maxui %scan3A_2240, %max3A_2403 : vector<16xi32>
        %min3A_2406 = arith.minui %scan3A_2241, %max3A_2405 : vector<16xi32>
        %max3A_2407 = arith.maxui %scan3A_2241, %max3A_2405 : vector<16xi32>
        %mul3A_2408 = arith.constant 8 : i32
        %mul3A_2409 = arith.muli %scan3A_2233, %mul3A_2408 : i32
        %add3A_2410 = arith.constant 4 : i32
        %add3A_2411 = arith.addi %mul3A_2409, %add3A_2410 : i32
        %add3A_2412 = arith.constant 0 : i32
        %add3A_2413 = arith.addi %add3A_2411, %add3A_2412 : i32
        %mul3A_2414 = arith.constant 48 : i32
        %mul3A_2415 = arith.muli %add3A_2413, %mul3A_2414 : i32
        %get3A_2416 = arith.index_cast %mul3A_2415 : i32 to index
        %get3A_2417 = tpu.vector_load %arg9[%get3A_2416] {strides = array<i32>} : memref<24576xf32, #tpu.memory_space<vmem>>, vector<16xf32>,
        %sub3A_2418 = arith.subf %gather3A, %get3A_2417 : vector<16xf32>
        %mul3A_2419 = arith.constant 48 : i32
        %mul3A_2420 = arith.muli %add3A_2413, %mul3A_2419 : i32
        %add3A_2421 = arith.constant 16 : i32
        %add3A_2422 = arith.addi %mul3A_2420, %add3A_2421 : i32
        %get3A_2423 = arith.index_cast %add3A_2422 : i32 to index
        %get3A_2424 = tpu.vector_load %arg9[%get3A_2423] {strides = array<i32>} : memref<24576xf32, #tpu.memory_space<vmem>>, vector<16xf32>,
        %sub3A_2425 = arith.subf %gather3A_24, %get3A_2424 : vector<16xf32>
        %mul3A_2426 = arith.constant 48 : i32
        %mul3A_2427 = arith.muli %add3A_2413, %mul3A_2426 : i32
        %add3A_2428 = arith.constant 32 : i32
        %add3A_2429 = arith.addi %mul3A_2427, %add3A_2428 : i32
        %get3A_2430 = arith.index_cast %add3A_2429 : i32 to index
        %get3A_2431 = tpu.vector_load %arg9[%get3A_2430] {strides = array<i32>} : memref<24576xf32, #tpu.memory_space<vmem>>, vector<16xf32>,
        %sub3A_2432 = arith.subf %gather3A_28, %get3A_2431 : vector<16xf32>
        %mul3A_2433 = arith.mulf %sub3A_2418, %sub3A_2418 : vector<16xf32>
        %mul3A_2434 = arith.mulf %sub3A_2425, %sub3A_2425 : vector<16xf32>
        %add3A_2435 = arith.addf %mul3A_2433, %mul3A_2434 : vector<16xf32>
        %mul3A_2436 = arith.mulf %sub3A_2432, %sub3A_2432 : vector<16xf32>
        %add3A_2437 = arith.addf %add3A_2435, %mul3A_2436 : vector<16xf32>
        %bitcast3A_2438 = vector.bitcast %add3A_2437 : vector<16xf32> to vector<16xi32>
        %and3A_2439 = vector.broadcast %scan3A : i32 to vector<16xi32>
        %and3A_2440 = arith.andi %bitcast3A_2438, %and3A_2439 : vector<16xi32>
        %or3A_2441 = vector.broadcast %add3A_2413 : i32 to vector<16xi32>
        %or3A_2442 = arith.ori %and3A_2440, %or3A_2441 : vector<16xi32>
        %mul3A_2443 = arith.constant 8 : i32
        %mul3A_2444 = arith.muli %scan3A_2233, %mul3A_2443 : i32
        %add3A_2445 = arith.constant 4 : i32
        %add3A_2446 = arith.addi %mul3A_2444, %add3A_2445 : i32
        %add3A_2447 = arith.constant 1 : i32
        %add3A_2448 = arith.addi %add3A_2446, %add3A_2447 : i32
        %mul3A_2449 = arith.constant 48 : i32
        %mul3A_2450 = arith.muli %add3A_2448, %mul3A_2449 : i32
        %get3A_2451 = arith.index_cast %mul3A_2450 : i32 to index
        %get3A_2452 = tpu.vector_load %arg9[%get3A_2451] {strides = array<i32>} : memref<24576xf32, #tpu.memory_space<vmem>>, vector<16xf32>,
        %sub3A_2453 = arith.subf %gather3A, %get3A_2452 : vector<16xf32>
        %mul3A_2454 = arith.constant 48 : i32
        %mul3A_2455 = arith.muli %add3A_2448, %mul3A_2454 : i32
        %add3A_2456 = arith.constant 16 : i32
        %add3A_2457 = arith.addi %mul3A_2455, %add3A_2456 : i32
        %get3A_2458 = arith.index_cast %add3A_2457 : i32 to index
        %get3A_2459 = tpu.vector_load %arg9[%get3A_2458] {strides = array<i32>} : memref<24576xf32, #tpu.memory_space<vmem>>, vector<16xf32>,
        %sub3A_2460 = arith.subf %gather3A_24, %get3A_2459 : vector<16xf32>
        %mul3A_2461 = arith.constant 48 : i32
        %mul3A_2462 = arith.muli %add3A_2448, %mul3A_2461 : i32
        %add3A_2463 = arith.constant 32 : i32
        %add3A_2464 = arith.addi %mul3A_2462, %add3A_2463 : i32
        %get3A_2465 = arith.index_cast %add3A_2464 : i32 to index
        %get3A_2466 = tpu.vector_load %arg9[%get3A_2465] {strides = array<i32>} : memref<24576xf32, #tpu.memory_space<vmem>>, vector<16xf32>,
        %sub3A_2467 = arith.subf %gather3A_28, %get3A_2466 : vector<16xf32>
        %mul3A_2468 = arith.mulf %sub3A_2453, %sub3A_2453 : vector<16xf32>
        %mul3A_2469 = arith.mulf %sub3A_2460, %sub3A_2460 : vector<16xf32>
        %add3A_2470 = arith.addf %mul3A_2468, %mul3A_2469 : vector<16xf32>
        %mul3A_2471 = arith.mulf %sub3A_2467, %sub3A_2467 : vector<16xf32>
        %add3A_2472 = arith.addf %add3A_2470, %mul3A_2471 : vector<16xf32>
        %bitcast3A_2473 = vector.bitcast %add3A_2472 : vector<16xf32> to vector<16xi32>
        %and3A_2474 = vector.broadcast %scan3A : i32 to vector<16xi32>
        %and3A_2475 = arith.andi %bitcast3A_2473, %and3A_2474 : vector<16xi32>
        %or3A_2476 = vector.broadcast %add3A_2448 : i32 to vector<16xi32>
        %or3A_2477 = arith.ori %and3A_2475, %or3A_2476 : vector<16xi32>
        %min3A_2478 = arith.minui %or3A_2442, %or3A_2477 : vector<16xi32>
        %mul3A_2479 = arith.constant 8 : i32
        %mul3A_2480 = arith.muli %scan3A_2233, %mul3A_2479 : i32
        %add3A_2481 = arith.constant 4 : i32
        %add3A_2482 = arith.addi %mul3A_2480, %add3A_2481 : i32
        %add3A_2483 = arith.constant 2 : i32
        %add3A_2484 = arith.addi %add3A_2482, %add3A_2483 : i32
        %mul3A_2485 = arith.constant 48 : i32
        %mul3A_2486 = arith.muli %add3A_2484, %mul3A_2485 : i32
        %get3A_2487 = arith.index_cast %mul3A_2486 : i32 to index
        %get3A_2488 = tpu.vector_load %arg9[%get3A_2487] {strides = array<i32>} : memref<24576xf32, #tpu.memory_space<vmem>>, vector<16xf32>,
        %sub3A_2489 = arith.subf %gather3A, %get3A_2488 : vector<16xf32>
        %mul3A_2490 = arith.constant 48 : i32
        %mul3A_2491 = arith.muli %add3A_2484, %mul3A_2490 : i32
        %add3A_2492 = arith.constant 16 : i32
        %add3A_2493 = arith.addi %mul3A_2491, %add3A_2492 : i32
        %get3A_2494 = arith.index_cast %add3A_2493 : i32 to index
        %get3A_2495 = tpu.vector_load %arg9[%get3A_2494] {strides = array<i32>} : memref<24576xf32, #tpu.memory_space<vmem>>, vector<16xf32>,
        %sub3A_2496 = arith.subf %gather3A_24, %get3A_2495 : vector<16xf32>
        %mul3A_2497 = arith.constant 48 : i32
        %mul3A_2498 = arith.muli %add3A_2484, %mul3A_2497 : i32
        %add3A_2499 = arith.constant 32 : i32
        %add3A_2500 = arith.addi %mul3A_2498, %add3A_2499 : i32
        %get3A_2501 = arith.index_cast %add3A_2500 : i32 to index
        %get3A_2502 = tpu.vector_load %arg9[%get3A_2501] {strides = array<i32>} : memref<24576xf32, #tpu.memory_space<vmem>>, vector<16xf32>,
        %sub3A_2503 = arith.subf %gather3A_28, %get3A_2502 : vector<16xf32>
        %mul3A_2504 = arith.mulf %sub3A_2489, %sub3A_2489 : vector<16xf32>
        %mul3A_2505 = arith.mulf %sub3A_2496, %sub3A_2496 : vector<16xf32>
        %add3A_2506 = arith.addf %mul3A_2504, %mul3A_2505 : vector<16xf32>
        %mul3A_2507 = arith.mulf %sub3A_2503, %sub3A_2503 : vector<16xf32>
        %add3A_2508 = arith.addf %add3A_2506, %mul3A_2507 : vector<16xf32>
        %bitcast3A_2509 = vector.bitcast %add3A_2508 : vector<16xf32> to vector<16xi32>
        %and3A_2510 = vector.broadcast %scan3A : i32 to vector<16xi32>
        %and3A_2511 = arith.andi %bitcast3A_2509, %and3A_2510 : vector<16xi32>
        %or3A_2512 = vector.broadcast %add3A_2484 : i32 to vector<16xi32>
        %or3A_2513 = arith.ori %and3A_2511, %or3A_2512 : vector<16xi32>
        %min3A_2514 = arith.minui %min3A_2478, %or3A_2513 : vector<16xi32>
        %mul3A_2515 = arith.constant 8 : i32
        %mul3A_2516 = arith.muli %scan3A_2233, %mul3A_2515 : i32
        %add3A_2517 = arith.constant 4 : i32
        %add3A_2518 = arith.addi %mul3A_2516, %add3A_2517 : i32
        %add3A_2519 = arith.constant 3 : i32
        %add3A_2520 = arith.addi %add3A_2518, %add3A_2519 : i32
        %mul3A_2521 = arith.constant 48 : i32
        %mul3A_2522 = arith.muli %add3A_2520, %mul3A_2521 : i32
        %get3A_2523 = arith.index_cast %mul3A_2522 : i32 to index
        %get3A_2524 = tpu.vector_load %arg9[%get3A_2523] {strides = array<i32>} : memref<24576xf32, #tpu.memory_space<vmem>>, vector<16xf32>,
        %sub3A_2525 = arith.subf %gather3A, %get3A_2524 : vector<16xf32>
        %mul3A_2526 = arith.constant 48 : i32
        %mul3A_2527 = arith.muli %add3A_2520, %mul3A_2526 : i32
        %add3A_2528 = arith.constant 16 : i32
        %add3A_2529 = arith.addi %mul3A_2527, %add3A_2528 : i32
        %get3A_2530 = arith.index_cast %add3A_2529 : i32 to index
        %get3A_2531 = tpu.vector_load %arg9[%get3A_2530] {strides = array<i32>} : memref<24576xf32, #tpu.memory_space<vmem>>, vector<16xf32>,
        %sub3A_2532 = arith.subf %gather3A_24, %get3A_2531 : vector<16xf32>
        %mul3A_2533 = arith.constant 48 : i32
        %mul3A_2534 = arith.muli %add3A_2520, %mul3A_2533 : i32
        %add3A_2535 = arith.constant 32 : i32
        %add3A_2536 = arith.addi %mul3A_2534, %add3A_2535 : i32
        %get3A_2537 = arith.index_cast %add3A_2536 : i32 to index
        %get3A_2538 = tpu.vector_load %arg9[%get3A_2537] {strides = array<i32>} : memref<24576xf32, #tpu.memory_space<vmem>>, vector<16xf32>,
        %sub3A_2539 = arith.subf %gather3A_28, %get3A_2538 : vector<16xf32>
        %mul3A_2540 = arith.mulf %sub3A_2525, %sub3A_2525 : vector<16xf32>
        %mul3A_2541 = arith.mulf %sub3A_2532, %sub3A_2532 : vector<16xf32>
        %add3A_2542 = arith.addf %mul3A_2540, %mul3A_2541 : vector<16xf32>
        %mul3A_2543 = arith.mulf %sub3A_2539, %sub3A_2539 : vector<16xf32>
        %add3A_2544 = arith.addf %add3A_2542, %mul3A_2543 : vector<16xf32>
        %bitcast3A_2545 = vector.bitcast %add3A_2544 : vector<16xf32> to vector<16xi32>
        %and3A_2546 = vector.broadcast %scan3A : i32 to vector<16xi32>
        %and3A_2547 = arith.andi %bitcast3A_2545, %and3A_2546 : vector<16xi32>
        %or3A_2548 = vector.broadcast %add3A_2520 : i32 to vector<16xi32>
        %or3A_2549 = arith.ori %and3A_2547, %or3A_2548 : vector<16xi32>
        %min3A_2550 = arith.minui %min3A_2514, %or3A_2549 : vector<16xi32>
        %min3A_2551 = arith.minui %scan3A_2242, %min3A_2550 : vector<16xi32>
        %max3A_2552 = arith.maxui %scan3A_2242, %min3A_2550 : vector<16xi32>
        %min3A_2553 = arith.minui %scan3A_2243, %max3A_2552 : vector<16xi32>
        %max3A_2554 = arith.maxui %scan3A_2243, %max3A_2552 : vector<16xi32>
        %min3A_2555 = arith.minui %scan3A_2244, %max3A_2554 : vector<16xi32>
        %max3A_2556 = arith.maxui %scan3A_2244, %max3A_2554 : vector<16xi32>
        %min3A_2557 = arith.minui %scan3A_2245, %max3A_2556 : vector<16xi32>
        %max3A_2558 = arith.maxui %scan3A_2245, %max3A_2556 : vector<16xi32>
        %min3A_2559 = arith.minui %scan3A_2246, %max3A_2558 : vector<16xi32>
        %max3A_2560 = arith.maxui %scan3A_2246, %max3A_2558 : vector<16xi32>
        %min3A_2561 = arith.minui %scan3A_2247, %max3A_2560 : vector<16xi32>
        %max3A_2562 = arith.maxui %scan3A_2247, %max3A_2560 : vector<16xi32>
        %min3A_2563 = arith.minui %scan3A_2248, %max3A_2562 : vector<16xi32>
        %max3A_2564 = arith.maxui %scan3A_2248, %max3A_2562 : vector<16xi32>
        %min3A_2565 = arith.minui %scan3A_2249, %max3A_2564 : vector<16xi32>
        %max3A_2566 = arith.maxui %scan3A_2249, %max3A_2564 : vector<16xi32>
        %scan3A_2567 = arith.constant 1 : i32
        %scan3A_2568 = arith.addi %scan3A_2233, %scan3A_2567 : i32
        %mul3A_2569 = arith.constant 8 : i32
        %mul3A_2570 = arith.muli %scan3A_2568, %mul3A_2569 : i32
        %add3A_2571 = arith.constant 0 : i32
        %add3A_2572 = arith.addi %mul3A_2570, %add3A_2571 : i32
        %add3A_2573 = arith.constant 0 : i32
        %add3A_2574 = arith.addi %add3A_2572, %add3A_2573 : i32
        %mul3A_2575 = arith.constant 48 : i32
        %mul3A_2576 = arith.muli %add3A_2574, %mul3A_2575 : i32
        %get3A_2577 = arith.index_cast %mul3A_2576 : i32 to index
        %get3A_2578 = tpu.vector_load %arg9[%get3A_2577] {strides = array<i32>} : memref<24576xf32, #tpu.memory_space<vmem>>, vector<16xf32>,
        %sub3A_2579 = arith.subf %gather3A, %get3A_2578 : vector<16xf32>
        %mul3A_2580 = arith.constant 48 : i32
        %mul3A_2581 = arith.muli %add3A_2574, %mul3A_2580 : i32
        %add3A_2582 = arith.constant 16 : i32
        %add3A_2583 = arith.addi %mul3A_2581, %add3A_2582 : i32
        %get3A_2584 = arith.index_cast %add3A_2583 : i32 to index
        %get3A_2585 = tpu.vector_load %arg9[%get3A_2584] {strides = array<i32>} : memref<24576xf32, #tpu.memory_space<vmem>>, vector<16xf32>,
        %sub3A_2586 = arith.subf %gather3A_24, %get3A_2585 : vector<16xf32>
        %mul3A_2587 = arith.constant 48 : i32
        %mul3A_2588 = arith.muli %add3A_2574, %mul3A_2587 : i32
        %add3A_2589 = arith.constant 32 : i32
        %add3A_2590 = arith.addi %mul3A_2588, %add3A_2589 : i32
        %get3A_2591 = arith.index_cast %add3A_2590 : i32 to index
        %get3A_2592 = tpu.vector_load %arg9[%get3A_2591] {strides = array<i32>} : memref<24576xf32, #tpu.memory_space<vmem>>, vector<16xf32>,
        %sub3A_2593 = arith.subf %gather3A_28, %get3A_2592 : vector<16xf32>
        %mul3A_2594 = arith.mulf %sub3A_2579, %sub3A_2579 : vector<16xf32>
        %mul3A_2595 = arith.mulf %sub3A_2586, %sub3A_2586 : vector<16xf32>
        %add3A_2596 = arith.addf %mul3A_2594, %mul3A_2595 : vector<16xf32>
        %mul3A_2597 = arith.mulf %sub3A_2593, %sub3A_2593 : vector<16xf32>
        %add3A_2598 = arith.addf %add3A_2596, %mul3A_2597 : vector<16xf32>
        %bitcast3A_2599 = vector.bitcast %add3A_2598 : vector<16xf32> to vector<16xi32>
        %and3A_2600 = vector.broadcast %scan3A : i32 to vector<16xi32>
        %and3A_2601 = arith.andi %bitcast3A_2599, %and3A_2600 : vector<16xi32>
        %or3A_2602 = vector.broadcast %add3A_2574 : i32 to vector<16xi32>
        %or3A_2603 = arith.ori %and3A_2601, %or3A_2602 : vector<16xi32>
        %mul3A_2604 = arith.constant 8 : i32
        %mul3A_2605 = arith.muli %scan3A_2568, %mul3A_2604 : i32
        %add3A_2606 = arith.constant 0 : i32
        %add3A_2607 = arith.addi %mul3A_2605, %add3A_2606 : i32
        %add3A_2608 = arith.constant 1 : i32
        %add3A_2609 = arith.addi %add3A_2607, %add3A_2608 : i32
        %mul3A_2610 = arith.constant 48 : i32
        %mul3A_2611 = arith.muli %add3A_2609, %mul3A_2610 : i32
        %get3A_2612 = arith.index_cast %mul3A_2611 : i32 to index
        %get3A_2613 = tpu.vector_load %arg9[%get3A_2612] {strides = array<i32>} : memref<24576xf32, #tpu.memory_space<vmem>>, vector<16xf32>,
        %sub3A_2614 = arith.subf %gather3A, %get3A_2613 : vector<16xf32>
        %mul3A_2615 = arith.constant 48 : i32
        %mul3A_2616 = arith.muli %add3A_2609, %mul3A_2615 : i32
        %add3A_2617 = arith.constant 16 : i32
        %add3A_2618 = arith.addi %mul3A_2616, %add3A_2617 : i32
        %get3A_2619 = arith.index_cast %add3A_2618 : i32 to index
        %get3A_2620 = tpu.vector_load %arg9[%get3A_2619] {strides = array<i32>} : memref<24576xf32, #tpu.memory_space<vmem>>, vector<16xf32>,
        %sub3A_2621 = arith.subf %gather3A_24, %get3A_2620 : vector<16xf32>
        %mul3A_2622 = arith.constant 48 : i32
        %mul3A_2623 = arith.muli %add3A_2609, %mul3A_2622 : i32
        %add3A_2624 = arith.constant 32 : i32
        %add3A_2625 = arith.addi %mul3A_2623, %add3A_2624 : i32
        %get3A_2626 = arith.index_cast %add3A_2625 : i32 to index
        %get3A_2627 = tpu.vector_load %arg9[%get3A_2626] {strides = array<i32>} : memref<24576xf32, #tpu.memory_space<vmem>>, vector<16xf32>,
        %sub3A_2628 = arith.subf %gather3A_28, %get3A_2627 : vector<16xf32>
        %mul3A_2629 = arith.mulf %sub3A_2614, %sub3A_2614 : vector<16xf32>
        %mul3A_2630 = arith.mulf %sub3A_2621, %sub3A_2621 : vector<16xf32>
        %add3A_2631 = arith.addf %mul3A_2629, %mul3A_2630 : vector<16xf32>
        %mul3A_2632 = arith.mulf %sub3A_2628, %sub3A_2628 : vector<16xf32>
        %add3A_2633 = arith.addf %add3A_2631, %mul3A_2632 : vector<16xf32>
        %bitcast3A_2634 = vector.bitcast %add3A_2633 : vector<16xf32> to vector<16xi32>
        %and3A_2635 = vector.broadcast %scan3A : i32 to vector<16xi32>
        %and3A_2636 = arith.andi %bitcast3A_2634, %and3A_2635 : vector<16xi32>
        %or3A_2637 = vector.broadcast %add3A_2609 : i32 to vector<16xi32>
        %or3A_2638 = arith.ori %and3A_2636, %or3A_2637 : vector<16xi32>
        %min3A_2639 = arith.minui %or3A_2603, %or3A_2638 : vector<16xi32>
        %mul3A_2640 = arith.constant 8 : i32
        %mul3A_2641 = arith.muli %scan3A_2568, %mul3A_2640 : i32
        %add3A_2642 = arith.constant 0 : i32
        %add3A_2643 = arith.addi %mul3A_2641, %add3A_2642 : i32
        %add3A_2644 = arith.constant 2 : i32
        %add3A_2645 = arith.addi %add3A_2643, %add3A_2644 : i32
        %mul3A_2646 = arith.constant 48 : i32
        %mul3A_2647 = arith.muli %add3A_2645, %mul3A_2646 : i32
        %get3A_2648 = arith.index_cast %mul3A_2647 : i32 to index
        %get3A_2649 = tpu.vector_load %arg9[%get3A_2648] {strides = array<i32>} : memref<24576xf32, #tpu.memory_space<vmem>>, vector<16xf32>,
        %sub3A_2650 = arith.subf %gather3A, %get3A_2649 : vector<16xf32>
        %mul3A_2651 = arith.constant 48 : i32
        %mul3A_2652 = arith.muli %add3A_2645, %mul3A_2651 : i32
        %add3A_2653 = arith.constant 16 : i32
        %add3A_2654 = arith.addi %mul3A_2652, %add3A_2653 : i32
        %get3A_2655 = arith.index_cast %add3A_2654 : i32 to index
        %get3A_2656 = tpu.vector_load %arg9[%get3A_2655] {strides = array<i32>} : memref<24576xf32, #tpu.memory_space<vmem>>, vector<16xf32>,
        %sub3A_2657 = arith.subf %gather3A_24, %get3A_2656 : vector<16xf32>
        %mul3A_2658 = arith.constant 48 : i32
        %mul3A_2659 = arith.muli %add3A_2645, %mul3A_2658 : i32
        %add3A_2660 = arith.constant 32 : i32
        %add3A_2661 = arith.addi %mul3A_2659, %add3A_2660 : i32
        %get3A_2662 = arith.index_cast %add3A_2661 : i32 to index
        %get3A_2663 = tpu.vector_load %arg9[%get3A_2662] {strides = array<i32>} : memref<24576xf32, #tpu.memory_space<vmem>>, vector<16xf32>,
        %sub3A_2664 = arith.subf %gather3A_28, %get3A_2663 : vector<16xf32>
        %mul3A_2665 = arith.mulf %sub3A_2650, %sub3A_2650 : vector<16xf32>
        %mul3A_2666 = arith.mulf %sub3A_2657, %sub3A_2657 : vector<16xf32>
        %add3A_2667 = arith.addf %mul3A_2665, %mul3A_2666 : vector<16xf32>
        %mul3A_2668 = arith.mulf %sub3A_2664, %sub3A_2664 : vector<16xf32>
        %add3A_2669 = arith.addf %add3A_2667, %mul3A_2668 : vector<16xf32>
        %bitcast3A_2670 = vector.bitcast %add3A_2669 : vector<16xf32> to vector<16xi32>
        %and3A_2671 = vector.broadcast %scan3A : i32 to vector<16xi32>
        %and3A_2672 = arith.andi %bitcast3A_2670, %and3A_2671 : vector<16xi32>
        %or3A_2673 = vector.broadcast %add3A_2645 : i32 to vector<16xi32>
        %or3A_2674 = arith.ori %and3A_2672, %or3A_2673 : vector<16xi32>
        %min3A_2675 = arith.minui %min3A_2639, %or3A_2674 : vector<16xi32>
        %mul3A_2676 = arith.constant 8 : i32
        %mul3A_2677 = arith.muli %scan3A_2568, %mul3A_2676 : i32
        %add3A_2678 = arith.constant 0 : i32
        %add3A_2679 = arith.addi %mul3A_2677, %add3A_2678 : i32
        %add3A_2680 = arith.constant 3 : i32
        %add3A_2681 = arith.addi %add3A_2679, %add3A_2680 : i32
        %mul3A_2682 = arith.constant 48 : i32
        %mul3A_2683 = arith.muli %add3A_2681, %mul3A_2682 : i32
        %get3A_2684 = arith.index_cast %mul3A_2683 : i32 to index
        %get3A_2685 = tpu.vector_load %arg9[%get3A_2684] {strides = array<i32>} : memref<24576xf32, #tpu.memory_space<vmem>>, vector<16xf32>,
        %sub3A_2686 = arith.subf %gather3A, %get3A_2685 : vector<16xf32>
        %mul3A_2687 = arith.constant 48 : i32
        %mul3A_2688 = arith.muli %add3A_2681, %mul3A_2687 : i32
        %add3A_2689 = arith.constant 16 : i32
        %add3A_2690 = arith.addi %mul3A_2688, %add3A_2689 : i32
        %get3A_2691 = arith.index_cast %add3A_2690 : i32 to index
        %get3A_2692 = tpu.vector_load %arg9[%get3A_2691] {strides = array<i32>} : memref<24576xf32, #tpu.memory_space<vmem>>, vector<16xf32>,
        %sub3A_2693 = arith.subf %gather3A_24, %get3A_2692 : vector<16xf32>
        %mul3A_2694 = arith.constant 48 : i32
        %mul3A_2695 = arith.muli %add3A_2681, %mul3A_2694 : i32
        %add3A_2696 = arith.constant 32 : i32
        %add3A_2697 = arith.addi %mul3A_2695, %add3A_2696 : i32
        %get3A_2698 = arith.index_cast %add3A_2697 : i32 to index
        %get3A_2699 = tpu.vector_load %arg9[%get3A_2698] {strides = array<i32>} : memref<24576xf32, #tpu.memory_space<vmem>>, vector<16xf32>,
        %sub3A_2700 = arith.subf %gather3A_28, %get3A_2699 : vector<16xf32>
        %mul3A_2701 = arith.mulf %sub3A_2686, %sub3A_2686 : vector<16xf32>
        %mul3A_2702 = arith.mulf %sub3A_2693, %sub3A_2693 : vector<16xf32>
        %add3A_2703 = arith.addf %mul3A_2701, %mul3A_2702 : vector<16xf32>
        %mul3A_2704 = arith.mulf %sub3A_2700, %sub3A_2700 : vector<16xf32>
        %add3A_2705 = arith.addf %add3A_2703, %mul3A_2704 : vector<16xf32>
        %bitcast3A_2706 = vector.bitcast %add3A_2705 : vector<16xf32> to vector<16xi32>
        %and3A_2707 = vector.broadcast %scan3A : i32 to vector<16xi32>
        %and3A_2708 = arith.andi %bitcast3A_2706, %and3A_2707 : vector<16xi32>
        %or3A_2709 = vector.broadcast %add3A_2681 : i32 to vector<16xi32>
        %or3A_2710 = arith.ori %and3A_2708, %or3A_2709 : vector<16xi32>
        %min3A_2711 = arith.minui %min3A_2675, %or3A_2710 : vector<16xi32>
        %min3A_2712 = arith.minui %min3A_2392, %min3A_2711 : vector<16xi32>
        %max3A_2713 = arith.maxui %min3A_2392, %min3A_2711 : vector<16xi32>
        %min3A_2714 = arith.minui %min3A_2394, %max3A_2713 : vector<16xi32>
        %max3A_2715 = arith.maxui %min3A_2394, %max3A_2713 : vector<16xi32>
        %min3A_2716 = arith.minui %min3A_2396, %max3A_2715 : vector<16xi32>
        %max3A_2717 = arith.maxui %min3A_2396, %max3A_2715 : vector<16xi32>
        %min3A_2718 = arith.minui %min3A_2398, %max3A_2717 : vector<16xi32>
        %max3A_2719 = arith.maxui %min3A_2398, %max3A_2717 : vector<16xi32>
        %min3A_2720 = arith.minui %min3A_2400, %max3A_2719 : vector<16xi32>
        %max3A_2721 = arith.maxui %min3A_2400, %max3A_2719 : vector<16xi32>
        %min3A_2722 = arith.minui %min3A_2402, %max3A_2721 : vector<16xi32>
        %max3A_2723 = arith.maxui %min3A_2402, %max3A_2721 : vector<16xi32>
        %min3A_2724 = arith.minui %min3A_2404, %max3A_2723 : vector<16xi32>
        %max3A_2725 = arith.maxui %min3A_2404, %max3A_2723 : vector<16xi32>
        %min3A_2726 = arith.minui %min3A_2406, %max3A_2725 : vector<16xi32>
        %max3A_2727 = arith.maxui %min3A_2406, %max3A_2725 : vector<16xi32>
        %mul3A_2728 = arith.constant 8 : i32
        %mul3A_2729 = arith.muli %scan3A_2568, %mul3A_2728 : i32
        %add3A_2730 = arith.constant 4 : i32
        %add3A_2731 = arith.addi %mul3A_2729, %add3A_2730 : i32
        %add3A_2732 = arith.constant 0 : i32
        %add3A_2733 = arith.addi %add3A_2731, %add3A_2732 : i32
        %mul3A_2734 = arith.constant 48 : i32
        %mul3A_2735 = arith.muli %add3A_2733, %mul3A_2734 : i32
        %get3A_2736 = arith.index_cast %mul3A_2735 : i32 to index
        %get3A_2737 = tpu.vector_load %arg9[%get3A_2736] {strides = array<i32>} : memref<24576xf32, #tpu.memory_space<vmem>>, vector<16xf32>,
        %sub3A_2738 = arith.subf %gather3A, %get3A_2737 : vector<16xf32>
        %mul3A_2739 = arith.constant 48 : i32
        %mul3A_2740 = arith.muli %add3A_2733, %mul3A_2739 : i32
        %add3A_2741 = arith.constant 16 : i32
        %add3A_2742 = arith.addi %mul3A_2740, %add3A_2741 : i32
        %get3A_2743 = arith.index_cast %add3A_2742 : i32 to index
        %get3A_2744 = tpu.vector_load %arg9[%get3A_2743] {strides = array<i32>} : memref<24576xf32, #tpu.memory_space<vmem>>, vector<16xf32>,
        %sub3A_2745 = arith.subf %gather3A_24, %get3A_2744 : vector<16xf32>
        %mul3A_2746 = arith.constant 48 : i32
        %mul3A_2747 = arith.muli %add3A_2733, %mul3A_2746 : i32
        %add3A_2748 = arith.constant 32 : i32
        %add3A_2749 = arith.addi %mul3A_2747, %add3A_2748 : i32
        %get3A_2750 = arith.index_cast %add3A_2749 : i32 to index
        %get3A_2751 = tpu.vector_load %arg9[%get3A_2750] {strides = array<i32>} : memref<24576xf32, #tpu.memory_space<vmem>>, vector<16xf32>,
        %sub3A_2752 = arith.subf %gather3A_28, %get3A_2751 : vector<16xf32>
        %mul3A_2753 = arith.mulf %sub3A_2738, %sub3A_2738 : vector<16xf32>
        %mul3A_2754 = arith.mulf %sub3A_2745, %sub3A_2745 : vector<16xf32>
        %add3A_2755 = arith.addf %mul3A_2753, %mul3A_2754 : vector<16xf32>
        %mul3A_2756 = arith.mulf %sub3A_2752, %sub3A_2752 : vector<16xf32>
        %add3A_2757 = arith.addf %add3A_2755, %mul3A_2756 : vector<16xf32>
        %bitcast3A_2758 = vector.bitcast %add3A_2757 : vector<16xf32> to vector<16xi32>
        %and3A_2759 = vector.broadcast %scan3A : i32 to vector<16xi32>
        %and3A_2760 = arith.andi %bitcast3A_2758, %and3A_2759 : vector<16xi32>
        %or3A_2761 = vector.broadcast %add3A_2733 : i32 to vector<16xi32>
        %or3A_2762 = arith.ori %and3A_2760, %or3A_2761 : vector<16xi32>
        %mul3A_2763 = arith.constant 8 : i32
        %mul3A_2764 = arith.muli %scan3A_2568, %mul3A_2763 : i32
        %add3A_2765 = arith.constant 4 : i32
        %add3A_2766 = arith.addi %mul3A_2764, %add3A_2765 : i32
        %add3A_2767 = arith.constant 1 : i32
        %add3A_2768 = arith.addi %add3A_2766, %add3A_2767 : i32
        %mul3A_2769 = arith.constant 48 : i32
        %mul3A_2770 = arith.muli %add3A_2768, %mul3A_2769 : i32
        %get3A_2771 = arith.index_cast %mul3A_2770 : i32 to index
        %get3A_2772 = tpu.vector_load %arg9[%get3A_2771] {strides = array<i32>} : memref<24576xf32, #tpu.memory_space<vmem>>, vector<16xf32>,
        %sub3A_2773 = arith.subf %gather3A, %get3A_2772 : vector<16xf32>
        %mul3A_2774 = arith.constant 48 : i32
        %mul3A_2775 = arith.muli %add3A_2768, %mul3A_2774 : i32
        %add3A_2776 = arith.constant 16 : i32
        %add3A_2777 = arith.addi %mul3A_2775, %add3A_2776 : i32
        %get3A_2778 = arith.index_cast %add3A_2777 : i32 to index
        %get3A_2779 = tpu.vector_load %arg9[%get3A_2778] {strides = array<i32>} : memref<24576xf32, #tpu.memory_space<vmem>>, vector<16xf32>,
        %sub3A_2780 = arith.subf %gather3A_24, %get3A_2779 : vector<16xf32>
        %mul3A_2781 = arith.constant 48 : i32
        %mul3A_2782 = arith.muli %add3A_2768, %mul3A_2781 : i32
        %add3A_2783 = arith.constant 32 : i32
        %add3A_2784 = arith.addi %mul3A_2782, %add3A_2783 : i32
        %get3A_2785 = arith.index_cast %add3A_2784 : i32 to index
        %get3A_2786 = tpu.vector_load %arg9[%get3A_2785] {strides = array<i32>} : memref<24576xf32, #tpu.memory_space<vmem>>, vector<16xf32>,
        %sub3A_2787 = arith.subf %gather3A_28, %get3A_2786 : vector<16xf32>
        %mul3A_2788 = arith.mulf %sub3A_2773, %sub3A_2773 : vector<16xf32>
        %mul3A_2789 = arith.mulf %sub3A_2780, %sub3A_2780 : vector<16xf32>
        %add3A_2790 = arith.addf %mul3A_2788, %mul3A_2789 : vector<16xf32>
        %mul3A_2791 = arith.mulf %sub3A_2787, %sub3A_2787 : vector<16xf32>
        %add3A_2792 = arith.addf %add3A_2790, %mul3A_2791 : vector<16xf32>
        %bitcast3A_2793 = vector.bitcast %add3A_2792 : vector<16xf32> to vector<16xi32>
        %and3A_2794 = vector.broadcast %scan3A : i32 to vector<16xi32>
        %and3A_2795 = arith.andi %bitcast3A_2793, %and3A_2794 : vector<16xi32>
        %or3A_2796 = vector.broadcast %add3A_2768 : i32 to vector<16xi32>
        %or3A_2797 = arith.ori %and3A_2795, %or3A_2796 : vector<16xi32>
        %min3A_2798 = arith.minui %or3A_2762, %or3A_2797 : vector<16xi32>
        %mul3A_2799 = arith.constant 8 : i32
        %mul3A_2800 = arith.muli %scan3A_2568, %mul3A_2799 : i32
        %add3A_2801 = arith.constant 4 : i32
        %add3A_2802 = arith.addi %mul3A_2800, %add3A_2801 : i32
        %add3A_2803 = arith.constant 2 : i32
        %add3A_2804 = arith.addi %add3A_2802, %add3A_2803 : i32
        %mul3A_2805 = arith.constant 48 : i32
        %mul3A_2806 = arith.muli %add3A_2804, %mul3A_2805 : i32
        %get3A_2807 = arith.index_cast %mul3A_2806 : i32 to index
        %get3A_2808 = tpu.vector_load %arg9[%get3A_2807] {strides = array<i32>} : memref<24576xf32, #tpu.memory_space<vmem>>, vector<16xf32>,
        %sub3A_2809 = arith.subf %gather3A, %get3A_2808 : vector<16xf32>
        %mul3A_2810 = arith.constant 48 : i32
        %mul3A_2811 = arith.muli %add3A_2804, %mul3A_2810 : i32
        %add3A_2812 = arith.constant 16 : i32
        %add3A_2813 = arith.addi %mul3A_2811, %add3A_2812 : i32
        %get3A_2814 = arith.index_cast %add3A_2813 : i32 to index
        %get3A_2815 = tpu.vector_load %arg9[%get3A_2814] {strides = array<i32>} : memref<24576xf32, #tpu.memory_space<vmem>>, vector<16xf32>,
        %sub3A_2816 = arith.subf %gather3A_24, %get3A_2815 : vector<16xf32>
        %mul3A_2817 = arith.constant 48 : i32
        %mul3A_2818 = arith.muli %add3A_2804, %mul3A_2817 : i32
        %add3A_2819 = arith.constant 32 : i32
        %add3A_2820 = arith.addi %mul3A_2818, %add3A_2819 : i32
        %get3A_2821 = arith.index_cast %add3A_2820 : i32 to index
        %get3A_2822 = tpu.vector_load %arg9[%get3A_2821] {strides = array<i32>} : memref<24576xf32, #tpu.memory_space<vmem>>, vector<16xf32>,
        %sub3A_2823 = arith.subf %gather3A_28, %get3A_2822 : vector<16xf32>
        %mul3A_2824 = arith.mulf %sub3A_2809, %sub3A_2809 : vector<16xf32>
        %mul3A_2825 = arith.mulf %sub3A_2816, %sub3A_2816 : vector<16xf32>
        %add3A_2826 = arith.addf %mul3A_2824, %mul3A_2825 : vector<16xf32>
        %mul3A_2827 = arith.mulf %sub3A_2823, %sub3A_2823 : vector<16xf32>
        %add3A_2828 = arith.addf %add3A_2826, %mul3A_2827 : vector<16xf32>
        %bitcast3A_2829 = vector.bitcast %add3A_2828 : vector<16xf32> to vector<16xi32>
        %and3A_2830 = vector.broadcast %scan3A : i32 to vector<16xi32>
        %and3A_2831 = arith.andi %bitcast3A_2829, %and3A_2830 : vector<16xi32>
        %or3A_2832 = vector.broadcast %add3A_2804 : i32 to vector<16xi32>
        %or3A_2833 = arith.ori %and3A_2831, %or3A_2832 : vector<16xi32>
        %min3A_2834 = arith.minui %min3A_2798, %or3A_2833 : vector<16xi32>
        %mul3A_2835 = arith.constant 8 : i32
        %mul3A_2836 = arith.muli %scan3A_2568, %mul3A_2835 : i32
        %add3A_2837 = arith.constant 4 : i32
        %add3A_2838 = arith.addi %mul3A_2836, %add3A_2837 : i32
        %add3A_2839 = arith.constant 3 : i32
        %add3A_2840 = arith.addi %add3A_2838, %add3A_2839 : i32
        %mul3A_2841 = arith.constant 48 : i32
        %mul3A_2842 = arith.muli %add3A_2840, %mul3A_2841 : i32
        %get3A_2843 = arith.index_cast %mul3A_2842 : i32 to index
        %get3A_2844 = tpu.vector_load %arg9[%get3A_2843] {strides = array<i32>} : memref<24576xf32, #tpu.memory_space<vmem>>, vector<16xf32>,
        %sub3A_2845 = arith.subf %gather3A, %get3A_2844 : vector<16xf32>
        %mul3A_2846 = arith.constant 48 : i32
        %mul3A_2847 = arith.muli %add3A_2840, %mul3A_2846 : i32
        %add3A_2848 = arith.constant 16 : i32
        %add3A_2849 = arith.addi %mul3A_2847, %add3A_2848 : i32
        %get3A_2850 = arith.index_cast %add3A_2849 : i32 to index
        %get3A_2851 = tpu.vector_load %arg9[%get3A_2850] {strides = array<i32>} : memref<24576xf32, #tpu.memory_space<vmem>>, vector<16xf32>,
        %sub3A_2852 = arith.subf %gather3A_24, %get3A_2851 : vector<16xf32>
        %mul3A_2853 = arith.constant 48 : i32
        %mul3A_2854 = arith.muli %add3A_2840, %mul3A_2853 : i32
        %add3A_2855 = arith.constant 32 : i32
        %add3A_2856 = arith.addi %mul3A_2854, %add3A_2855 : i32
        %get3A_2857 = arith.index_cast %add3A_2856 : i32 to index
        %get3A_2858 = tpu.vector_load %arg9[%get3A_2857] {strides = array<i32>} : memref<24576xf32, #tpu.memory_space<vmem>>, vector<16xf32>,
        %sub3A_2859 = arith.subf %gather3A_28, %get3A_2858 : vector<16xf32>
        %mul3A_2860 = arith.mulf %sub3A_2845, %sub3A_2845 : vector<16xf32>
        %mul3A_2861 = arith.mulf %sub3A_2852, %sub3A_2852 : vector<16xf32>
        %add3A_2862 = arith.addf %mul3A_2860, %mul3A_2861 : vector<16xf32>
        %mul3A_2863 = arith.mulf %sub3A_2859, %sub3A_2859 : vector<16xf32>
        %add3A_2864 = arith.addf %add3A_2862, %mul3A_2863 : vector<16xf32>
        %bitcast3A_2865 = vector.bitcast %add3A_2864 : vector<16xf32> to vector<16xi32>
        %and3A_2866 = vector.broadcast %scan3A : i32 to vector<16xi32>
        %and3A_2867 = arith.andi %bitcast3A_2865, %and3A_2866 : vector<16xi32>
        %or3A_2868 = vector.broadcast %add3A_2840 : i32 to vector<16xi32>
        %or3A_2869 = arith.ori %and3A_2867, %or3A_2868 : vector<16xi32>
        %min3A_2870 = arith.minui %min3A_2834, %or3A_2869 : vector<16xi32>
        %min3A_2871 = arith.minui %min3A_2551, %min3A_2870 : vector<16xi32>
        %max3A_2872 = arith.maxui %min3A_2551, %min3A_2870 : vector<16xi32>
        %min3A_2873 = arith.minui %min3A_2553, %max3A_2872 : vector<16xi32>
        %max3A_2874 = arith.maxui %min3A_2553, %max3A_2872 : vector<16xi32>
        %min3A_2875 = arith.minui %min3A_2555, %max3A_2874 : vector<16xi32>
        %max3A_2876 = arith.maxui %min3A_2555, %max3A_2874 : vector<16xi32>
        %min3A_2877 = arith.minui %min3A_2557, %max3A_2876 : vector<16xi32>
        %max3A_2878 = arith.maxui %min3A_2557, %max3A_2876 : vector<16xi32>
        %min3A_2879 = arith.minui %min3A_2559, %max3A_2878 : vector<16xi32>
        %max3A_2880 = arith.maxui %min3A_2559, %max3A_2878 : vector<16xi32>
        %min3A_2881 = arith.minui %min3A_2561, %max3A_2880 : vector<16xi32>
        %max3A_2882 = arith.maxui %min3A_2561, %max3A_2880 : vector<16xi32>
        %min3A_2883 = arith.minui %min3A_2563, %max3A_2882 : vector<16xi32>
        %max3A_2884 = arith.maxui %min3A_2563, %max3A_2882 : vector<16xi32>
        %min3A_2885 = arith.minui %min3A_2565, %max3A_2884 : vector<16xi32>
        %max3A_2886 = arith.maxui %min3A_2565, %max3A_2884 : vector<16xi32>
        %scan3A_2887 = arith.constant 2 : i32
        %scan3A_2888 = arith.addi %scan3A_2233, %scan3A_2887 : i32
        %mul3A_2889 = arith.constant 8 : i32
        %mul3A_2890 = arith.muli %scan3A_2888, %mul3A_2889 : i32
        %add3A_2891 = arith.constant 0 : i32
        %add3A_2892 = arith.addi %mul3A_2890, %add3A_2891 : i32
        %add3A_2893 = arith.constant 0 : i32
        %add3A_2894 = arith.addi %add3A_2892, %add3A_2893 : i32
        %mul3A_2895 = arith.constant 48 : i32
        %mul3A_2896 = arith.muli %add3A_2894, %mul3A_2895 : i32
        %get3A_2897 = arith.index_cast %mul3A_2896 : i32 to index
        %get3A_2898 = tpu.vector_load %arg9[%get3A_2897] {strides = array<i32>} : memref<24576xf32, #tpu.memory_space<vmem>>, vector<16xf32>,
        %sub3A_2899 = arith.subf %gather3A, %get3A_2898 : vector<16xf32>
        %mul3A_2900 = arith.constant 48 : i32
        %mul3A_2901 = arith.muli %add3A_2894, %mul3A_2900 : i32
        %add3A_2902 = arith.constant 16 : i32
        %add3A_2903 = arith.addi %mul3A_2901, %add3A_2902 : i32
        %get3A_2904 = arith.index_cast %add3A_2903 : i32 to index
        %get3A_2905 = tpu.vector_load %arg9[%get3A_2904] {strides = array<i32>} : memref<24576xf32, #tpu.memory_space<vmem>>, vector<16xf32>,
        %sub3A_2906 = arith.subf %gather3A_24, %get3A_2905 : vector<16xf32>
        %mul3A_2907 = arith.constant 48 : i32
        %mul3A_2908 = arith.muli %add3A_2894, %mul3A_2907 : i32
        %add3A_2909 = arith.constant 32 : i32
        %add3A_2910 = arith.addi %mul3A_2908, %add3A_2909 : i32
        %get3A_2911 = arith.index_cast %add3A_2910 : i32 to index
        %get3A_2912 = tpu.vector_load %arg9[%get3A_2911] {strides = array<i32>} : memref<24576xf32, #tpu.memory_space<vmem>>, vector<16xf32>,
        %sub3A_2913 = arith.subf %gather3A_28, %get3A_2912 : vector<16xf32>
        %mul3A_2914 = arith.mulf %sub3A_2899, %sub3A_2899 : vector<16xf32>
        %mul3A_2915 = arith.mulf %sub3A_2906, %sub3A_2906 : vector<16xf32>
        %add3A_2916 = arith.addf %mul3A_2914, %mul3A_2915 : vector<16xf32>
        %mul3A_2917 = arith.mulf %sub3A_2913, %sub3A_2913 : vector<16xf32>
        %add3A_2918 = arith.addf %add3A_2916, %mul3A_2917 : vector<16xf32>
        %bitcast3A_2919 = vector.bitcast %add3A_2918 : vector<16xf32> to vector<16xi32>
        %and3A_2920 = vector.broadcast %scan3A : i32 to vector<16xi32>
        %and3A_2921 = arith.andi %bitcast3A_2919, %and3A_2920 : vector<16xi32>
        %or3A_2922 = vector.broadcast %add3A_2894 : i32 to vector<16xi32>
        %or3A_2923 = arith.ori %and3A_2921, %or3A_2922 : vector<16xi32>
        %mul3A_2924 = arith.constant 8 : i32
        %mul3A_2925 = arith.muli %scan3A_2888, %mul3A_2924 : i32
        %add3A_2926 = arith.constant 0 : i32
        %add3A_2927 = arith.addi %mul3A_2925, %add3A_2926 : i32
        %add3A_2928 = arith.constant 1 : i32
        %add3A_2929 = arith.addi %add3A_2927, %add3A_2928 : i32
        %mul3A_2930 = arith.constant 48 : i32
        %mul3A_2931 = arith.muli %add3A_2929, %mul3A_2930 : i32
        %get3A_2932 = arith.index_cast %mul3A_2931 : i32 to index
        %get3A_2933 = tpu.vector_load %arg9[%get3A_2932] {strides = array<i32>} : memref<24576xf32, #tpu.memory_space<vmem>>, vector<16xf32>,
        %sub3A_2934 = arith.subf %gather3A, %get3A_2933 : vector<16xf32>
        %mul3A_2935 = arith.constant 48 : i32
        %mul3A_2936 = arith.muli %add3A_2929, %mul3A_2935 : i32
        %add3A_2937 = arith.constant 16 : i32
        %add3A_2938 = arith.addi %mul3A_2936, %add3A_2937 : i32
        %get3A_2939 = arith.index_cast %add3A_2938 : i32 to index
        %get3A_2940 = tpu.vector_load %arg9[%get3A_2939] {strides = array<i32>} : memref<24576xf32, #tpu.memory_space<vmem>>, vector<16xf32>,
        %sub3A_2941 = arith.subf %gather3A_24, %get3A_2940 : vector<16xf32>
        %mul3A_2942 = arith.constant 48 : i32
        %mul3A_2943 = arith.muli %add3A_2929, %mul3A_2942 : i32
        %add3A_2944 = arith.constant 32 : i32
        %add3A_2945 = arith.addi %mul3A_2943, %add3A_2944 : i32
        %get3A_2946 = arith.index_cast %add3A_2945 : i32 to index
        %get3A_2947 = tpu.vector_load %arg9[%get3A_2946] {strides = array<i32>} : memref<24576xf32, #tpu.memory_space<vmem>>, vector<16xf32>,
        %sub3A_2948 = arith.subf %gather3A_28, %get3A_2947 : vector<16xf32>
        %mul3A_2949 = arith.mulf %sub3A_2934, %sub3A_2934 : vector<16xf32>
        %mul3A_2950 = arith.mulf %sub3A_2941, %sub3A_2941 : vector<16xf32>
        %add3A_2951 = arith.addf %mul3A_2949, %mul3A_2950 : vector<16xf32>
        %mul3A_2952 = arith.mulf %sub3A_2948, %sub3A_2948 : vector<16xf32>
        %add3A_2953 = arith.addf %add3A_2951, %mul3A_2952 : vector<16xf32>
        %bitcast3A_2954 = vector.bitcast %add3A_2953 : vector<16xf32> to vector<16xi32>
        %and3A_2955 = vector.broadcast %scan3A : i32 to vector<16xi32>
        %and3A_2956 = arith.andi %bitcast3A_2954, %and3A_2955 : vector<16xi32>
        %or3A_2957 = vector.broadcast %add3A_2929 : i32 to vector<16xi32>
        %or3A_2958 = arith.ori %and3A_2956, %or3A_2957 : vector<16xi32>
        %min3A_2959 = arith.minui %or3A_2923, %or3A_2958 : vector<16xi32>
        %mul3A_2960 = arith.constant 8 : i32
        %mul3A_2961 = arith.muli %scan3A_2888, %mul3A_2960 : i32
        %add3A_2962 = arith.constant 0 : i32
        %add3A_2963 = arith.addi %mul3A_2961, %add3A_2962 : i32
        %add3A_2964 = arith.constant 2 : i32
        %add3A_2965 = arith.addi %add3A_2963, %add3A_2964 : i32
        %mul3A_2966 = arith.constant 48 : i32
        %mul3A_2967 = arith.muli %add3A_2965, %mul3A_2966 : i32
        %get3A_2968 = arith.index_cast %mul3A_2967 : i32 to index
        %get3A_2969 = tpu.vector_load %arg9[%get3A_2968] {strides = array<i32>} : memref<24576xf32, #tpu.memory_space<vmem>>, vector<16xf32>,
        %sub3A_2970 = arith.subf %gather3A, %get3A_2969 : vector<16xf32>
        %mul3A_2971 = arith.constant 48 : i32
        %mul3A_2972 = arith.muli %add3A_2965, %mul3A_2971 : i32
        %add3A_2973 = arith.constant 16 : i32
        %add3A_2974 = arith.addi %mul3A_2972, %add3A_2973 : i32
        %get3A_2975 = arith.index_cast %add3A_2974 : i32 to index
        %get3A_2976 = tpu.vector_load %arg9[%get3A_2975] {strides = array<i32>} : memref<24576xf32, #tpu.memory_space<vmem>>, vector<16xf32>,
        %sub3A_2977 = arith.subf %gather3A_24, %get3A_2976 : vector<16xf32>
        %mul3A_2978 = arith.constant 48 : i32
        %mul3A_2979 = arith.muli %add3A_2965, %mul3A_2978 : i32
        %add3A_2980 = arith.constant 32 : i32
        %add3A_2981 = arith.addi %mul3A_2979, %add3A_2980 : i32
        %get3A_2982 = arith.index_cast %add3A_2981 : i32 to index
        %get3A_2983 = tpu.vector_load %arg9[%get3A_2982] {strides = array<i32>} : memref<24576xf32, #tpu.memory_space<vmem>>, vector<16xf32>,
        %sub3A_2984 = arith.subf %gather3A_28, %get3A_2983 : vector<16xf32>
        %mul3A_2985 = arith.mulf %sub3A_2970, %sub3A_2970 : vector<16xf32>
        %mul3A_2986 = arith.mulf %sub3A_2977, %sub3A_2977 : vector<16xf32>
        %add3A_2987 = arith.addf %mul3A_2985, %mul3A_2986 : vector<16xf32>
        %mul3A_2988 = arith.mulf %sub3A_2984, %sub3A_2984 : vector<16xf32>
        %add3A_2989 = arith.addf %add3A_2987, %mul3A_2988 : vector<16xf32>
        %bitcast3A_2990 = vector.bitcast %add3A_2989 : vector<16xf32> to vector<16xi32>
        %and3A_2991 = vector.broadcast %scan3A : i32 to vector<16xi32>
        %and3A_2992 = arith.andi %bitcast3A_2990, %and3A_2991 : vector<16xi32>
        %or3A_2993 = vector.broadcast %add3A_2965 : i32 to vector<16xi32>
        %or3A_2994 = arith.ori %and3A_2992, %or3A_2993 : vector<16xi32>
        %min3A_2995 = arith.minui %min3A_2959, %or3A_2994 : vector<16xi32>
        %mul3A_2996 = arith.constant 8 : i32
        %mul3A_2997 = arith.muli %scan3A_2888, %mul3A_2996 : i32
        %add3A_2998 = arith.constant 0 : i32
        %add3A_2999 = arith.addi %mul3A_2997, %add3A_2998 : i32
        %add3A_3000 = arith.constant 3 : i32
        %add3A_3001 = arith.addi %add3A_2999, %add3A_3000 : i32
        %mul3A_3002 = arith.constant 48 : i32
        %mul3A_3003 = arith.muli %add3A_3001, %mul3A_3002 : i32
        %get3A_3004 = arith.index_cast %mul3A_3003 : i32 to index
        %get3A_3005 = tpu.vector_load %arg9[%get3A_3004] {strides = array<i32>} : memref<24576xf32, #tpu.memory_space<vmem>>, vector<16xf32>,
        %sub3A_3006 = arith.subf %gather3A, %get3A_3005 : vector<16xf32>
        %mul3A_3007 = arith.constant 48 : i32
        %mul3A_3008 = arith.muli %add3A_3001, %mul3A_3007 : i32
        %add3A_3009 = arith.constant 16 : i32
        %add3A_3010 = arith.addi %mul3A_3008, %add3A_3009 : i32
        %get3A_3011 = arith.index_cast %add3A_3010 : i32 to index
        %get3A_3012 = tpu.vector_load %arg9[%get3A_3011] {strides = array<i32>} : memref<24576xf32, #tpu.memory_space<vmem>>, vector<16xf32>,
        %sub3A_3013 = arith.subf %gather3A_24, %get3A_3012 : vector<16xf32>
        %mul3A_3014 = arith.constant 48 : i32
        %mul3A_3015 = arith.muli %add3A_3001, %mul3A_3014 : i32
        %add3A_3016 = arith.constant 32 : i32
        %add3A_3017 = arith.addi %mul3A_3015, %add3A_3016 : i32
        %get3A_3018 = arith.index_cast %add3A_3017 : i32 to index
        %get3A_3019 = tpu.vector_load %arg9[%get3A_3018] {strides = array<i32>} : memref<24576xf32, #tpu.memory_space<vmem>>, vector<16xf32>,
        %sub3A_3020 = arith.subf %gather3A_28, %get3A_3019 : vector<16xf32>
        %mul3A_3021 = arith.mulf %sub3A_3006, %sub3A_3006 : vector<16xf32>
        %mul3A_3022 = arith.mulf %sub3A_3013, %sub3A_3013 : vector<16xf32>
        %add3A_3023 = arith.addf %mul3A_3021, %mul3A_3022 : vector<16xf32>
        %mul3A_3024 = arith.mulf %sub3A_3020, %sub3A_3020 : vector<16xf32>
        %add3A_3025 = arith.addf %add3A_3023, %mul3A_3024 : vector<16xf32>
        %bitcast3A_3026 = vector.bitcast %add3A_3025 : vector<16xf32> to vector<16xi32>
        %and3A_3027 = vector.broadcast %scan3A : i32 to vector<16xi32>
        %and3A_3028 = arith.andi %bitcast3A_3026, %and3A_3027 : vector<16xi32>
        %or3A_3029 = vector.broadcast %add3A_3001 : i32 to vector<16xi32>
        %or3A_3030 = arith.ori %and3A_3028, %or3A_3029 : vector<16xi32>
        %min3A_3031 = arith.minui %min3A_2995, %or3A_3030 : vector<16xi32>
        %min3A_3032 = arith.minui %min3A_2712, %min3A_3031 : vector<16xi32>
        %max3A_3033 = arith.maxui %min3A_2712, %min3A_3031 : vector<16xi32>
        %min3A_3034 = arith.minui %min3A_2714, %max3A_3033 : vector<16xi32>
        %max3A_3035 = arith.maxui %min3A_2714, %max3A_3033 : vector<16xi32>
        %min3A_3036 = arith.minui %min3A_2716, %max3A_3035 : vector<16xi32>
        %max3A_3037 = arith.maxui %min3A_2716, %max3A_3035 : vector<16xi32>
        %min3A_3038 = arith.minui %min3A_2718, %max3A_3037 : vector<16xi32>
        %max3A_3039 = arith.maxui %min3A_2718, %max3A_3037 : vector<16xi32>
        %min3A_3040 = arith.minui %min3A_2720, %max3A_3039 : vector<16xi32>
        %max3A_3041 = arith.maxui %min3A_2720, %max3A_3039 : vector<16xi32>
        %min3A_3042 = arith.minui %min3A_2722, %max3A_3041 : vector<16xi32>
        %max3A_3043 = arith.maxui %min3A_2722, %max3A_3041 : vector<16xi32>
        %min3A_3044 = arith.minui %min3A_2724, %max3A_3043 : vector<16xi32>
        %max3A_3045 = arith.maxui %min3A_2724, %max3A_3043 : vector<16xi32>
        %min3A_3046 = arith.minui %min3A_2726, %max3A_3045 : vector<16xi32>
        %max3A_3047 = arith.maxui %min3A_2726, %max3A_3045 : vector<16xi32>
        %mul3A_3048 = arith.constant 8 : i32
        %mul3A_3049 = arith.muli %scan3A_2888, %mul3A_3048 : i32
        %add3A_3050 = arith.constant 4 : i32
        %add3A_3051 = arith.addi %mul3A_3049, %add3A_3050 : i32
        %add3A_3052 = arith.constant 0 : i32
        %add3A_3053 = arith.addi %add3A_3051, %add3A_3052 : i32
        %mul3A_3054 = arith.constant 48 : i32
        %mul3A_3055 = arith.muli %add3A_3053, %mul3A_3054 : i32
        %get3A_3056 = arith.index_cast %mul3A_3055 : i32 to index
        %get3A_3057 = tpu.vector_load %arg9[%get3A_3056] {strides = array<i32>} : memref<24576xf32, #tpu.memory_space<vmem>>, vector<16xf32>,
        %sub3A_3058 = arith.subf %gather3A, %get3A_3057 : vector<16xf32>
        %mul3A_3059 = arith.constant 48 : i32
        %mul3A_3060 = arith.muli %add3A_3053, %mul3A_3059 : i32
        %add3A_3061 = arith.constant 16 : i32
        %add3A_3062 = arith.addi %mul3A_3060, %add3A_3061 : i32
        %get3A_3063 = arith.index_cast %add3A_3062 : i32 to index
        %get3A_3064 = tpu.vector_load %arg9[%get3A_3063] {strides = array<i32>} : memref<24576xf32, #tpu.memory_space<vmem>>, vector<16xf32>,
        %sub3A_3065 = arith.subf %gather3A_24, %get3A_3064 : vector<16xf32>
        %mul3A_3066 = arith.constant 48 : i32
        %mul3A_3067 = arith.muli %add3A_3053, %mul3A_3066 : i32
        %add3A_3068 = arith.constant 32 : i32
        %add3A_3069 = arith.addi %mul3A_3067, %add3A_3068 : i32
        %get3A_3070 = arith.index_cast %add3A_3069 : i32 to index
        %get3A_3071 = tpu.vector_load %arg9[%get3A_3070] {strides = array<i32>} : memref<24576xf32, #tpu.memory_space<vmem>>, vector<16xf32>,
        %sub3A_3072 = arith.subf %gather3A_28, %get3A_3071 : vector<16xf32>
        %mul3A_3073 = arith.mulf %sub3A_3058, %sub3A_3058 : vector<16xf32>
        %mul3A_3074 = arith.mulf %sub3A_3065, %sub3A_3065 : vector<16xf32>
        %add3A_3075 = arith.addf %mul3A_3073, %mul3A_3074 : vector<16xf32>
        %mul3A_3076 = arith.mulf %sub3A_3072, %sub3A_3072 : vector<16xf32>
        %add3A_3077 = arith.addf %add3A_3075, %mul3A_3076 : vector<16xf32>
        %bitcast3A_3078 = vector.bitcast %add3A_3077 : vector<16xf32> to vector<16xi32>
        %and3A_3079 = vector.broadcast %scan3A : i32 to vector<16xi32>
        %and3A_3080 = arith.andi %bitcast3A_3078, %and3A_3079 : vector<16xi32>
        %or3A_3081 = vector.broadcast %add3A_3053 : i32 to vector<16xi32>
        %or3A_3082 = arith.ori %and3A_3080, %or3A_3081 : vector<16xi32>
        %mul3A_3083 = arith.constant 8 : i32
        %mul3A_3084 = arith.muli %scan3A_2888, %mul3A_3083 : i32
        %add3A_3085 = arith.constant 4 : i32
        %add3A_3086 = arith.addi %mul3A_3084, %add3A_3085 : i32
        %add3A_3087 = arith.constant 1 : i32
        %add3A_3088 = arith.addi %add3A_3086, %add3A_3087 : i32
        %mul3A_3089 = arith.constant 48 : i32
        %mul3A_3090 = arith.muli %add3A_3088, %mul3A_3089 : i32
        %get3A_3091 = arith.index_cast %mul3A_3090 : i32 to index
        %get3A_3092 = tpu.vector_load %arg9[%get3A_3091] {strides = array<i32>} : memref<24576xf32, #tpu.memory_space<vmem>>, vector<16xf32>,
        %sub3A_3093 = arith.subf %gather3A, %get3A_3092 : vector<16xf32>
        %mul3A_3094 = arith.constant 48 : i32
        %mul3A_3095 = arith.muli %add3A_3088, %mul3A_3094 : i32
        %add3A_3096 = arith.constant 16 : i32
        %add3A_3097 = arith.addi %mul3A_3095, %add3A_3096 : i32
        %get3A_3098 = arith.index_cast %add3A_3097 : i32 to index
        %get3A_3099 = tpu.vector_load %arg9[%get3A_3098] {strides = array<i32>} : memref<24576xf32, #tpu.memory_space<vmem>>, vector<16xf32>,
        %sub3A_3100 = arith.subf %gather3A_24, %get3A_3099 : vector<16xf32>
        %mul3A_3101 = arith.constant 48 : i32
        %mul3A_3102 = arith.muli %add3A_3088, %mul3A_3101 : i32
        %add3A_3103 = arith.constant 32 : i32
        %add3A_3104 = arith.addi %mul3A_3102, %add3A_3103 : i32
        %get3A_3105 = arith.index_cast %add3A_3104 : i32 to index
        %get3A_3106 = tpu.vector_load %arg9[%get3A_3105] {strides = array<i32>} : memref<24576xf32, #tpu.memory_space<vmem>>, vector<16xf32>,
        %sub3A_3107 = arith.subf %gather3A_28, %get3A_3106 : vector<16xf32>
        %mul3A_3108 = arith.mulf %sub3A_3093, %sub3A_3093 : vector<16xf32>
        %mul3A_3109 = arith.mulf %sub3A_3100, %sub3A_3100 : vector<16xf32>
        %add3A_3110 = arith.addf %mul3A_3108, %mul3A_3109 : vector<16xf32>
        %mul3A_3111 = arith.mulf %sub3A_3107, %sub3A_3107 : vector<16xf32>
        %add3A_3112 = arith.addf %add3A_3110, %mul3A_3111 : vector<16xf32>
        %bitcast3A_3113 = vector.bitcast %add3A_3112 : vector<16xf32> to vector<16xi32>
        %and3A_3114 = vector.broadcast %scan3A : i32 to vector<16xi32>
        %and3A_3115 = arith.andi %bitcast3A_3113, %and3A_3114 : vector<16xi32>
        %or3A_3116 = vector.broadcast %add3A_3088 : i32 to vector<16xi32>
        %or3A_3117 = arith.ori %and3A_3115, %or3A_3116 : vector<16xi32>
        %min3A_3118 = arith.minui %or3A_3082, %or3A_3117 : vector<16xi32>
        %mul3A_3119 = arith.constant 8 : i32
        %mul3A_3120 = arith.muli %scan3A_2888, %mul3A_3119 : i32
        %add3A_3121 = arith.constant 4 : i32
        %add3A_3122 = arith.addi %mul3A_3120, %add3A_3121 : i32
        %add3A_3123 = arith.constant 2 : i32
        %add3A_3124 = arith.addi %add3A_3122, %add3A_3123 : i32
        %mul3A_3125 = arith.constant 48 : i32
        %mul3A_3126 = arith.muli %add3A_3124, %mul3A_3125 : i32
        %get3A_3127 = arith.index_cast %mul3A_3126 : i32 to index
        %get3A_3128 = tpu.vector_load %arg9[%get3A_3127] {strides = array<i32>} : memref<24576xf32, #tpu.memory_space<vmem>>, vector<16xf32>,
        %sub3A_3129 = arith.subf %gather3A, %get3A_3128 : vector<16xf32>
        %mul3A_3130 = arith.constant 48 : i32
        %mul3A_3131 = arith.muli %add3A_3124, %mul3A_3130 : i32
        %add3A_3132 = arith.constant 16 : i32
        %add3A_3133 = arith.addi %mul3A_3131, %add3A_3132 : i32
        %get3A_3134 = arith.index_cast %add3A_3133 : i32 to index
        %get3A_3135 = tpu.vector_load %arg9[%get3A_3134] {strides = array<i32>} : memref<24576xf32, #tpu.memory_space<vmem>>, vector<16xf32>,
        %sub3A_3136 = arith.subf %gather3A_24, %get3A_3135 : vector<16xf32>
        %mul3A_3137 = arith.constant 48 : i32
        %mul3A_3138 = arith.muli %add3A_3124, %mul3A_3137 : i32
        %add3A_3139 = arith.constant 32 : i32
        %add3A_3140 = arith.addi %mul3A_3138, %add3A_3139 : i32
        %get3A_3141 = arith.index_cast %add3A_3140 : i32 to index
        %get3A_3142 = tpu.vector_load %arg9[%get3A_3141] {strides = array<i32>} : memref<24576xf32, #tpu.memory_space<vmem>>, vector<16xf32>,
        %sub3A_3143 = arith.subf %gather3A_28, %get3A_3142 : vector<16xf32>
        %mul3A_3144 = arith.mulf %sub3A_3129, %sub3A_3129 : vector<16xf32>
        %mul3A_3145 = arith.mulf %sub3A_3136, %sub3A_3136 : vector<16xf32>
        %add3A_3146 = arith.addf %mul3A_3144, %mul3A_3145 : vector<16xf32>
        %mul3A_3147 = arith.mulf %sub3A_3143, %sub3A_3143 : vector<16xf32>
        %add3A_3148 = arith.addf %add3A_3146, %mul3A_3147 : vector<16xf32>
        %bitcast3A_3149 = vector.bitcast %add3A_3148 : vector<16xf32> to vector<16xi32>
        %and3A_3150 = vector.broadcast %scan3A : i32 to vector<16xi32>
        %and3A_3151 = arith.andi %bitcast3A_3149, %and3A_3150 : vector<16xi32>
        %or3A_3152 = vector.broadcast %add3A_3124 : i32 to vector<16xi32>
        %or3A_3153 = arith.ori %and3A_3151, %or3A_3152 : vector<16xi32>
        %min3A_3154 = arith.minui %min3A_3118, %or3A_3153 : vector<16xi32>
        %mul3A_3155 = arith.constant 8 : i32
        %mul3A_3156 = arith.muli %scan3A_2888, %mul3A_3155 : i32
        %add3A_3157 = arith.constant 4 : i32
        %add3A_3158 = arith.addi %mul3A_3156, %add3A_3157 : i32
        %add3A_3159 = arith.constant 3 : i32
        %add3A_3160 = arith.addi %add3A_3158, %add3A_3159 : i32
        %mul3A_3161 = arith.constant 48 : i32
        %mul3A_3162 = arith.muli %add3A_3160, %mul3A_3161 : i32
        %get3A_3163 = arith.index_cast %mul3A_3162 : i32 to index
        %get3A_3164 = tpu.vector_load %arg9[%get3A_3163] {strides = array<i32>} : memref<24576xf32, #tpu.memory_space<vmem>>, vector<16xf32>,
        %sub3A_3165 = arith.subf %gather3A, %get3A_3164 : vector<16xf32>
        %mul3A_3166 = arith.constant 48 : i32
        %mul3A_3167 = arith.muli %add3A_3160, %mul3A_3166 : i32
        %add3A_3168 = arith.constant 16 : i32
        %add3A_3169 = arith.addi %mul3A_3167, %add3A_3168 : i32
        %get3A_3170 = arith.index_cast %add3A_3169 : i32 to index
        %get3A_3171 = tpu.vector_load %arg9[%get3A_3170] {strides = array<i32>} : memref<24576xf32, #tpu.memory_space<vmem>>, vector<16xf32>,
        %sub3A_3172 = arith.subf %gather3A_24, %get3A_3171 : vector<16xf32>
        %mul3A_3173 = arith.constant 48 : i32
        %mul3A_3174 = arith.muli %add3A_3160, %mul3A_3173 : i32
        %add3A_3175 = arith.constant 32 : i32
        %add3A_3176 = arith.addi %mul3A_3174, %add3A_3175 : i32
        %get3A_3177 = arith.index_cast %add3A_3176 : i32 to index
        %get3A_3178 = tpu.vector_load %arg9[%get3A_3177] {strides = array<i32>} : memref<24576xf32, #tpu.memory_space<vmem>>, vector<16xf32>,
        %sub3A_3179 = arith.subf %gather3A_28, %get3A_3178 : vector<16xf32>
        %mul3A_3180 = arith.mulf %sub3A_3165, %sub3A_3165 : vector<16xf32>
        %mul3A_3181 = arith.mulf %sub3A_3172, %sub3A_3172 : vector<16xf32>
        %add3A_3182 = arith.addf %mul3A_3180, %mul3A_3181 : vector<16xf32>
        %mul3A_3183 = arith.mulf %sub3A_3179, %sub3A_3179 : vector<16xf32>
        %add3A_3184 = arith.addf %add3A_3182, %mul3A_3183 : vector<16xf32>
        %bitcast3A_3185 = vector.bitcast %add3A_3184 : vector<16xf32> to vector<16xi32>
        %and3A_3186 = vector.broadcast %scan3A : i32 to vector<16xi32>
        %and3A_3187 = arith.andi %bitcast3A_3185, %and3A_3186 : vector<16xi32>
        %or3A_3188 = vector.broadcast %add3A_3160 : i32 to vector<16xi32>
        %or3A_3189 = arith.ori %and3A_3187, %or3A_3188 : vector<16xi32>
        %min3A_3190 = arith.minui %min3A_3154, %or3A_3189 : vector<16xi32>
        %min3A_3191 = arith.minui %min3A_2871, %min3A_3190 : vector<16xi32>
        %max3A_3192 = arith.maxui %min3A_2871, %min3A_3190 : vector<16xi32>
        %min3A_3193 = arith.minui %min3A_2873, %max3A_3192 : vector<16xi32>
        %max3A_3194 = arith.maxui %min3A_2873, %max3A_3192 : vector<16xi32>
        %min3A_3195 = arith.minui %min3A_2875, %max3A_3194 : vector<16xi32>
        %max3A_3196 = arith.maxui %min3A_2875, %max3A_3194 : vector<16xi32>
        %min3A_3197 = arith.minui %min3A_2877, %max3A_3196 : vector<16xi32>
        %max3A_3198 = arith.maxui %min3A_2877, %max3A_3196 : vector<16xi32>
        %min3A_3199 = arith.minui %min3A_2879, %max3A_3198 : vector<16xi32>
        %max3A_3200 = arith.maxui %min3A_2879, %max3A_3198 : vector<16xi32>
        %min3A_3201 = arith.minui %min3A_2881, %max3A_3200 : vector<16xi32>
        %max3A_3202 = arith.maxui %min3A_2881, %max3A_3200 : vector<16xi32>
        %min3A_3203 = arith.minui %min3A_2883, %max3A_3202 : vector<16xi32>
        %max3A_3204 = arith.maxui %min3A_2883, %max3A_3202 : vector<16xi32>
        %min3A_3205 = arith.minui %min3A_2885, %max3A_3204 : vector<16xi32>
        %max3A_3206 = arith.maxui %min3A_2885, %max3A_3204 : vector<16xi32>
        %scan3A_3207 = arith.constant 3 : i32
        %scan3A_3208 = arith.addi %scan3A_2233, %scan3A_3207 : i32
        %mul3A_3209 = arith.constant 8 : i32
        %mul3A_3210 = arith.muli %scan3A_3208, %mul3A_3209 : i32
        %add3A_3211 = arith.constant 0 : i32
        %add3A_3212 = arith.addi %mul3A_3210, %add3A_3211 : i32
        %add3A_3213 = arith.constant 0 : i32
        %add3A_3214 = arith.addi %add3A_3212, %add3A_3213 : i32
        %mul3A_3215 = arith.constant 48 : i32
        %mul3A_3216 = arith.muli %add3A_3214, %mul3A_3215 : i32
        %get3A_3217 = arith.index_cast %mul3A_3216 : i32 to index
        %get3A_3218 = tpu.vector_load %arg9[%get3A_3217] {strides = array<i32>} : memref<24576xf32, #tpu.memory_space<vmem>>, vector<16xf32>,
        %sub3A_3219 = arith.subf %gather3A, %get3A_3218 : vector<16xf32>
        %mul3A_3220 = arith.constant 48 : i32
        %mul3A_3221 = arith.muli %add3A_3214, %mul3A_3220 : i32
        %add3A_3222 = arith.constant 16 : i32
        %add3A_3223 = arith.addi %mul3A_3221, %add3A_3222 : i32
        %get3A_3224 = arith.index_cast %add3A_3223 : i32 to index
        %get3A_3225 = tpu.vector_load %arg9[%get3A_3224] {strides = array<i32>} : memref<24576xf32, #tpu.memory_space<vmem>>, vector<16xf32>,
        %sub3A_3226 = arith.subf %gather3A_24, %get3A_3225 : vector<16xf32>
        %mul3A_3227 = arith.constant 48 : i32
        %mul3A_3228 = arith.muli %add3A_3214, %mul3A_3227 : i32
        %add3A_3229 = arith.constant 32 : i32
        %add3A_3230 = arith.addi %mul3A_3228, %add3A_3229 : i32
        %get3A_3231 = arith.index_cast %add3A_3230 : i32 to index
        %get3A_3232 = tpu.vector_load %arg9[%get3A_3231] {strides = array<i32>} : memref<24576xf32, #tpu.memory_space<vmem>>, vector<16xf32>,
        %sub3A_3233 = arith.subf %gather3A_28, %get3A_3232 : vector<16xf32>
        %mul3A_3234 = arith.mulf %sub3A_3219, %sub3A_3219 : vector<16xf32>
        %mul3A_3235 = arith.mulf %sub3A_3226, %sub3A_3226 : vector<16xf32>
        %add3A_3236 = arith.addf %mul3A_3234, %mul3A_3235 : vector<16xf32>
        %mul3A_3237 = arith.mulf %sub3A_3233, %sub3A_3233 : vector<16xf32>
        %add3A_3238 = arith.addf %add3A_3236, %mul3A_3237 : vector<16xf32>
        %bitcast3A_3239 = vector.bitcast %add3A_3238 : vector<16xf32> to vector<16xi32>
        %and3A_3240 = vector.broadcast %scan3A : i32 to vector<16xi32>
        %and3A_3241 = arith.andi %bitcast3A_3239, %and3A_3240 : vector<16xi32>
        %or3A_3242 = vector.broadcast %add3A_3214 : i32 to vector<16xi32>
        %or3A_3243 = arith.ori %and3A_3241, %or3A_3242 : vector<16xi32>
        %mul3A_3244 = arith.constant 8 : i32
        %mul3A_3245 = arith.muli %scan3A_3208, %mul3A_3244 : i32
        %add3A_3246 = arith.constant 0 : i32
        %add3A_3247 = arith.addi %mul3A_3245, %add3A_3246 : i32
        %add3A_3248 = arith.constant 1 : i32
        %add3A_3249 = arith.addi %add3A_3247, %add3A_3248 : i32
        %mul3A_3250 = arith.constant 48 : i32
        %mul3A_3251 = arith.muli %add3A_3249, %mul3A_3250 : i32
        %get3A_3252 = arith.index_cast %mul3A_3251 : i32 to index
        %get3A_3253 = tpu.vector_load %arg9[%get3A_3252] {strides = array<i32>} : memref<24576xf32, #tpu.memory_space<vmem>>, vector<16xf32>,
        %sub3A_3254 = arith.subf %gather3A, %get3A_3253 : vector<16xf32>
        %mul3A_3255 = arith.constant 48 : i32
        %mul3A_3256 = arith.muli %add3A_3249, %mul3A_3255 : i32
        %add3A_3257 = arith.constant 16 : i32
        %add3A_3258 = arith.addi %mul3A_3256, %add3A_3257 : i32
        %get3A_3259 = arith.index_cast %add3A_3258 : i32 to index
        %get3A_3260 = tpu.vector_load %arg9[%get3A_3259] {strides = array<i32>} : memref<24576xf32, #tpu.memory_space<vmem>>, vector<16xf32>,
        %sub3A_3261 = arith.subf %gather3A_24, %get3A_3260 : vector<16xf32>
        %mul3A_3262 = arith.constant 48 : i32
        %mul3A_3263 = arith.muli %add3A_3249, %mul3A_3262 : i32
        %add3A_3264 = arith.constant 32 : i32
        %add3A_3265 = arith.addi %mul3A_3263, %add3A_3264 : i32
        %get3A_3266 = arith.index_cast %add3A_3265 : i32 to index
        %get3A_3267 = tpu.vector_load %arg9[%get3A_3266] {strides = array<i32>} : memref<24576xf32, #tpu.memory_space<vmem>>, vector<16xf32>,
        %sub3A_3268 = arith.subf %gather3A_28, %get3A_3267 : vector<16xf32>
        %mul3A_3269 = arith.mulf %sub3A_3254, %sub3A_3254 : vector<16xf32>
        %mul3A_3270 = arith.mulf %sub3A_3261, %sub3A_3261 : vector<16xf32>
        %add3A_3271 = arith.addf %mul3A_3269, %mul3A_3270 : vector<16xf32>
        %mul3A_3272 = arith.mulf %sub3A_3268, %sub3A_3268 : vector<16xf32>
        %add3A_3273 = arith.addf %add3A_3271, %mul3A_3272 : vector<16xf32>
        %bitcast3A_3274 = vector.bitcast %add3A_3273 : vector<16xf32> to vector<16xi32>
        %and3A_3275 = vector.broadcast %scan3A : i32 to vector<16xi32>
        %and3A_3276 = arith.andi %bitcast3A_3274, %and3A_3275 : vector<16xi32>
        %or3A_3277 = vector.broadcast %add3A_3249 : i32 to vector<16xi32>
        %or3A_3278 = arith.ori %and3A_3276, %or3A_3277 : vector<16xi32>
        %min3A_3279 = arith.minui %or3A_3243, %or3A_3278 : vector<16xi32>
        %mul3A_3280 = arith.constant 8 : i32
        %mul3A_3281 = arith.muli %scan3A_3208, %mul3A_3280 : i32
        %add3A_3282 = arith.constant 0 : i32
        %add3A_3283 = arith.addi %mul3A_3281, %add3A_3282 : i32
        %add3A_3284 = arith.constant 2 : i32
        %add3A_3285 = arith.addi %add3A_3283, %add3A_3284 : i32
        %mul3A_3286 = arith.constant 48 : i32
        %mul3A_3287 = arith.muli %add3A_3285, %mul3A_3286 : i32
        %get3A_3288 = arith.index_cast %mul3A_3287 : i32 to index
        %get3A_3289 = tpu.vector_load %arg9[%get3A_3288] {strides = array<i32>} : memref<24576xf32, #tpu.memory_space<vmem>>, vector<16xf32>,
        %sub3A_3290 = arith.subf %gather3A, %get3A_3289 : vector<16xf32>
        %mul3A_3291 = arith.constant 48 : i32
        %mul3A_3292 = arith.muli %add3A_3285, %mul3A_3291 : i32
        %add3A_3293 = arith.constant 16 : i32
        %add3A_3294 = arith.addi %mul3A_3292, %add3A_3293 : i32
        %get3A_3295 = arith.index_cast %add3A_3294 : i32 to index
        %get3A_3296 = tpu.vector_load %arg9[%get3A_3295] {strides = array<i32>} : memref<24576xf32, #tpu.memory_space<vmem>>, vector<16xf32>,
        %sub3A_3297 = arith.subf %gather3A_24, %get3A_3296 : vector<16xf32>
        %mul3A_3298 = arith.constant 48 : i32
        %mul3A_3299 = arith.muli %add3A_3285, %mul3A_3298 : i32
        %add3A_3300 = arith.constant 32 : i32
        %add3A_3301 = arith.addi %mul3A_3299, %add3A_3300 : i32
        %get3A_3302 = arith.index_cast %add3A_3301 : i32 to index
        %get3A_3303 = tpu.vector_load %arg9[%get3A_3302] {strides = array<i32>} : memref<24576xf32, #tpu.memory_space<vmem>>, vector<16xf32>,
        %sub3A_3304 = arith.subf %gather3A_28, %get3A_3303 : vector<16xf32>
        %mul3A_3305 = arith.mulf %sub3A_3290, %sub3A_3290 : vector<16xf32>
        %mul3A_3306 = arith.mulf %sub3A_3297, %sub3A_3297 : vector<16xf32>
        %add3A_3307 = arith.addf %mul3A_3305, %mul3A_3306 : vector<16xf32>
        %mul3A_3308 = arith.mulf %sub3A_3304, %sub3A_3304 : vector<16xf32>
        %add3A_3309 = arith.addf %add3A_3307, %mul3A_3308 : vector<16xf32>
        %bitcast3A_3310 = vector.bitcast %add3A_3309 : vector<16xf32> to vector<16xi32>
        %and3A_3311 = vector.broadcast %scan3A : i32 to vector<16xi32>
        %and3A_3312 = arith.andi %bitcast3A_3310, %and3A_3311 : vector<16xi32>
        %or3A_3313 = vector.broadcast %add3A_3285 : i32 to vector<16xi32>
        %or3A_3314 = arith.ori %and3A_3312, %or3A_3313 : vector<16xi32>
        %min3A_3315 = arith.minui %min3A_3279, %or3A_3314 : vector<16xi32>
        %mul3A_3316 = arith.constant 8 : i32
        %mul3A_3317 = arith.muli %scan3A_3208, %mul3A_3316 : i32
        %add3A_3318 = arith.constant 0 : i32
        %add3A_3319 = arith.addi %mul3A_3317, %add3A_3318 : i32
        %add3A_3320 = arith.constant 3 : i32
        %add3A_3321 = arith.addi %add3A_3319, %add3A_3320 : i32
        %mul3A_3322 = arith.constant 48 : i32
        %mul3A_3323 = arith.muli %add3A_3321, %mul3A_3322 : i32
        %get3A_3324 = arith.index_cast %mul3A_3323 : i32 to index
        %get3A_3325 = tpu.vector_load %arg9[%get3A_3324] {strides = array<i32>} : memref<24576xf32, #tpu.memory_space<vmem>>, vector<16xf32>,
        %sub3A_3326 = arith.subf %gather3A, %get3A_3325 : vector<16xf32>
        %mul3A_3327 = arith.constant 48 : i32
        %mul3A_3328 = arith.muli %add3A_3321, %mul3A_3327 : i32
        %add3A_3329 = arith.constant 16 : i32
        %add3A_3330 = arith.addi %mul3A_3328, %add3A_3329 : i32
        %get3A_3331 = arith.index_cast %add3A_3330 : i32 to index
        %get3A_3332 = tpu.vector_load %arg9[%get3A_3331] {strides = array<i32>} : memref<24576xf32, #tpu.memory_space<vmem>>, vector<16xf32>,
        %sub3A_3333 = arith.subf %gather3A_24, %get3A_3332 : vector<16xf32>
        %mul3A_3334 = arith.constant 48 : i32
        %mul3A_3335 = arith.muli %add3A_3321, %mul3A_3334 : i32
        %add3A_3336 = arith.constant 32 : i32
        %add3A_3337 = arith.addi %mul3A_3335, %add3A_3336 : i32
        %get3A_3338 = arith.index_cast %add3A_3337 : i32 to index
        %get3A_3339 = tpu.vector_load %arg9[%get3A_3338] {strides = array<i32>} : memref<24576xf32, #tpu.memory_space<vmem>>, vector<16xf32>,
        %sub3A_3340 = arith.subf %gather3A_28, %get3A_3339 : vector<16xf32>
        %mul3A_3341 = arith.mulf %sub3A_3326, %sub3A_3326 : vector<16xf32>
        %mul3A_3342 = arith.mulf %sub3A_3333, %sub3A_3333 : vector<16xf32>
        %add3A_3343 = arith.addf %mul3A_3341, %mul3A_3342 : vector<16xf32>
        %mul3A_3344 = arith.mulf %sub3A_3340, %sub3A_3340 : vector<16xf32>
        %add3A_3345 = arith.addf %add3A_3343, %mul3A_3344 : vector<16xf32>
        %bitcast3A_3346 = vector.bitcast %add3A_3345 : vector<16xf32> to vector<16xi32>
        %and3A_3347 = vector.broadcast %scan3A : i32 to vector<16xi32>
        %and3A_3348 = arith.andi %bitcast3A_3346, %and3A_3347 : vector<16xi32>
        %or3A_3349 = vector.broadcast %add3A_3321 : i32 to vector<16xi32>
        %or3A_3350 = arith.ori %and3A_3348, %or3A_3349 : vector<16xi32>
        %min3A_3351 = arith.minui %min3A_3315, %or3A_3350 : vector<16xi32>
        %min3A_3352 = arith.minui %min3A_3032, %min3A_3351 : vector<16xi32>
        %max3A_3353 = arith.maxui %min3A_3032, %min3A_3351 : vector<16xi32>
        %min3A_3354 = arith.minui %min3A_3034, %max3A_3353 : vector<16xi32>
        %max3A_3355 = arith.maxui %min3A_3034, %max3A_3353 : vector<16xi32>
        %min3A_3356 = arith.minui %min3A_3036, %max3A_3355 : vector<16xi32>
        %max3A_3357 = arith.maxui %min3A_3036, %max3A_3355 : vector<16xi32>
        %min3A_3358 = arith.minui %min3A_3038, %max3A_3357 : vector<16xi32>
        %max3A_3359 = arith.maxui %min3A_3038, %max3A_3357 : vector<16xi32>
        %min3A_3360 = arith.minui %min3A_3040, %max3A_3359 : vector<16xi32>
        %max3A_3361 = arith.maxui %min3A_3040, %max3A_3359 : vector<16xi32>
        %min3A_3362 = arith.minui %min3A_3042, %max3A_3361 : vector<16xi32>
        %max3A_3363 = arith.maxui %min3A_3042, %max3A_3361 : vector<16xi32>
        %min3A_3364 = arith.minui %min3A_3044, %max3A_3363 : vector<16xi32>
        %max3A_3365 = arith.maxui %min3A_3044, %max3A_3363 : vector<16xi32>
        %min3A_3366 = arith.minui %min3A_3046, %max3A_3365 : vector<16xi32>
        %max3A_3367 = arith.maxui %min3A_3046, %max3A_3365 : vector<16xi32>
        %mul3A_3368 = arith.constant 8 : i32
        %mul3A_3369 = arith.muli %scan3A_3208, %mul3A_3368 : i32
        %add3A_3370 = arith.constant 4 : i32
        %add3A_3371 = arith.addi %mul3A_3369, %add3A_3370 : i32
        %add3A_3372 = arith.constant 0 : i32
        %add3A_3373 = arith.addi %add3A_3371, %add3A_3372 : i32
        %mul3A_3374 = arith.constant 48 : i32
        %mul3A_3375 = arith.muli %add3A_3373, %mul3A_3374 : i32
        %get3A_3376 = arith.index_cast %mul3A_3375 : i32 to index
        %get3A_3377 = tpu.vector_load %arg9[%get3A_3376] {strides = array<i32>} : memref<24576xf32, #tpu.memory_space<vmem>>, vector<16xf32>,
        %sub3A_3378 = arith.subf %gather3A, %get3A_3377 : vector<16xf32>
        %mul3A_3379 = arith.constant 48 : i32
        %mul3A_3380 = arith.muli %add3A_3373, %mul3A_3379 : i32
        %add3A_3381 = arith.constant 16 : i32
        %add3A_3382 = arith.addi %mul3A_3380, %add3A_3381 : i32
        %get3A_3383 = arith.index_cast %add3A_3382 : i32 to index
        %get3A_3384 = tpu.vector_load %arg9[%get3A_3383] {strides = array<i32>} : memref<24576xf32, #tpu.memory_space<vmem>>, vector<16xf32>,
        %sub3A_3385 = arith.subf %gather3A_24, %get3A_3384 : vector<16xf32>
        %mul3A_3386 = arith.constant 48 : i32
        %mul3A_3387 = arith.muli %add3A_3373, %mul3A_3386 : i32
        %add3A_3388 = arith.constant 32 : i32
        %add3A_3389 = arith.addi %mul3A_3387, %add3A_3388 : i32
        %get3A_3390 = arith.index_cast %add3A_3389 : i32 to index
        %get3A_3391 = tpu.vector_load %arg9[%get3A_3390] {strides = array<i32>} : memref<24576xf32, #tpu.memory_space<vmem>>, vector<16xf32>,
        %sub3A_3392 = arith.subf %gather3A_28, %get3A_3391 : vector<16xf32>
        %mul3A_3393 = arith.mulf %sub3A_3378, %sub3A_3378 : vector<16xf32>
        %mul3A_3394 = arith.mulf %sub3A_3385, %sub3A_3385 : vector<16xf32>
        %add3A_3395 = arith.addf %mul3A_3393, %mul3A_3394 : vector<16xf32>
        %mul3A_3396 = arith.mulf %sub3A_3392, %sub3A_3392 : vector<16xf32>
        %add3A_3397 = arith.addf %add3A_3395, %mul3A_3396 : vector<16xf32>
        %bitcast3A_3398 = vector.bitcast %add3A_3397 : vector<16xf32> to vector<16xi32>
        %and3A_3399 = vector.broadcast %scan3A : i32 to vector<16xi32>
        %and3A_3400 = arith.andi %bitcast3A_3398, %and3A_3399 : vector<16xi32>
        %or3A_3401 = vector.broadcast %add3A_3373 : i32 to vector<16xi32>
        %or3A_3402 = arith.ori %and3A_3400, %or3A_3401 : vector<16xi32>
        %mul3A_3403 = arith.constant 8 : i32
        %mul3A_3404 = arith.muli %scan3A_3208, %mul3A_3403 : i32
        %add3A_3405 = arith.constant 4 : i32
        %add3A_3406 = arith.addi %mul3A_3404, %add3A_3405 : i32
        %add3A_3407 = arith.constant 1 : i32
        %add3A_3408 = arith.addi %add3A_3406, %add3A_3407 : i32
        %mul3A_3409 = arith.constant 48 : i32
        %mul3A_3410 = arith.muli %add3A_3408, %mul3A_3409 : i32
        %get3A_3411 = arith.index_cast %mul3A_3410 : i32 to index
        %get3A_3412 = tpu.vector_load %arg9[%get3A_3411] {strides = array<i32>} : memref<24576xf32, #tpu.memory_space<vmem>>, vector<16xf32>,
        %sub3A_3413 = arith.subf %gather3A, %get3A_3412 : vector<16xf32>
        %mul3A_3414 = arith.constant 48 : i32
        %mul3A_3415 = arith.muli %add3A_3408, %mul3A_3414 : i32
        %add3A_3416 = arith.constant 16 : i32
        %add3A_3417 = arith.addi %mul3A_3415, %add3A_3416 : i32
        %get3A_3418 = arith.index_cast %add3A_3417 : i32 to index
        %get3A_3419 = tpu.vector_load %arg9[%get3A_3418] {strides = array<i32>} : memref<24576xf32, #tpu.memory_space<vmem>>, vector<16xf32>,
        %sub3A_3420 = arith.subf %gather3A_24, %get3A_3419 : vector<16xf32>
        %mul3A_3421 = arith.constant 48 : i32
        %mul3A_3422 = arith.muli %add3A_3408, %mul3A_3421 : i32
        %add3A_3423 = arith.constant 32 : i32
        %add3A_3424 = arith.addi %mul3A_3422, %add3A_3423 : i32
        %get3A_3425 = arith.index_cast %add3A_3424 : i32 to index
        %get3A_3426 = tpu.vector_load %arg9[%get3A_3425] {strides = array<i32>} : memref<24576xf32, #tpu.memory_space<vmem>>, vector<16xf32>,
        %sub3A_3427 = arith.subf %gather3A_28, %get3A_3426 : vector<16xf32>
        %mul3A_3428 = arith.mulf %sub3A_3413, %sub3A_3413 : vector<16xf32>
        %mul3A_3429 = arith.mulf %sub3A_3420, %sub3A_3420 : vector<16xf32>
        %add3A_3430 = arith.addf %mul3A_3428, %mul3A_3429 : vector<16xf32>
        %mul3A_3431 = arith.mulf %sub3A_3427, %sub3A_3427 : vector<16xf32>
        %add3A_3432 = arith.addf %add3A_3430, %mul3A_3431 : vector<16xf32>
        %bitcast3A_3433 = vector.bitcast %add3A_3432 : vector<16xf32> to vector<16xi32>
        %and3A_3434 = vector.broadcast %scan3A : i32 to vector<16xi32>
        %and3A_3435 = arith.andi %bitcast3A_3433, %and3A_3434 : vector<16xi32>
        %or3A_3436 = vector.broadcast %add3A_3408 : i32 to vector<16xi32>
        %or3A_3437 = arith.ori %and3A_3435, %or3A_3436 : vector<16xi32>
        %min3A_3438 = arith.minui %or3A_3402, %or3A_3437 : vector<16xi32>
        %mul3A_3439 = arith.constant 8 : i32
        %mul3A_3440 = arith.muli %scan3A_3208, %mul3A_3439 : i32
        %add3A_3441 = arith.constant 4 : i32
        %add3A_3442 = arith.addi %mul3A_3440, %add3A_3441 : i32
        %add3A_3443 = arith.constant 2 : i32
        %add3A_3444 = arith.addi %add3A_3442, %add3A_3443 : i32
        %mul3A_3445 = arith.constant 48 : i32
        %mul3A_3446 = arith.muli %add3A_3444, %mul3A_3445 : i32
        %get3A_3447 = arith.index_cast %mul3A_3446 : i32 to index
        %get3A_3448 = tpu.vector_load %arg9[%get3A_3447] {strides = array<i32>} : memref<24576xf32, #tpu.memory_space<vmem>>, vector<16xf32>,
        %sub3A_3449 = arith.subf %gather3A, %get3A_3448 : vector<16xf32>
        %mul3A_3450 = arith.constant 48 : i32
        %mul3A_3451 = arith.muli %add3A_3444, %mul3A_3450 : i32
        %add3A_3452 = arith.constant 16 : i32
        %add3A_3453 = arith.addi %mul3A_3451, %add3A_3452 : i32
        %get3A_3454 = arith.index_cast %add3A_3453 : i32 to index
        %get3A_3455 = tpu.vector_load %arg9[%get3A_3454] {strides = array<i32>} : memref<24576xf32, #tpu.memory_space<vmem>>, vector<16xf32>,
        %sub3A_3456 = arith.subf %gather3A_24, %get3A_3455 : vector<16xf32>
        %mul3A_3457 = arith.constant 48 : i32
        %mul3A_3458 = arith.muli %add3A_3444, %mul3A_3457 : i32
        %add3A_3459 = arith.constant 32 : i32
        %add3A_3460 = arith.addi %mul3A_3458, %add3A_3459 : i32
        %get3A_3461 = arith.index_cast %add3A_3460 : i32 to index
        %get3A_3462 = tpu.vector_load %arg9[%get3A_3461] {strides = array<i32>} : memref<24576xf32, #tpu.memory_space<vmem>>, vector<16xf32>,
        %sub3A_3463 = arith.subf %gather3A_28, %get3A_3462 : vector<16xf32>
        %mul3A_3464 = arith.mulf %sub3A_3449, %sub3A_3449 : vector<16xf32>
        %mul3A_3465 = arith.mulf %sub3A_3456, %sub3A_3456 : vector<16xf32>
        %add3A_3466 = arith.addf %mul3A_3464, %mul3A_3465 : vector<16xf32>
        %mul3A_3467 = arith.mulf %sub3A_3463, %sub3A_3463 : vector<16xf32>
        %add3A_3468 = arith.addf %add3A_3466, %mul3A_3467 : vector<16xf32>
        %bitcast3A_3469 = vector.bitcast %add3A_3468 : vector<16xf32> to vector<16xi32>
        %and3A_3470 = vector.broadcast %scan3A : i32 to vector<16xi32>
        %and3A_3471 = arith.andi %bitcast3A_3469, %and3A_3470 : vector<16xi32>
        %or3A_3472 = vector.broadcast %add3A_3444 : i32 to vector<16xi32>
        %or3A_3473 = arith.ori %and3A_3471, %or3A_3472 : vector<16xi32>
        %min3A_3474 = arith.minui %min3A_3438, %or3A_3473 : vector<16xi32>
        %mul3A_3475 = arith.constant 8 : i32
        %mul3A_3476 = arith.muli %scan3A_3208, %mul3A_3475 : i32
        %add3A_3477 = arith.constant 4 : i32
        %add3A_3478 = arith.addi %mul3A_3476, %add3A_3477 : i32
        %add3A_3479 = arith.constant 3 : i32
        %add3A_3480 = arith.addi %add3A_3478, %add3A_3479 : i32
        %mul3A_3481 = arith.constant 48 : i32
        %mul3A_3482 = arith.muli %add3A_3480, %mul3A_3481 : i32
        %get3A_3483 = arith.index_cast %mul3A_3482 : i32 to index
        %get3A_3484 = tpu.vector_load %arg9[%get3A_3483] {strides = array<i32>} : memref<24576xf32, #tpu.memory_space<vmem>>, vector<16xf32>,
        %sub3A_3485 = arith.subf %gather3A, %get3A_3484 : vector<16xf32>
        %mul3A_3486 = arith.constant 48 : i32
        %mul3A_3487 = arith.muli %add3A_3480, %mul3A_3486 : i32
        %add3A_3488 = arith.constant 16 : i32
        %add3A_3489 = arith.addi %mul3A_3487, %add3A_3488 : i32
        %get3A_3490 = arith.index_cast %add3A_3489 : i32 to index
        %get3A_3491 = tpu.vector_load %arg9[%get3A_3490] {strides = array<i32>} : memref<24576xf32, #tpu.memory_space<vmem>>, vector<16xf32>,
        %sub3A_3492 = arith.subf %gather3A_24, %get3A_3491 : vector<16xf32>
        %mul3A_3493 = arith.constant 48 : i32
        %mul3A_3494 = arith.muli %add3A_3480, %mul3A_3493 : i32
        %add3A_3495 = arith.constant 32 : i32
        %add3A_3496 = arith.addi %mul3A_3494, %add3A_3495 : i32
        %get3A_3497 = arith.index_cast %add3A_3496 : i32 to index
        %get3A_3498 = tpu.vector_load %arg9[%get3A_3497] {strides = array<i32>} : memref<24576xf32, #tpu.memory_space<vmem>>, vector<16xf32>,
        %sub3A_3499 = arith.subf %gather3A_28, %get3A_3498 : vector<16xf32>
        %mul3A_3500 = arith.mulf %sub3A_3485, %sub3A_3485 : vector<16xf32>
        %mul3A_3501 = arith.mulf %sub3A_3492, %sub3A_3492 : vector<16xf32>
        %add3A_3502 = arith.addf %mul3A_3500, %mul3A_3501 : vector<16xf32>
        %mul3A_3503 = arith.mulf %sub3A_3499, %sub3A_3499 : vector<16xf32>
        %add3A_3504 = arith.addf %add3A_3502, %mul3A_3503 : vector<16xf32>
        %bitcast3A_3505 = vector.bitcast %add3A_3504 : vector<16xf32> to vector<16xi32>
        %and3A_3506 = vector.broadcast %scan3A : i32 to vector<16xi32>
        %and3A_3507 = arith.andi %bitcast3A_3505, %and3A_3506 : vector<16xi32>
        %or3A_3508 = vector.broadcast %add3A_3480 : i32 to vector<16xi32>
        %or3A_3509 = arith.ori %and3A_3507, %or3A_3508 : vector<16xi32>
        %min3A_3510 = arith.minui %min3A_3474, %or3A_3509 : vector<16xi32>
        %min3A_3511 = arith.minui %min3A_3191, %min3A_3510 : vector<16xi32>
        %max3A_3512 = arith.maxui %min3A_3191, %min3A_3510 : vector<16xi32>
        %min3A_3513 = arith.minui %min3A_3193, %max3A_3512 : vector<16xi32>
        %max3A_3514 = arith.maxui %min3A_3193, %max3A_3512 : vector<16xi32>
        %min3A_3515 = arith.minui %min3A_3195, %max3A_3514 : vector<16xi32>
        %max3A_3516 = arith.maxui %min3A_3195, %max3A_3514 : vector<16xi32>
        %min3A_3517 = arith.minui %min3A_3197, %max3A_3516 : vector<16xi32>
        %max3A_3518 = arith.maxui %min3A_3197, %max3A_3516 : vector<16xi32>
        %min3A_3519 = arith.minui %min3A_3199, %max3A_3518 : vector<16xi32>
        %max3A_3520 = arith.maxui %min3A_3199, %max3A_3518 : vector<16xi32>
        %min3A_3521 = arith.minui %min3A_3201, %max3A_3520 : vector<16xi32>
        %max3A_3522 = arith.maxui %min3A_3201, %max3A_3520 : vector<16xi32>
        %min3A_3523 = arith.minui %min3A_3203, %max3A_3522 : vector<16xi32>
        %max3A_3524 = arith.maxui %min3A_3203, %max3A_3522 : vector<16xi32>
        %min3A_3525 = arith.minui %min3A_3205, %max3A_3524 : vector<16xi32>
        %max3A_3526 = arith.maxui %min3A_3205, %max3A_3524 : vector<16xi32>
        scf.yield %min3A_3352, %min3A_3354, %min3A_3356, %min3A_3358, %min3A_3360, %min3A_3362, %min3A_3364, %min3A_3366, %min3A_3511, %min3A_3513, %min3A_3515, %min3A_3517, %min3A_3519, %min3A_3521, %min3A_3523, %min3A_3525 : vector<16xi32>, vector<16xi32>, vector<16xi32>, vector<16xi32>, vector<16xi32>, vector<16xi32>, vector<16xi32>, vector<16xi32>, vector<16xi32>, vector<16xi32>, vector<16xi32>, vector<16xi32>, vector<16xi32>, vector<16xi32>, vector<16xi32>, vector<16xi32>
      }
      %scan3A_34 = arith.constant 64 : i32
      %min3A_35 = arith.minui %scan3A_33#0, %scan3A_33#15 : vector<16xi32>
      %min3A_36 = arith.minui %scan3A_33#1, %scan3A_33#14 : vector<16xi32>
      %min3A_37 = arith.minui %scan3A_33#2, %scan3A_33#13 : vector<16xi32>
      %min3A_38 = arith.minui %scan3A_33#3, %scan3A_33#12 : vector<16xi32>
      %min3A_39 = arith.minui %scan3A_33#4, %scan3A_33#11 : vector<16xi32>
      %min3A_40 = arith.minui %scan3A_33#5, %scan3A_33#10 : vector<16xi32>
      %min3A_41 = arith.minui %scan3A_33#6, %scan3A_33#9 : vector<16xi32>
      %min3A_42 = arith.minui %scan3A_33#7, %scan3A_33#8 : vector<16xi32>
      %and3A = arith.constant 508 : i32
      %and3A_43 = vector.broadcast %and3A : i32 to vector<16xi32>
      %and3A_44 = arith.andi %min3A_35, %and3A_43 : vector<16xi32>
      %or3A = arith.constant 0 : i32
      %or3A_45 = vector.broadcast %or3A : i32 to vector<16xi32>
      %or3A_46 = arith.ori %and3A_44, %or3A_45 : vector<16xi32>
      %mul3A_47 = arith.constant 48 : i32
      %mul3A_48 = vector.broadcast %mul3A_47 : i32 to vector<16xi32>
      %mul3A_49 = arith.muli %or3A_46, %mul3A_48 : vector<16xi32>
      %gather3A_50 = tpu.vector_load_idx %arg9[%mul3A_49] : memref<24576xf32, #tpu.memory_space<vmem>>[vector<16xi32>], vector<16xf32>,
      %sub3A = arith.subf %gather3A, %gather3A_50 : vector<16xf32>
      %add3A_51 = arith.constant 16 : i32
      %add3A_52 = vector.broadcast %add3A_51 : i32 to vector<16xi32>
      %add3A_53 = arith.addi %mul3A_49, %add3A_52 : vector<16xi32>
      %gather3A_54 = tpu.vector_load_idx %arg9[%add3A_53] : memref<24576xf32, #tpu.memory_space<vmem>>[vector<16xi32>], vector<16xf32>,
      %sub3A_55 = arith.subf %gather3A_24, %gather3A_54 : vector<16xf32>
      %add3A_56 = arith.constant 32 : i32
      %add3A_57 = vector.broadcast %add3A_56 : i32 to vector<16xi32>
      %add3A_58 = arith.addi %mul3A_49, %add3A_57 : vector<16xi32>
      %gather3A_59 = tpu.vector_load_idx %arg9[%add3A_58] : memref<24576xf32, #tpu.memory_space<vmem>>[vector<16xi32>], vector<16xf32>,
      %sub3A_60 = arith.subf %gather3A_28, %gather3A_59 : vector<16xf32>
      %mul3A_61 = arith.mulf %sub3A, %sub3A : vector<16xf32>
      %mul3A_62 = arith.mulf %sub3A_55, %sub3A_55 : vector<16xf32>
      %add3A_63 = arith.addf %mul3A_61, %mul3A_62 : vector<16xf32>
      %mul3A_64 = arith.mulf %sub3A_60, %sub3A_60 : vector<16xf32>
      %add3A_65 = arith.addf %add3A_63, %mul3A_64 : vector<16xf32>
      %bitcast3A = vector.bitcast %add3A_65 : vector<16xf32> to vector<16xi32>
      %and3A_66 = vector.broadcast %scan3A : i32 to vector<16xi32>
      %and3A_67 = arith.andi %bitcast3A, %and3A_66 : vector<16xi32>
      %bitcast3A_68 = vector.bitcast %or3A_46 : vector<16xi32> to vector<16xi32>
      %or3A_69 = arith.ori %and3A_67, %bitcast3A_68 : vector<16xi32>
      %eq3A = arith.cmpi eq, %or3A_69, %min3A_35 : vector<16xi32>
      %select_n3A = arith.select %eq3A, %broadcast_in_dim3A_4, %or3A_69 : vector<16xi1>, vector<16xi32>
      %or3A_70 = arith.constant 1 : i32
      %or3A_71 = vector.broadcast %or3A_70 : i32 to vector<16xi32>
      %or3A_72 = arith.ori %and3A_44, %or3A_71 : vector<16xi32>
      %mul3A_73 = arith.constant 48 : i32
      %mul3A_74 = vector.broadcast %mul3A_73 : i32 to vector<16xi32>
      %mul3A_75 = arith.muli %or3A_72, %mul3A_74 : vector<16xi32>
      %gather3A_76 = tpu.vector_load_idx %arg9[%mul3A_75] : memref<24576xf32, #tpu.memory_space<vmem>>[vector<16xi32>], vector<16xf32>,
      %sub3A_77 = arith.subf %gather3A, %gather3A_76 : vector<16xf32>
      %add3A_78 = arith.constant 16 : i32
      %add3A_79 = vector.broadcast %add3A_78 : i32 to vector<16xi32>
      %add3A_80 = arith.addi %mul3A_75, %add3A_79 : vector<16xi32>
      %gather3A_81 = tpu.vector_load_idx %arg9[%add3A_80] : memref<24576xf32, #tpu.memory_space<vmem>>[vector<16xi32>], vector<16xf32>,
      %sub3A_82 = arith.subf %gather3A_24, %gather3A_81 : vector<16xf32>
      %add3A_83 = arith.constant 32 : i32
      %add3A_84 = vector.broadcast %add3A_83 : i32 to vector<16xi32>
      %add3A_85 = arith.addi %mul3A_75, %add3A_84 : vector<16xi32>
      %gather3A_86 = tpu.vector_load_idx %arg9[%add3A_85] : memref<24576xf32, #tpu.memory_space<vmem>>[vector<16xi32>], vector<16xf32>,
      %sub3A_87 = arith.subf %gather3A_28, %gather3A_86 : vector<16xf32>
      %mul3A_88 = arith.mulf %sub3A_77, %sub3A_77 : vector<16xf32>
      %mul3A_89 = arith.mulf %sub3A_82, %sub3A_82 : vector<16xf32>
      %add3A_90 = arith.addf %mul3A_88, %mul3A_89 : vector<16xf32>
      %mul3A_91 = arith.mulf %sub3A_87, %sub3A_87 : vector<16xf32>
      %add3A_92 = arith.addf %add3A_90, %mul3A_91 : vector<16xf32>
      %bitcast3A_93 = vector.bitcast %add3A_92 : vector<16xf32> to vector<16xi32>
      %and3A_94 = vector.broadcast %scan3A : i32 to vector<16xi32>
      %and3A_95 = arith.andi %bitcast3A_93, %and3A_94 : vector<16xi32>
      %bitcast3A_96 = vector.bitcast %or3A_72 : vector<16xi32> to vector<16xi32>
      %or3A_97 = arith.ori %and3A_95, %bitcast3A_96 : vector<16xi32>
      %eq3A_98 = arith.cmpi eq, %or3A_97, %min3A_35 : vector<16xi32>
      %select_n3A_99 = arith.select %eq3A_98, %broadcast_in_dim3A_4, %or3A_97 : vector<16xi1>, vector<16xi32>
      %or3A_100 = arith.constant 2 : i32
      %or3A_101 = vector.broadcast %or3A_100 : i32 to vector<16xi32>
      %or3A_102 = arith.ori %and3A_44, %or3A_101 : vector<16xi32>
      %mul3A_103 = arith.constant 48 : i32
      %mul3A_104 = vector.broadcast %mul3A_103 : i32 to vector<16xi32>
      %mul3A_105 = arith.muli %or3A_102, %mul3A_104 : vector<16xi32>
      %gather3A_106 = tpu.vector_load_idx %arg9[%mul3A_105] : memref<24576xf32, #tpu.memory_space<vmem>>[vector<16xi32>], vector<16xf32>,
      %sub3A_107 = arith.subf %gather3A, %gather3A_106 : vector<16xf32>
      %add3A_108 = arith.constant 16 : i32
      %add3A_109 = vector.broadcast %add3A_108 : i32 to vector<16xi32>
      %add3A_110 = arith.addi %mul3A_105, %add3A_109 : vector<16xi32>
      %gather3A_111 = tpu.vector_load_idx %arg9[%add3A_110] : memref<24576xf32, #tpu.memory_space<vmem>>[vector<16xi32>], vector<16xf32>,
      %sub3A_112 = arith.subf %gather3A_24, %gather3A_111 : vector<16xf32>
      %add3A_113 = arith.constant 32 : i32
      %add3A_114 = vector.broadcast %add3A_113 : i32 to vector<16xi32>
      %add3A_115 = arith.addi %mul3A_105, %add3A_114 : vector<16xi32>
      %gather3A_116 = tpu.vector_load_idx %arg9[%add3A_115] : memref<24576xf32, #tpu.memory_space<vmem>>[vector<16xi32>], vector<16xf32>,
      %sub3A_117 = arith.subf %gather3A_28, %gather3A_116 : vector<16xf32>
      %mul3A_118 = arith.mulf %sub3A_107, %sub3A_107 : vector<16xf32>
      %mul3A_119 = arith.mulf %sub3A_112, %sub3A_112 : vector<16xf32>
      %add3A_120 = arith.addf %mul3A_118, %mul3A_119 : vector<16xf32>
      %mul3A_121 = arith.mulf %sub3A_117, %sub3A_117 : vector<16xf32>
      %add3A_122 = arith.addf %add3A_120, %mul3A_121 : vector<16xf32>
      %bitcast3A_123 = vector.bitcast %add3A_122 : vector<16xf32> to vector<16xi32>
      %and3A_124 = vector.broadcast %scan3A : i32 to vector<16xi32>
      %and3A_125 = arith.andi %bitcast3A_123, %and3A_124 : vector<16xi32>
      %bitcast3A_126 = vector.bitcast %or3A_102 : vector<16xi32> to vector<16xi32>
      %or3A_127 = arith.ori %and3A_125, %bitcast3A_126 : vector<16xi32>
      %eq3A_128 = arith.cmpi eq, %or3A_127, %min3A_35 : vector<16xi32>
      %select_n3A_129 = arith.select %eq3A_128, %broadcast_in_dim3A_4, %or3A_127 : vector<16xi1>, vector<16xi32>
      %or3A_130 = arith.constant 3 : i32
      %or3A_131 = vector.broadcast %or3A_130 : i32 to vector<16xi32>
      %or3A_132 = arith.ori %and3A_44, %or3A_131 : vector<16xi32>
      %mul3A_133 = arith.constant 48 : i32
      %mul3A_134 = vector.broadcast %mul3A_133 : i32 to vector<16xi32>
      %mul3A_135 = arith.muli %or3A_132, %mul3A_134 : vector<16xi32>
      %gather3A_136 = tpu.vector_load_idx %arg9[%mul3A_135] : memref<24576xf32, #tpu.memory_space<vmem>>[vector<16xi32>], vector<16xf32>,
      %sub3A_137 = arith.subf %gather3A, %gather3A_136 : vector<16xf32>
      %add3A_138 = arith.constant 16 : i32
      %add3A_139 = vector.broadcast %add3A_138 : i32 to vector<16xi32>
      %add3A_140 = arith.addi %mul3A_135, %add3A_139 : vector<16xi32>
      %gather3A_141 = tpu.vector_load_idx %arg9[%add3A_140] : memref<24576xf32, #tpu.memory_space<vmem>>[vector<16xi32>], vector<16xf32>,
      %sub3A_142 = arith.subf %gather3A_24, %gather3A_141 : vector<16xf32>
      %add3A_143 = arith.constant 32 : i32
      %add3A_144 = vector.broadcast %add3A_143 : i32 to vector<16xi32>
      %add3A_145 = arith.addi %mul3A_135, %add3A_144 : vector<16xi32>
      %gather3A_146 = tpu.vector_load_idx %arg9[%add3A_145] : memref<24576xf32, #tpu.memory_space<vmem>>[vector<16xi32>], vector<16xf32>,
      %sub3A_147 = arith.subf %gather3A_28, %gather3A_146 : vector<16xf32>
      %mul3A_148 = arith.mulf %sub3A_137, %sub3A_137 : vector<16xf32>
      %mul3A_149 = arith.mulf %sub3A_142, %sub3A_142 : vector<16xf32>
      %add3A_150 = arith.addf %mul3A_148, %mul3A_149 : vector<16xf32>
      %mul3A_151 = arith.mulf %sub3A_147, %sub3A_147 : vector<16xf32>
      %add3A_152 = arith.addf %add3A_150, %mul3A_151 : vector<16xf32>
      %bitcast3A_153 = vector.bitcast %add3A_152 : vector<16xf32> to vector<16xi32>
      %and3A_154 = vector.broadcast %scan3A : i32 to vector<16xi32>
      %and3A_155 = arith.andi %bitcast3A_153, %and3A_154 : vector<16xi32>
      %bitcast3A_156 = vector.bitcast %or3A_132 : vector<16xi32> to vector<16xi32>
      %or3A_157 = arith.ori %and3A_155, %bitcast3A_156 : vector<16xi32>
      %eq3A_158 = arith.cmpi eq, %or3A_157, %min3A_35 : vector<16xi32>
      %select_n3A_159 = arith.select %eq3A_158, %broadcast_in_dim3A_4, %or3A_157 : vector<16xi1>, vector<16xi32>
      %and3A_160 = arith.constant 508 : i32
      %and3A_161 = vector.broadcast %and3A_160 : i32 to vector<16xi32>
      %and3A_162 = arith.andi %min3A_36, %and3A_161 : vector<16xi32>
      %or3A_163 = arith.constant 0 : i32
      %or3A_164 = vector.broadcast %or3A_163 : i32 to vector<16xi32>
      %or3A_165 = arith.ori %and3A_162, %or3A_164 : vector<16xi32>
      %mul3A_166 = arith.constant 48 : i32
      %mul3A_167 = vector.broadcast %mul3A_166 : i32 to vector<16xi32>
      %mul3A_168 = arith.muli %or3A_165, %mul3A_167 : vector<16xi32>
      %gather3A_169 = tpu.vector_load_idx %arg9[%mul3A_168] : memref<24576xf32, #tpu.memory_space<vmem>>[vector<16xi32>], vector<16xf32>,
      %sub3A_170 = arith.subf %gather3A, %gather3A_169 : vector<16xf32>
      %add3A_171 = arith.constant 16 : i32
      %add3A_172 = vector.broadcast %add3A_171 : i32 to vector<16xi32>
      %add3A_173 = arith.addi %mul3A_168, %add3A_172 : vector<16xi32>
      %gather3A_174 = tpu.vector_load_idx %arg9[%add3A_173] : memref<24576xf32, #tpu.memory_space<vmem>>[vector<16xi32>], vector<16xf32>,
      %sub3A_175 = arith.subf %gather3A_24, %gather3A_174 : vector<16xf32>
      %add3A_176 = arith.constant 32 : i32
      %add3A_177 = vector.broadcast %add3A_176 : i32 to vector<16xi32>
      %add3A_178 = arith.addi %mul3A_168, %add3A_177 : vector<16xi32>
      %gather3A_179 = tpu.vector_load_idx %arg9[%add3A_178] : memref<24576xf32, #tpu.memory_space<vmem>>[vector<16xi32>], vector<16xf32>,
      %sub3A_180 = arith.subf %gather3A_28, %gather3A_179 : vector<16xf32>
      %mul3A_181 = arith.mulf %sub3A_170, %sub3A_170 : vector<16xf32>
      %mul3A_182 = arith.mulf %sub3A_175, %sub3A_175 : vector<16xf32>
      %add3A_183 = arith.addf %mul3A_181, %mul3A_182 : vector<16xf32>
      %mul3A_184 = arith.mulf %sub3A_180, %sub3A_180 : vector<16xf32>
      %add3A_185 = arith.addf %add3A_183, %mul3A_184 : vector<16xf32>
      %bitcast3A_186 = vector.bitcast %add3A_185 : vector<16xf32> to vector<16xi32>
      %and3A_187 = vector.broadcast %scan3A : i32 to vector<16xi32>
      %and3A_188 = arith.andi %bitcast3A_186, %and3A_187 : vector<16xi32>
      %bitcast3A_189 = vector.bitcast %or3A_165 : vector<16xi32> to vector<16xi32>
      %or3A_190 = arith.ori %and3A_188, %bitcast3A_189 : vector<16xi32>
      %eq3A_191 = arith.cmpi eq, %or3A_190, %min3A_36 : vector<16xi32>
      %select_n3A_192 = arith.select %eq3A_191, %broadcast_in_dim3A_4, %or3A_190 : vector<16xi1>, vector<16xi32>
      %or3A_193 = arith.constant 1 : i32
      %or3A_194 = vector.broadcast %or3A_193 : i32 to vector<16xi32>
      %or3A_195 = arith.ori %and3A_162, %or3A_194 : vector<16xi32>
      %mul3A_196 = arith.constant 48 : i32
      %mul3A_197 = vector.broadcast %mul3A_196 : i32 to vector<16xi32>
      %mul3A_198 = arith.muli %or3A_195, %mul3A_197 : vector<16xi32>
      %gather3A_199 = tpu.vector_load_idx %arg9[%mul3A_198] : memref<24576xf32, #tpu.memory_space<vmem>>[vector<16xi32>], vector<16xf32>,
      %sub3A_200 = arith.subf %gather3A, %gather3A_199 : vector<16xf32>
      %add3A_201 = arith.constant 16 : i32
      %add3A_202 = vector.broadcast %add3A_201 : i32 to vector<16xi32>
      %add3A_203 = arith.addi %mul3A_198, %add3A_202 : vector<16xi32>
      %gather3A_204 = tpu.vector_load_idx %arg9[%add3A_203] : memref<24576xf32, #tpu.memory_space<vmem>>[vector<16xi32>], vector<16xf32>,
      %sub3A_205 = arith.subf %gather3A_24, %gather3A_204 : vector<16xf32>
      %add3A_206 = arith.constant 32 : i32
      %add3A_207 = vector.broadcast %add3A_206 : i32 to vector<16xi32>
      %add3A_208 = arith.addi %mul3A_198, %add3A_207 : vector<16xi32>
      %gather3A_209 = tpu.vector_load_idx %arg9[%add3A_208] : memref<24576xf32, #tpu.memory_space<vmem>>[vector<16xi32>], vector<16xf32>,
      %sub3A_210 = arith.subf %gather3A_28, %gather3A_209 : vector<16xf32>
      %mul3A_211 = arith.mulf %sub3A_200, %sub3A_200 : vector<16xf32>
      %mul3A_212 = arith.mulf %sub3A_205, %sub3A_205 : vector<16xf32>
      %add3A_213 = arith.addf %mul3A_211, %mul3A_212 : vector<16xf32>
      %mul3A_214 = arith.mulf %sub3A_210, %sub3A_210 : vector<16xf32>
      %add3A_215 = arith.addf %add3A_213, %mul3A_214 : vector<16xf32>
      %bitcast3A_216 = vector.bitcast %add3A_215 : vector<16xf32> to vector<16xi32>
      %and3A_217 = vector.broadcast %scan3A : i32 to vector<16xi32>
      %and3A_218 = arith.andi %bitcast3A_216, %and3A_217 : vector<16xi32>
      %bitcast3A_219 = vector.bitcast %or3A_195 : vector<16xi32> to vector<16xi32>
      %or3A_220 = arith.ori %and3A_218, %bitcast3A_219 : vector<16xi32>
      %eq3A_221 = arith.cmpi eq, %or3A_220, %min3A_36 : vector<16xi32>
      %select_n3A_222 = arith.select %eq3A_221, %broadcast_in_dim3A_4, %or3A_220 : vector<16xi1>, vector<16xi32>
      %or3A_223 = arith.constant 2 : i32
      %or3A_224 = vector.broadcast %or3A_223 : i32 to vector<16xi32>
      %or3A_225 = arith.ori %and3A_162, %or3A_224 : vector<16xi32>
      %mul3A_226 = arith.constant 48 : i32
      %mul3A_227 = vector.broadcast %mul3A_226 : i32 to vector<16xi32>
      %mul3A_228 = arith.muli %or3A_225, %mul3A_227 : vector<16xi32>
      %gather3A_229 = tpu.vector_load_idx %arg9[%mul3A_228] : memref<24576xf32, #tpu.memory_space<vmem>>[vector<16xi32>], vector<16xf32>,
      %sub3A_230 = arith.subf %gather3A, %gather3A_229 : vector<16xf32>
      %add3A_231 = arith.constant 16 : i32
      %add3A_232 = vector.broadcast %add3A_231 : i32 to vector<16xi32>
      %add3A_233 = arith.addi %mul3A_228, %add3A_232 : vector<16xi32>
      %gather3A_234 = tpu.vector_load_idx %arg9[%add3A_233] : memref<24576xf32, #tpu.memory_space<vmem>>[vector<16xi32>], vector<16xf32>,
      %sub3A_235 = arith.subf %gather3A_24, %gather3A_234 : vector<16xf32>
      %add3A_236 = arith.constant 32 : i32
      %add3A_237 = vector.broadcast %add3A_236 : i32 to vector<16xi32>
      %add3A_238 = arith.addi %mul3A_228, %add3A_237 : vector<16xi32>
      %gather3A_239 = tpu.vector_load_idx %arg9[%add3A_238] : memref<24576xf32, #tpu.memory_space<vmem>>[vector<16xi32>], vector<16xf32>,
      %sub3A_240 = arith.subf %gather3A_28, %gather3A_239 : vector<16xf32>
      %mul3A_241 = arith.mulf %sub3A_230, %sub3A_230 : vector<16xf32>
      %mul3A_242 = arith.mulf %sub3A_235, %sub3A_235 : vector<16xf32>
      %add3A_243 = arith.addf %mul3A_241, %mul3A_242 : vector<16xf32>
      %mul3A_244 = arith.mulf %sub3A_240, %sub3A_240 : vector<16xf32>
      %add3A_245 = arith.addf %add3A_243, %mul3A_244 : vector<16xf32>
      %bitcast3A_246 = vector.bitcast %add3A_245 : vector<16xf32> to vector<16xi32>
      %and3A_247 = vector.broadcast %scan3A : i32 to vector<16xi32>
      %and3A_248 = arith.andi %bitcast3A_246, %and3A_247 : vector<16xi32>
      %bitcast3A_249 = vector.bitcast %or3A_225 : vector<16xi32> to vector<16xi32>
      %or3A_250 = arith.ori %and3A_248, %bitcast3A_249 : vector<16xi32>
      %eq3A_251 = arith.cmpi eq, %or3A_250, %min3A_36 : vector<16xi32>
      %select_n3A_252 = arith.select %eq3A_251, %broadcast_in_dim3A_4, %or3A_250 : vector<16xi1>, vector<16xi32>
      %or3A_253 = arith.constant 3 : i32
      %or3A_254 = vector.broadcast %or3A_253 : i32 to vector<16xi32>
      %or3A_255 = arith.ori %and3A_162, %or3A_254 : vector<16xi32>
      %mul3A_256 = arith.constant 48 : i32
      %mul3A_257 = vector.broadcast %mul3A_256 : i32 to vector<16xi32>
      %mul3A_258 = arith.muli %or3A_255, %mul3A_257 : vector<16xi32>
      %gather3A_259 = tpu.vector_load_idx %arg9[%mul3A_258] : memref<24576xf32, #tpu.memory_space<vmem>>[vector<16xi32>], vector<16xf32>,
      %sub3A_260 = arith.subf %gather3A, %gather3A_259 : vector<16xf32>
      %add3A_261 = arith.constant 16 : i32
      %add3A_262 = vector.broadcast %add3A_261 : i32 to vector<16xi32>
      %add3A_263 = arith.addi %mul3A_258, %add3A_262 : vector<16xi32>
      %gather3A_264 = tpu.vector_load_idx %arg9[%add3A_263] : memref<24576xf32, #tpu.memory_space<vmem>>[vector<16xi32>], vector<16xf32>,
      %sub3A_265 = arith.subf %gather3A_24, %gather3A_264 : vector<16xf32>
      %add3A_266 = arith.constant 32 : i32
      %add3A_267 = vector.broadcast %add3A_266 : i32 to vector<16xi32>
      %add3A_268 = arith.addi %mul3A_258, %add3A_267 : vector<16xi32>
      %gather3A_269 = tpu.vector_load_idx %arg9[%add3A_268] : memref<24576xf32, #tpu.memory_space<vmem>>[vector<16xi32>], vector<16xf32>,
      %sub3A_270 = arith.subf %gather3A_28, %gather3A_269 : vector<16xf32>
      %mul3A_271 = arith.mulf %sub3A_260, %sub3A_260 : vector<16xf32>
      %mul3A_272 = arith.mulf %sub3A_265, %sub3A_265 : vector<16xf32>
      %add3A_273 = arith.addf %mul3A_271, %mul3A_272 : vector<16xf32>
      %mul3A_274 = arith.mulf %sub3A_270, %sub3A_270 : vector<16xf32>
      %add3A_275 = arith.addf %add3A_273, %mul3A_274 : vector<16xf32>
      %bitcast3A_276 = vector.bitcast %add3A_275 : vector<16xf32> to vector<16xi32>
      %and3A_277 = vector.broadcast %scan3A : i32 to vector<16xi32>
      %and3A_278 = arith.andi %bitcast3A_276, %and3A_277 : vector<16xi32>
      %bitcast3A_279 = vector.bitcast %or3A_255 : vector<16xi32> to vector<16xi32>
      %or3A_280 = arith.ori %and3A_278, %bitcast3A_279 : vector<16xi32>
      %eq3A_281 = arith.cmpi eq, %or3A_280, %min3A_36 : vector<16xi32>
      %select_n3A_282 = arith.select %eq3A_281, %broadcast_in_dim3A_4, %or3A_280 : vector<16xi1>, vector<16xi32>
      %and3A_283 = arith.constant 508 : i32
      %and3A_284 = vector.broadcast %and3A_283 : i32 to vector<16xi32>
      %and3A_285 = arith.andi %min3A_37, %and3A_284 : vector<16xi32>
      %or3A_286 = arith.constant 0 : i32
      %or3A_287 = vector.broadcast %or3A_286 : i32 to vector<16xi32>
      %or3A_288 = arith.ori %and3A_285, %or3A_287 : vector<16xi32>
      %mul3A_289 = arith.constant 48 : i32
      %mul3A_290 = vector.broadcast %mul3A_289 : i32 to vector<16xi32>
      %mul3A_291 = arith.muli %or3A_288, %mul3A_290 : vector<16xi32>
      %gather3A_292 = tpu.vector_load_idx %arg9[%mul3A_291] : memref<24576xf32, #tpu.memory_space<vmem>>[vector<16xi32>], vector<16xf32>,
      %sub3A_293 = arith.subf %gather3A, %gather3A_292 : vector<16xf32>
      %add3A_294 = arith.constant 16 : i32
      %add3A_295 = vector.broadcast %add3A_294 : i32 to vector<16xi32>
      %add3A_296 = arith.addi %mul3A_291, %add3A_295 : vector<16xi32>
      %gather3A_297 = tpu.vector_load_idx %arg9[%add3A_296] : memref<24576xf32, #tpu.memory_space<vmem>>[vector<16xi32>], vector<16xf32>,
      %sub3A_298 = arith.subf %gather3A_24, %gather3A_297 : vector<16xf32>
      %add3A_299 = arith.constant 32 : i32
      %add3A_300 = vector.broadcast %add3A_299 : i32 to vector<16xi32>
      %add3A_301 = arith.addi %mul3A_291, %add3A_300 : vector<16xi32>
      %gather3A_302 = tpu.vector_load_idx %arg9[%add3A_301] : memref<24576xf32, #tpu.memory_space<vmem>>[vector<16xi32>], vector<16xf32>,
      %sub3A_303 = arith.subf %gather3A_28, %gather3A_302 : vector<16xf32>
      %mul3A_304 = arith.mulf %sub3A_293, %sub3A_293 : vector<16xf32>
      %mul3A_305 = arith.mulf %sub3A_298, %sub3A_298 : vector<16xf32>
      %add3A_306 = arith.addf %mul3A_304, %mul3A_305 : vector<16xf32>
      %mul3A_307 = arith.mulf %sub3A_303, %sub3A_303 : vector<16xf32>
      %add3A_308 = arith.addf %add3A_306, %mul3A_307 : vector<16xf32>
      %bitcast3A_309 = vector.bitcast %add3A_308 : vector<16xf32> to vector<16xi32>
      %and3A_310 = vector.broadcast %scan3A : i32 to vector<16xi32>
      %and3A_311 = arith.andi %bitcast3A_309, %and3A_310 : vector<16xi32>
      %bitcast3A_312 = vector.bitcast %or3A_288 : vector<16xi32> to vector<16xi32>
      %or3A_313 = arith.ori %and3A_311, %bitcast3A_312 : vector<16xi32>
      %eq3A_314 = arith.cmpi eq, %or3A_313, %min3A_37 : vector<16xi32>
      %select_n3A_315 = arith.select %eq3A_314, %broadcast_in_dim3A_4, %or3A_313 : vector<16xi1>, vector<16xi32>
      %or3A_316 = arith.constant 1 : i32
      %or3A_317 = vector.broadcast %or3A_316 : i32 to vector<16xi32>
      %or3A_318 = arith.ori %and3A_285, %or3A_317 : vector<16xi32>
      %mul3A_319 = arith.constant 48 : i32
      %mul3A_320 = vector.broadcast %mul3A_319 : i32 to vector<16xi32>
      %mul3A_321 = arith.muli %or3A_318, %mul3A_320 : vector<16xi32>
      %gather3A_322 = tpu.vector_load_idx %arg9[%mul3A_321] : memref<24576xf32, #tpu.memory_space<vmem>>[vector<16xi32>], vector<16xf32>,
      %sub3A_323 = arith.subf %gather3A, %gather3A_322 : vector<16xf32>
      %add3A_324 = arith.constant 16 : i32
      %add3A_325 = vector.broadcast %add3A_324 : i32 to vector<16xi32>
      %add3A_326 = arith.addi %mul3A_321, %add3A_325 : vector<16xi32>
      %gather3A_327 = tpu.vector_load_idx %arg9[%add3A_326] : memref<24576xf32, #tpu.memory_space<vmem>>[vector<16xi32>], vector<16xf32>,
      %sub3A_328 = arith.subf %gather3A_24, %gather3A_327 : vector<16xf32>
      %add3A_329 = arith.constant 32 : i32
      %add3A_330 = vector.broadcast %add3A_329 : i32 to vector<16xi32>
      %add3A_331 = arith.addi %mul3A_321, %add3A_330 : vector<16xi32>
      %gather3A_332 = tpu.vector_load_idx %arg9[%add3A_331] : memref<24576xf32, #tpu.memory_space<vmem>>[vector<16xi32>], vector<16xf32>,
      %sub3A_333 = arith.subf %gather3A_28, %gather3A_332 : vector<16xf32>
      %mul3A_334 = arith.mulf %sub3A_323, %sub3A_323 : vector<16xf32>
      %mul3A_335 = arith.mulf %sub3A_328, %sub3A_328 : vector<16xf32>
      %add3A_336 = arith.addf %mul3A_334, %mul3A_335 : vector<16xf32>
      %mul3A_337 = arith.mulf %sub3A_333, %sub3A_333 : vector<16xf32>
      %add3A_338 = arith.addf %add3A_336, %mul3A_337 : vector<16xf32>
      %bitcast3A_339 = vector.bitcast %add3A_338 : vector<16xf32> to vector<16xi32>
      %and3A_340 = vector.broadcast %scan3A : i32 to vector<16xi32>
      %and3A_341 = arith.andi %bitcast3A_339, %and3A_340 : vector<16xi32>
      %bitcast3A_342 = vector.bitcast %or3A_318 : vector<16xi32> to vector<16xi32>
      %or3A_343 = arith.ori %and3A_341, %bitcast3A_342 : vector<16xi32>
      %eq3A_344 = arith.cmpi eq, %or3A_343, %min3A_37 : vector<16xi32>
      %select_n3A_345 = arith.select %eq3A_344, %broadcast_in_dim3A_4, %or3A_343 : vector<16xi1>, vector<16xi32>
      %or3A_346 = arith.constant 2 : i32
      %or3A_347 = vector.broadcast %or3A_346 : i32 to vector<16xi32>
      %or3A_348 = arith.ori %and3A_285, %or3A_347 : vector<16xi32>
      %mul3A_349 = arith.constant 48 : i32
      %mul3A_350 = vector.broadcast %mul3A_349 : i32 to vector<16xi32>
      %mul3A_351 = arith.muli %or3A_348, %mul3A_350 : vector<16xi32>
      %gather3A_352 = tpu.vector_load_idx %arg9[%mul3A_351] : memref<24576xf32, #tpu.memory_space<vmem>>[vector<16xi32>], vector<16xf32>,
      %sub3A_353 = arith.subf %gather3A, %gather3A_352 : vector<16xf32>
      %add3A_354 = arith.constant 16 : i32
      %add3A_355 = vector.broadcast %add3A_354 : i32 to vector<16xi32>
      %add3A_356 = arith.addi %mul3A_351, %add3A_355 : vector<16xi32>
      %gather3A_357 = tpu.vector_load_idx %arg9[%add3A_356] : memref<24576xf32, #tpu.memory_space<vmem>>[vector<16xi32>], vector<16xf32>,
      %sub3A_358 = arith.subf %gather3A_24, %gather3A_357 : vector<16xf32>
      %add3A_359 = arith.constant 32 : i32
      %add3A_360 = vector.broadcast %add3A_359 : i32 to vector<16xi32>
      %add3A_361 = arith.addi %mul3A_351, %add3A_360 : vector<16xi32>
      %gather3A_362 = tpu.vector_load_idx %arg9[%add3A_361] : memref<24576xf32, #tpu.memory_space<vmem>>[vector<16xi32>], vector<16xf32>,
      %sub3A_363 = arith.subf %gather3A_28, %gather3A_362 : vector<16xf32>
      %mul3A_364 = arith.mulf %sub3A_353, %sub3A_353 : vector<16xf32>
      %mul3A_365 = arith.mulf %sub3A_358, %sub3A_358 : vector<16xf32>
      %add3A_366 = arith.addf %mul3A_364, %mul3A_365 : vector<16xf32>
      %mul3A_367 = arith.mulf %sub3A_363, %sub3A_363 : vector<16xf32>
      %add3A_368 = arith.addf %add3A_366, %mul3A_367 : vector<16xf32>
      %bitcast3A_369 = vector.bitcast %add3A_368 : vector<16xf32> to vector<16xi32>
      %and3A_370 = vector.broadcast %scan3A : i32 to vector<16xi32>
      %and3A_371 = arith.andi %bitcast3A_369, %and3A_370 : vector<16xi32>
      %bitcast3A_372 = vector.bitcast %or3A_348 : vector<16xi32> to vector<16xi32>
      %or3A_373 = arith.ori %and3A_371, %bitcast3A_372 : vector<16xi32>
      %eq3A_374 = arith.cmpi eq, %or3A_373, %min3A_37 : vector<16xi32>
      %select_n3A_375 = arith.select %eq3A_374, %broadcast_in_dim3A_4, %or3A_373 : vector<16xi1>, vector<16xi32>
      %or3A_376 = arith.constant 3 : i32
      %or3A_377 = vector.broadcast %or3A_376 : i32 to vector<16xi32>
      %or3A_378 = arith.ori %and3A_285, %or3A_377 : vector<16xi32>
      %mul3A_379 = arith.constant 48 : i32
      %mul3A_380 = vector.broadcast %mul3A_379 : i32 to vector<16xi32>
      %mul3A_381 = arith.muli %or3A_378, %mul3A_380 : vector<16xi32>
      %gather3A_382 = tpu.vector_load_idx %arg9[%mul3A_381] : memref<24576xf32, #tpu.memory_space<vmem>>[vector<16xi32>], vector<16xf32>,
      %sub3A_383 = arith.subf %gather3A, %gather3A_382 : vector<16xf32>
      %add3A_384 = arith.constant 16 : i32
      %add3A_385 = vector.broadcast %add3A_384 : i32 to vector<16xi32>
      %add3A_386 = arith.addi %mul3A_381, %add3A_385 : vector<16xi32>
      %gather3A_387 = tpu.vector_load_idx %arg9[%add3A_386] : memref<24576xf32, #tpu.memory_space<vmem>>[vector<16xi32>], vector<16xf32>,
      %sub3A_388 = arith.subf %gather3A_24, %gather3A_387 : vector<16xf32>
      %add3A_389 = arith.constant 32 : i32
      %add3A_390 = vector.broadcast %add3A_389 : i32 to vector<16xi32>
      %add3A_391 = arith.addi %mul3A_381, %add3A_390 : vector<16xi32>
      %gather3A_392 = tpu.vector_load_idx %arg9[%add3A_391] : memref<24576xf32, #tpu.memory_space<vmem>>[vector<16xi32>], vector<16xf32>,
      %sub3A_393 = arith.subf %gather3A_28, %gather3A_392 : vector<16xf32>
      %mul3A_394 = arith.mulf %sub3A_383, %sub3A_383 : vector<16xf32>
      %mul3A_395 = arith.mulf %sub3A_388, %sub3A_388 : vector<16xf32>
      %add3A_396 = arith.addf %mul3A_394, %mul3A_395 : vector<16xf32>
      %mul3A_397 = arith.mulf %sub3A_393, %sub3A_393 : vector<16xf32>
      %add3A_398 = arith.addf %add3A_396, %mul3A_397 : vector<16xf32>
      %bitcast3A_399 = vector.bitcast %add3A_398 : vector<16xf32> to vector<16xi32>
      %and3A_400 = vector.broadcast %scan3A : i32 to vector<16xi32>
      %and3A_401 = arith.andi %bitcast3A_399, %and3A_400 : vector<16xi32>
      %bitcast3A_402 = vector.bitcast %or3A_378 : vector<16xi32> to vector<16xi32>
      %or3A_403 = arith.ori %and3A_401, %bitcast3A_402 : vector<16xi32>
      %eq3A_404 = arith.cmpi eq, %or3A_403, %min3A_37 : vector<16xi32>
      %select_n3A_405 = arith.select %eq3A_404, %broadcast_in_dim3A_4, %or3A_403 : vector<16xi1>, vector<16xi32>
      %and3A_406 = arith.constant 508 : i32
      %and3A_407 = vector.broadcast %and3A_406 : i32 to vector<16xi32>
      %and3A_408 = arith.andi %min3A_38, %and3A_407 : vector<16xi32>
      %or3A_409 = arith.constant 0 : i32
      %or3A_410 = vector.broadcast %or3A_409 : i32 to vector<16xi32>
      %or3A_411 = arith.ori %and3A_408, %or3A_410 : vector<16xi32>
      %mul3A_412 = arith.constant 48 : i32
      %mul3A_413 = vector.broadcast %mul3A_412 : i32 to vector<16xi32>
      %mul3A_414 = arith.muli %or3A_411, %mul3A_413 : vector<16xi32>
      %gather3A_415 = tpu.vector_load_idx %arg9[%mul3A_414] : memref<24576xf32, #tpu.memory_space<vmem>>[vector<16xi32>], vector<16xf32>,
      %sub3A_416 = arith.subf %gather3A, %gather3A_415 : vector<16xf32>
      %add3A_417 = arith.constant 16 : i32
      %add3A_418 = vector.broadcast %add3A_417 : i32 to vector<16xi32>
      %add3A_419 = arith.addi %mul3A_414, %add3A_418 : vector<16xi32>
      %gather3A_420 = tpu.vector_load_idx %arg9[%add3A_419] : memref<24576xf32, #tpu.memory_space<vmem>>[vector<16xi32>], vector<16xf32>,
      %sub3A_421 = arith.subf %gather3A_24, %gather3A_420 : vector<16xf32>
      %add3A_422 = arith.constant 32 : i32
      %add3A_423 = vector.broadcast %add3A_422 : i32 to vector<16xi32>
      %add3A_424 = arith.addi %mul3A_414, %add3A_423 : vector<16xi32>
      %gather3A_425 = tpu.vector_load_idx %arg9[%add3A_424] : memref<24576xf32, #tpu.memory_space<vmem>>[vector<16xi32>], vector<16xf32>,
      %sub3A_426 = arith.subf %gather3A_28, %gather3A_425 : vector<16xf32>
      %mul3A_427 = arith.mulf %sub3A_416, %sub3A_416 : vector<16xf32>
      %mul3A_428 = arith.mulf %sub3A_421, %sub3A_421 : vector<16xf32>
      %add3A_429 = arith.addf %mul3A_427, %mul3A_428 : vector<16xf32>
      %mul3A_430 = arith.mulf %sub3A_426, %sub3A_426 : vector<16xf32>
      %add3A_431 = arith.addf %add3A_429, %mul3A_430 : vector<16xf32>
      %bitcast3A_432 = vector.bitcast %add3A_431 : vector<16xf32> to vector<16xi32>
      %and3A_433 = vector.broadcast %scan3A : i32 to vector<16xi32>
      %and3A_434 = arith.andi %bitcast3A_432, %and3A_433 : vector<16xi32>
      %bitcast3A_435 = vector.bitcast %or3A_411 : vector<16xi32> to vector<16xi32>
      %or3A_436 = arith.ori %and3A_434, %bitcast3A_435 : vector<16xi32>
      %eq3A_437 = arith.cmpi eq, %or3A_436, %min3A_38 : vector<16xi32>
      %select_n3A_438 = arith.select %eq3A_437, %broadcast_in_dim3A_4, %or3A_436 : vector<16xi1>, vector<16xi32>
      %or3A_439 = arith.constant 1 : i32
      %or3A_440 = vector.broadcast %or3A_439 : i32 to vector<16xi32>
      %or3A_441 = arith.ori %and3A_408, %or3A_440 : vector<16xi32>
      %mul3A_442 = arith.constant 48 : i32
      %mul3A_443 = vector.broadcast %mul3A_442 : i32 to vector<16xi32>
      %mul3A_444 = arith.muli %or3A_441, %mul3A_443 : vector<16xi32>
      %gather3A_445 = tpu.vector_load_idx %arg9[%mul3A_444] : memref<24576xf32, #tpu.memory_space<vmem>>[vector<16xi32>], vector<16xf32>,
      %sub3A_446 = arith.subf %gather3A, %gather3A_445 : vector<16xf32>
      %add3A_447 = arith.constant 16 : i32
      %add3A_448 = vector.broadcast %add3A_447 : i32 to vector<16xi32>
      %add3A_449 = arith.addi %mul3A_444, %add3A_448 : vector<16xi32>
      %gather3A_450 = tpu.vector_load_idx %arg9[%add3A_449] : memref<24576xf32, #tpu.memory_space<vmem>>[vector<16xi32>], vector<16xf32>,
      %sub3A_451 = arith.subf %gather3A_24, %gather3A_450 : vector<16xf32>
      %add3A_452 = arith.constant 32 : i32
      %add3A_453 = vector.broadcast %add3A_452 : i32 to vector<16xi32>
      %add3A_454 = arith.addi %mul3A_444, %add3A_453 : vector<16xi32>
      %gather3A_455 = tpu.vector_load_idx %arg9[%add3A_454] : memref<24576xf32, #tpu.memory_space<vmem>>[vector<16xi32>], vector<16xf32>,
      %sub3A_456 = arith.subf %gather3A_28, %gather3A_455 : vector<16xf32>
      %mul3A_457 = arith.mulf %sub3A_446, %sub3A_446 : vector<16xf32>
      %mul3A_458 = arith.mulf %sub3A_451, %sub3A_451 : vector<16xf32>
      %add3A_459 = arith.addf %mul3A_457, %mul3A_458 : vector<16xf32>
      %mul3A_460 = arith.mulf %sub3A_456, %sub3A_456 : vector<16xf32>
      %add3A_461 = arith.addf %add3A_459, %mul3A_460 : vector<16xf32>
      %bitcast3A_462 = vector.bitcast %add3A_461 : vector<16xf32> to vector<16xi32>
      %and3A_463 = vector.broadcast %scan3A : i32 to vector<16xi32>
      %and3A_464 = arith.andi %bitcast3A_462, %and3A_463 : vector<16xi32>
      %bitcast3A_465 = vector.bitcast %or3A_441 : vector<16xi32> to vector<16xi32>
      %or3A_466 = arith.ori %and3A_464, %bitcast3A_465 : vector<16xi32>
      %eq3A_467 = arith.cmpi eq, %or3A_466, %min3A_38 : vector<16xi32>
      %select_n3A_468 = arith.select %eq3A_467, %broadcast_in_dim3A_4, %or3A_466 : vector<16xi1>, vector<16xi32>
      %or3A_469 = arith.constant 2 : i32
      %or3A_470 = vector.broadcast %or3A_469 : i32 to vector<16xi32>
      %or3A_471 = arith.ori %and3A_408, %or3A_470 : vector<16xi32>
      %mul3A_472 = arith.constant 48 : i32
      %mul3A_473 = vector.broadcast %mul3A_472 : i32 to vector<16xi32>
      %mul3A_474 = arith.muli %or3A_471, %mul3A_473 : vector<16xi32>
      %gather3A_475 = tpu.vector_load_idx %arg9[%mul3A_474] : memref<24576xf32, #tpu.memory_space<vmem>>[vector<16xi32>], vector<16xf32>,
      %sub3A_476 = arith.subf %gather3A, %gather3A_475 : vector<16xf32>
      %add3A_477 = arith.constant 16 : i32
      %add3A_478 = vector.broadcast %add3A_477 : i32 to vector<16xi32>
      %add3A_479 = arith.addi %mul3A_474, %add3A_478 : vector<16xi32>
      %gather3A_480 = tpu.vector_load_idx %arg9[%add3A_479] : memref<24576xf32, #tpu.memory_space<vmem>>[vector<16xi32>], vector<16xf32>,
      %sub3A_481 = arith.subf %gather3A_24, %gather3A_480 : vector<16xf32>
      %add3A_482 = arith.constant 32 : i32
      %add3A_483 = vector.broadcast %add3A_482 : i32 to vector<16xi32>
      %add3A_484 = arith.addi %mul3A_474, %add3A_483 : vector<16xi32>
      %gather3A_485 = tpu.vector_load_idx %arg9[%add3A_484] : memref<24576xf32, #tpu.memory_space<vmem>>[vector<16xi32>], vector<16xf32>,
      %sub3A_486 = arith.subf %gather3A_28, %gather3A_485 : vector<16xf32>
      %mul3A_487 = arith.mulf %sub3A_476, %sub3A_476 : vector<16xf32>
      %mul3A_488 = arith.mulf %sub3A_481, %sub3A_481 : vector<16xf32>
      %add3A_489 = arith.addf %mul3A_487, %mul3A_488 : vector<16xf32>
      %mul3A_490 = arith.mulf %sub3A_486, %sub3A_486 : vector<16xf32>
      %add3A_491 = arith.addf %add3A_489, %mul3A_490 : vector<16xf32>
      %bitcast3A_492 = vector.bitcast %add3A_491 : vector<16xf32> to vector<16xi32>
      %and3A_493 = vector.broadcast %scan3A : i32 to vector<16xi32>
      %and3A_494 = arith.andi %bitcast3A_492, %and3A_493 : vector<16xi32>
      %bitcast3A_495 = vector.bitcast %or3A_471 : vector<16xi32> to vector<16xi32>
      %or3A_496 = arith.ori %and3A_494, %bitcast3A_495 : vector<16xi32>
      %eq3A_497 = arith.cmpi eq, %or3A_496, %min3A_38 : vector<16xi32>
      %select_n3A_498 = arith.select %eq3A_497, %broadcast_in_dim3A_4, %or3A_496 : vector<16xi1>, vector<16xi32>
      %or3A_499 = arith.constant 3 : i32
      %or3A_500 = vector.broadcast %or3A_499 : i32 to vector<16xi32>
      %or3A_501 = arith.ori %and3A_408, %or3A_500 : vector<16xi32>
      %mul3A_502 = arith.constant 48 : i32
      %mul3A_503 = vector.broadcast %mul3A_502 : i32 to vector<16xi32>
      %mul3A_504 = arith.muli %or3A_501, %mul3A_503 : vector<16xi32>
      %gather3A_505 = tpu.vector_load_idx %arg9[%mul3A_504] : memref<24576xf32, #tpu.memory_space<vmem>>[vector<16xi32>], vector<16xf32>,
      %sub3A_506 = arith.subf %gather3A, %gather3A_505 : vector<16xf32>
      %add3A_507 = arith.constant 16 : i32
      %add3A_508 = vector.broadcast %add3A_507 : i32 to vector<16xi32>
      %add3A_509 = arith.addi %mul3A_504, %add3A_508 : vector<16xi32>
      %gather3A_510 = tpu.vector_load_idx %arg9[%add3A_509] : memref<24576xf32, #tpu.memory_space<vmem>>[vector<16xi32>], vector<16xf32>,
      %sub3A_511 = arith.subf %gather3A_24, %gather3A_510 : vector<16xf32>
      %add3A_512 = arith.constant 32 : i32
      %add3A_513 = vector.broadcast %add3A_512 : i32 to vector<16xi32>
      %add3A_514 = arith.addi %mul3A_504, %add3A_513 : vector<16xi32>
      %gather3A_515 = tpu.vector_load_idx %arg9[%add3A_514] : memref<24576xf32, #tpu.memory_space<vmem>>[vector<16xi32>], vector<16xf32>,
      %sub3A_516 = arith.subf %gather3A_28, %gather3A_515 : vector<16xf32>
      %mul3A_517 = arith.mulf %sub3A_506, %sub3A_506 : vector<16xf32>
      %mul3A_518 = arith.mulf %sub3A_511, %sub3A_511 : vector<16xf32>
      %add3A_519 = arith.addf %mul3A_517, %mul3A_518 : vector<16xf32>
      %mul3A_520 = arith.mulf %sub3A_516, %sub3A_516 : vector<16xf32>
      %add3A_521 = arith.addf %add3A_519, %mul3A_520 : vector<16xf32>
      %bitcast3A_522 = vector.bitcast %add3A_521 : vector<16xf32> to vector<16xi32>
      %and3A_523 = vector.broadcast %scan3A : i32 to vector<16xi32>
      %and3A_524 = arith.andi %bitcast3A_522, %and3A_523 : vector<16xi32>
      %bitcast3A_525 = vector.bitcast %or3A_501 : vector<16xi32> to vector<16xi32>
      %or3A_526 = arith.ori %and3A_524, %bitcast3A_525 : vector<16xi32>
      %eq3A_527 = arith.cmpi eq, %or3A_526, %min3A_38 : vector<16xi32>
      %select_n3A_528 = arith.select %eq3A_527, %broadcast_in_dim3A_4, %or3A_526 : vector<16xi1>, vector<16xi32>
      %and3A_529 = arith.constant 508 : i32
      %and3A_530 = vector.broadcast %and3A_529 : i32 to vector<16xi32>
      %and3A_531 = arith.andi %min3A_39, %and3A_530 : vector<16xi32>
      %or3A_532 = arith.constant 0 : i32
      %or3A_533 = vector.broadcast %or3A_532 : i32 to vector<16xi32>
      %or3A_534 = arith.ori %and3A_531, %or3A_533 : vector<16xi32>
      %mul3A_535 = arith.constant 48 : i32
      %mul3A_536 = vector.broadcast %mul3A_535 : i32 to vector<16xi32>
      %mul3A_537 = arith.muli %or3A_534, %mul3A_536 : vector<16xi32>
      %gather3A_538 = tpu.vector_load_idx %arg9[%mul3A_537] : memref<24576xf32, #tpu.memory_space<vmem>>[vector<16xi32>], vector<16xf32>,
      %sub3A_539 = arith.subf %gather3A, %gather3A_538 : vector<16xf32>
      %add3A_540 = arith.constant 16 : i32
      %add3A_541 = vector.broadcast %add3A_540 : i32 to vector<16xi32>
      %add3A_542 = arith.addi %mul3A_537, %add3A_541 : vector<16xi32>
      %gather3A_543 = tpu.vector_load_idx %arg9[%add3A_542] : memref<24576xf32, #tpu.memory_space<vmem>>[vector<16xi32>], vector<16xf32>,
      %sub3A_544 = arith.subf %gather3A_24, %gather3A_543 : vector<16xf32>
      %add3A_545 = arith.constant 32 : i32
      %add3A_546 = vector.broadcast %add3A_545 : i32 to vector<16xi32>
      %add3A_547 = arith.addi %mul3A_537, %add3A_546 : vector<16xi32>
      %gather3A_548 = tpu.vector_load_idx %arg9[%add3A_547] : memref<24576xf32, #tpu.memory_space<vmem>>[vector<16xi32>], vector<16xf32>,
      %sub3A_549 = arith.subf %gather3A_28, %gather3A_548 : vector<16xf32>
      %mul3A_550 = arith.mulf %sub3A_539, %sub3A_539 : vector<16xf32>
      %mul3A_551 = arith.mulf %sub3A_544, %sub3A_544 : vector<16xf32>
      %add3A_552 = arith.addf %mul3A_550, %mul3A_551 : vector<16xf32>
      %mul3A_553 = arith.mulf %sub3A_549, %sub3A_549 : vector<16xf32>
      %add3A_554 = arith.addf %add3A_552, %mul3A_553 : vector<16xf32>
      %bitcast3A_555 = vector.bitcast %add3A_554 : vector<16xf32> to vector<16xi32>
      %and3A_556 = vector.broadcast %scan3A : i32 to vector<16xi32>
      %and3A_557 = arith.andi %bitcast3A_555, %and3A_556 : vector<16xi32>
      %bitcast3A_558 = vector.bitcast %or3A_534 : vector<16xi32> to vector<16xi32>
      %or3A_559 = arith.ori %and3A_557, %bitcast3A_558 : vector<16xi32>
      %eq3A_560 = arith.cmpi eq, %or3A_559, %min3A_39 : vector<16xi32>
      %select_n3A_561 = arith.select %eq3A_560, %broadcast_in_dim3A_4, %or3A_559 : vector<16xi1>, vector<16xi32>
      %or3A_562 = arith.constant 1 : i32
      %or3A_563 = vector.broadcast %or3A_562 : i32 to vector<16xi32>
      %or3A_564 = arith.ori %and3A_531, %or3A_563 : vector<16xi32>
      %mul3A_565 = arith.constant 48 : i32
      %mul3A_566 = vector.broadcast %mul3A_565 : i32 to vector<16xi32>
      %mul3A_567 = arith.muli %or3A_564, %mul3A_566 : vector<16xi32>
      %gather3A_568 = tpu.vector_load_idx %arg9[%mul3A_567] : memref<24576xf32, #tpu.memory_space<vmem>>[vector<16xi32>], vector<16xf32>,
      %sub3A_569 = arith.subf %gather3A, %gather3A_568 : vector<16xf32>
      %add3A_570 = arith.constant 16 : i32
      %add3A_571 = vector.broadcast %add3A_570 : i32 to vector<16xi32>
      %add3A_572 = arith.addi %mul3A_567, %add3A_571 : vector<16xi32>
      %gather3A_573 = tpu.vector_load_idx %arg9[%add3A_572] : memref<24576xf32, #tpu.memory_space<vmem>>[vector<16xi32>], vector<16xf32>,
      %sub3A_574 = arith.subf %gather3A_24, %gather3A_573 : vector<16xf32>
      %add3A_575 = arith.constant 32 : i32
      %add3A_576 = vector.broadcast %add3A_575 : i32 to vector<16xi32>
      %add3A_577 = arith.addi %mul3A_567, %add3A_576 : vector<16xi32>
      %gather3A_578 = tpu.vector_load_idx %arg9[%add3A_577] : memref<24576xf32, #tpu.memory_space<vmem>>[vector<16xi32>], vector<16xf32>,
      %sub3A_579 = arith.subf %gather3A_28, %gather3A_578 : vector<16xf32>
      %mul3A_580 = arith.mulf %sub3A_569, %sub3A_569 : vector<16xf32>
      %mul3A_581 = arith.mulf %sub3A_574, %sub3A_574 : vector<16xf32>
      %add3A_582 = arith.addf %mul3A_580, %mul3A_581 : vector<16xf32>
      %mul3A_583 = arith.mulf %sub3A_579, %sub3A_579 : vector<16xf32>
      %add3A_584 = arith.addf %add3A_582, %mul3A_583 : vector<16xf32>
      %bitcast3A_585 = vector.bitcast %add3A_584 : vector<16xf32> to vector<16xi32>
      %and3A_586 = vector.broadcast %scan3A : i32 to vector<16xi32>
      %and3A_587 = arith.andi %bitcast3A_585, %and3A_586 : vector<16xi32>
      %bitcast3A_588 = vector.bitcast %or3A_564 : vector<16xi32> to vector<16xi32>
      %or3A_589 = arith.ori %and3A_587, %bitcast3A_588 : vector<16xi32>
      %eq3A_590 = arith.cmpi eq, %or3A_589, %min3A_39 : vector<16xi32>
      %select_n3A_591 = arith.select %eq3A_590, %broadcast_in_dim3A_4, %or3A_589 : vector<16xi1>, vector<16xi32>
      %or3A_592 = arith.constant 2 : i32
      %or3A_593 = vector.broadcast %or3A_592 : i32 to vector<16xi32>
      %or3A_594 = arith.ori %and3A_531, %or3A_593 : vector<16xi32>
      %mul3A_595 = arith.constant 48 : i32
      %mul3A_596 = vector.broadcast %mul3A_595 : i32 to vector<16xi32>
      %mul3A_597 = arith.muli %or3A_594, %mul3A_596 : vector<16xi32>
      %gather3A_598 = tpu.vector_load_idx %arg9[%mul3A_597] : memref<24576xf32, #tpu.memory_space<vmem>>[vector<16xi32>], vector<16xf32>,
      %sub3A_599 = arith.subf %gather3A, %gather3A_598 : vector<16xf32>
      %add3A_600 = arith.constant 16 : i32
      %add3A_601 = vector.broadcast %add3A_600 : i32 to vector<16xi32>
      %add3A_602 = arith.addi %mul3A_597, %add3A_601 : vector<16xi32>
      %gather3A_603 = tpu.vector_load_idx %arg9[%add3A_602] : memref<24576xf32, #tpu.memory_space<vmem>>[vector<16xi32>], vector<16xf32>,
      %sub3A_604 = arith.subf %gather3A_24, %gather3A_603 : vector<16xf32>
      %add3A_605 = arith.constant 32 : i32
      %add3A_606 = vector.broadcast %add3A_605 : i32 to vector<16xi32>
      %add3A_607 = arith.addi %mul3A_597, %add3A_606 : vector<16xi32>
      %gather3A_608 = tpu.vector_load_idx %arg9[%add3A_607] : memref<24576xf32, #tpu.memory_space<vmem>>[vector<16xi32>], vector<16xf32>,
      %sub3A_609 = arith.subf %gather3A_28, %gather3A_608 : vector<16xf32>
      %mul3A_610 = arith.mulf %sub3A_599, %sub3A_599 : vector<16xf32>
      %mul3A_611 = arith.mulf %sub3A_604, %sub3A_604 : vector<16xf32>
      %add3A_612 = arith.addf %mul3A_610, %mul3A_611 : vector<16xf32>
      %mul3A_613 = arith.mulf %sub3A_609, %sub3A_609 : vector<16xf32>
      %add3A_614 = arith.addf %add3A_612, %mul3A_613 : vector<16xf32>
      %bitcast3A_615 = vector.bitcast %add3A_614 : vector<16xf32> to vector<16xi32>
      %and3A_616 = vector.broadcast %scan3A : i32 to vector<16xi32>
      %and3A_617 = arith.andi %bitcast3A_615, %and3A_616 : vector<16xi32>
      %bitcast3A_618 = vector.bitcast %or3A_594 : vector<16xi32> to vector<16xi32>
      %or3A_619 = arith.ori %and3A_617, %bitcast3A_618 : vector<16xi32>
      %eq3A_620 = arith.cmpi eq, %or3A_619, %min3A_39 : vector<16xi32>
      %select_n3A_621 = arith.select %eq3A_620, %broadcast_in_dim3A_4, %or3A_619 : vector<16xi1>, vector<16xi32>
      %or3A_622 = arith.constant 3 : i32
      %or3A_623 = vector.broadcast %or3A_622 : i32 to vector<16xi32>
      %or3A_624 = arith.ori %and3A_531, %or3A_623 : vector<16xi32>
      %mul3A_625 = arith.constant 48 : i32
      %mul3A_626 = vector.broadcast %mul3A_625 : i32 to vector<16xi32>
      %mul3A_627 = arith.muli %or3A_624, %mul3A_626 : vector<16xi32>
      %gather3A_628 = tpu.vector_load_idx %arg9[%mul3A_627] : memref<24576xf32, #tpu.memory_space<vmem>>[vector<16xi32>], vector<16xf32>,
      %sub3A_629 = arith.subf %gather3A, %gather3A_628 : vector<16xf32>
      %add3A_630 = arith.constant 16 : i32
      %add3A_631 = vector.broadcast %add3A_630 : i32 to vector<16xi32>
      %add3A_632 = arith.addi %mul3A_627, %add3A_631 : vector<16xi32>
      %gather3A_633 = tpu.vector_load_idx %arg9[%add3A_632] : memref<24576xf32, #tpu.memory_space<vmem>>[vector<16xi32>], vector<16xf32>,
      %sub3A_634 = arith.subf %gather3A_24, %gather3A_633 : vector<16xf32>
      %add3A_635 = arith.constant 32 : i32
      %add3A_636 = vector.broadcast %add3A_635 : i32 to vector<16xi32>
      %add3A_637 = arith.addi %mul3A_627, %add3A_636 : vector<16xi32>
      %gather3A_638 = tpu.vector_load_idx %arg9[%add3A_637] : memref<24576xf32, #tpu.memory_space<vmem>>[vector<16xi32>], vector<16xf32>,
      %sub3A_639 = arith.subf %gather3A_28, %gather3A_638 : vector<16xf32>
      %mul3A_640 = arith.mulf %sub3A_629, %sub3A_629 : vector<16xf32>
      %mul3A_641 = arith.mulf %sub3A_634, %sub3A_634 : vector<16xf32>
      %add3A_642 = arith.addf %mul3A_640, %mul3A_641 : vector<16xf32>
      %mul3A_643 = arith.mulf %sub3A_639, %sub3A_639 : vector<16xf32>
      %add3A_644 = arith.addf %add3A_642, %mul3A_643 : vector<16xf32>
      %bitcast3A_645 = vector.bitcast %add3A_644 : vector<16xf32> to vector<16xi32>
      %and3A_646 = vector.broadcast %scan3A : i32 to vector<16xi32>
      %and3A_647 = arith.andi %bitcast3A_645, %and3A_646 : vector<16xi32>
      %bitcast3A_648 = vector.bitcast %or3A_624 : vector<16xi32> to vector<16xi32>
      %or3A_649 = arith.ori %and3A_647, %bitcast3A_648 : vector<16xi32>
      %eq3A_650 = arith.cmpi eq, %or3A_649, %min3A_39 : vector<16xi32>
      %select_n3A_651 = arith.select %eq3A_650, %broadcast_in_dim3A_4, %or3A_649 : vector<16xi1>, vector<16xi32>
      %and3A_652 = arith.constant 508 : i32
      %and3A_653 = vector.broadcast %and3A_652 : i32 to vector<16xi32>
      %and3A_654 = arith.andi %min3A_40, %and3A_653 : vector<16xi32>
      %or3A_655 = arith.constant 0 : i32
      %or3A_656 = vector.broadcast %or3A_655 : i32 to vector<16xi32>
      %or3A_657 = arith.ori %and3A_654, %or3A_656 : vector<16xi32>
      %mul3A_658 = arith.constant 48 : i32
      %mul3A_659 = vector.broadcast %mul3A_658 : i32 to vector<16xi32>
      %mul3A_660 = arith.muli %or3A_657, %mul3A_659 : vector<16xi32>
      %gather3A_661 = tpu.vector_load_idx %arg9[%mul3A_660] : memref<24576xf32, #tpu.memory_space<vmem>>[vector<16xi32>], vector<16xf32>,
      %sub3A_662 = arith.subf %gather3A, %gather3A_661 : vector<16xf32>
      %add3A_663 = arith.constant 16 : i32
      %add3A_664 = vector.broadcast %add3A_663 : i32 to vector<16xi32>
      %add3A_665 = arith.addi %mul3A_660, %add3A_664 : vector<16xi32>
      %gather3A_666 = tpu.vector_load_idx %arg9[%add3A_665] : memref<24576xf32, #tpu.memory_space<vmem>>[vector<16xi32>], vector<16xf32>,
      %sub3A_667 = arith.subf %gather3A_24, %gather3A_666 : vector<16xf32>
      %add3A_668 = arith.constant 32 : i32
      %add3A_669 = vector.broadcast %add3A_668 : i32 to vector<16xi32>
      %add3A_670 = arith.addi %mul3A_660, %add3A_669 : vector<16xi32>
      %gather3A_671 = tpu.vector_load_idx %arg9[%add3A_670] : memref<24576xf32, #tpu.memory_space<vmem>>[vector<16xi32>], vector<16xf32>,
      %sub3A_672 = arith.subf %gather3A_28, %gather3A_671 : vector<16xf32>
      %mul3A_673 = arith.mulf %sub3A_662, %sub3A_662 : vector<16xf32>
      %mul3A_674 = arith.mulf %sub3A_667, %sub3A_667 : vector<16xf32>
      %add3A_675 = arith.addf %mul3A_673, %mul3A_674 : vector<16xf32>
      %mul3A_676 = arith.mulf %sub3A_672, %sub3A_672 : vector<16xf32>
      %add3A_677 = arith.addf %add3A_675, %mul3A_676 : vector<16xf32>
      %bitcast3A_678 = vector.bitcast %add3A_677 : vector<16xf32> to vector<16xi32>
      %and3A_679 = vector.broadcast %scan3A : i32 to vector<16xi32>
      %and3A_680 = arith.andi %bitcast3A_678, %and3A_679 : vector<16xi32>
      %bitcast3A_681 = vector.bitcast %or3A_657 : vector<16xi32> to vector<16xi32>
      %or3A_682 = arith.ori %and3A_680, %bitcast3A_681 : vector<16xi32>
      %eq3A_683 = arith.cmpi eq, %or3A_682, %min3A_40 : vector<16xi32>
      %select_n3A_684 = arith.select %eq3A_683, %broadcast_in_dim3A_4, %or3A_682 : vector<16xi1>, vector<16xi32>
      %or3A_685 = arith.constant 1 : i32
      %or3A_686 = vector.broadcast %or3A_685 : i32 to vector<16xi32>
      %or3A_687 = arith.ori %and3A_654, %or3A_686 : vector<16xi32>
      %mul3A_688 = arith.constant 48 : i32
      %mul3A_689 = vector.broadcast %mul3A_688 : i32 to vector<16xi32>
      %mul3A_690 = arith.muli %or3A_687, %mul3A_689 : vector<16xi32>
      %gather3A_691 = tpu.vector_load_idx %arg9[%mul3A_690] : memref<24576xf32, #tpu.memory_space<vmem>>[vector<16xi32>], vector<16xf32>,
      %sub3A_692 = arith.subf %gather3A, %gather3A_691 : vector<16xf32>
      %add3A_693 = arith.constant 16 : i32
      %add3A_694 = vector.broadcast %add3A_693 : i32 to vector<16xi32>
      %add3A_695 = arith.addi %mul3A_690, %add3A_694 : vector<16xi32>
      %gather3A_696 = tpu.vector_load_idx %arg9[%add3A_695] : memref<24576xf32, #tpu.memory_space<vmem>>[vector<16xi32>], vector<16xf32>,
      %sub3A_697 = arith.subf %gather3A_24, %gather3A_696 : vector<16xf32>
      %add3A_698 = arith.constant 32 : i32
      %add3A_699 = vector.broadcast %add3A_698 : i32 to vector<16xi32>
      %add3A_700 = arith.addi %mul3A_690, %add3A_699 : vector<16xi32>
      %gather3A_701 = tpu.vector_load_idx %arg9[%add3A_700] : memref<24576xf32, #tpu.memory_space<vmem>>[vector<16xi32>], vector<16xf32>,
      %sub3A_702 = arith.subf %gather3A_28, %gather3A_701 : vector<16xf32>
      %mul3A_703 = arith.mulf %sub3A_692, %sub3A_692 : vector<16xf32>
      %mul3A_704 = arith.mulf %sub3A_697, %sub3A_697 : vector<16xf32>
      %add3A_705 = arith.addf %mul3A_703, %mul3A_704 : vector<16xf32>
      %mul3A_706 = arith.mulf %sub3A_702, %sub3A_702 : vector<16xf32>
      %add3A_707 = arith.addf %add3A_705, %mul3A_706 : vector<16xf32>
      %bitcast3A_708 = vector.bitcast %add3A_707 : vector<16xf32> to vector<16xi32>
      %and3A_709 = vector.broadcast %scan3A : i32 to vector<16xi32>
      %and3A_710 = arith.andi %bitcast3A_708, %and3A_709 : vector<16xi32>
      %bitcast3A_711 = vector.bitcast %or3A_687 : vector<16xi32> to vector<16xi32>
      %or3A_712 = arith.ori %and3A_710, %bitcast3A_711 : vector<16xi32>
      %eq3A_713 = arith.cmpi eq, %or3A_712, %min3A_40 : vector<16xi32>
      %select_n3A_714 = arith.select %eq3A_713, %broadcast_in_dim3A_4, %or3A_712 : vector<16xi1>, vector<16xi32>
      %or3A_715 = arith.constant 2 : i32
      %or3A_716 = vector.broadcast %or3A_715 : i32 to vector<16xi32>
      %or3A_717 = arith.ori %and3A_654, %or3A_716 : vector<16xi32>
      %mul3A_718 = arith.constant 48 : i32
      %mul3A_719 = vector.broadcast %mul3A_718 : i32 to vector<16xi32>
      %mul3A_720 = arith.muli %or3A_717, %mul3A_719 : vector<16xi32>
      %gather3A_721 = tpu.vector_load_idx %arg9[%mul3A_720] : memref<24576xf32, #tpu.memory_space<vmem>>[vector<16xi32>], vector<16xf32>,
      %sub3A_722 = arith.subf %gather3A, %gather3A_721 : vector<16xf32>
      %add3A_723 = arith.constant 16 : i32
      %add3A_724 = vector.broadcast %add3A_723 : i32 to vector<16xi32>
      %add3A_725 = arith.addi %mul3A_720, %add3A_724 : vector<16xi32>
      %gather3A_726 = tpu.vector_load_idx %arg9[%add3A_725] : memref<24576xf32, #tpu.memory_space<vmem>>[vector<16xi32>], vector<16xf32>,
      %sub3A_727 = arith.subf %gather3A_24, %gather3A_726 : vector<16xf32>
      %add3A_728 = arith.constant 32 : i32
      %add3A_729 = vector.broadcast %add3A_728 : i32 to vector<16xi32>
      %add3A_730 = arith.addi %mul3A_720, %add3A_729 : vector<16xi32>
      %gather3A_731 = tpu.vector_load_idx %arg9[%add3A_730] : memref<24576xf32, #tpu.memory_space<vmem>>[vector<16xi32>], vector<16xf32>,
      %sub3A_732 = arith.subf %gather3A_28, %gather3A_731 : vector<16xf32>
      %mul3A_733 = arith.mulf %sub3A_722, %sub3A_722 : vector<16xf32>
      %mul3A_734 = arith.mulf %sub3A_727, %sub3A_727 : vector<16xf32>
      %add3A_735 = arith.addf %mul3A_733, %mul3A_734 : vector<16xf32>
      %mul3A_736 = arith.mulf %sub3A_732, %sub3A_732 : vector<16xf32>
      %add3A_737 = arith.addf %add3A_735, %mul3A_736 : vector<16xf32>
      %bitcast3A_738 = vector.bitcast %add3A_737 : vector<16xf32> to vector<16xi32>
      %and3A_739 = vector.broadcast %scan3A : i32 to vector<16xi32>
      %and3A_740 = arith.andi %bitcast3A_738, %and3A_739 : vector<16xi32>
      %bitcast3A_741 = vector.bitcast %or3A_717 : vector<16xi32> to vector<16xi32>
      %or3A_742 = arith.ori %and3A_740, %bitcast3A_741 : vector<16xi32>
      %eq3A_743 = arith.cmpi eq, %or3A_742, %min3A_40 : vector<16xi32>
      %select_n3A_744 = arith.select %eq3A_743, %broadcast_in_dim3A_4, %or3A_742 : vector<16xi1>, vector<16xi32>
      %or3A_745 = arith.constant 3 : i32
      %or3A_746 = vector.broadcast %or3A_745 : i32 to vector<16xi32>
      %or3A_747 = arith.ori %and3A_654, %or3A_746 : vector<16xi32>
      %mul3A_748 = arith.constant 48 : i32
      %mul3A_749 = vector.broadcast %mul3A_748 : i32 to vector<16xi32>
      %mul3A_750 = arith.muli %or3A_747, %mul3A_749 : vector<16xi32>
      %gather3A_751 = tpu.vector_load_idx %arg9[%mul3A_750] : memref<24576xf32, #tpu.memory_space<vmem>>[vector<16xi32>], vector<16xf32>,
      %sub3A_752 = arith.subf %gather3A, %gather3A_751 : vector<16xf32>
      %add3A_753 = arith.constant 16 : i32
      %add3A_754 = vector.broadcast %add3A_753 : i32 to vector<16xi32>
      %add3A_755 = arith.addi %mul3A_750, %add3A_754 : vector<16xi32>
      %gather3A_756 = tpu.vector_load_idx %arg9[%add3A_755] : memref<24576xf32, #tpu.memory_space<vmem>>[vector<16xi32>], vector<16xf32>,
      %sub3A_757 = arith.subf %gather3A_24, %gather3A_756 : vector<16xf32>
      %add3A_758 = arith.constant 32 : i32
      %add3A_759 = vector.broadcast %add3A_758 : i32 to vector<16xi32>
      %add3A_760 = arith.addi %mul3A_750, %add3A_759 : vector<16xi32>
      %gather3A_761 = tpu.vector_load_idx %arg9[%add3A_760] : memref<24576xf32, #tpu.memory_space<vmem>>[vector<16xi32>], vector<16xf32>,
      %sub3A_762 = arith.subf %gather3A_28, %gather3A_761 : vector<16xf32>
      %mul3A_763 = arith.mulf %sub3A_752, %sub3A_752 : vector<16xf32>
      %mul3A_764 = arith.mulf %sub3A_757, %sub3A_757 : vector<16xf32>
      %add3A_765 = arith.addf %mul3A_763, %mul3A_764 : vector<16xf32>
      %mul3A_766 = arith.mulf %sub3A_762, %sub3A_762 : vector<16xf32>
      %add3A_767 = arith.addf %add3A_765, %mul3A_766 : vector<16xf32>
      %bitcast3A_768 = vector.bitcast %add3A_767 : vector<16xf32> to vector<16xi32>
      %and3A_769 = vector.broadcast %scan3A : i32 to vector<16xi32>
      %and3A_770 = arith.andi %bitcast3A_768, %and3A_769 : vector<16xi32>
      %bitcast3A_771 = vector.bitcast %or3A_747 : vector<16xi32> to vector<16xi32>
      %or3A_772 = arith.ori %and3A_770, %bitcast3A_771 : vector<16xi32>
      %eq3A_773 = arith.cmpi eq, %or3A_772, %min3A_40 : vector<16xi32>
      %select_n3A_774 = arith.select %eq3A_773, %broadcast_in_dim3A_4, %or3A_772 : vector<16xi1>, vector<16xi32>
      %and3A_775 = arith.constant 508 : i32
      %and3A_776 = vector.broadcast %and3A_775 : i32 to vector<16xi32>
      %and3A_777 = arith.andi %min3A_41, %and3A_776 : vector<16xi32>
      %or3A_778 = arith.constant 0 : i32
      %or3A_779 = vector.broadcast %or3A_778 : i32 to vector<16xi32>
      %or3A_780 = arith.ori %and3A_777, %or3A_779 : vector<16xi32>
      %mul3A_781 = arith.constant 48 : i32
      %mul3A_782 = vector.broadcast %mul3A_781 : i32 to vector<16xi32>
      %mul3A_783 = arith.muli %or3A_780, %mul3A_782 : vector<16xi32>
      %gather3A_784 = tpu.vector_load_idx %arg9[%mul3A_783] : memref<24576xf32, #tpu.memory_space<vmem>>[vector<16xi32>], vector<16xf32>,
      %sub3A_785 = arith.subf %gather3A, %gather3A_784 : vector<16xf32>
      %add3A_786 = arith.constant 16 : i32
      %add3A_787 = vector.broadcast %add3A_786 : i32 to vector<16xi32>
      %add3A_788 = arith.addi %mul3A_783, %add3A_787 : vector<16xi32>
      %gather3A_789 = tpu.vector_load_idx %arg9[%add3A_788] : memref<24576xf32, #tpu.memory_space<vmem>>[vector<16xi32>], vector<16xf32>,
      %sub3A_790 = arith.subf %gather3A_24, %gather3A_789 : vector<16xf32>
      %add3A_791 = arith.constant 32 : i32
      %add3A_792 = vector.broadcast %add3A_791 : i32 to vector<16xi32>
      %add3A_793 = arith.addi %mul3A_783, %add3A_792 : vector<16xi32>
      %gather3A_794 = tpu.vector_load_idx %arg9[%add3A_793] : memref<24576xf32, #tpu.memory_space<vmem>>[vector<16xi32>], vector<16xf32>,
      %sub3A_795 = arith.subf %gather3A_28, %gather3A_794 : vector<16xf32>
      %mul3A_796 = arith.mulf %sub3A_785, %sub3A_785 : vector<16xf32>
      %mul3A_797 = arith.mulf %sub3A_790, %sub3A_790 : vector<16xf32>
      %add3A_798 = arith.addf %mul3A_796, %mul3A_797 : vector<16xf32>
      %mul3A_799 = arith.mulf %sub3A_795, %sub3A_795 : vector<16xf32>
      %add3A_800 = arith.addf %add3A_798, %mul3A_799 : vector<16xf32>
      %bitcast3A_801 = vector.bitcast %add3A_800 : vector<16xf32> to vector<16xi32>
      %and3A_802 = vector.broadcast %scan3A : i32 to vector<16xi32>
      %and3A_803 = arith.andi %bitcast3A_801, %and3A_802 : vector<16xi32>
      %bitcast3A_804 = vector.bitcast %or3A_780 : vector<16xi32> to vector<16xi32>
      %or3A_805 = arith.ori %and3A_803, %bitcast3A_804 : vector<16xi32>
      %eq3A_806 = arith.cmpi eq, %or3A_805, %min3A_41 : vector<16xi32>
      %select_n3A_807 = arith.select %eq3A_806, %broadcast_in_dim3A_4, %or3A_805 : vector<16xi1>, vector<16xi32>
      %or3A_808 = arith.constant 1 : i32
      %or3A_809 = vector.broadcast %or3A_808 : i32 to vector<16xi32>
      %or3A_810 = arith.ori %and3A_777, %or3A_809 : vector<16xi32>
      %mul3A_811 = arith.constant 48 : i32
      %mul3A_812 = vector.broadcast %mul3A_811 : i32 to vector<16xi32>
      %mul3A_813 = arith.muli %or3A_810, %mul3A_812 : vector<16xi32>
      %gather3A_814 = tpu.vector_load_idx %arg9[%mul3A_813] : memref<24576xf32, #tpu.memory_space<vmem>>[vector<16xi32>], vector<16xf32>,
      %sub3A_815 = arith.subf %gather3A, %gather3A_814 : vector<16xf32>
      %add3A_816 = arith.constant 16 : i32
      %add3A_817 = vector.broadcast %add3A_816 : i32 to vector<16xi32>
      %add3A_818 = arith.addi %mul3A_813, %add3A_817 : vector<16xi32>
      %gather3A_819 = tpu.vector_load_idx %arg9[%add3A_818] : memref<24576xf32, #tpu.memory_space<vmem>>[vector<16xi32>], vector<16xf32>,
      %sub3A_820 = arith.subf %gather3A_24, %gather3A_819 : vector<16xf32>
      %add3A_821 = arith.constant 32 : i32
      %add3A_822 = vector.broadcast %add3A_821 : i32 to vector<16xi32>
      %add3A_823 = arith.addi %mul3A_813, %add3A_822 : vector<16xi32>
      %gather3A_824 = tpu.vector_load_idx %arg9[%add3A_823] : memref<24576xf32, #tpu.memory_space<vmem>>[vector<16xi32>], vector<16xf32>,
      %sub3A_825 = arith.subf %gather3A_28, %gather3A_824 : vector<16xf32>
      %mul3A_826 = arith.mulf %sub3A_815, %sub3A_815 : vector<16xf32>
      %mul3A_827 = arith.mulf %sub3A_820, %sub3A_820 : vector<16xf32>
      %add3A_828 = arith.addf %mul3A_826, %mul3A_827 : vector<16xf32>
      %mul3A_829 = arith.mulf %sub3A_825, %sub3A_825 : vector<16xf32>
      %add3A_830 = arith.addf %add3A_828, %mul3A_829 : vector<16xf32>
      %bitcast3A_831 = vector.bitcast %add3A_830 : vector<16xf32> to vector<16xi32>
      %and3A_832 = vector.broadcast %scan3A : i32 to vector<16xi32>
      %and3A_833 = arith.andi %bitcast3A_831, %and3A_832 : vector<16xi32>
      %bitcast3A_834 = vector.bitcast %or3A_810 : vector<16xi32> to vector<16xi32>
      %or3A_835 = arith.ori %and3A_833, %bitcast3A_834 : vector<16xi32>
      %eq3A_836 = arith.cmpi eq, %or3A_835, %min3A_41 : vector<16xi32>
      %select_n3A_837 = arith.select %eq3A_836, %broadcast_in_dim3A_4, %or3A_835 : vector<16xi1>, vector<16xi32>
      %or3A_838 = arith.constant 2 : i32
      %or3A_839 = vector.broadcast %or3A_838 : i32 to vector<16xi32>
      %or3A_840 = arith.ori %and3A_777, %or3A_839 : vector<16xi32>
      %mul3A_841 = arith.constant 48 : i32
      %mul3A_842 = vector.broadcast %mul3A_841 : i32 to vector<16xi32>
      %mul3A_843 = arith.muli %or3A_840, %mul3A_842 : vector<16xi32>
      %gather3A_844 = tpu.vector_load_idx %arg9[%mul3A_843] : memref<24576xf32, #tpu.memory_space<vmem>>[vector<16xi32>], vector<16xf32>,
      %sub3A_845 = arith.subf %gather3A, %gather3A_844 : vector<16xf32>
      %add3A_846 = arith.constant 16 : i32
      %add3A_847 = vector.broadcast %add3A_846 : i32 to vector<16xi32>
      %add3A_848 = arith.addi %mul3A_843, %add3A_847 : vector<16xi32>
      %gather3A_849 = tpu.vector_load_idx %arg9[%add3A_848] : memref<24576xf32, #tpu.memory_space<vmem>>[vector<16xi32>], vector<16xf32>,
      %sub3A_850 = arith.subf %gather3A_24, %gather3A_849 : vector<16xf32>
      %add3A_851 = arith.constant 32 : i32
      %add3A_852 = vector.broadcast %add3A_851 : i32 to vector<16xi32>
      %add3A_853 = arith.addi %mul3A_843, %add3A_852 : vector<16xi32>
      %gather3A_854 = tpu.vector_load_idx %arg9[%add3A_853] : memref<24576xf32, #tpu.memory_space<vmem>>[vector<16xi32>], vector<16xf32>,
      %sub3A_855 = arith.subf %gather3A_28, %gather3A_854 : vector<16xf32>
      %mul3A_856 = arith.mulf %sub3A_845, %sub3A_845 : vector<16xf32>
      %mul3A_857 = arith.mulf %sub3A_850, %sub3A_850 : vector<16xf32>
      %add3A_858 = arith.addf %mul3A_856, %mul3A_857 : vector<16xf32>
      %mul3A_859 = arith.mulf %sub3A_855, %sub3A_855 : vector<16xf32>
      %add3A_860 = arith.addf %add3A_858, %mul3A_859 : vector<16xf32>
      %bitcast3A_861 = vector.bitcast %add3A_860 : vector<16xf32> to vector<16xi32>
      %and3A_862 = vector.broadcast %scan3A : i32 to vector<16xi32>
      %and3A_863 = arith.andi %bitcast3A_861, %and3A_862 : vector<16xi32>
      %bitcast3A_864 = vector.bitcast %or3A_840 : vector<16xi32> to vector<16xi32>
      %or3A_865 = arith.ori %and3A_863, %bitcast3A_864 : vector<16xi32>
      %eq3A_866 = arith.cmpi eq, %or3A_865, %min3A_41 : vector<16xi32>
      %select_n3A_867 = arith.select %eq3A_866, %broadcast_in_dim3A_4, %or3A_865 : vector<16xi1>, vector<16xi32>
      %or3A_868 = arith.constant 3 : i32
      %or3A_869 = vector.broadcast %or3A_868 : i32 to vector<16xi32>
      %or3A_870 = arith.ori %and3A_777, %or3A_869 : vector<16xi32>
      %mul3A_871 = arith.constant 48 : i32
      %mul3A_872 = vector.broadcast %mul3A_871 : i32 to vector<16xi32>
      %mul3A_873 = arith.muli %or3A_870, %mul3A_872 : vector<16xi32>
      %gather3A_874 = tpu.vector_load_idx %arg9[%mul3A_873] : memref<24576xf32, #tpu.memory_space<vmem>>[vector<16xi32>], vector<16xf32>,
      %sub3A_875 = arith.subf %gather3A, %gather3A_874 : vector<16xf32>
      %add3A_876 = arith.constant 16 : i32
      %add3A_877 = vector.broadcast %add3A_876 : i32 to vector<16xi32>
      %add3A_878 = arith.addi %mul3A_873, %add3A_877 : vector<16xi32>
      %gather3A_879 = tpu.vector_load_idx %arg9[%add3A_878] : memref<24576xf32, #tpu.memory_space<vmem>>[vector<16xi32>], vector<16xf32>,
      %sub3A_880 = arith.subf %gather3A_24, %gather3A_879 : vector<16xf32>
      %add3A_881 = arith.constant 32 : i32
      %add3A_882 = vector.broadcast %add3A_881 : i32 to vector<16xi32>
      %add3A_883 = arith.addi %mul3A_873, %add3A_882 : vector<16xi32>
      %gather3A_884 = tpu.vector_load_idx %arg9[%add3A_883] : memref<24576xf32, #tpu.memory_space<vmem>>[vector<16xi32>], vector<16xf32>,
      %sub3A_885 = arith.subf %gather3A_28, %gather3A_884 : vector<16xf32>
      %mul3A_886 = arith.mulf %sub3A_875, %sub3A_875 : vector<16xf32>
      %mul3A_887 = arith.mulf %sub3A_880, %sub3A_880 : vector<16xf32>
      %add3A_888 = arith.addf %mul3A_886, %mul3A_887 : vector<16xf32>
      %mul3A_889 = arith.mulf %sub3A_885, %sub3A_885 : vector<16xf32>
      %add3A_890 = arith.addf %add3A_888, %mul3A_889 : vector<16xf32>
      %bitcast3A_891 = vector.bitcast %add3A_890 : vector<16xf32> to vector<16xi32>
      %and3A_892 = vector.broadcast %scan3A : i32 to vector<16xi32>
      %and3A_893 = arith.andi %bitcast3A_891, %and3A_892 : vector<16xi32>
      %bitcast3A_894 = vector.bitcast %or3A_870 : vector<16xi32> to vector<16xi32>
      %or3A_895 = arith.ori %and3A_893, %bitcast3A_894 : vector<16xi32>
      %eq3A_896 = arith.cmpi eq, %or3A_895, %min3A_41 : vector<16xi32>
      %select_n3A_897 = arith.select %eq3A_896, %broadcast_in_dim3A_4, %or3A_895 : vector<16xi1>, vector<16xi32>
      %and3A_898 = arith.constant 508 : i32
      %and3A_899 = vector.broadcast %and3A_898 : i32 to vector<16xi32>
      %and3A_900 = arith.andi %min3A_42, %and3A_899 : vector<16xi32>
      %or3A_901 = arith.constant 0 : i32
      %or3A_902 = vector.broadcast %or3A_901 : i32 to vector<16xi32>
      %or3A_903 = arith.ori %and3A_900, %or3A_902 : vector<16xi32>
      %mul3A_904 = arith.constant 48 : i32
      %mul3A_905 = vector.broadcast %mul3A_904 : i32 to vector<16xi32>
      %mul3A_906 = arith.muli %or3A_903, %mul3A_905 : vector<16xi32>
      %gather3A_907 = tpu.vector_load_idx %arg9[%mul3A_906] : memref<24576xf32, #tpu.memory_space<vmem>>[vector<16xi32>], vector<16xf32>,
      %sub3A_908 = arith.subf %gather3A, %gather3A_907 : vector<16xf32>
      %add3A_909 = arith.constant 16 : i32
      %add3A_910 = vector.broadcast %add3A_909 : i32 to vector<16xi32>
      %add3A_911 = arith.addi %mul3A_906, %add3A_910 : vector<16xi32>
      %gather3A_912 = tpu.vector_load_idx %arg9[%add3A_911] : memref<24576xf32, #tpu.memory_space<vmem>>[vector<16xi32>], vector<16xf32>,
      %sub3A_913 = arith.subf %gather3A_24, %gather3A_912 : vector<16xf32>
      %add3A_914 = arith.constant 32 : i32
      %add3A_915 = vector.broadcast %add3A_914 : i32 to vector<16xi32>
      %add3A_916 = arith.addi %mul3A_906, %add3A_915 : vector<16xi32>
      %gather3A_917 = tpu.vector_load_idx %arg9[%add3A_916] : memref<24576xf32, #tpu.memory_space<vmem>>[vector<16xi32>], vector<16xf32>,
      %sub3A_918 = arith.subf %gather3A_28, %gather3A_917 : vector<16xf32>
      %mul3A_919 = arith.mulf %sub3A_908, %sub3A_908 : vector<16xf32>
      %mul3A_920 = arith.mulf %sub3A_913, %sub3A_913 : vector<16xf32>
      %add3A_921 = arith.addf %mul3A_919, %mul3A_920 : vector<16xf32>
      %mul3A_922 = arith.mulf %sub3A_918, %sub3A_918 : vector<16xf32>
      %add3A_923 = arith.addf %add3A_921, %mul3A_922 : vector<16xf32>
      %bitcast3A_924 = vector.bitcast %add3A_923 : vector<16xf32> to vector<16xi32>
      %and3A_925 = vector.broadcast %scan3A : i32 to vector<16xi32>
      %and3A_926 = arith.andi %bitcast3A_924, %and3A_925 : vector<16xi32>
      %bitcast3A_927 = vector.bitcast %or3A_903 : vector<16xi32> to vector<16xi32>
      %or3A_928 = arith.ori %and3A_926, %bitcast3A_927 : vector<16xi32>
      %eq3A_929 = arith.cmpi eq, %or3A_928, %min3A_42 : vector<16xi32>
      %select_n3A_930 = arith.select %eq3A_929, %broadcast_in_dim3A_4, %or3A_928 : vector<16xi1>, vector<16xi32>
      %or3A_931 = arith.constant 1 : i32
      %or3A_932 = vector.broadcast %or3A_931 : i32 to vector<16xi32>
      %or3A_933 = arith.ori %and3A_900, %or3A_932 : vector<16xi32>
      %mul3A_934 = arith.constant 48 : i32
      %mul3A_935 = vector.broadcast %mul3A_934 : i32 to vector<16xi32>
      %mul3A_936 = arith.muli %or3A_933, %mul3A_935 : vector<16xi32>
      %gather3A_937 = tpu.vector_load_idx %arg9[%mul3A_936] : memref<24576xf32, #tpu.memory_space<vmem>>[vector<16xi32>], vector<16xf32>,
      %sub3A_938 = arith.subf %gather3A, %gather3A_937 : vector<16xf32>
      %add3A_939 = arith.constant 16 : i32
      %add3A_940 = vector.broadcast %add3A_939 : i32 to vector<16xi32>
      %add3A_941 = arith.addi %mul3A_936, %add3A_940 : vector<16xi32>
      %gather3A_942 = tpu.vector_load_idx %arg9[%add3A_941] : memref<24576xf32, #tpu.memory_space<vmem>>[vector<16xi32>], vector<16xf32>,
      %sub3A_943 = arith.subf %gather3A_24, %gather3A_942 : vector<16xf32>
      %add3A_944 = arith.constant 32 : i32
      %add3A_945 = vector.broadcast %add3A_944 : i32 to vector<16xi32>
      %add3A_946 = arith.addi %mul3A_936, %add3A_945 : vector<16xi32>
      %gather3A_947 = tpu.vector_load_idx %arg9[%add3A_946] : memref<24576xf32, #tpu.memory_space<vmem>>[vector<16xi32>], vector<16xf32>,
      %sub3A_948 = arith.subf %gather3A_28, %gather3A_947 : vector<16xf32>
      %mul3A_949 = arith.mulf %sub3A_938, %sub3A_938 : vector<16xf32>
      %mul3A_950 = arith.mulf %sub3A_943, %sub3A_943 : vector<16xf32>
      %add3A_951 = arith.addf %mul3A_949, %mul3A_950 : vector<16xf32>
      %mul3A_952 = arith.mulf %sub3A_948, %sub3A_948 : vector<16xf32>
      %add3A_953 = arith.addf %add3A_951, %mul3A_952 : vector<16xf32>
      %bitcast3A_954 = vector.bitcast %add3A_953 : vector<16xf32> to vector<16xi32>
      %and3A_955 = vector.broadcast %scan3A : i32 to vector<16xi32>
      %and3A_956 = arith.andi %bitcast3A_954, %and3A_955 : vector<16xi32>
      %bitcast3A_957 = vector.bitcast %or3A_933 : vector<16xi32> to vector<16xi32>
      %or3A_958 = arith.ori %and3A_956, %bitcast3A_957 : vector<16xi32>
      %eq3A_959 = arith.cmpi eq, %or3A_958, %min3A_42 : vector<16xi32>
      %select_n3A_960 = arith.select %eq3A_959, %broadcast_in_dim3A_4, %or3A_958 : vector<16xi1>, vector<16xi32>
      %or3A_961 = arith.constant 2 : i32
      %or3A_962 = vector.broadcast %or3A_961 : i32 to vector<16xi32>
      %or3A_963 = arith.ori %and3A_900, %or3A_962 : vector<16xi32>
      %mul3A_964 = arith.constant 48 : i32
      %mul3A_965 = vector.broadcast %mul3A_964 : i32 to vector<16xi32>
      %mul3A_966 = arith.muli %or3A_963, %mul3A_965 : vector<16xi32>
      %gather3A_967 = tpu.vector_load_idx %arg9[%mul3A_966] : memref<24576xf32, #tpu.memory_space<vmem>>[vector<16xi32>], vector<16xf32>,
      %sub3A_968 = arith.subf %gather3A, %gather3A_967 : vector<16xf32>
      %add3A_969 = arith.constant 16 : i32
      %add3A_970 = vector.broadcast %add3A_969 : i32 to vector<16xi32>
      %add3A_971 = arith.addi %mul3A_966, %add3A_970 : vector<16xi32>
      %gather3A_972 = tpu.vector_load_idx %arg9[%add3A_971] : memref<24576xf32, #tpu.memory_space<vmem>>[vector<16xi32>], vector<16xf32>,
      %sub3A_973 = arith.subf %gather3A_24, %gather3A_972 : vector<16xf32>
      %add3A_974 = arith.constant 32 : i32
      %add3A_975 = vector.broadcast %add3A_974 : i32 to vector<16xi32>
      %add3A_976 = arith.addi %mul3A_966, %add3A_975 : vector<16xi32>
      %gather3A_977 = tpu.vector_load_idx %arg9[%add3A_976] : memref<24576xf32, #tpu.memory_space<vmem>>[vector<16xi32>], vector<16xf32>,
      %sub3A_978 = arith.subf %gather3A_28, %gather3A_977 : vector<16xf32>
      %mul3A_979 = arith.mulf %sub3A_968, %sub3A_968 : vector<16xf32>
      %mul3A_980 = arith.mulf %sub3A_973, %sub3A_973 : vector<16xf32>
      %add3A_981 = arith.addf %mul3A_979, %mul3A_980 : vector<16xf32>
      %mul3A_982 = arith.mulf %sub3A_978, %sub3A_978 : vector<16xf32>
      %add3A_983 = arith.addf %add3A_981, %mul3A_982 : vector<16xf32>
      %bitcast3A_984 = vector.bitcast %add3A_983 : vector<16xf32> to vector<16xi32>
      %and3A_985 = vector.broadcast %scan3A : i32 to vector<16xi32>
      %and3A_986 = arith.andi %bitcast3A_984, %and3A_985 : vector<16xi32>
      %bitcast3A_987 = vector.bitcast %or3A_963 : vector<16xi32> to vector<16xi32>
      %or3A_988 = arith.ori %and3A_986, %bitcast3A_987 : vector<16xi32>
      %eq3A_989 = arith.cmpi eq, %or3A_988, %min3A_42 : vector<16xi32>
      %select_n3A_990 = arith.select %eq3A_989, %broadcast_in_dim3A_4, %or3A_988 : vector<16xi1>, vector<16xi32>
      %or3A_991 = arith.constant 3 : i32
      %or3A_992 = vector.broadcast %or3A_991 : i32 to vector<16xi32>
      %or3A_993 = arith.ori %and3A_900, %or3A_992 : vector<16xi32>
      %mul3A_994 = arith.constant 48 : i32
      %mul3A_995 = vector.broadcast %mul3A_994 : i32 to vector<16xi32>
      %mul3A_996 = arith.muli %or3A_993, %mul3A_995 : vector<16xi32>
      %gather3A_997 = tpu.vector_load_idx %arg9[%mul3A_996] : memref<24576xf32, #tpu.memory_space<vmem>>[vector<16xi32>], vector<16xf32>,
      %sub3A_998 = arith.subf %gather3A, %gather3A_997 : vector<16xf32>
      %add3A_999 = arith.constant 16 : i32
      %add3A_1000 = vector.broadcast %add3A_999 : i32 to vector<16xi32>
      %add3A_1001 = arith.addi %mul3A_996, %add3A_1000 : vector<16xi32>
      %gather3A_1002 = tpu.vector_load_idx %arg9[%add3A_1001] : memref<24576xf32, #tpu.memory_space<vmem>>[vector<16xi32>], vector<16xf32>,
      %sub3A_1003 = arith.subf %gather3A_24, %gather3A_1002 : vector<16xf32>
      %add3A_1004 = arith.constant 32 : i32
      %add3A_1005 = vector.broadcast %add3A_1004 : i32 to vector<16xi32>
      %add3A_1006 = arith.addi %mul3A_996, %add3A_1005 : vector<16xi32>
      %gather3A_1007 = tpu.vector_load_idx %arg9[%add3A_1006] : memref<24576xf32, #tpu.memory_space<vmem>>[vector<16xi32>], vector<16xf32>,
      %sub3A_1008 = arith.subf %gather3A_28, %gather3A_1007 : vector<16xf32>
      %mul3A_1009 = arith.mulf %sub3A_998, %sub3A_998 : vector<16xf32>
      %mul3A_1010 = arith.mulf %sub3A_1003, %sub3A_1003 : vector<16xf32>
      %add3A_1011 = arith.addf %mul3A_1009, %mul3A_1010 : vector<16xf32>
      %mul3A_1012 = arith.mulf %sub3A_1008, %sub3A_1008 : vector<16xf32>
      %add3A_1013 = arith.addf %add3A_1011, %mul3A_1012 : vector<16xf32>
      %bitcast3A_1014 = vector.bitcast %add3A_1013 : vector<16xf32> to vector<16xi32>
      %and3A_1015 = vector.broadcast %scan3A : i32 to vector<16xi32>
      %and3A_1016 = arith.andi %bitcast3A_1014, %and3A_1015 : vector<16xi32>
      %bitcast3A_1017 = vector.bitcast %or3A_993 : vector<16xi32> to vector<16xi32>
      %or3A_1018 = arith.ori %and3A_1016, %bitcast3A_1017 : vector<16xi32>
      %eq3A_1019 = arith.cmpi eq, %or3A_1018, %min3A_42 : vector<16xi32>
      %select_n3A_1020 = arith.select %eq3A_1019, %broadcast_in_dim3A_4, %or3A_1018 : vector<16xi1>, vector<16xi32>
      %min3A_1021 = arith.minui %min3A_35, %select_n3A : vector<16xi32>
      %max3A = arith.maxui %min3A_35, %select_n3A : vector<16xi32>
      %min3A_1022 = arith.minui %min3A_36, %max3A : vector<16xi32>
      %max3A_1023 = arith.maxui %min3A_36, %max3A : vector<16xi32>
      %min3A_1024 = arith.minui %min3A_37, %max3A_1023 : vector<16xi32>
      %max3A_1025 = arith.maxui %min3A_37, %max3A_1023 : vector<16xi32>
      %min3A_1026 = arith.minui %min3A_38, %max3A_1025 : vector<16xi32>
      %max3A_1027 = arith.maxui %min3A_38, %max3A_1025 : vector<16xi32>
      %min3A_1028 = arith.minui %min3A_39, %max3A_1027 : vector<16xi32>
      %max3A_1029 = arith.maxui %min3A_39, %max3A_1027 : vector<16xi32>
      %min3A_1030 = arith.minui %min3A_40, %max3A_1029 : vector<16xi32>
      %max3A_1031 = arith.maxui %min3A_40, %max3A_1029 : vector<16xi32>
      %min3A_1032 = arith.minui %min3A_41, %max3A_1031 : vector<16xi32>
      %max3A_1033 = arith.maxui %min3A_41, %max3A_1031 : vector<16xi32>
      %min3A_1034 = arith.minui %min3A_42, %max3A_1033 : vector<16xi32>
      %max3A_1035 = arith.maxui %min3A_42, %max3A_1033 : vector<16xi32>
      %min3A_1036 = arith.minui %min3A_1021, %select_n3A_99 : vector<16xi32>
      %max3A_1037 = arith.maxui %min3A_1021, %select_n3A_99 : vector<16xi32>
      %min3A_1038 = arith.minui %min3A_1022, %max3A_1037 : vector<16xi32>
      %max3A_1039 = arith.maxui %min3A_1022, %max3A_1037 : vector<16xi32>
      %min3A_1040 = arith.minui %min3A_1024, %max3A_1039 : vector<16xi32>
      %max3A_1041 = arith.maxui %min3A_1024, %max3A_1039 : vector<16xi32>
      %min3A_1042 = arith.minui %min3A_1026, %max3A_1041 : vector<16xi32>
      %max3A_1043 = arith.maxui %min3A_1026, %max3A_1041 : vector<16xi32>
      %min3A_1044 = arith.minui %min3A_1028, %max3A_1043 : vector<16xi32>
      %max3A_1045 = arith.maxui %min3A_1028, %max3A_1043 : vector<16xi32>
      %min3A_1046 = arith.minui %min3A_1030, %max3A_1045 : vector<16xi32>
      %max3A_1047 = arith.maxui %min3A_1030, %max3A_1045 : vector<16xi32>
      %min3A_1048 = arith.minui %min3A_1032, %max3A_1047 : vector<16xi32>
      %max3A_1049 = arith.maxui %min3A_1032, %max3A_1047 : vector<16xi32>
      %min3A_1050 = arith.minui %min3A_1034, %max3A_1049 : vector<16xi32>
      %max3A_1051 = arith.maxui %min3A_1034, %max3A_1049 : vector<16xi32>
      %min3A_1052 = arith.minui %min3A_1036, %select_n3A_129 : vector<16xi32>
      %max3A_1053 = arith.maxui %min3A_1036, %select_n3A_129 : vector<16xi32>
      %min3A_1054 = arith.minui %min3A_1038, %max3A_1053 : vector<16xi32>
      %max3A_1055 = arith.maxui %min3A_1038, %max3A_1053 : vector<16xi32>
      %min3A_1056 = arith.minui %min3A_1040, %max3A_1055 : vector<16xi32>
      %max3A_1057 = arith.maxui %min3A_1040, %max3A_1055 : vector<16xi32>
      %min3A_1058 = arith.minui %min3A_1042, %max3A_1057 : vector<16xi32>
      %max3A_1059 = arith.maxui %min3A_1042, %max3A_1057 : vector<16xi32>
      %min3A_1060 = arith.minui %min3A_1044, %max3A_1059 : vector<16xi32>
      %max3A_1061 = arith.maxui %min3A_1044, %max3A_1059 : vector<16xi32>
      %min3A_1062 = arith.minui %min3A_1046, %max3A_1061 : vector<16xi32>
      %max3A_1063 = arith.maxui %min3A_1046, %max3A_1061 : vector<16xi32>
      %min3A_1064 = arith.minui %min3A_1048, %max3A_1063 : vector<16xi32>
      %max3A_1065 = arith.maxui %min3A_1048, %max3A_1063 : vector<16xi32>
      %min3A_1066 = arith.minui %min3A_1050, %max3A_1065 : vector<16xi32>
      %max3A_1067 = arith.maxui %min3A_1050, %max3A_1065 : vector<16xi32>
      %min3A_1068 = arith.minui %min3A_1052, %select_n3A_159 : vector<16xi32>
      %max3A_1069 = arith.maxui %min3A_1052, %select_n3A_159 : vector<16xi32>
      %min3A_1070 = arith.minui %min3A_1054, %max3A_1069 : vector<16xi32>
      %max3A_1071 = arith.maxui %min3A_1054, %max3A_1069 : vector<16xi32>
      %min3A_1072 = arith.minui %min3A_1056, %max3A_1071 : vector<16xi32>
      %max3A_1073 = arith.maxui %min3A_1056, %max3A_1071 : vector<16xi32>
      %min3A_1074 = arith.minui %min3A_1058, %max3A_1073 : vector<16xi32>
      %max3A_1075 = arith.maxui %min3A_1058, %max3A_1073 : vector<16xi32>
      %min3A_1076 = arith.minui %min3A_1060, %max3A_1075 : vector<16xi32>
      %max3A_1077 = arith.maxui %min3A_1060, %max3A_1075 : vector<16xi32>
      %min3A_1078 = arith.minui %min3A_1062, %max3A_1077 : vector<16xi32>
      %max3A_1079 = arith.maxui %min3A_1062, %max3A_1077 : vector<16xi32>
      %min3A_1080 = arith.minui %min3A_1064, %max3A_1079 : vector<16xi32>
      %max3A_1081 = arith.maxui %min3A_1064, %max3A_1079 : vector<16xi32>
      %min3A_1082 = arith.minui %min3A_1066, %max3A_1081 : vector<16xi32>
      %max3A_1083 = arith.maxui %min3A_1066, %max3A_1081 : vector<16xi32>
      %min3A_1084 = arith.minui %min3A_1068, %select_n3A_192 : vector<16xi32>
      %max3A_1085 = arith.maxui %min3A_1068, %select_n3A_192 : vector<16xi32>
      %min3A_1086 = arith.minui %min3A_1070, %max3A_1085 : vector<16xi32>
      %max3A_1087 = arith.maxui %min3A_1070, %max3A_1085 : vector<16xi32>
      %min3A_1088 = arith.minui %min3A_1072, %max3A_1087 : vector<16xi32>
      %max3A_1089 = arith.maxui %min3A_1072, %max3A_1087 : vector<16xi32>
      %min3A_1090 = arith.minui %min3A_1074, %max3A_1089 : vector<16xi32>
      %max3A_1091 = arith.maxui %min3A_1074, %max3A_1089 : vector<16xi32>
      %min3A_1092 = arith.minui %min3A_1076, %max3A_1091 : vector<16xi32>
      %max3A_1093 = arith.maxui %min3A_1076, %max3A_1091 : vector<16xi32>
      %min3A_1094 = arith.minui %min3A_1078, %max3A_1093 : vector<16xi32>
      %max3A_1095 = arith.maxui %min3A_1078, %max3A_1093 : vector<16xi32>
      %min3A_1096 = arith.minui %min3A_1080, %max3A_1095 : vector<16xi32>
      %max3A_1097 = arith.maxui %min3A_1080, %max3A_1095 : vector<16xi32>
      %min3A_1098 = arith.minui %min3A_1082, %max3A_1097 : vector<16xi32>
      %max3A_1099 = arith.maxui %min3A_1082, %max3A_1097 : vector<16xi32>
      %min3A_1100 = arith.minui %min3A_1084, %select_n3A_222 : vector<16xi32>
      %max3A_1101 = arith.maxui %min3A_1084, %select_n3A_222 : vector<16xi32>
      %min3A_1102 = arith.minui %min3A_1086, %max3A_1101 : vector<16xi32>
      %max3A_1103 = arith.maxui %min3A_1086, %max3A_1101 : vector<16xi32>
      %min3A_1104 = arith.minui %min3A_1088, %max3A_1103 : vector<16xi32>
      %max3A_1105 = arith.maxui %min3A_1088, %max3A_1103 : vector<16xi32>
      %min3A_1106 = arith.minui %min3A_1090, %max3A_1105 : vector<16xi32>
      %max3A_1107 = arith.maxui %min3A_1090, %max3A_1105 : vector<16xi32>
      %min3A_1108 = arith.minui %min3A_1092, %max3A_1107 : vector<16xi32>
      %max3A_1109 = arith.maxui %min3A_1092, %max3A_1107 : vector<16xi32>
      %min3A_1110 = arith.minui %min3A_1094, %max3A_1109 : vector<16xi32>
      %max3A_1111 = arith.maxui %min3A_1094, %max3A_1109 : vector<16xi32>
      %min3A_1112 = arith.minui %min3A_1096, %max3A_1111 : vector<16xi32>
      %max3A_1113 = arith.maxui %min3A_1096, %max3A_1111 : vector<16xi32>
      %min3A_1114 = arith.minui %min3A_1098, %max3A_1113 : vector<16xi32>
      %max3A_1115 = arith.maxui %min3A_1098, %max3A_1113 : vector<16xi32>
      %min3A_1116 = arith.minui %min3A_1100, %select_n3A_252 : vector<16xi32>
      %max3A_1117 = arith.maxui %min3A_1100, %select_n3A_252 : vector<16xi32>
      %min3A_1118 = arith.minui %min3A_1102, %max3A_1117 : vector<16xi32>
      %max3A_1119 = arith.maxui %min3A_1102, %max3A_1117 : vector<16xi32>
      %min3A_1120 = arith.minui %min3A_1104, %max3A_1119 : vector<16xi32>
      %max3A_1121 = arith.maxui %min3A_1104, %max3A_1119 : vector<16xi32>
      %min3A_1122 = arith.minui %min3A_1106, %max3A_1121 : vector<16xi32>
      %max3A_1123 = arith.maxui %min3A_1106, %max3A_1121 : vector<16xi32>
      %min3A_1124 = arith.minui %min3A_1108, %max3A_1123 : vector<16xi32>
      %max3A_1125 = arith.maxui %min3A_1108, %max3A_1123 : vector<16xi32>
      %min3A_1126 = arith.minui %min3A_1110, %max3A_1125 : vector<16xi32>
      %max3A_1127 = arith.maxui %min3A_1110, %max3A_1125 : vector<16xi32>
      %min3A_1128 = arith.minui %min3A_1112, %max3A_1127 : vector<16xi32>
      %max3A_1129 = arith.maxui %min3A_1112, %max3A_1127 : vector<16xi32>
      %min3A_1130 = arith.minui %min3A_1114, %max3A_1129 : vector<16xi32>
      %max3A_1131 = arith.maxui %min3A_1114, %max3A_1129 : vector<16xi32>
      %min3A_1132 = arith.minui %min3A_1116, %select_n3A_282 : vector<16xi32>
      %max3A_1133 = arith.maxui %min3A_1116, %select_n3A_282 : vector<16xi32>
      %min3A_1134 = arith.minui %min3A_1118, %max3A_1133 : vector<16xi32>
      %max3A_1135 = arith.maxui %min3A_1118, %max3A_1133 : vector<16xi32>
      %min3A_1136 = arith.minui %min3A_1120, %max3A_1135 : vector<16xi32>
      %max3A_1137 = arith.maxui %min3A_1120, %max3A_1135 : vector<16xi32>
      %min3A_1138 = arith.minui %min3A_1122, %max3A_1137 : vector<16xi32>
      %max3A_1139 = arith.maxui %min3A_1122, %max3A_1137 : vector<16xi32>
      %min3A_1140 = arith.minui %min3A_1124, %max3A_1139 : vector<16xi32>
      %max3A_1141 = arith.maxui %min3A_1124, %max3A_1139 : vector<16xi32>
      %min3A_1142 = arith.minui %min3A_1126, %max3A_1141 : vector<16xi32>
      %max3A_1143 = arith.maxui %min3A_1126, %max3A_1141 : vector<16xi32>
      %min3A_1144 = arith.minui %min3A_1128, %max3A_1143 : vector<16xi32>
      %max3A_1145 = arith.maxui %min3A_1128, %max3A_1143 : vector<16xi32>
      %min3A_1146 = arith.minui %min3A_1130, %max3A_1145 : vector<16xi32>
      %max3A_1147 = arith.maxui %min3A_1130, %max3A_1145 : vector<16xi32>
      %min3A_1148 = arith.minui %min3A_1132, %select_n3A_315 : vector<16xi32>
      %max3A_1149 = arith.maxui %min3A_1132, %select_n3A_315 : vector<16xi32>
      %min3A_1150 = arith.minui %min3A_1134, %max3A_1149 : vector<16xi32>
      %max3A_1151 = arith.maxui %min3A_1134, %max3A_1149 : vector<16xi32>
      %min3A_1152 = arith.minui %min3A_1136, %max3A_1151 : vector<16xi32>
      %max3A_1153 = arith.maxui %min3A_1136, %max3A_1151 : vector<16xi32>
      %min3A_1154 = arith.minui %min3A_1138, %max3A_1153 : vector<16xi32>
      %max3A_1155 = arith.maxui %min3A_1138, %max3A_1153 : vector<16xi32>
      %min3A_1156 = arith.minui %min3A_1140, %max3A_1155 : vector<16xi32>
      %max3A_1157 = arith.maxui %min3A_1140, %max3A_1155 : vector<16xi32>
      %min3A_1158 = arith.minui %min3A_1142, %max3A_1157 : vector<16xi32>
      %max3A_1159 = arith.maxui %min3A_1142, %max3A_1157 : vector<16xi32>
      %min3A_1160 = arith.minui %min3A_1144, %max3A_1159 : vector<16xi32>
      %max3A_1161 = arith.maxui %min3A_1144, %max3A_1159 : vector<16xi32>
      %min3A_1162 = arith.minui %min3A_1146, %max3A_1161 : vector<16xi32>
      %max3A_1163 = arith.maxui %min3A_1146, %max3A_1161 : vector<16xi32>
      %min3A_1164 = arith.minui %min3A_1148, %select_n3A_345 : vector<16xi32>
      %max3A_1165 = arith.maxui %min3A_1148, %select_n3A_345 : vector<16xi32>
      %min3A_1166 = arith.minui %min3A_1150, %max3A_1165 : vector<16xi32>
      %max3A_1167 = arith.maxui %min3A_1150, %max3A_1165 : vector<16xi32>
      %min3A_1168 = arith.minui %min3A_1152, %max3A_1167 : vector<16xi32>
      %max3A_1169 = arith.maxui %min3A_1152, %max3A_1167 : vector<16xi32>
      %min3A_1170 = arith.minui %min3A_1154, %max3A_1169 : vector<16xi32>
      %max3A_1171 = arith.maxui %min3A_1154, %max3A_1169 : vector<16xi32>
      %min3A_1172 = arith.minui %min3A_1156, %max3A_1171 : vector<16xi32>
      %max3A_1173 = arith.maxui %min3A_1156, %max3A_1171 : vector<16xi32>
      %min3A_1174 = arith.minui %min3A_1158, %max3A_1173 : vector<16xi32>
      %max3A_1175 = arith.maxui %min3A_1158, %max3A_1173 : vector<16xi32>
      %min3A_1176 = arith.minui %min3A_1160, %max3A_1175 : vector<16xi32>
      %max3A_1177 = arith.maxui %min3A_1160, %max3A_1175 : vector<16xi32>
      %min3A_1178 = arith.minui %min3A_1162, %max3A_1177 : vector<16xi32>
      %max3A_1179 = arith.maxui %min3A_1162, %max3A_1177 : vector<16xi32>
      %min3A_1180 = arith.minui %min3A_1164, %select_n3A_375 : vector<16xi32>
      %max3A_1181 = arith.maxui %min3A_1164, %select_n3A_375 : vector<16xi32>
      %min3A_1182 = arith.minui %min3A_1166, %max3A_1181 : vector<16xi32>
      %max3A_1183 = arith.maxui %min3A_1166, %max3A_1181 : vector<16xi32>
      %min3A_1184 = arith.minui %min3A_1168, %max3A_1183 : vector<16xi32>
      %max3A_1185 = arith.maxui %min3A_1168, %max3A_1183 : vector<16xi32>
      %min3A_1186 = arith.minui %min3A_1170, %max3A_1185 : vector<16xi32>
      %max3A_1187 = arith.maxui %min3A_1170, %max3A_1185 : vector<16xi32>
      %min3A_1188 = arith.minui %min3A_1172, %max3A_1187 : vector<16xi32>
      %max3A_1189 = arith.maxui %min3A_1172, %max3A_1187 : vector<16xi32>
      %min3A_1190 = arith.minui %min3A_1174, %max3A_1189 : vector<16xi32>
      %max3A_1191 = arith.maxui %min3A_1174, %max3A_1189 : vector<16xi32>
      %min3A_1192 = arith.minui %min3A_1176, %max3A_1191 : vector<16xi32>
      %max3A_1193 = arith.maxui %min3A_1176, %max3A_1191 : vector<16xi32>
      %min3A_1194 = arith.minui %min3A_1178, %max3A_1193 : vector<16xi32>
      %max3A_1195 = arith.maxui %min3A_1178, %max3A_1193 : vector<16xi32>
      %min3A_1196 = arith.minui %min3A_1180, %select_n3A_405 : vector<16xi32>
      %max3A_1197 = arith.maxui %min3A_1180, %select_n3A_405 : vector<16xi32>
      %min3A_1198 = arith.minui %min3A_1182, %max3A_1197 : vector<16xi32>
      %max3A_1199 = arith.maxui %min3A_1182, %max3A_1197 : vector<16xi32>
      %min3A_1200 = arith.minui %min3A_1184, %max3A_1199 : vector<16xi32>
      %max3A_1201 = arith.maxui %min3A_1184, %max3A_1199 : vector<16xi32>
      %min3A_1202 = arith.minui %min3A_1186, %max3A_1201 : vector<16xi32>
      %max3A_1203 = arith.maxui %min3A_1186, %max3A_1201 : vector<16xi32>
      %min3A_1204 = arith.minui %min3A_1188, %max3A_1203 : vector<16xi32>
      %max3A_1205 = arith.maxui %min3A_1188, %max3A_1203 : vector<16xi32>
      %min3A_1206 = arith.minui %min3A_1190, %max3A_1205 : vector<16xi32>
      %max3A_1207 = arith.maxui %min3A_1190, %max3A_1205 : vector<16xi32>
      %min3A_1208 = arith.minui %min3A_1192, %max3A_1207 : vector<16xi32>
      %max3A_1209 = arith.maxui %min3A_1192, %max3A_1207 : vector<16xi32>
      %min3A_1210 = arith.minui %min3A_1194, %max3A_1209 : vector<16xi32>
      %max3A_1211 = arith.maxui %min3A_1194, %max3A_1209 : vector<16xi32>
      %min3A_1212 = arith.minui %min3A_1196, %select_n3A_438 : vector<16xi32>
      %max3A_1213 = arith.maxui %min3A_1196, %select_n3A_438 : vector<16xi32>
      %min3A_1214 = arith.minui %min3A_1198, %max3A_1213 : vector<16xi32>
      %max3A_1215 = arith.maxui %min3A_1198, %max3A_1213 : vector<16xi32>
      %min3A_1216 = arith.minui %min3A_1200, %max3A_1215 : vector<16xi32>
      %max3A_1217 = arith.maxui %min3A_1200, %max3A_1215 : vector<16xi32>
      %min3A_1218 = arith.minui %min3A_1202, %max3A_1217 : vector<16xi32>
      %max3A_1219 = arith.maxui %min3A_1202, %max3A_1217 : vector<16xi32>
      %min3A_1220 = arith.minui %min3A_1204, %max3A_1219 : vector<16xi32>
      %max3A_1221 = arith.maxui %min3A_1204, %max3A_1219 : vector<16xi32>
      %min3A_1222 = arith.minui %min3A_1206, %max3A_1221 : vector<16xi32>
      %max3A_1223 = arith.maxui %min3A_1206, %max3A_1221 : vector<16xi32>
      %min3A_1224 = arith.minui %min3A_1208, %max3A_1223 : vector<16xi32>
      %max3A_1225 = arith.maxui %min3A_1208, %max3A_1223 : vector<16xi32>
      %min3A_1226 = arith.minui %min3A_1210, %max3A_1225 : vector<16xi32>
      %max3A_1227 = arith.maxui %min3A_1210, %max3A_1225 : vector<16xi32>
      %min3A_1228 = arith.minui %min3A_1212, %select_n3A_468 : vector<16xi32>
      %max3A_1229 = arith.maxui %min3A_1212, %select_n3A_468 : vector<16xi32>
      %min3A_1230 = arith.minui %min3A_1214, %max3A_1229 : vector<16xi32>
      %max3A_1231 = arith.maxui %min3A_1214, %max3A_1229 : vector<16xi32>
      %min3A_1232 = arith.minui %min3A_1216, %max3A_1231 : vector<16xi32>
      %max3A_1233 = arith.maxui %min3A_1216, %max3A_1231 : vector<16xi32>
      %min3A_1234 = arith.minui %min3A_1218, %max3A_1233 : vector<16xi32>
      %max3A_1235 = arith.maxui %min3A_1218, %max3A_1233 : vector<16xi32>
      %min3A_1236 = arith.minui %min3A_1220, %max3A_1235 : vector<16xi32>
      %max3A_1237 = arith.maxui %min3A_1220, %max3A_1235 : vector<16xi32>
      %min3A_1238 = arith.minui %min3A_1222, %max3A_1237 : vector<16xi32>
      %max3A_1239 = arith.maxui %min3A_1222, %max3A_1237 : vector<16xi32>
      %min3A_1240 = arith.minui %min3A_1224, %max3A_1239 : vector<16xi32>
      %max3A_1241 = arith.maxui %min3A_1224, %max3A_1239 : vector<16xi32>
      %min3A_1242 = arith.minui %min3A_1226, %max3A_1241 : vector<16xi32>
      %max3A_1243 = arith.maxui %min3A_1226, %max3A_1241 : vector<16xi32>
      %min3A_1244 = arith.minui %min3A_1228, %select_n3A_498 : vector<16xi32>
      %max3A_1245 = arith.maxui %min3A_1228, %select_n3A_498 : vector<16xi32>
      %min3A_1246 = arith.minui %min3A_1230, %max3A_1245 : vector<16xi32>
      %max3A_1247 = arith.maxui %min3A_1230, %max3A_1245 : vector<16xi32>
      %min3A_1248 = arith.minui %min3A_1232, %max3A_1247 : vector<16xi32>
      %max3A_1249 = arith.maxui %min3A_1232, %max3A_1247 : vector<16xi32>
      %min3A_1250 = arith.minui %min3A_1234, %max3A_1249 : vector<16xi32>
      %max3A_1251 = arith.maxui %min3A_1234, %max3A_1249 : vector<16xi32>
      %min3A_1252 = arith.minui %min3A_1236, %max3A_1251 : vector<16xi32>
      %max3A_1253 = arith.maxui %min3A_1236, %max3A_1251 : vector<16xi32>
      %min3A_1254 = arith.minui %min3A_1238, %max3A_1253 : vector<16xi32>
      %max3A_1255 = arith.maxui %min3A_1238, %max3A_1253 : vector<16xi32>
      %min3A_1256 = arith.minui %min3A_1240, %max3A_1255 : vector<16xi32>
      %max3A_1257 = arith.maxui %min3A_1240, %max3A_1255 : vector<16xi32>
      %min3A_1258 = arith.minui %min3A_1242, %max3A_1257 : vector<16xi32>
      %max3A_1259 = arith.maxui %min3A_1242, %max3A_1257 : vector<16xi32>
      %min3A_1260 = arith.minui %min3A_1244, %select_n3A_528 : vector<16xi32>
      %max3A_1261 = arith.maxui %min3A_1244, %select_n3A_528 : vector<16xi32>
      %min3A_1262 = arith.minui %min3A_1246, %max3A_1261 : vector<16xi32>
      %max3A_1263 = arith.maxui %min3A_1246, %max3A_1261 : vector<16xi32>
      %min3A_1264 = arith.minui %min3A_1248, %max3A_1263 : vector<16xi32>
      %max3A_1265 = arith.maxui %min3A_1248, %max3A_1263 : vector<16xi32>
      %min3A_1266 = arith.minui %min3A_1250, %max3A_1265 : vector<16xi32>
      %max3A_1267 = arith.maxui %min3A_1250, %max3A_1265 : vector<16xi32>
      %min3A_1268 = arith.minui %min3A_1252, %max3A_1267 : vector<16xi32>
      %max3A_1269 = arith.maxui %min3A_1252, %max3A_1267 : vector<16xi32>
      %min3A_1270 = arith.minui %min3A_1254, %max3A_1269 : vector<16xi32>
      %max3A_1271 = arith.maxui %min3A_1254, %max3A_1269 : vector<16xi32>
      %min3A_1272 = arith.minui %min3A_1256, %max3A_1271 : vector<16xi32>
      %max3A_1273 = arith.maxui %min3A_1256, %max3A_1271 : vector<16xi32>
      %min3A_1274 = arith.minui %min3A_1258, %max3A_1273 : vector<16xi32>
      %max3A_1275 = arith.maxui %min3A_1258, %max3A_1273 : vector<16xi32>
      %min3A_1276 = arith.minui %min3A_1260, %select_n3A_561 : vector<16xi32>
      %max3A_1277 = arith.maxui %min3A_1260, %select_n3A_561 : vector<16xi32>
      %min3A_1278 = arith.minui %min3A_1262, %max3A_1277 : vector<16xi32>
      %max3A_1279 = arith.maxui %min3A_1262, %max3A_1277 : vector<16xi32>
      %min3A_1280 = arith.minui %min3A_1264, %max3A_1279 : vector<16xi32>
      %max3A_1281 = arith.maxui %min3A_1264, %max3A_1279 : vector<16xi32>
      %min3A_1282 = arith.minui %min3A_1266, %max3A_1281 : vector<16xi32>
      %max3A_1283 = arith.maxui %min3A_1266, %max3A_1281 : vector<16xi32>
      %min3A_1284 = arith.minui %min3A_1268, %max3A_1283 : vector<16xi32>
      %max3A_1285 = arith.maxui %min3A_1268, %max3A_1283 : vector<16xi32>
      %min3A_1286 = arith.minui %min3A_1270, %max3A_1285 : vector<16xi32>
      %max3A_1287 = arith.maxui %min3A_1270, %max3A_1285 : vector<16xi32>
      %min3A_1288 = arith.minui %min3A_1272, %max3A_1287 : vector<16xi32>
      %max3A_1289 = arith.maxui %min3A_1272, %max3A_1287 : vector<16xi32>
      %min3A_1290 = arith.minui %min3A_1274, %max3A_1289 : vector<16xi32>
      %max3A_1291 = arith.maxui %min3A_1274, %max3A_1289 : vector<16xi32>
      %min3A_1292 = arith.minui %min3A_1276, %select_n3A_591 : vector<16xi32>
      %max3A_1293 = arith.maxui %min3A_1276, %select_n3A_591 : vector<16xi32>
      %min3A_1294 = arith.minui %min3A_1278, %max3A_1293 : vector<16xi32>
      %max3A_1295 = arith.maxui %min3A_1278, %max3A_1293 : vector<16xi32>
      %min3A_1296 = arith.minui %min3A_1280, %max3A_1295 : vector<16xi32>
      %max3A_1297 = arith.maxui %min3A_1280, %max3A_1295 : vector<16xi32>
      %min3A_1298 = arith.minui %min3A_1282, %max3A_1297 : vector<16xi32>
      %max3A_1299 = arith.maxui %min3A_1282, %max3A_1297 : vector<16xi32>
      %min3A_1300 = arith.minui %min3A_1284, %max3A_1299 : vector<16xi32>
      %max3A_1301 = arith.maxui %min3A_1284, %max3A_1299 : vector<16xi32>
      %min3A_1302 = arith.minui %min3A_1286, %max3A_1301 : vector<16xi32>
      %max3A_1303 = arith.maxui %min3A_1286, %max3A_1301 : vector<16xi32>
      %min3A_1304 = arith.minui %min3A_1288, %max3A_1303 : vector<16xi32>
      %max3A_1305 = arith.maxui %min3A_1288, %max3A_1303 : vector<16xi32>
      %min3A_1306 = arith.minui %min3A_1290, %max3A_1305 : vector<16xi32>
      %max3A_1307 = arith.maxui %min3A_1290, %max3A_1305 : vector<16xi32>
      %min3A_1308 = arith.minui %min3A_1292, %select_n3A_621 : vector<16xi32>
      %max3A_1309 = arith.maxui %min3A_1292, %select_n3A_621 : vector<16xi32>
      %min3A_1310 = arith.minui %min3A_1294, %max3A_1309 : vector<16xi32>
      %max3A_1311 = arith.maxui %min3A_1294, %max3A_1309 : vector<16xi32>
      %min3A_1312 = arith.minui %min3A_1296, %max3A_1311 : vector<16xi32>
      %max3A_1313 = arith.maxui %min3A_1296, %max3A_1311 : vector<16xi32>
      %min3A_1314 = arith.minui %min3A_1298, %max3A_1313 : vector<16xi32>
      %max3A_1315 = arith.maxui %min3A_1298, %max3A_1313 : vector<16xi32>
      %min3A_1316 = arith.minui %min3A_1300, %max3A_1315 : vector<16xi32>
      %max3A_1317 = arith.maxui %min3A_1300, %max3A_1315 : vector<16xi32>
      %min3A_1318 = arith.minui %min3A_1302, %max3A_1317 : vector<16xi32>
      %max3A_1319 = arith.maxui %min3A_1302, %max3A_1317 : vector<16xi32>
      %min3A_1320 = arith.minui %min3A_1304, %max3A_1319 : vector<16xi32>
      %max3A_1321 = arith.maxui %min3A_1304, %max3A_1319 : vector<16xi32>
      %min3A_1322 = arith.minui %min3A_1306, %max3A_1321 : vector<16xi32>
      %max3A_1323 = arith.maxui %min3A_1306, %max3A_1321 : vector<16xi32>
      %min3A_1324 = arith.minui %min3A_1308, %select_n3A_651 : vector<16xi32>
      %max3A_1325 = arith.maxui %min3A_1308, %select_n3A_651 : vector<16xi32>
      %min3A_1326 = arith.minui %min3A_1310, %max3A_1325 : vector<16xi32>
      %max3A_1327 = arith.maxui %min3A_1310, %max3A_1325 : vector<16xi32>
      %min3A_1328 = arith.minui %min3A_1312, %max3A_1327 : vector<16xi32>
      %max3A_1329 = arith.maxui %min3A_1312, %max3A_1327 : vector<16xi32>
      %min3A_1330 = arith.minui %min3A_1314, %max3A_1329 : vector<16xi32>
      %max3A_1331 = arith.maxui %min3A_1314, %max3A_1329 : vector<16xi32>
      %min3A_1332 = arith.minui %min3A_1316, %max3A_1331 : vector<16xi32>
      %max3A_1333 = arith.maxui %min3A_1316, %max3A_1331 : vector<16xi32>
      %min3A_1334 = arith.minui %min3A_1318, %max3A_1333 : vector<16xi32>
      %max3A_1335 = arith.maxui %min3A_1318, %max3A_1333 : vector<16xi32>
      %min3A_1336 = arith.minui %min3A_1320, %max3A_1335 : vector<16xi32>
      %max3A_1337 = arith.maxui %min3A_1320, %max3A_1335 : vector<16xi32>
      %min3A_1338 = arith.minui %min3A_1322, %max3A_1337 : vector<16xi32>
      %max3A_1339 = arith.maxui %min3A_1322, %max3A_1337 : vector<16xi32>
      %min3A_1340 = arith.minui %min3A_1324, %select_n3A_684 : vector<16xi32>
      %max3A_1341 = arith.maxui %min3A_1324, %select_n3A_684 : vector<16xi32>
      %min3A_1342 = arith.minui %min3A_1326, %max3A_1341 : vector<16xi32>
      %max3A_1343 = arith.maxui %min3A_1326, %max3A_1341 : vector<16xi32>
      %min3A_1344 = arith.minui %min3A_1328, %max3A_1343 : vector<16xi32>
      %max3A_1345 = arith.maxui %min3A_1328, %max3A_1343 : vector<16xi32>
      %min3A_1346 = arith.minui %min3A_1330, %max3A_1345 : vector<16xi32>
      %max3A_1347 = arith.maxui %min3A_1330, %max3A_1345 : vector<16xi32>
      %min3A_1348 = arith.minui %min3A_1332, %max3A_1347 : vector<16xi32>
      %max3A_1349 = arith.maxui %min3A_1332, %max3A_1347 : vector<16xi32>
      %min3A_1350 = arith.minui %min3A_1334, %max3A_1349 : vector<16xi32>
      %max3A_1351 = arith.maxui %min3A_1334, %max3A_1349 : vector<16xi32>
      %min3A_1352 = arith.minui %min3A_1336, %max3A_1351 : vector<16xi32>
      %max3A_1353 = arith.maxui %min3A_1336, %max3A_1351 : vector<16xi32>
      %min3A_1354 = arith.minui %min3A_1338, %max3A_1353 : vector<16xi32>
      %max3A_1355 = arith.maxui %min3A_1338, %max3A_1353 : vector<16xi32>
      %min3A_1356 = arith.minui %min3A_1340, %select_n3A_714 : vector<16xi32>
      %max3A_1357 = arith.maxui %min3A_1340, %select_n3A_714 : vector<16xi32>
      %min3A_1358 = arith.minui %min3A_1342, %max3A_1357 : vector<16xi32>
      %max3A_1359 = arith.maxui %min3A_1342, %max3A_1357 : vector<16xi32>
      %min3A_1360 = arith.minui %min3A_1344, %max3A_1359 : vector<16xi32>
      %max3A_1361 = arith.maxui %min3A_1344, %max3A_1359 : vector<16xi32>
      %min3A_1362 = arith.minui %min3A_1346, %max3A_1361 : vector<16xi32>
      %max3A_1363 = arith.maxui %min3A_1346, %max3A_1361 : vector<16xi32>
      %min3A_1364 = arith.minui %min3A_1348, %max3A_1363 : vector<16xi32>
      %max3A_1365 = arith.maxui %min3A_1348, %max3A_1363 : vector<16xi32>
      %min3A_1366 = arith.minui %min3A_1350, %max3A_1365 : vector<16xi32>
      %max3A_1367 = arith.maxui %min3A_1350, %max3A_1365 : vector<16xi32>
      %min3A_1368 = arith.minui %min3A_1352, %max3A_1367 : vector<16xi32>
      %max3A_1369 = arith.maxui %min3A_1352, %max3A_1367 : vector<16xi32>
      %min3A_1370 = arith.minui %min3A_1354, %max3A_1369 : vector<16xi32>
      %max3A_1371 = arith.maxui %min3A_1354, %max3A_1369 : vector<16xi32>
      %min3A_1372 = arith.minui %min3A_1356, %select_n3A_744 : vector<16xi32>
      %max3A_1373 = arith.maxui %min3A_1356, %select_n3A_744 : vector<16xi32>
      %min3A_1374 = arith.minui %min3A_1358, %max3A_1373 : vector<16xi32>
      %max3A_1375 = arith.maxui %min3A_1358, %max3A_1373 : vector<16xi32>
      %min3A_1376 = arith.minui %min3A_1360, %max3A_1375 : vector<16xi32>
      %max3A_1377 = arith.maxui %min3A_1360, %max3A_1375 : vector<16xi32>
      %min3A_1378 = arith.minui %min3A_1362, %max3A_1377 : vector<16xi32>
      %max3A_1379 = arith.maxui %min3A_1362, %max3A_1377 : vector<16xi32>
      %min3A_1380 = arith.minui %min3A_1364, %max3A_1379 : vector<16xi32>
      %max3A_1381 = arith.maxui %min3A_1364, %max3A_1379 : vector<16xi32>
      %min3A_1382 = arith.minui %min3A_1366, %max3A_1381 : vector<16xi32>
      %max3A_1383 = arith.maxui %min3A_1366, %max3A_1381 : vector<16xi32>
      %min3A_1384 = arith.minui %min3A_1368, %max3A_1383 : vector<16xi32>
      %max3A_1385 = arith.maxui %min3A_1368, %max3A_1383 : vector<16xi32>
      %min3A_1386 = arith.minui %min3A_1370, %max3A_1385 : vector<16xi32>
      %max3A_1387 = arith.maxui %min3A_1370, %max3A_1385 : vector<16xi32>
      %min3A_1388 = arith.minui %min3A_1372, %select_n3A_774 : vector<16xi32>
      %max3A_1389 = arith.maxui %min3A_1372, %select_n3A_774 : vector<16xi32>
      %min3A_1390 = arith.minui %min3A_1374, %max3A_1389 : vector<16xi32>
      %max3A_1391 = arith.maxui %min3A_1374, %max3A_1389 : vector<16xi32>
      %min3A_1392 = arith.minui %min3A_1376, %max3A_1391 : vector<16xi32>
      %max3A_1393 = arith.maxui %min3A_1376, %max3A_1391 : vector<16xi32>
      %min3A_1394 = arith.minui %min3A_1378, %max3A_1393 : vector<16xi32>
      %max3A_1395 = arith.maxui %min3A_1378, %max3A_1393 : vector<16xi32>
      %min3A_1396 = arith.minui %min3A_1380, %max3A_1395 : vector<16xi32>
      %max3A_1397 = arith.maxui %min3A_1380, %max3A_1395 : vector<16xi32>
      %min3A_1398 = arith.minui %min3A_1382, %max3A_1397 : vector<16xi32>
      %max3A_1399 = arith.maxui %min3A_1382, %max3A_1397 : vector<16xi32>
      %min3A_1400 = arith.minui %min3A_1384, %max3A_1399 : vector<16xi32>
      %max3A_1401 = arith.maxui %min3A_1384, %max3A_1399 : vector<16xi32>
      %min3A_1402 = arith.minui %min3A_1386, %max3A_1401 : vector<16xi32>
      %max3A_1403 = arith.maxui %min3A_1386, %max3A_1401 : vector<16xi32>
      %min3A_1404 = arith.minui %min3A_1388, %select_n3A_807 : vector<16xi32>
      %max3A_1405 = arith.maxui %min3A_1388, %select_n3A_807 : vector<16xi32>
      %min3A_1406 = arith.minui %min3A_1390, %max3A_1405 : vector<16xi32>
      %max3A_1407 = arith.maxui %min3A_1390, %max3A_1405 : vector<16xi32>
      %min3A_1408 = arith.minui %min3A_1392, %max3A_1407 : vector<16xi32>
      %max3A_1409 = arith.maxui %min3A_1392, %max3A_1407 : vector<16xi32>
      %min3A_1410 = arith.minui %min3A_1394, %max3A_1409 : vector<16xi32>
      %max3A_1411 = arith.maxui %min3A_1394, %max3A_1409 : vector<16xi32>
      %min3A_1412 = arith.minui %min3A_1396, %max3A_1411 : vector<16xi32>
      %max3A_1413 = arith.maxui %min3A_1396, %max3A_1411 : vector<16xi32>
      %min3A_1414 = arith.minui %min3A_1398, %max3A_1413 : vector<16xi32>
      %max3A_1415 = arith.maxui %min3A_1398, %max3A_1413 : vector<16xi32>
      %min3A_1416 = arith.minui %min3A_1400, %max3A_1415 : vector<16xi32>
      %max3A_1417 = arith.maxui %min3A_1400, %max3A_1415 : vector<16xi32>
      %min3A_1418 = arith.minui %min3A_1402, %max3A_1417 : vector<16xi32>
      %max3A_1419 = arith.maxui %min3A_1402, %max3A_1417 : vector<16xi32>
      %min3A_1420 = arith.minui %min3A_1404, %select_n3A_837 : vector<16xi32>
      %max3A_1421 = arith.maxui %min3A_1404, %select_n3A_837 : vector<16xi32>
      %min3A_1422 = arith.minui %min3A_1406, %max3A_1421 : vector<16xi32>
      %max3A_1423 = arith.maxui %min3A_1406, %max3A_1421 : vector<16xi32>
      %min3A_1424 = arith.minui %min3A_1408, %max3A_1423 : vector<16xi32>
      %max3A_1425 = arith.maxui %min3A_1408, %max3A_1423 : vector<16xi32>
      %min3A_1426 = arith.minui %min3A_1410, %max3A_1425 : vector<16xi32>
      %max3A_1427 = arith.maxui %min3A_1410, %max3A_1425 : vector<16xi32>
      %min3A_1428 = arith.minui %min3A_1412, %max3A_1427 : vector<16xi32>
      %max3A_1429 = arith.maxui %min3A_1412, %max3A_1427 : vector<16xi32>
      %min3A_1430 = arith.minui %min3A_1414, %max3A_1429 : vector<16xi32>
      %max3A_1431 = arith.maxui %min3A_1414, %max3A_1429 : vector<16xi32>
      %min3A_1432 = arith.minui %min3A_1416, %max3A_1431 : vector<16xi32>
      %max3A_1433 = arith.maxui %min3A_1416, %max3A_1431 : vector<16xi32>
      %min3A_1434 = arith.minui %min3A_1418, %max3A_1433 : vector<16xi32>
      %max3A_1435 = arith.maxui %min3A_1418, %max3A_1433 : vector<16xi32>
      %min3A_1436 = arith.minui %min3A_1420, %select_n3A_867 : vector<16xi32>
      %max3A_1437 = arith.maxui %min3A_1420, %select_n3A_867 : vector<16xi32>
      %min3A_1438 = arith.minui %min3A_1422, %max3A_1437 : vector<16xi32>
      %max3A_1439 = arith.maxui %min3A_1422, %max3A_1437 : vector<16xi32>
      %min3A_1440 = arith.minui %min3A_1424, %max3A_1439 : vector<16xi32>
      %max3A_1441 = arith.maxui %min3A_1424, %max3A_1439 : vector<16xi32>
      %min3A_1442 = arith.minui %min3A_1426, %max3A_1441 : vector<16xi32>
      %max3A_1443 = arith.maxui %min3A_1426, %max3A_1441 : vector<16xi32>
      %min3A_1444 = arith.minui %min3A_1428, %max3A_1443 : vector<16xi32>
      %max3A_1445 = arith.maxui %min3A_1428, %max3A_1443 : vector<16xi32>
      %min3A_1446 = arith.minui %min3A_1430, %max3A_1445 : vector<16xi32>
      %max3A_1447 = arith.maxui %min3A_1430, %max3A_1445 : vector<16xi32>
      %min3A_1448 = arith.minui %min3A_1432, %max3A_1447 : vector<16xi32>
      %max3A_1449 = arith.maxui %min3A_1432, %max3A_1447 : vector<16xi32>
      %min3A_1450 = arith.minui %min3A_1434, %max3A_1449 : vector<16xi32>
      %max3A_1451 = arith.maxui %min3A_1434, %max3A_1449 : vector<16xi32>
      %min3A_1452 = arith.minui %min3A_1436, %select_n3A_897 : vector<16xi32>
      %max3A_1453 = arith.maxui %min3A_1436, %select_n3A_897 : vector<16xi32>
      %min3A_1454 = arith.minui %min3A_1438, %max3A_1453 : vector<16xi32>
      %max3A_1455 = arith.maxui %min3A_1438, %max3A_1453 : vector<16xi32>
      %min3A_1456 = arith.minui %min3A_1440, %max3A_1455 : vector<16xi32>
      %max3A_1457 = arith.maxui %min3A_1440, %max3A_1455 : vector<16xi32>
      %min3A_1458 = arith.minui %min3A_1442, %max3A_1457 : vector<16xi32>
      %max3A_1459 = arith.maxui %min3A_1442, %max3A_1457 : vector<16xi32>
      %min3A_1460 = arith.minui %min3A_1444, %max3A_1459 : vector<16xi32>
      %max3A_1461 = arith.maxui %min3A_1444, %max3A_1459 : vector<16xi32>
      %min3A_1462 = arith.minui %min3A_1446, %max3A_1461 : vector<16xi32>
      %max3A_1463 = arith.maxui %min3A_1446, %max3A_1461 : vector<16xi32>
      %min3A_1464 = arith.minui %min3A_1448, %max3A_1463 : vector<16xi32>
      %max3A_1465 = arith.maxui %min3A_1448, %max3A_1463 : vector<16xi32>
      %min3A_1466 = arith.minui %min3A_1450, %max3A_1465 : vector<16xi32>
      %max3A_1467 = arith.maxui %min3A_1450, %max3A_1465 : vector<16xi32>
      %min3A_1468 = arith.minui %min3A_1452, %select_n3A_930 : vector<16xi32>
      %max3A_1469 = arith.maxui %min3A_1452, %select_n3A_930 : vector<16xi32>
      %min3A_1470 = arith.minui %min3A_1454, %max3A_1469 : vector<16xi32>
      %max3A_1471 = arith.maxui %min3A_1454, %max3A_1469 : vector<16xi32>
      %min3A_1472 = arith.minui %min3A_1456, %max3A_1471 : vector<16xi32>
      %max3A_1473 = arith.maxui %min3A_1456, %max3A_1471 : vector<16xi32>
      %min3A_1474 = arith.minui %min3A_1458, %max3A_1473 : vector<16xi32>
      %max3A_1475 = arith.maxui %min3A_1458, %max3A_1473 : vector<16xi32>
      %min3A_1476 = arith.minui %min3A_1460, %max3A_1475 : vector<16xi32>
      %max3A_1477 = arith.maxui %min3A_1460, %max3A_1475 : vector<16xi32>
      %min3A_1478 = arith.minui %min3A_1462, %max3A_1477 : vector<16xi32>
      %max3A_1479 = arith.maxui %min3A_1462, %max3A_1477 : vector<16xi32>
      %min3A_1480 = arith.minui %min3A_1464, %max3A_1479 : vector<16xi32>
      %max3A_1481 = arith.maxui %min3A_1464, %max3A_1479 : vector<16xi32>
      %min3A_1482 = arith.minui %min3A_1466, %max3A_1481 : vector<16xi32>
      %max3A_1483 = arith.maxui %min3A_1466, %max3A_1481 : vector<16xi32>
      %min3A_1484 = arith.minui %min3A_1468, %select_n3A_960 : vector<16xi32>
      %max3A_1485 = arith.maxui %min3A_1468, %select_n3A_960 : vector<16xi32>
      %min3A_1486 = arith.minui %min3A_1470, %max3A_1485 : vector<16xi32>
      %max3A_1487 = arith.maxui %min3A_1470, %max3A_1485 : vector<16xi32>
      %min3A_1488 = arith.minui %min3A_1472, %max3A_1487 : vector<16xi32>
      %max3A_1489 = arith.maxui %min3A_1472, %max3A_1487 : vector<16xi32>
      %min3A_1490 = arith.minui %min3A_1474, %max3A_1489 : vector<16xi32>
      %max3A_1491 = arith.maxui %min3A_1474, %max3A_1489 : vector<16xi32>
      %min3A_1492 = arith.minui %min3A_1476, %max3A_1491 : vector<16xi32>
      %max3A_1493 = arith.maxui %min3A_1476, %max3A_1491 : vector<16xi32>
      %min3A_1494 = arith.minui %min3A_1478, %max3A_1493 : vector<16xi32>
      %max3A_1495 = arith.maxui %min3A_1478, %max3A_1493 : vector<16xi32>
      %min3A_1496 = arith.minui %min3A_1480, %max3A_1495 : vector<16xi32>
      %max3A_1497 = arith.maxui %min3A_1480, %max3A_1495 : vector<16xi32>
      %min3A_1498 = arith.minui %min3A_1482, %max3A_1497 : vector<16xi32>
      %max3A_1499 = arith.maxui %min3A_1482, %max3A_1497 : vector<16xi32>
      %min3A_1500 = arith.minui %min3A_1484, %select_n3A_990 : vector<16xi32>
      %max3A_1501 = arith.maxui %min3A_1484, %select_n3A_990 : vector<16xi32>
      %min3A_1502 = arith.minui %min3A_1486, %max3A_1501 : vector<16xi32>
      %max3A_1503 = arith.maxui %min3A_1486, %max3A_1501 : vector<16xi32>
      %min3A_1504 = arith.minui %min3A_1488, %max3A_1503 : vector<16xi32>
      %max3A_1505 = arith.maxui %min3A_1488, %max3A_1503 : vector<16xi32>
      %min3A_1506 = arith.minui %min3A_1490, %max3A_1505 : vector<16xi32>
      %max3A_1507 = arith.maxui %min3A_1490, %max3A_1505 : vector<16xi32>
      %min3A_1508 = arith.minui %min3A_1492, %max3A_1507 : vector<16xi32>
      %max3A_1509 = arith.maxui %min3A_1492, %max3A_1507 : vector<16xi32>
      %min3A_1510 = arith.minui %min3A_1494, %max3A_1509 : vector<16xi32>
      %max3A_1511 = arith.maxui %min3A_1494, %max3A_1509 : vector<16xi32>
      %min3A_1512 = arith.minui %min3A_1496, %max3A_1511 : vector<16xi32>
      %max3A_1513 = arith.maxui %min3A_1496, %max3A_1511 : vector<16xi32>
      %min3A_1514 = arith.minui %min3A_1498, %max3A_1513 : vector<16xi32>
      %max3A_1515 = arith.maxui %min3A_1498, %max3A_1513 : vector<16xi32>
      %min3A_1516 = arith.minui %min3A_1500, %select_n3A_1020 : vector<16xi32>
      %max3A_1517 = arith.maxui %min3A_1500, %select_n3A_1020 : vector<16xi32>
      %min3A_1518 = arith.minui %min3A_1502, %max3A_1517 : vector<16xi32>
      %max3A_1519 = arith.maxui %min3A_1502, %max3A_1517 : vector<16xi32>
      %min3A_1520 = arith.minui %min3A_1504, %max3A_1519 : vector<16xi32>
      %max3A_1521 = arith.maxui %min3A_1504, %max3A_1519 : vector<16xi32>
      %min3A_1522 = arith.minui %min3A_1506, %max3A_1521 : vector<16xi32>
      %max3A_1523 = arith.maxui %min3A_1506, %max3A_1521 : vector<16xi32>
      %min3A_1524 = arith.minui %min3A_1508, %max3A_1523 : vector<16xi32>
      %max3A_1525 = arith.maxui %min3A_1508, %max3A_1523 : vector<16xi32>
      %min3A_1526 = arith.minui %min3A_1510, %max3A_1525 : vector<16xi32>
      %max3A_1527 = arith.maxui %min3A_1510, %max3A_1525 : vector<16xi32>
      %min3A_1528 = arith.minui %min3A_1512, %max3A_1527 : vector<16xi32>
      %max3A_1529 = arith.maxui %min3A_1512, %max3A_1527 : vector<16xi32>
      %min3A_1530 = arith.minui %min3A_1514, %max3A_1529 : vector<16xi32>
      %max3A_1531 = arith.maxui %min3A_1514, %max3A_1529 : vector<16xi32>
      %broadcast_in_dim3A_1532 = arith.constant 0.000000e+00 : f32
      %broadcast_in_dim3A_1533 = vector.broadcast %broadcast_in_dim3A_1532 : f32 to vector<16xf32>
      %broadcast_in_dim3A_1534 = arith.constant 0.000000e+00 : f32
      %broadcast_in_dim3A_1535 = vector.broadcast %broadcast_in_dim3A_1534 : f32 to vector<16xf32>
      %broadcast_in_dim3A_1536 = arith.constant 0.000000e+00 : f32
      %broadcast_in_dim3A_1537 = vector.broadcast %broadcast_in_dim3A_1536 : f32 to vector<16xf32>
      %broadcast_in_dim3A_1538 = arith.constant 0.000000e+00 : f32
      %broadcast_in_dim3A_1539 = vector.broadcast %broadcast_in_dim3A_1538 : f32 to vector<16xf32>
      %and3A_1540 = arith.constant 511 : i32
      %and3A_1541 = vector.broadcast %and3A_1540 : i32 to vector<16xi32>
      %and3A_1542 = arith.andi %min3A_1516, %and3A_1541 : vector<16xi32>
      %and3A_1543 = vector.broadcast %scan3A : i32 to vector<16xi32>
      %and3A_1544 = arith.andi %min3A_1516, %and3A_1543 : vector<16xi32>
      %bitcast3A_1545 = vector.bitcast %and3A_1544 : vector<16xi32> to vector<16xf32>
      %neg3A = arith.constant 0.000000e+00 : f32
      %neg3A_1546 = vector.broadcast %neg3A : f32 to vector<16xf32>
      %neg3A_1547 = arith.subf %neg3A_1546, %bitcast3A_1545 : vector<16xf32>
      %gather3A_1548 = tpu.vector_load_idx %arg11[%and3A_1542] : memref<512xf32, #tpu.memory_space<vmem>>[vector<16xi32>], vector<16xf32>,
      %mul3A_1549 = arith.mulf %neg3A_1547, %gather3A_1548 : vector<16xf32>
      %exp3A = math.exp %mul3A_1549 : vector<16xf32>
      %add3A_1550 = arith.addf %broadcast_in_dim3A_1533, %exp3A : vector<16xf32>
      %mul3A_1551 = arith.constant 12 : i32
      %mul3A_1552 = vector.broadcast %mul3A_1551 : i32 to vector<16xi32>
      %mul3A_1553 = arith.muli %and3A_1542, %mul3A_1552 : vector<16xi32>
      %gather3A_1554 = tpu.vector_load_idx %arg10[%mul3A_1553] : memref<6144xf32, #tpu.memory_space<vmem>>[vector<16xi32>], vector<16xf32>,
      %add3A_1555 = arith.constant 1 : i32
      %add3A_1556 = vector.broadcast %add3A_1555 : i32 to vector<16xi32>
      %add3A_1557 = arith.addi %mul3A_1553, %add3A_1556 : vector<16xi32>
      %gather3A_1558 = tpu.vector_load_idx %arg10[%add3A_1557] : memref<6144xf32, #tpu.memory_space<vmem>>[vector<16xi32>], vector<16xf32>,
      %add3A_1559 = arith.constant 2 : i32
      %add3A_1560 = vector.broadcast %add3A_1559 : i32 to vector<16xi32>
      %add3A_1561 = arith.addi %mul3A_1553, %add3A_1560 : vector<16xi32>
      %gather3A_1562 = tpu.vector_load_idx %arg10[%add3A_1561] : memref<6144xf32, #tpu.memory_space<vmem>>[vector<16xi32>], vector<16xf32>,
      %add3A_1563 = arith.constant 3 : i32
      %add3A_1564 = vector.broadcast %add3A_1563 : i32 to vector<16xi32>
      %add3A_1565 = arith.addi %mul3A_1553, %add3A_1564 : vector<16xi32>
      %gather3A_1566 = tpu.vector_load_idx %arg10[%add3A_1565] : memref<6144xf32, #tpu.memory_space<vmem>>[vector<16xi32>], vector<16xf32>,
      %add3A_1567 = arith.constant 4 : i32
      %add3A_1568 = vector.broadcast %add3A_1567 : i32 to vector<16xi32>
      %add3A_1569 = arith.addi %mul3A_1553, %add3A_1568 : vector<16xi32>
      %gather3A_1570 = tpu.vector_load_idx %arg10[%add3A_1569] : memref<6144xf32, #tpu.memory_space<vmem>>[vector<16xi32>], vector<16xf32>,
      %add3A_1571 = arith.constant 5 : i32
      %add3A_1572 = vector.broadcast %add3A_1571 : i32 to vector<16xi32>
      %add3A_1573 = arith.addi %mul3A_1553, %add3A_1572 : vector<16xi32>
      %gather3A_1574 = tpu.vector_load_idx %arg10[%add3A_1573] : memref<6144xf32, #tpu.memory_space<vmem>>[vector<16xi32>], vector<16xf32>,
      %add3A_1575 = arith.constant 6 : i32
      %add3A_1576 = vector.broadcast %add3A_1575 : i32 to vector<16xi32>
      %add3A_1577 = arith.addi %mul3A_1553, %add3A_1576 : vector<16xi32>
      %gather3A_1578 = tpu.vector_load_idx %arg10[%add3A_1577] : memref<6144xf32, #tpu.memory_space<vmem>>[vector<16xi32>], vector<16xf32>,
      %add3A_1579 = arith.constant 7 : i32
      %add3A_1580 = vector.broadcast %add3A_1579 : i32 to vector<16xi32>
      %add3A_1581 = arith.addi %mul3A_1553, %add3A_1580 : vector<16xi32>
      %gather3A_1582 = tpu.vector_load_idx %arg10[%add3A_1581] : memref<6144xf32, #tpu.memory_space<vmem>>[vector<16xi32>], vector<16xf32>,
      %add3A_1583 = arith.constant 8 : i32
      %add3A_1584 = vector.broadcast %add3A_1583 : i32 to vector<16xi32>
      %add3A_1585 = arith.addi %mul3A_1553, %add3A_1584 : vector<16xi32>
      %gather3A_1586 = tpu.vector_load_idx %arg10[%add3A_1585] : memref<6144xf32, #tpu.memory_space<vmem>>[vector<16xi32>], vector<16xf32>,
      %add3A_1587 = arith.constant 9 : i32
      %add3A_1588 = vector.broadcast %add3A_1587 : i32 to vector<16xi32>
      %add3A_1589 = arith.addi %mul3A_1553, %add3A_1588 : vector<16xi32>
      %gather3A_1590 = tpu.vector_load_idx %arg10[%add3A_1589] : memref<6144xf32, #tpu.memory_space<vmem>>[vector<16xi32>], vector<16xf32>,
      %add3A_1591 = arith.constant 10 : i32
      %add3A_1592 = vector.broadcast %add3A_1591 : i32 to vector<16xi32>
      %add3A_1593 = arith.addi %mul3A_1553, %add3A_1592 : vector<16xi32>
      %gather3A_1594 = tpu.vector_load_idx %arg10[%add3A_1593] : memref<6144xf32, #tpu.memory_space<vmem>>[vector<16xi32>], vector<16xf32>,
      %add3A_1595 = arith.constant 11 : i32
      %add3A_1596 = vector.broadcast %add3A_1595 : i32 to vector<16xi32>
      %add3A_1597 = arith.addi %mul3A_1553, %add3A_1596 : vector<16xi32>
      %gather3A_1598 = tpu.vector_load_idx %arg10[%add3A_1597] : memref<6144xf32, #tpu.memory_space<vmem>>[vector<16xi32>], vector<16xf32>,
      %mul3A_1599 = arith.mulf %gather3A_1554, %gather3A : vector<16xf32>
      %mul3A_1600 = arith.mulf %gather3A_1558, %gather3A_24 : vector<16xf32>
      %add3A_1601 = arith.addf %mul3A_1599, %mul3A_1600 : vector<16xf32>
      %mul3A_1602 = arith.mulf %gather3A_1562, %gather3A_28 : vector<16xf32>
      %add3A_1603 = arith.addf %add3A_1601, %mul3A_1602 : vector<16xf32>
      %add3A_1604 = arith.addf %add3A_1603, %gather3A_1590 : vector<16xf32>
      %mul3A_1605 = arith.mulf %exp3A, %add3A_1604 : vector<16xf32>
      %add3A_1606 = arith.addf %broadcast_in_dim3A_1535, %mul3A_1605 : vector<16xf32>
      %mul3A_1607 = arith.mulf %gather3A_1566, %gather3A : vector<16xf32>
      %mul3A_1608 = arith.mulf %gather3A_1570, %gather3A_24 : vector<16xf32>
      %add3A_1609 = arith.addf %mul3A_1607, %mul3A_1608 : vector<16xf32>
      %mul3A_1610 = arith.mulf %gather3A_1574, %gather3A_28 : vector<16xf32>
      %add3A_1611 = arith.addf %add3A_1609, %mul3A_1610 : vector<16xf32>
      %add3A_1612 = arith.addf %add3A_1611, %gather3A_1594 : vector<16xf32>
      %mul3A_1613 = arith.mulf %exp3A, %add3A_1612 : vector<16xf32>
      %add3A_1614 = arith.addf %broadcast_in_dim3A_1537, %mul3A_1613 : vector<16xf32>
      %mul3A_1615 = arith.mulf %gather3A_1578, %gather3A : vector<16xf32>
      %mul3A_1616 = arith.mulf %gather3A_1582, %gather3A_24 : vector<16xf32>
      %add3A_1617 = arith.addf %mul3A_1615, %mul3A_1616 : vector<16xf32>
      %mul3A_1618 = arith.mulf %gather3A_1586, %gather3A_28 : vector<16xf32>
      %add3A_1619 = arith.addf %add3A_1617, %mul3A_1618 : vector<16xf32>
      %add3A_1620 = arith.addf %add3A_1619, %gather3A_1598 : vector<16xf32>
      %mul3A_1621 = arith.mulf %exp3A, %add3A_1620 : vector<16xf32>
      %add3A_1622 = arith.addf %broadcast_in_dim3A_1539, %mul3A_1621 : vector<16xf32>
      %and3A_1623 = arith.constant 511 : i32
      %and3A_1624 = vector.broadcast %and3A_1623 : i32 to vector<16xi32>
      %and3A_1625 = arith.andi %min3A_1518, %and3A_1624 : vector<16xi32>
      %and3A_1626 = vector.broadcast %scan3A : i32 to vector<16xi32>
      %and3A_1627 = arith.andi %min3A_1518, %and3A_1626 : vector<16xi32>
      %bitcast3A_1628 = vector.bitcast %and3A_1627 : vector<16xi32> to vector<16xf32>
      %neg3A_1629 = arith.constant 0.000000e+00 : f32
      %neg3A_1630 = vector.broadcast %neg3A_1629 : f32 to vector<16xf32>
      %neg3A_1631 = arith.subf %neg3A_1630, %bitcast3A_1628 : vector<16xf32>
      %gather3A_1632 = tpu.vector_load_idx %arg11[%and3A_1625] : memref<512xf32, #tpu.memory_space<vmem>>[vector<16xi32>], vector<16xf32>,
      %mul3A_1633 = arith.mulf %neg3A_1631, %gather3A_1632 : vector<16xf32>
      %exp3A_1634 = math.exp %mul3A_1633 : vector<16xf32>
      %add3A_1635 = arith.addf %add3A_1550, %exp3A_1634 : vector<16xf32>
      %mul3A_1636 = arith.constant 12 : i32
      %mul3A_1637 = vector.broadcast %mul3A_1636 : i32 to vector<16xi32>
      %mul3A_1638 = arith.muli %and3A_1625, %mul3A_1637 : vector<16xi32>
      %gather3A_1639 = tpu.vector_load_idx %arg10[%mul3A_1638] : memref<6144xf32, #tpu.memory_space<vmem>>[vector<16xi32>], vector<16xf32>,
      %add3A_1640 = arith.constant 1 : i32
      %add3A_1641 = vector.broadcast %add3A_1640 : i32 to vector<16xi32>
      %add3A_1642 = arith.addi %mul3A_1638, %add3A_1641 : vector<16xi32>
      %gather3A_1643 = tpu.vector_load_idx %arg10[%add3A_1642] : memref<6144xf32, #tpu.memory_space<vmem>>[vector<16xi32>], vector<16xf32>,
      %add3A_1644 = arith.constant 2 : i32
      %add3A_1645 = vector.broadcast %add3A_1644 : i32 to vector<16xi32>
      %add3A_1646 = arith.addi %mul3A_1638, %add3A_1645 : vector<16xi32>
      %gather3A_1647 = tpu.vector_load_idx %arg10[%add3A_1646] : memref<6144xf32, #tpu.memory_space<vmem>>[vector<16xi32>], vector<16xf32>,
      %add3A_1648 = arith.constant 3 : i32
      %add3A_1649 = vector.broadcast %add3A_1648 : i32 to vector<16xi32>
      %add3A_1650 = arith.addi %mul3A_1638, %add3A_1649 : vector<16xi32>
      %gather3A_1651 = tpu.vector_load_idx %arg10[%add3A_1650] : memref<6144xf32, #tpu.memory_space<vmem>>[vector<16xi32>], vector<16xf32>,
      %add3A_1652 = arith.constant 4 : i32
      %add3A_1653 = vector.broadcast %add3A_1652 : i32 to vector<16xi32>
      %add3A_1654 = arith.addi %mul3A_1638, %add3A_1653 : vector<16xi32>
      %gather3A_1655 = tpu.vector_load_idx %arg10[%add3A_1654] : memref<6144xf32, #tpu.memory_space<vmem>>[vector<16xi32>], vector<16xf32>,
      %add3A_1656 = arith.constant 5 : i32
      %add3A_1657 = vector.broadcast %add3A_1656 : i32 to vector<16xi32>
      %add3A_1658 = arith.addi %mul3A_1638, %add3A_1657 : vector<16xi32>
      %gather3A_1659 = tpu.vector_load_idx %arg10[%add3A_1658] : memref<6144xf32, #tpu.memory_space<vmem>>[vector<16xi32>], vector<16xf32>,
      %add3A_1660 = arith.constant 6 : i32
      %add3A_1661 = vector.broadcast %add3A_1660 : i32 to vector<16xi32>
      %add3A_1662 = arith.addi %mul3A_1638, %add3A_1661 : vector<16xi32>
      %gather3A_1663 = tpu.vector_load_idx %arg10[%add3A_1662] : memref<6144xf32, #tpu.memory_space<vmem>>[vector<16xi32>], vector<16xf32>,
      %add3A_1664 = arith.constant 7 : i32
      %add3A_1665 = vector.broadcast %add3A_1664 : i32 to vector<16xi32>
      %add3A_1666 = arith.addi %mul3A_1638, %add3A_1665 : vector<16xi32>
      %gather3A_1667 = tpu.vector_load_idx %arg10[%add3A_1666] : memref<6144xf32, #tpu.memory_space<vmem>>[vector<16xi32>], vector<16xf32>,
      %add3A_1668 = arith.constant 8 : i32
      %add3A_1669 = vector.broadcast %add3A_1668 : i32 to vector<16xi32>
      %add3A_1670 = arith.addi %mul3A_1638, %add3A_1669 : vector<16xi32>
      %gather3A_1671 = tpu.vector_load_idx %arg10[%add3A_1670] : memref<6144xf32, #tpu.memory_space<vmem>>[vector<16xi32>], vector<16xf32>,
      %add3A_1672 = arith.constant 9 : i32
      %add3A_1673 = vector.broadcast %add3A_1672 : i32 to vector<16xi32>
      %add3A_1674 = arith.addi %mul3A_1638, %add3A_1673 : vector<16xi32>
      %gather3A_1675 = tpu.vector_load_idx %arg10[%add3A_1674] : memref<6144xf32, #tpu.memory_space<vmem>>[vector<16xi32>], vector<16xf32>,
      %add3A_1676 = arith.constant 10 : i32
      %add3A_1677 = vector.broadcast %add3A_1676 : i32 to vector<16xi32>
      %add3A_1678 = arith.addi %mul3A_1638, %add3A_1677 : vector<16xi32>
      %gather3A_1679 = tpu.vector_load_idx %arg10[%add3A_1678] : memref<6144xf32, #tpu.memory_space<vmem>>[vector<16xi32>], vector<16xf32>,
      %add3A_1680 = arith.constant 11 : i32
      %add3A_1681 = vector.broadcast %add3A_1680 : i32 to vector<16xi32>
      %add3A_1682 = arith.addi %mul3A_1638, %add3A_1681 : vector<16xi32>
      %gather3A_1683 = tpu.vector_load_idx %arg10[%add3A_1682] : memref<6144xf32, #tpu.memory_space<vmem>>[vector<16xi32>], vector<16xf32>,
      %mul3A_1684 = arith.mulf %gather3A_1639, %gather3A : vector<16xf32>
      %mul3A_1685 = arith.mulf %gather3A_1643, %gather3A_24 : vector<16xf32>
      %add3A_1686 = arith.addf %mul3A_1684, %mul3A_1685 : vector<16xf32>
      %mul3A_1687 = arith.mulf %gather3A_1647, %gather3A_28 : vector<16xf32>
      %add3A_1688 = arith.addf %add3A_1686, %mul3A_1687 : vector<16xf32>
      %add3A_1689 = arith.addf %add3A_1688, %gather3A_1675 : vector<16xf32>
      %mul3A_1690 = arith.mulf %exp3A_1634, %add3A_1689 : vector<16xf32>
      %add3A_1691 = arith.addf %add3A_1606, %mul3A_1690 : vector<16xf32>
      %mul3A_1692 = arith.mulf %gather3A_1651, %gather3A : vector<16xf32>
      %mul3A_1693 = arith.mulf %gather3A_1655, %gather3A_24 : vector<16xf32>
      %add3A_1694 = arith.addf %mul3A_1692, %mul3A_1693 : vector<16xf32>
      %mul3A_1695 = arith.mulf %gather3A_1659, %gather3A_28 : vector<16xf32>
      %add3A_1696 = arith.addf %add3A_1694, %mul3A_1695 : vector<16xf32>
      %add3A_1697 = arith.addf %add3A_1696, %gather3A_1679 : vector<16xf32>
      %mul3A_1698 = arith.mulf %exp3A_1634, %add3A_1697 : vector<16xf32>
      %add3A_1699 = arith.addf %add3A_1614, %mul3A_1698 : vector<16xf32>
      %mul3A_1700 = arith.mulf %gather3A_1663, %gather3A : vector<16xf32>
      %mul3A_1701 = arith.mulf %gather3A_1667, %gather3A_24 : vector<16xf32>
      %add3A_1702 = arith.addf %mul3A_1700, %mul3A_1701 : vector<16xf32>
      %mul3A_1703 = arith.mulf %gather3A_1671, %gather3A_28 : vector<16xf32>
      %add3A_1704 = arith.addf %add3A_1702, %mul3A_1703 : vector<16xf32>
      %add3A_1705 = arith.addf %add3A_1704, %gather3A_1683 : vector<16xf32>
      %mul3A_1706 = arith.mulf %exp3A_1634, %add3A_1705 : vector<16xf32>
      %add3A_1707 = arith.addf %add3A_1622, %mul3A_1706 : vector<16xf32>
      %and3A_1708 = arith.constant 511 : i32
      %and3A_1709 = vector.broadcast %and3A_1708 : i32 to vector<16xi32>
      %and3A_1710 = arith.andi %min3A_1520, %and3A_1709 : vector<16xi32>
      %and3A_1711 = vector.broadcast %scan3A : i32 to vector<16xi32>
      %and3A_1712 = arith.andi %min3A_1520, %and3A_1711 : vector<16xi32>
      %bitcast3A_1713 = vector.bitcast %and3A_1712 : vector<16xi32> to vector<16xf32>
      %neg3A_1714 = arith.constant 0.000000e+00 : f32
      %neg3A_1715 = vector.broadcast %neg3A_1714 : f32 to vector<16xf32>
      %neg3A_1716 = arith.subf %neg3A_1715, %bitcast3A_1713 : vector<16xf32>
      %gather3A_1717 = tpu.vector_load_idx %arg11[%and3A_1710] : memref<512xf32, #tpu.memory_space<vmem>>[vector<16xi32>], vector<16xf32>,
      %mul3A_1718 = arith.mulf %neg3A_1716, %gather3A_1717 : vector<16xf32>
      %exp3A_1719 = math.exp %mul3A_1718 : vector<16xf32>
      %add3A_1720 = arith.addf %add3A_1635, %exp3A_1719 : vector<16xf32>
      %mul3A_1721 = arith.constant 12 : i32
      %mul3A_1722 = vector.broadcast %mul3A_1721 : i32 to vector<16xi32>
      %mul3A_1723 = arith.muli %and3A_1710, %mul3A_1722 : vector<16xi32>
      %gather3A_1724 = tpu.vector_load_idx %arg10[%mul3A_1723] : memref<6144xf32, #tpu.memory_space<vmem>>[vector<16xi32>], vector<16xf32>,
      %add3A_1725 = arith.constant 1 : i32
      %add3A_1726 = vector.broadcast %add3A_1725 : i32 to vector<16xi32>
      %add3A_1727 = arith.addi %mul3A_1723, %add3A_1726 : vector<16xi32>
      %gather3A_1728 = tpu.vector_load_idx %arg10[%add3A_1727] : memref<6144xf32, #tpu.memory_space<vmem>>[vector<16xi32>], vector<16xf32>,
      %add3A_1729 = arith.constant 2 : i32
      %add3A_1730 = vector.broadcast %add3A_1729 : i32 to vector<16xi32>
      %add3A_1731 = arith.addi %mul3A_1723, %add3A_1730 : vector<16xi32>
      %gather3A_1732 = tpu.vector_load_idx %arg10[%add3A_1731] : memref<6144xf32, #tpu.memory_space<vmem>>[vector<16xi32>], vector<16xf32>,
      %add3A_1733 = arith.constant 3 : i32
      %add3A_1734 = vector.broadcast %add3A_1733 : i32 to vector<16xi32>
      %add3A_1735 = arith.addi %mul3A_1723, %add3A_1734 : vector<16xi32>
      %gather3A_1736 = tpu.vector_load_idx %arg10[%add3A_1735] : memref<6144xf32, #tpu.memory_space<vmem>>[vector<16xi32>], vector<16xf32>,
      %add3A_1737 = arith.constant 4 : i32
      %add3A_1738 = vector.broadcast %add3A_1737 : i32 to vector<16xi32>
      %add3A_1739 = arith.addi %mul3A_1723, %add3A_1738 : vector<16xi32>
      %gather3A_1740 = tpu.vector_load_idx %arg10[%add3A_1739] : memref<6144xf32, #tpu.memory_space<vmem>>[vector<16xi32>], vector<16xf32>,
      %add3A_1741 = arith.constant 5 : i32
      %add3A_1742 = vector.broadcast %add3A_1741 : i32 to vector<16xi32>
      %add3A_1743 = arith.addi %mul3A_1723, %add3A_1742 : vector<16xi32>
      %gather3A_1744 = tpu.vector_load_idx %arg10[%add3A_1743] : memref<6144xf32, #tpu.memory_space<vmem>>[vector<16xi32>], vector<16xf32>,
      %add3A_1745 = arith.constant 6 : i32
      %add3A_1746 = vector.broadcast %add3A_1745 : i32 to vector<16xi32>
      %add3A_1747 = arith.addi %mul3A_1723, %add3A_1746 : vector<16xi32>
      %gather3A_1748 = tpu.vector_load_idx %arg10[%add3A_1747] : memref<6144xf32, #tpu.memory_space<vmem>>[vector<16xi32>], vector<16xf32>,
      %add3A_1749 = arith.constant 7 : i32
      %add3A_1750 = vector.broadcast %add3A_1749 : i32 to vector<16xi32>
      %add3A_1751 = arith.addi %mul3A_1723, %add3A_1750 : vector<16xi32>
      %gather3A_1752 = tpu.vector_load_idx %arg10[%add3A_1751] : memref<6144xf32, #tpu.memory_space<vmem>>[vector<16xi32>], vector<16xf32>,
      %add3A_1753 = arith.constant 8 : i32
      %add3A_1754 = vector.broadcast %add3A_1753 : i32 to vector<16xi32>
      %add3A_1755 = arith.addi %mul3A_1723, %add3A_1754 : vector<16xi32>
      %gather3A_1756 = tpu.vector_load_idx %arg10[%add3A_1755] : memref<6144xf32, #tpu.memory_space<vmem>>[vector<16xi32>], vector<16xf32>,
      %add3A_1757 = arith.constant 9 : i32
      %add3A_1758 = vector.broadcast %add3A_1757 : i32 to vector<16xi32>
      %add3A_1759 = arith.addi %mul3A_1723, %add3A_1758 : vector<16xi32>
      %gather3A_1760 = tpu.vector_load_idx %arg10[%add3A_1759] : memref<6144xf32, #tpu.memory_space<vmem>>[vector<16xi32>], vector<16xf32>,
      %add3A_1761 = arith.constant 10 : i32
      %add3A_1762 = vector.broadcast %add3A_1761 : i32 to vector<16xi32>
      %add3A_1763 = arith.addi %mul3A_1723, %add3A_1762 : vector<16xi32>
      %gather3A_1764 = tpu.vector_load_idx %arg10[%add3A_1763] : memref<6144xf32, #tpu.memory_space<vmem>>[vector<16xi32>], vector<16xf32>,
      %add3A_1765 = arith.constant 11 : i32
      %add3A_1766 = vector.broadcast %add3A_1765 : i32 to vector<16xi32>
      %add3A_1767 = arith.addi %mul3A_1723, %add3A_1766 : vector<16xi32>
      %gather3A_1768 = tpu.vector_load_idx %arg10[%add3A_1767] : memref<6144xf32, #tpu.memory_space<vmem>>[vector<16xi32>], vector<16xf32>,
      %mul3A_1769 = arith.mulf %gather3A_1724, %gather3A : vector<16xf32>
      %mul3A_1770 = arith.mulf %gather3A_1728, %gather3A_24 : vector<16xf32>
      %add3A_1771 = arith.addf %mul3A_1769, %mul3A_1770 : vector<16xf32>
      %mul3A_1772 = arith.mulf %gather3A_1732, %gather3A_28 : vector<16xf32>
      %add3A_1773 = arith.addf %add3A_1771, %mul3A_1772 : vector<16xf32>
      %add3A_1774 = arith.addf %add3A_1773, %gather3A_1760 : vector<16xf32>
      %mul3A_1775 = arith.mulf %exp3A_1719, %add3A_1774 : vector<16xf32>
      %add3A_1776 = arith.addf %add3A_1691, %mul3A_1775 : vector<16xf32>
      %mul3A_1777 = arith.mulf %gather3A_1736, %gather3A : vector<16xf32>
      %mul3A_1778 = arith.mulf %gather3A_1740, %gather3A_24 : vector<16xf32>
      %add3A_1779 = arith.addf %mul3A_1777, %mul3A_1778 : vector<16xf32>
      %mul3A_1780 = arith.mulf %gather3A_1744, %gather3A_28 : vector<16xf32>
      %add3A_1781 = arith.addf %add3A_1779, %mul3A_1780 : vector<16xf32>
      %add3A_1782 = arith.addf %add3A_1781, %gather3A_1764 : vector<16xf32>
      %mul3A_1783 = arith.mulf %exp3A_1719, %add3A_1782 : vector<16xf32>
      %add3A_1784 = arith.addf %add3A_1699, %mul3A_1783 : vector<16xf32>
      %mul3A_1785 = arith.mulf %gather3A_1748, %gather3A : vector<16xf32>
      %mul3A_1786 = arith.mulf %gather3A_1752, %gather3A_24 : vector<16xf32>
      %add3A_1787 = arith.addf %mul3A_1785, %mul3A_1786 : vector<16xf32>
      %mul3A_1788 = arith.mulf %gather3A_1756, %gather3A_28 : vector<16xf32>
      %add3A_1789 = arith.addf %add3A_1787, %mul3A_1788 : vector<16xf32>
      %add3A_1790 = arith.addf %add3A_1789, %gather3A_1768 : vector<16xf32>
      %mul3A_1791 = arith.mulf %exp3A_1719, %add3A_1790 : vector<16xf32>
      %add3A_1792 = arith.addf %add3A_1707, %mul3A_1791 : vector<16xf32>
      %and3A_1793 = arith.constant 511 : i32
      %and3A_1794 = vector.broadcast %and3A_1793 : i32 to vector<16xi32>
      %and3A_1795 = arith.andi %min3A_1522, %and3A_1794 : vector<16xi32>
      %and3A_1796 = vector.broadcast %scan3A : i32 to vector<16xi32>
      %and3A_1797 = arith.andi %min3A_1522, %and3A_1796 : vector<16xi32>
      %bitcast3A_1798 = vector.bitcast %and3A_1797 : vector<16xi32> to vector<16xf32>
      %neg3A_1799 = arith.constant 0.000000e+00 : f32
      %neg3A_1800 = vector.broadcast %neg3A_1799 : f32 to vector<16xf32>
      %neg3A_1801 = arith.subf %neg3A_1800, %bitcast3A_1798 : vector<16xf32>
      %gather3A_1802 = tpu.vector_load_idx %arg11[%and3A_1795] : memref<512xf32, #tpu.memory_space<vmem>>[vector<16xi32>], vector<16xf32>,
      %mul3A_1803 = arith.mulf %neg3A_1801, %gather3A_1802 : vector<16xf32>
      %exp3A_1804 = math.exp %mul3A_1803 : vector<16xf32>
      %add3A_1805 = arith.addf %add3A_1720, %exp3A_1804 : vector<16xf32>
      %mul3A_1806 = arith.constant 12 : i32
      %mul3A_1807 = vector.broadcast %mul3A_1806 : i32 to vector<16xi32>
      %mul3A_1808 = arith.muli %and3A_1795, %mul3A_1807 : vector<16xi32>
      %gather3A_1809 = tpu.vector_load_idx %arg10[%mul3A_1808] : memref<6144xf32, #tpu.memory_space<vmem>>[vector<16xi32>], vector<16xf32>,
      %add3A_1810 = arith.constant 1 : i32
      %add3A_1811 = vector.broadcast %add3A_1810 : i32 to vector<16xi32>
      %add3A_1812 = arith.addi %mul3A_1808, %add3A_1811 : vector<16xi32>
      %gather3A_1813 = tpu.vector_load_idx %arg10[%add3A_1812] : memref<6144xf32, #tpu.memory_space<vmem>>[vector<16xi32>], vector<16xf32>,
      %add3A_1814 = arith.constant 2 : i32
      %add3A_1815 = vector.broadcast %add3A_1814 : i32 to vector<16xi32>
      %add3A_1816 = arith.addi %mul3A_1808, %add3A_1815 : vector<16xi32>
      %gather3A_1817 = tpu.vector_load_idx %arg10[%add3A_1816] : memref<6144xf32, #tpu.memory_space<vmem>>[vector<16xi32>], vector<16xf32>,
      %add3A_1818 = arith.constant 3 : i32
      %add3A_1819 = vector.broadcast %add3A_1818 : i32 to vector<16xi32>
      %add3A_1820 = arith.addi %mul3A_1808, %add3A_1819 : vector<16xi32>
      %gather3A_1821 = tpu.vector_load_idx %arg10[%add3A_1820] : memref<6144xf32, #tpu.memory_space<vmem>>[vector<16xi32>], vector<16xf32>,
      %add3A_1822 = arith.constant 4 : i32
      %add3A_1823 = vector.broadcast %add3A_1822 : i32 to vector<16xi32>
      %add3A_1824 = arith.addi %mul3A_1808, %add3A_1823 : vector<16xi32>
      %gather3A_1825 = tpu.vector_load_idx %arg10[%add3A_1824] : memref<6144xf32, #tpu.memory_space<vmem>>[vector<16xi32>], vector<16xf32>,
      %add3A_1826 = arith.constant 5 : i32
      %add3A_1827 = vector.broadcast %add3A_1826 : i32 to vector<16xi32>
      %add3A_1828 = arith.addi %mul3A_1808, %add3A_1827 : vector<16xi32>
      %gather3A_1829 = tpu.vector_load_idx %arg10[%add3A_1828] : memref<6144xf32, #tpu.memory_space<vmem>>[vector<16xi32>], vector<16xf32>,
      %add3A_1830 = arith.constant 6 : i32
      %add3A_1831 = vector.broadcast %add3A_1830 : i32 to vector<16xi32>
      %add3A_1832 = arith.addi %mul3A_1808, %add3A_1831 : vector<16xi32>
      %gather3A_1833 = tpu.vector_load_idx %arg10[%add3A_1832] : memref<6144xf32, #tpu.memory_space<vmem>>[vector<16xi32>], vector<16xf32>,
      %add3A_1834 = arith.constant 7 : i32
      %add3A_1835 = vector.broadcast %add3A_1834 : i32 to vector<16xi32>
      %add3A_1836 = arith.addi %mul3A_1808, %add3A_1835 : vector<16xi32>
      %gather3A_1837 = tpu.vector_load_idx %arg10[%add3A_1836] : memref<6144xf32, #tpu.memory_space<vmem>>[vector<16xi32>], vector<16xf32>,
      %add3A_1838 = arith.constant 8 : i32
      %add3A_1839 = vector.broadcast %add3A_1838 : i32 to vector<16xi32>
      %add3A_1840 = arith.addi %mul3A_1808, %add3A_1839 : vector<16xi32>
      %gather3A_1841 = tpu.vector_load_idx %arg10[%add3A_1840] : memref<6144xf32, #tpu.memory_space<vmem>>[vector<16xi32>], vector<16xf32>,
      %add3A_1842 = arith.constant 9 : i32
      %add3A_1843 = vector.broadcast %add3A_1842 : i32 to vector<16xi32>
      %add3A_1844 = arith.addi %mul3A_1808, %add3A_1843 : vector<16xi32>
      %gather3A_1845 = tpu.vector_load_idx %arg10[%add3A_1844] : memref<6144xf32, #tpu.memory_space<vmem>>[vector<16xi32>], vector<16xf32>,
      %add3A_1846 = arith.constant 10 : i32
      %add3A_1847 = vector.broadcast %add3A_1846 : i32 to vector<16xi32>
      %add3A_1848 = arith.addi %mul3A_1808, %add3A_1847 : vector<16xi32>
      %gather3A_1849 = tpu.vector_load_idx %arg10[%add3A_1848] : memref<6144xf32, #tpu.memory_space<vmem>>[vector<16xi32>], vector<16xf32>,
      %add3A_1850 = arith.constant 11 : i32
      %add3A_1851 = vector.broadcast %add3A_1850 : i32 to vector<16xi32>
      %add3A_1852 = arith.addi %mul3A_1808, %add3A_1851 : vector<16xi32>
      %gather3A_1853 = tpu.vector_load_idx %arg10[%add3A_1852] : memref<6144xf32, #tpu.memory_space<vmem>>[vector<16xi32>], vector<16xf32>,
      %mul3A_1854 = arith.mulf %gather3A_1809, %gather3A : vector<16xf32>
      %mul3A_1855 = arith.mulf %gather3A_1813, %gather3A_24 : vector<16xf32>
      %add3A_1856 = arith.addf %mul3A_1854, %mul3A_1855 : vector<16xf32>
      %mul3A_1857 = arith.mulf %gather3A_1817, %gather3A_28 : vector<16xf32>
      %add3A_1858 = arith.addf %add3A_1856, %mul3A_1857 : vector<16xf32>
      %add3A_1859 = arith.addf %add3A_1858, %gather3A_1845 : vector<16xf32>
      %mul3A_1860 = arith.mulf %exp3A_1804, %add3A_1859 : vector<16xf32>
      %add3A_1861 = arith.addf %add3A_1776, %mul3A_1860 : vector<16xf32>
      %mul3A_1862 = arith.mulf %gather3A_1821, %gather3A : vector<16xf32>
      %mul3A_1863 = arith.mulf %gather3A_1825, %gather3A_24 : vector<16xf32>
      %add3A_1864 = arith.addf %mul3A_1862, %mul3A_1863 : vector<16xf32>
      %mul3A_1865 = arith.mulf %gather3A_1829, %gather3A_28 : vector<16xf32>
      %add3A_1866 = arith.addf %add3A_1864, %mul3A_1865 : vector<16xf32>
      %add3A_1867 = arith.addf %add3A_1866, %gather3A_1849 : vector<16xf32>
      %mul3A_1868 = arith.mulf %exp3A_1804, %add3A_1867 : vector<16xf32>
      %add3A_1869 = arith.addf %add3A_1784, %mul3A_1868 : vector<16xf32>
      %mul3A_1870 = arith.mulf %gather3A_1833, %gather3A : vector<16xf32>
      %mul3A_1871 = arith.mulf %gather3A_1837, %gather3A_24 : vector<16xf32>
      %add3A_1872 = arith.addf %mul3A_1870, %mul3A_1871 : vector<16xf32>
      %mul3A_1873 = arith.mulf %gather3A_1841, %gather3A_28 : vector<16xf32>
      %add3A_1874 = arith.addf %add3A_1872, %mul3A_1873 : vector<16xf32>
      %add3A_1875 = arith.addf %add3A_1874, %gather3A_1853 : vector<16xf32>
      %mul3A_1876 = arith.mulf %exp3A_1804, %add3A_1875 : vector<16xf32>
      %add3A_1877 = arith.addf %add3A_1792, %mul3A_1876 : vector<16xf32>
      %and3A_1878 = arith.constant 511 : i32
      %and3A_1879 = vector.broadcast %and3A_1878 : i32 to vector<16xi32>
      %and3A_1880 = arith.andi %min3A_1524, %and3A_1879 : vector<16xi32>
      %and3A_1881 = vector.broadcast %scan3A : i32 to vector<16xi32>
      %and3A_1882 = arith.andi %min3A_1524, %and3A_1881 : vector<16xi32>
      %bitcast3A_1883 = vector.bitcast %and3A_1882 : vector<16xi32> to vector<16xf32>
      %neg3A_1884 = arith.constant 0.000000e+00 : f32
      %neg3A_1885 = vector.broadcast %neg3A_1884 : f32 to vector<16xf32>
      %neg3A_1886 = arith.subf %neg3A_1885, %bitcast3A_1883 : vector<16xf32>
      %gather3A_1887 = tpu.vector_load_idx %arg11[%and3A_1880] : memref<512xf32, #tpu.memory_space<vmem>>[vector<16xi32>], vector<16xf32>,
      %mul3A_1888 = arith.mulf %neg3A_1886, %gather3A_1887 : vector<16xf32>
      %exp3A_1889 = math.exp %mul3A_1888 : vector<16xf32>
      %add3A_1890 = arith.addf %add3A_1805, %exp3A_1889 : vector<16xf32>
      %mul3A_1891 = arith.constant 12 : i32
      %mul3A_1892 = vector.broadcast %mul3A_1891 : i32 to vector<16xi32>
      %mul3A_1893 = arith.muli %and3A_1880, %mul3A_1892 : vector<16xi32>
      %gather3A_1894 = tpu.vector_load_idx %arg10[%mul3A_1893] : memref<6144xf32, #tpu.memory_space<vmem>>[vector<16xi32>], vector<16xf32>,
      %add3A_1895 = arith.constant 1 : i32
      %add3A_1896 = vector.broadcast %add3A_1895 : i32 to vector<16xi32>
      %add3A_1897 = arith.addi %mul3A_1893, %add3A_1896 : vector<16xi32>
      %gather3A_1898 = tpu.vector_load_idx %arg10[%add3A_1897] : memref<6144xf32, #tpu.memory_space<vmem>>[vector<16xi32>], vector<16xf32>,
      %add3A_1899 = arith.constant 2 : i32
      %add3A_1900 = vector.broadcast %add3A_1899 : i32 to vector<16xi32>
      %add3A_1901 = arith.addi %mul3A_1893, %add3A_1900 : vector<16xi32>
      %gather3A_1902 = tpu.vector_load_idx %arg10[%add3A_1901] : memref<6144xf32, #tpu.memory_space<vmem>>[vector<16xi32>], vector<16xf32>,
      %add3A_1903 = arith.constant 3 : i32
      %add3A_1904 = vector.broadcast %add3A_1903 : i32 to vector<16xi32>
      %add3A_1905 = arith.addi %mul3A_1893, %add3A_1904 : vector<16xi32>
      %gather3A_1906 = tpu.vector_load_idx %arg10[%add3A_1905] : memref<6144xf32, #tpu.memory_space<vmem>>[vector<16xi32>], vector<16xf32>,
      %add3A_1907 = arith.constant 4 : i32
      %add3A_1908 = vector.broadcast %add3A_1907 : i32 to vector<16xi32>
      %add3A_1909 = arith.addi %mul3A_1893, %add3A_1908 : vector<16xi32>
      %gather3A_1910 = tpu.vector_load_idx %arg10[%add3A_1909] : memref<6144xf32, #tpu.memory_space<vmem>>[vector<16xi32>], vector<16xf32>,
      %add3A_1911 = arith.constant 5 : i32
      %add3A_1912 = vector.broadcast %add3A_1911 : i32 to vector<16xi32>
      %add3A_1913 = arith.addi %mul3A_1893, %add3A_1912 : vector<16xi32>
      %gather3A_1914 = tpu.vector_load_idx %arg10[%add3A_1913] : memref<6144xf32, #tpu.memory_space<vmem>>[vector<16xi32>], vector<16xf32>,
      %add3A_1915 = arith.constant 6 : i32
      %add3A_1916 = vector.broadcast %add3A_1915 : i32 to vector<16xi32>
      %add3A_1917 = arith.addi %mul3A_1893, %add3A_1916 : vector<16xi32>
      %gather3A_1918 = tpu.vector_load_idx %arg10[%add3A_1917] : memref<6144xf32, #tpu.memory_space<vmem>>[vector<16xi32>], vector<16xf32>,
      %add3A_1919 = arith.constant 7 : i32
      %add3A_1920 = vector.broadcast %add3A_1919 : i32 to vector<16xi32>
      %add3A_1921 = arith.addi %mul3A_1893, %add3A_1920 : vector<16xi32>
      %gather3A_1922 = tpu.vector_load_idx %arg10[%add3A_1921] : memref<6144xf32, #tpu.memory_space<vmem>>[vector<16xi32>], vector<16xf32>,
      %add3A_1923 = arith.constant 8 : i32
      %add3A_1924 = vector.broadcast %add3A_1923 : i32 to vector<16xi32>
      %add3A_1925 = arith.addi %mul3A_1893, %add3A_1924 : vector<16xi32>
      %gather3A_1926 = tpu.vector_load_idx %arg10[%add3A_1925] : memref<6144xf32, #tpu.memory_space<vmem>>[vector<16xi32>], vector<16xf32>,
      %add3A_1927 = arith.constant 9 : i32
      %add3A_1928 = vector.broadcast %add3A_1927 : i32 to vector<16xi32>
      %add3A_1929 = arith.addi %mul3A_1893, %add3A_1928 : vector<16xi32>
      %gather3A_1930 = tpu.vector_load_idx %arg10[%add3A_1929] : memref<6144xf32, #tpu.memory_space<vmem>>[vector<16xi32>], vector<16xf32>,
      %add3A_1931 = arith.constant 10 : i32
      %add3A_1932 = vector.broadcast %add3A_1931 : i32 to vector<16xi32>
      %add3A_1933 = arith.addi %mul3A_1893, %add3A_1932 : vector<16xi32>
      %gather3A_1934 = tpu.vector_load_idx %arg10[%add3A_1933] : memref<6144xf32, #tpu.memory_space<vmem>>[vector<16xi32>], vector<16xf32>,
      %add3A_1935 = arith.constant 11 : i32
      %add3A_1936 = vector.broadcast %add3A_1935 : i32 to vector<16xi32>
      %add3A_1937 = arith.addi %mul3A_1893, %add3A_1936 : vector<16xi32>
      %gather3A_1938 = tpu.vector_load_idx %arg10[%add3A_1937] : memref<6144xf32, #tpu.memory_space<vmem>>[vector<16xi32>], vector<16xf32>,
      %mul3A_1939 = arith.mulf %gather3A_1894, %gather3A : vector<16xf32>
      %mul3A_1940 = arith.mulf %gather3A_1898, %gather3A_24 : vector<16xf32>
      %add3A_1941 = arith.addf %mul3A_1939, %mul3A_1940 : vector<16xf32>
      %mul3A_1942 = arith.mulf %gather3A_1902, %gather3A_28 : vector<16xf32>
      %add3A_1943 = arith.addf %add3A_1941, %mul3A_1942 : vector<16xf32>
      %add3A_1944 = arith.addf %add3A_1943, %gather3A_1930 : vector<16xf32>
      %mul3A_1945 = arith.mulf %exp3A_1889, %add3A_1944 : vector<16xf32>
      %add3A_1946 = arith.addf %add3A_1861, %mul3A_1945 : vector<16xf32>
      %mul3A_1947 = arith.mulf %gather3A_1906, %gather3A : vector<16xf32>
      %mul3A_1948 = arith.mulf %gather3A_1910, %gather3A_24 : vector<16xf32>
      %add3A_1949 = arith.addf %mul3A_1947, %mul3A_1948 : vector<16xf32>
      %mul3A_1950 = arith.mulf %gather3A_1914, %gather3A_28 : vector<16xf32>
      %add3A_1951 = arith.addf %add3A_1949, %mul3A_1950 : vector<16xf32>
      %add3A_1952 = arith.addf %add3A_1951, %gather3A_1934 : vector<16xf32>
      %mul3A_1953 = arith.mulf %exp3A_1889, %add3A_1952 : vector<16xf32>
      %add3A_1954 = arith.addf %add3A_1869, %mul3A_1953 : vector<16xf32>
      %mul3A_1955 = arith.mulf %gather3A_1918, %gather3A : vector<16xf32>
      %mul3A_1956 = arith.mulf %gather3A_1922, %gather3A_24 : vector<16xf32>
      %add3A_1957 = arith.addf %mul3A_1955, %mul3A_1956 : vector<16xf32>
      %mul3A_1958 = arith.mulf %gather3A_1926, %gather3A_28 : vector<16xf32>
      %add3A_1959 = arith.addf %add3A_1957, %mul3A_1958 : vector<16xf32>
      %add3A_1960 = arith.addf %add3A_1959, %gather3A_1938 : vector<16xf32>
      %mul3A_1961 = arith.mulf %exp3A_1889, %add3A_1960 : vector<16xf32>
      %add3A_1962 = arith.addf %add3A_1877, %mul3A_1961 : vector<16xf32>
      %and3A_1963 = arith.constant 511 : i32
      %and3A_1964 = vector.broadcast %and3A_1963 : i32 to vector<16xi32>
      %and3A_1965 = arith.andi %min3A_1526, %and3A_1964 : vector<16xi32>
      %and3A_1966 = vector.broadcast %scan3A : i32 to vector<16xi32>
      %and3A_1967 = arith.andi %min3A_1526, %and3A_1966 : vector<16xi32>
      %bitcast3A_1968 = vector.bitcast %and3A_1967 : vector<16xi32> to vector<16xf32>
      %neg3A_1969 = arith.constant 0.000000e+00 : f32
      %neg3A_1970 = vector.broadcast %neg3A_1969 : f32 to vector<16xf32>
      %neg3A_1971 = arith.subf %neg3A_1970, %bitcast3A_1968 : vector<16xf32>
      %gather3A_1972 = tpu.vector_load_idx %arg11[%and3A_1965] : memref<512xf32, #tpu.memory_space<vmem>>[vector<16xi32>], vector<16xf32>,
      %mul3A_1973 = arith.mulf %neg3A_1971, %gather3A_1972 : vector<16xf32>
      %exp3A_1974 = math.exp %mul3A_1973 : vector<16xf32>
      %add3A_1975 = arith.addf %add3A_1890, %exp3A_1974 : vector<16xf32>
      %mul3A_1976 = arith.constant 12 : i32
      %mul3A_1977 = vector.broadcast %mul3A_1976 : i32 to vector<16xi32>
      %mul3A_1978 = arith.muli %and3A_1965, %mul3A_1977 : vector<16xi32>
      %gather3A_1979 = tpu.vector_load_idx %arg10[%mul3A_1978] : memref<6144xf32, #tpu.memory_space<vmem>>[vector<16xi32>], vector<16xf32>,
      %add3A_1980 = arith.constant 1 : i32
      %add3A_1981 = vector.broadcast %add3A_1980 : i32 to vector<16xi32>
      %add3A_1982 = arith.addi %mul3A_1978, %add3A_1981 : vector<16xi32>
      %gather3A_1983 = tpu.vector_load_idx %arg10[%add3A_1982] : memref<6144xf32, #tpu.memory_space<vmem>>[vector<16xi32>], vector<16xf32>,
      %add3A_1984 = arith.constant 2 : i32
      %add3A_1985 = vector.broadcast %add3A_1984 : i32 to vector<16xi32>
      %add3A_1986 = arith.addi %mul3A_1978, %add3A_1985 : vector<16xi32>
      %gather3A_1987 = tpu.vector_load_idx %arg10[%add3A_1986] : memref<6144xf32, #tpu.memory_space<vmem>>[vector<16xi32>], vector<16xf32>,
      %add3A_1988 = arith.constant 3 : i32
      %add3A_1989 = vector.broadcast %add3A_1988 : i32 to vector<16xi32>
      %add3A_1990 = arith.addi %mul3A_1978, %add3A_1989 : vector<16xi32>
      %gather3A_1991 = tpu.vector_load_idx %arg10[%add3A_1990] : memref<6144xf32, #tpu.memory_space<vmem>>[vector<16xi32>], vector<16xf32>,
      %add3A_1992 = arith.constant 4 : i32
      %add3A_1993 = vector.broadcast %add3A_1992 : i32 to vector<16xi32>
      %add3A_1994 = arith.addi %mul3A_1978, %add3A_1993 : vector<16xi32>
      %gather3A_1995 = tpu.vector_load_idx %arg10[%add3A_1994] : memref<6144xf32, #tpu.memory_space<vmem>>[vector<16xi32>], vector<16xf32>,
      %add3A_1996 = arith.constant 5 : i32
      %add3A_1997 = vector.broadcast %add3A_1996 : i32 to vector<16xi32>
      %add3A_1998 = arith.addi %mul3A_1978, %add3A_1997 : vector<16xi32>
      %gather3A_1999 = tpu.vector_load_idx %arg10[%add3A_1998] : memref<6144xf32, #tpu.memory_space<vmem>>[vector<16xi32>], vector<16xf32>,
      %add3A_2000 = arith.constant 6 : i32
      %add3A_2001 = vector.broadcast %add3A_2000 : i32 to vector<16xi32>
      %add3A_2002 = arith.addi %mul3A_1978, %add3A_2001 : vector<16xi32>
      %gather3A_2003 = tpu.vector_load_idx %arg10[%add3A_2002] : memref<6144xf32, #tpu.memory_space<vmem>>[vector<16xi32>], vector<16xf32>,
      %add3A_2004 = arith.constant 7 : i32
      %add3A_2005 = vector.broadcast %add3A_2004 : i32 to vector<16xi32>
      %add3A_2006 = arith.addi %mul3A_1978, %add3A_2005 : vector<16xi32>
      %gather3A_2007 = tpu.vector_load_idx %arg10[%add3A_2006] : memref<6144xf32, #tpu.memory_space<vmem>>[vector<16xi32>], vector<16xf32>,
      %add3A_2008 = arith.constant 8 : i32
      %add3A_2009 = vector.broadcast %add3A_2008 : i32 to vector<16xi32>
      %add3A_2010 = arith.addi %mul3A_1978, %add3A_2009 : vector<16xi32>
      %gather3A_2011 = tpu.vector_load_idx %arg10[%add3A_2010] : memref<6144xf32, #tpu.memory_space<vmem>>[vector<16xi32>], vector<16xf32>,
      %add3A_2012 = arith.constant 9 : i32
      %add3A_2013 = vector.broadcast %add3A_2012 : i32 to vector<16xi32>
      %add3A_2014 = arith.addi %mul3A_1978, %add3A_2013 : vector<16xi32>
      %gather3A_2015 = tpu.vector_load_idx %arg10[%add3A_2014] : memref<6144xf32, #tpu.memory_space<vmem>>[vector<16xi32>], vector<16xf32>,
      %add3A_2016 = arith.constant 10 : i32
      %add3A_2017 = vector.broadcast %add3A_2016 : i32 to vector<16xi32>
      %add3A_2018 = arith.addi %mul3A_1978, %add3A_2017 : vector<16xi32>
      %gather3A_2019 = tpu.vector_load_idx %arg10[%add3A_2018] : memref<6144xf32, #tpu.memory_space<vmem>>[vector<16xi32>], vector<16xf32>,
      %add3A_2020 = arith.constant 11 : i32
      %add3A_2021 = vector.broadcast %add3A_2020 : i32 to vector<16xi32>
      %add3A_2022 = arith.addi %mul3A_1978, %add3A_2021 : vector<16xi32>
      %gather3A_2023 = tpu.vector_load_idx %arg10[%add3A_2022] : memref<6144xf32, #tpu.memory_space<vmem>>[vector<16xi32>], vector<16xf32>,
      %mul3A_2024 = arith.mulf %gather3A_1979, %gather3A : vector<16xf32>
      %mul3A_2025 = arith.mulf %gather3A_1983, %gather3A_24 : vector<16xf32>
      %add3A_2026 = arith.addf %mul3A_2024, %mul3A_2025 : vector<16xf32>
      %mul3A_2027 = arith.mulf %gather3A_1987, %gather3A_28 : vector<16xf32>
      %add3A_2028 = arith.addf %add3A_2026, %mul3A_2027 : vector<16xf32>
      %add3A_2029 = arith.addf %add3A_2028, %gather3A_2015 : vector<16xf32>
      %mul3A_2030 = arith.mulf %exp3A_1974, %add3A_2029 : vector<16xf32>
      %add3A_2031 = arith.addf %add3A_1946, %mul3A_2030 : vector<16xf32>
      %mul3A_2032 = arith.mulf %gather3A_1991, %gather3A : vector<16xf32>
      %mul3A_2033 = arith.mulf %gather3A_1995, %gather3A_24 : vector<16xf32>
      %add3A_2034 = arith.addf %mul3A_2032, %mul3A_2033 : vector<16xf32>
      %mul3A_2035 = arith.mulf %gather3A_1999, %gather3A_28 : vector<16xf32>
      %add3A_2036 = arith.addf %add3A_2034, %mul3A_2035 : vector<16xf32>
      %add3A_2037 = arith.addf %add3A_2036, %gather3A_2019 : vector<16xf32>
      %mul3A_2038 = arith.mulf %exp3A_1974, %add3A_2037 : vector<16xf32>
      %add3A_2039 = arith.addf %add3A_1954, %mul3A_2038 : vector<16xf32>
      %mul3A_2040 = arith.mulf %gather3A_2003, %gather3A : vector<16xf32>
      %mul3A_2041 = arith.mulf %gather3A_2007, %gather3A_24 : vector<16xf32>
      %add3A_2042 = arith.addf %mul3A_2040, %mul3A_2041 : vector<16xf32>
      %mul3A_2043 = arith.mulf %gather3A_2011, %gather3A_28 : vector<16xf32>
      %add3A_2044 = arith.addf %add3A_2042, %mul3A_2043 : vector<16xf32>
      %add3A_2045 = arith.addf %add3A_2044, %gather3A_2023 : vector<16xf32>
      %mul3A_2046 = arith.mulf %exp3A_1974, %add3A_2045 : vector<16xf32>
      %add3A_2047 = arith.addf %add3A_1962, %mul3A_2046 : vector<16xf32>
      %and3A_2048 = arith.constant 511 : i32
      %and3A_2049 = vector.broadcast %and3A_2048 : i32 to vector<16xi32>
      %and3A_2050 = arith.andi %min3A_1528, %and3A_2049 : vector<16xi32>
      %and3A_2051 = vector.broadcast %scan3A : i32 to vector<16xi32>
      %and3A_2052 = arith.andi %min3A_1528, %and3A_2051 : vector<16xi32>
      %bitcast3A_2053 = vector.bitcast %and3A_2052 : vector<16xi32> to vector<16xf32>
      %neg3A_2054 = arith.constant 0.000000e+00 : f32
      %neg3A_2055 = vector.broadcast %neg3A_2054 : f32 to vector<16xf32>
      %neg3A_2056 = arith.subf %neg3A_2055, %bitcast3A_2053 : vector<16xf32>
      %gather3A_2057 = tpu.vector_load_idx %arg11[%and3A_2050] : memref<512xf32, #tpu.memory_space<vmem>>[vector<16xi32>], vector<16xf32>,
      %mul3A_2058 = arith.mulf %neg3A_2056, %gather3A_2057 : vector<16xf32>
      %exp3A_2059 = math.exp %mul3A_2058 : vector<16xf32>
      %add3A_2060 = arith.addf %add3A_1975, %exp3A_2059 : vector<16xf32>
      %mul3A_2061 = arith.constant 12 : i32
      %mul3A_2062 = vector.broadcast %mul3A_2061 : i32 to vector<16xi32>
      %mul3A_2063 = arith.muli %and3A_2050, %mul3A_2062 : vector<16xi32>
      %gather3A_2064 = tpu.vector_load_idx %arg10[%mul3A_2063] : memref<6144xf32, #tpu.memory_space<vmem>>[vector<16xi32>], vector<16xf32>,
      %add3A_2065 = arith.constant 1 : i32
      %add3A_2066 = vector.broadcast %add3A_2065 : i32 to vector<16xi32>
      %add3A_2067 = arith.addi %mul3A_2063, %add3A_2066 : vector<16xi32>
      %gather3A_2068 = tpu.vector_load_idx %arg10[%add3A_2067] : memref<6144xf32, #tpu.memory_space<vmem>>[vector<16xi32>], vector<16xf32>,
      %add3A_2069 = arith.constant 2 : i32
      %add3A_2070 = vector.broadcast %add3A_2069 : i32 to vector<16xi32>
      %add3A_2071 = arith.addi %mul3A_2063, %add3A_2070 : vector<16xi32>
      %gather3A_2072 = tpu.vector_load_idx %arg10[%add3A_2071] : memref<6144xf32, #tpu.memory_space<vmem>>[vector<16xi32>], vector<16xf32>,
      %add3A_2073 = arith.constant 3 : i32
      %add3A_2074 = vector.broadcast %add3A_2073 : i32 to vector<16xi32>
      %add3A_2075 = arith.addi %mul3A_2063, %add3A_2074 : vector<16xi32>
      %gather3A_2076 = tpu.vector_load_idx %arg10[%add3A_2075] : memref<6144xf32, #tpu.memory_space<vmem>>[vector<16xi32>], vector<16xf32>,
      %add3A_2077 = arith.constant 4 : i32
      %add3A_2078 = vector.broadcast %add3A_2077 : i32 to vector<16xi32>
      %add3A_2079 = arith.addi %mul3A_2063, %add3A_2078 : vector<16xi32>
      %gather3A_2080 = tpu.vector_load_idx %arg10[%add3A_2079] : memref<6144xf32, #tpu.memory_space<vmem>>[vector<16xi32>], vector<16xf32>,
      %add3A_2081 = arith.constant 5 : i32
      %add3A_2082 = vector.broadcast %add3A_2081 : i32 to vector<16xi32>
      %add3A_2083 = arith.addi %mul3A_2063, %add3A_2082 : vector<16xi32>
      %gather3A_2084 = tpu.vector_load_idx %arg10[%add3A_2083] : memref<6144xf32, #tpu.memory_space<vmem>>[vector<16xi32>], vector<16xf32>,
      %add3A_2085 = arith.constant 6 : i32
      %add3A_2086 = vector.broadcast %add3A_2085 : i32 to vector<16xi32>
      %add3A_2087 = arith.addi %mul3A_2063, %add3A_2086 : vector<16xi32>
      %gather3A_2088 = tpu.vector_load_idx %arg10[%add3A_2087] : memref<6144xf32, #tpu.memory_space<vmem>>[vector<16xi32>], vector<16xf32>,
      %add3A_2089 = arith.constant 7 : i32
      %add3A_2090 = vector.broadcast %add3A_2089 : i32 to vector<16xi32>
      %add3A_2091 = arith.addi %mul3A_2063, %add3A_2090 : vector<16xi32>
      %gather3A_2092 = tpu.vector_load_idx %arg10[%add3A_2091] : memref<6144xf32, #tpu.memory_space<vmem>>[vector<16xi32>], vector<16xf32>,
      %add3A_2093 = arith.constant 8 : i32
      %add3A_2094 = vector.broadcast %add3A_2093 : i32 to vector<16xi32>
      %add3A_2095 = arith.addi %mul3A_2063, %add3A_2094 : vector<16xi32>
      %gather3A_2096 = tpu.vector_load_idx %arg10[%add3A_2095] : memref<6144xf32, #tpu.memory_space<vmem>>[vector<16xi32>], vector<16xf32>,
      %add3A_2097 = arith.constant 9 : i32
      %add3A_2098 = vector.broadcast %add3A_2097 : i32 to vector<16xi32>
      %add3A_2099 = arith.addi %mul3A_2063, %add3A_2098 : vector<16xi32>
      %gather3A_2100 = tpu.vector_load_idx %arg10[%add3A_2099] : memref<6144xf32, #tpu.memory_space<vmem>>[vector<16xi32>], vector<16xf32>,
      %add3A_2101 = arith.constant 10 : i32
      %add3A_2102 = vector.broadcast %add3A_2101 : i32 to vector<16xi32>
      %add3A_2103 = arith.addi %mul3A_2063, %add3A_2102 : vector<16xi32>
      %gather3A_2104 = tpu.vector_load_idx %arg10[%add3A_2103] : memref<6144xf32, #tpu.memory_space<vmem>>[vector<16xi32>], vector<16xf32>,
      %add3A_2105 = arith.constant 11 : i32
      %add3A_2106 = vector.broadcast %add3A_2105 : i32 to vector<16xi32>
      %add3A_2107 = arith.addi %mul3A_2063, %add3A_2106 : vector<16xi32>
      %gather3A_2108 = tpu.vector_load_idx %arg10[%add3A_2107] : memref<6144xf32, #tpu.memory_space<vmem>>[vector<16xi32>], vector<16xf32>,
      %mul3A_2109 = arith.mulf %gather3A_2064, %gather3A : vector<16xf32>
      %mul3A_2110 = arith.mulf %gather3A_2068, %gather3A_24 : vector<16xf32>
      %add3A_2111 = arith.addf %mul3A_2109, %mul3A_2110 : vector<16xf32>
      %mul3A_2112 = arith.mulf %gather3A_2072, %gather3A_28 : vector<16xf32>
      %add3A_2113 = arith.addf %add3A_2111, %mul3A_2112 : vector<16xf32>
      %add3A_2114 = arith.addf %add3A_2113, %gather3A_2100 : vector<16xf32>
      %mul3A_2115 = arith.mulf %exp3A_2059, %add3A_2114 : vector<16xf32>
      %add3A_2116 = arith.addf %add3A_2031, %mul3A_2115 : vector<16xf32>
      %mul3A_2117 = arith.mulf %gather3A_2076, %gather3A : vector<16xf32>
      %mul3A_2118 = arith.mulf %gather3A_2080, %gather3A_24 : vector<16xf32>
      %add3A_2119 = arith.addf %mul3A_2117, %mul3A_2118 : vector<16xf32>
      %mul3A_2120 = arith.mulf %gather3A_2084, %gather3A_28 : vector<16xf32>
      %add3A_2121 = arith.addf %add3A_2119, %mul3A_2120 : vector<16xf32>
      %add3A_2122 = arith.addf %add3A_2121, %gather3A_2104 : vector<16xf32>
      %mul3A_2123 = arith.mulf %exp3A_2059, %add3A_2122 : vector<16xf32>
      %add3A_2124 = arith.addf %add3A_2039, %mul3A_2123 : vector<16xf32>
      %mul3A_2125 = arith.mulf %gather3A_2088, %gather3A : vector<16xf32>
      %mul3A_2126 = arith.mulf %gather3A_2092, %gather3A_24 : vector<16xf32>
      %add3A_2127 = arith.addf %mul3A_2125, %mul3A_2126 : vector<16xf32>
      %mul3A_2128 = arith.mulf %gather3A_2096, %gather3A_28 : vector<16xf32>
      %add3A_2129 = arith.addf %add3A_2127, %mul3A_2128 : vector<16xf32>
      %add3A_2130 = arith.addf %add3A_2129, %gather3A_2108 : vector<16xf32>
      %mul3A_2131 = arith.mulf %exp3A_2059, %add3A_2130 : vector<16xf32>
      %add3A_2132 = arith.addf %add3A_2047, %mul3A_2131 : vector<16xf32>
      %and3A_2133 = arith.constant 511 : i32
      %and3A_2134 = vector.broadcast %and3A_2133 : i32 to vector<16xi32>
      %and3A_2135 = arith.andi %min3A_1530, %and3A_2134 : vector<16xi32>
      %and3A_2136 = vector.broadcast %scan3A : i32 to vector<16xi32>
      %and3A_2137 = arith.andi %min3A_1530, %and3A_2136 : vector<16xi32>
      %bitcast3A_2138 = vector.bitcast %and3A_2137 : vector<16xi32> to vector<16xf32>
      %neg3A_2139 = arith.constant 0.000000e+00 : f32
      %neg3A_2140 = vector.broadcast %neg3A_2139 : f32 to vector<16xf32>
      %neg3A_2141 = arith.subf %neg3A_2140, %bitcast3A_2138 : vector<16xf32>
      %gather3A_2142 = tpu.vector_load_idx %arg11[%and3A_2135] : memref<512xf32, #tpu.memory_space<vmem>>[vector<16xi32>], vector<16xf32>,
      %mul3A_2143 = arith.mulf %neg3A_2141, %gather3A_2142 : vector<16xf32>
      %exp3A_2144 = math.exp %mul3A_2143 : vector<16xf32>
      %add3A_2145 = arith.addf %add3A_2060, %exp3A_2144 : vector<16xf32>
      %mul3A_2146 = arith.constant 12 : i32
      %mul3A_2147 = vector.broadcast %mul3A_2146 : i32 to vector<16xi32>
      %mul3A_2148 = arith.muli %and3A_2135, %mul3A_2147 : vector<16xi32>
      %gather3A_2149 = tpu.vector_load_idx %arg10[%mul3A_2148] : memref<6144xf32, #tpu.memory_space<vmem>>[vector<16xi32>], vector<16xf32>,
      %add3A_2150 = arith.constant 1 : i32
      %add3A_2151 = vector.broadcast %add3A_2150 : i32 to vector<16xi32>
      %add3A_2152 = arith.addi %mul3A_2148, %add3A_2151 : vector<16xi32>
      %gather3A_2153 = tpu.vector_load_idx %arg10[%add3A_2152] : memref<6144xf32, #tpu.memory_space<vmem>>[vector<16xi32>], vector<16xf32>,
      %add3A_2154 = arith.constant 2 : i32
      %add3A_2155 = vector.broadcast %add3A_2154 : i32 to vector<16xi32>
      %add3A_2156 = arith.addi %mul3A_2148, %add3A_2155 : vector<16xi32>
      %gather3A_2157 = tpu.vector_load_idx %arg10[%add3A_2156] : memref<6144xf32, #tpu.memory_space<vmem>>[vector<16xi32>], vector<16xf32>,
      %add3A_2158 = arith.constant 3 : i32
      %add3A_2159 = vector.broadcast %add3A_2158 : i32 to vector<16xi32>
      %add3A_2160 = arith.addi %mul3A_2148, %add3A_2159 : vector<16xi32>
      %gather3A_2161 = tpu.vector_load_idx %arg10[%add3A_2160] : memref<6144xf32, #tpu.memory_space<vmem>>[vector<16xi32>], vector<16xf32>,
      %add3A_2162 = arith.constant 4 : i32
      %add3A_2163 = vector.broadcast %add3A_2162 : i32 to vector<16xi32>
      %add3A_2164 = arith.addi %mul3A_2148, %add3A_2163 : vector<16xi32>
      %gather3A_2165 = tpu.vector_load_idx %arg10[%add3A_2164] : memref<6144xf32, #tpu.memory_space<vmem>>[vector<16xi32>], vector<16xf32>,
      %add3A_2166 = arith.constant 5 : i32
      %add3A_2167 = vector.broadcast %add3A_2166 : i32 to vector<16xi32>
      %add3A_2168 = arith.addi %mul3A_2148, %add3A_2167 : vector<16xi32>
      %gather3A_2169 = tpu.vector_load_idx %arg10[%add3A_2168] : memref<6144xf32, #tpu.memory_space<vmem>>[vector<16xi32>], vector<16xf32>,
      %add3A_2170 = arith.constant 6 : i32
      %add3A_2171 = vector.broadcast %add3A_2170 : i32 to vector<16xi32>
      %add3A_2172 = arith.addi %mul3A_2148, %add3A_2171 : vector<16xi32>
      %gather3A_2173 = tpu.vector_load_idx %arg10[%add3A_2172] : memref<6144xf32, #tpu.memory_space<vmem>>[vector<16xi32>], vector<16xf32>,
      %add3A_2174 = arith.constant 7 : i32
      %add3A_2175 = vector.broadcast %add3A_2174 : i32 to vector<16xi32>
      %add3A_2176 = arith.addi %mul3A_2148, %add3A_2175 : vector<16xi32>
      %gather3A_2177 = tpu.vector_load_idx %arg10[%add3A_2176] : memref<6144xf32, #tpu.memory_space<vmem>>[vector<16xi32>], vector<16xf32>,
      %add3A_2178 = arith.constant 8 : i32
      %add3A_2179 = vector.broadcast %add3A_2178 : i32 to vector<16xi32>
      %add3A_2180 = arith.addi %mul3A_2148, %add3A_2179 : vector<16xi32>
      %gather3A_2181 = tpu.vector_load_idx %arg10[%add3A_2180] : memref<6144xf32, #tpu.memory_space<vmem>>[vector<16xi32>], vector<16xf32>,
      %add3A_2182 = arith.constant 9 : i32
      %add3A_2183 = vector.broadcast %add3A_2182 : i32 to vector<16xi32>
      %add3A_2184 = arith.addi %mul3A_2148, %add3A_2183 : vector<16xi32>
      %gather3A_2185 = tpu.vector_load_idx %arg10[%add3A_2184] : memref<6144xf32, #tpu.memory_space<vmem>>[vector<16xi32>], vector<16xf32>,
      %add3A_2186 = arith.constant 10 : i32
      %add3A_2187 = vector.broadcast %add3A_2186 : i32 to vector<16xi32>
      %add3A_2188 = arith.addi %mul3A_2148, %add3A_2187 : vector<16xi32>
      %gather3A_2189 = tpu.vector_load_idx %arg10[%add3A_2188] : memref<6144xf32, #tpu.memory_space<vmem>>[vector<16xi32>], vector<16xf32>,
      %add3A_2190 = arith.constant 11 : i32
      %add3A_2191 = vector.broadcast %add3A_2190 : i32 to vector<16xi32>
      %add3A_2192 = arith.addi %mul3A_2148, %add3A_2191 : vector<16xi32>
      %gather3A_2193 = tpu.vector_load_idx %arg10[%add3A_2192] : memref<6144xf32, #tpu.memory_space<vmem>>[vector<16xi32>], vector<16xf32>,
      %mul3A_2194 = arith.mulf %gather3A_2149, %gather3A : vector<16xf32>
      %mul3A_2195 = arith.mulf %gather3A_2153, %gather3A_24 : vector<16xf32>
      %add3A_2196 = arith.addf %mul3A_2194, %mul3A_2195 : vector<16xf32>
      %mul3A_2197 = arith.mulf %gather3A_2157, %gather3A_28 : vector<16xf32>
      %add3A_2198 = arith.addf %add3A_2196, %mul3A_2197 : vector<16xf32>
      %add3A_2199 = arith.addf %add3A_2198, %gather3A_2185 : vector<16xf32>
      %mul3A_2200 = arith.mulf %exp3A_2144, %add3A_2199 : vector<16xf32>
      %add3A_2201 = arith.addf %add3A_2116, %mul3A_2200 : vector<16xf32>
      %mul3A_2202 = arith.mulf %gather3A_2161, %gather3A : vector<16xf32>
      %mul3A_2203 = arith.mulf %gather3A_2165, %gather3A_24 : vector<16xf32>
      %add3A_2204 = arith.addf %mul3A_2202, %mul3A_2203 : vector<16xf32>
      %mul3A_2205 = arith.mulf %gather3A_2169, %gather3A_28 : vector<16xf32>
      %add3A_2206 = arith.addf %add3A_2204, %mul3A_2205 : vector<16xf32>
      %add3A_2207 = arith.addf %add3A_2206, %gather3A_2189 : vector<16xf32>
      %mul3A_2208 = arith.mulf %exp3A_2144, %add3A_2207 : vector<16xf32>
      %add3A_2209 = arith.addf %add3A_2124, %mul3A_2208 : vector<16xf32>
      %mul3A_2210 = arith.mulf %gather3A_2173, %gather3A : vector<16xf32>
      %mul3A_2211 = arith.mulf %gather3A_2177, %gather3A_24 : vector<16xf32>
      %add3A_2212 = arith.addf %mul3A_2210, %mul3A_2211 : vector<16xf32>
      %mul3A_2213 = arith.mulf %gather3A_2181, %gather3A_28 : vector<16xf32>
      %add3A_2214 = arith.addf %add3A_2212, %mul3A_2213 : vector<16xf32>
      %add3A_2215 = arith.addf %add3A_2214, %gather3A_2193 : vector<16xf32>
      %mul3A_2216 = arith.mulf %exp3A_2144, %add3A_2215 : vector<16xf32>
      %add3A_2217 = arith.addf %add3A_2132, %mul3A_2216 : vector<16xf32>
      %add3A_2218 = arith.constant 9.99999993E-9 : f32
      %add3A_2219 = vector.broadcast %add3A_2218 : f32 to vector<16xf32>
      %add3A_2220 = arith.addf %add3A_2145, %add3A_2219 : vector<16xf32>
      %div3A = arith.constant 1.000000e+00 : f32
      %div3A_2221 = vector.broadcast %div3A : f32 to vector<16xf32>
      %div3A_2222 = arith.divf %div3A_2221, %add3A_2220 : vector<16xf32>
      %mul3A_2223 = arith.mulf %add3A_2201, %div3A_2222 : vector<16xf32>
      tpu.vector_store_idx %arg8[%mul3A_20], %mul3A_2223 : memref<4704xf32, #tpu.memory_space<vmem>>[vector<16xi32>], vector<16xf32>,
      %add3A_2224 = arith.constant 1 : i32
      %add3A_2225 = vector.broadcast %add3A_2224 : i32 to vector<16xi32>
      %add3A_2226 = arith.addi %mul3A_20, %add3A_2225 : vector<16xi32>
      %mul3A_2227 = arith.mulf %add3A_2209, %div3A_2222 : vector<16xf32>
      tpu.vector_store_idx %arg8[%add3A_2226], %mul3A_2227 : memref<4704xf32, #tpu.memory_space<vmem>>[vector<16xi32>], vector<16xf32>,
      %add3A_2228 = arith.constant 2 : i32
      %add3A_2229 = vector.broadcast %add3A_2228 : i32 to vector<16xi32>
      %add3A_2230 = arith.addi %mul3A_20, %add3A_2229 : vector<16xi32>
      %mul3A_2231 = arith.mulf %add3A_2217, %div3A_2222 : vector<16xf32>
      tpu.vector_store_idx %arg8[%add3A_2230], %mul3A_2231 : memref<4704xf32, #tpu.memory_space<vmem>>[vector<16xi32>], vector<16xf32>,
      %scan3A_2232 = arith.constant 0 : i32
      scf.yield %scan3A_2232 : i32
    }
    %scan3A_11 = arith.constant 98 : i32
    "tpu.region"() ({
      %run_scoped3A = tpu.sem_alloc : memref<!tpu.dma_semaphore, #tpu.memory_space<semaphore_mem>>
      %dma_start3A = tpu.memref_slice %arg6[%min3A_3] : memref<150000xf32, #tpu.memory_space<hbm>> -> memref<4704xf32, #tpu.memory_space<hbm>>
      %dma_start3A_12 = tpu.memref_slice %arg6[%min3A_3] : memref<150000xf32, #tpu.memory_space<hbm>> -> memref<4704xf32, #tpu.memory_space<hbm>>
      tpu.enqueue_dma source(%arg8 : memref<4704xf32, #tpu.memory_space<vmem>>) target(%dma_start3A_12 : memref<4704xf32, #tpu.memory_space<hbm>>) target_semaphore(%run_scoped3A : memref<!tpu.dma_semaphore, #tpu.memory_space<semaphore_mem>>)
      %dma_wait3A = tpu.memref_slice %arg6[%min3A_3] : memref<150000xf32, #tpu.memory_space<hbm>> -> memref<4704xf32, #tpu.memory_space<hbm>>
      %dma_wait3A_13 = tpu.memref_slice %arg6[%min3A_3] : memref<150000xf32, #tpu.memory_space<hbm>> -> memref<4704xf32, #tpu.memory_space<hbm>>
      tpu.wait_dma2 semaphore(%run_scoped3A : memref<!tpu.dma_semaphore, #tpu.memory_space<semaphore_mem>>) src(%arg8 : memref<4704xf32, #tpu.memory_space<vmem>>) dst(%dma_wait3A_13 : memref<4704xf32, #tpu.memory_space<hbm>>)
      tpu.yield
    }) : () -> ()
    return
  }
}

module attributes {stable_mosaic.version = 14 : i64} {
  func.func @_prep_kernel(%arg0: memref<512x3xf32, #tpu.memory_space<vmem>>, %arg1: memref<1x1xf32, #tpu.memory_space<vmem>>, %arg2: memref<1x512xf32, #tpu.memory_space<vmem>>, %arg3: memref<76x256xf32, #tpu.memory_space<vmem>>, %arg4: memref<1x256xf32, #tpu.memory_space<vmem>>, %arg5: memref<256x256xf32, #tpu.memory_space<vmem>>, %arg6: memref<1x256xf32, #tpu.memory_space<vmem>>, %arg7: memref<256x256xf32, #tpu.memory_space<vmem>>, %arg8: memref<1x256xf32, #tpu.memory_space<vmem>>, %arg9: memref<332x256xf32, #tpu.memory_space<vmem>>, %arg10: memref<1x256xf32, #tpu.memory_space<vmem>>, %arg11: memref<256x256xf32, #tpu.memory_space<vmem>>, %arg12: memref<1x256xf32, #tpu.memory_space<vmem>>, %arg13: memref<256x7xf32, #tpu.memory_space<vmem>>, %arg14: memref<1x7xf32, #tpu.memory_space<vmem>>, %arg15: memref<512x12xf32, #tpu.memory_space<vmem>>, %arg16: memref<1x512xf32, #tpu.memory_space<vmem>>, %arg17: memref<512x48xf32, #tpu.memory_space<vmem>>) attributes {dimension_semantics = [], scalar_prefetch = 0 : i64, scratch_operands = 0 : i64, tpu.core_type = #tpu.core_type<tc>} {
    %get3A = arith.constant 0 : index
    %get3A_0 = arith.constant 0 : index
    %get3A_1 = vector.load %arg0[%get3A, %get3A_0] : memref<512x3xf32, #tpu.memory_space<vmem>>, vector<512x3xf32>
    %slice3A = vector.extract_strided_slice %get3A_1 {offsets = [0, 0], sizes = [512, 1], strides = [1, 1]} : vector<512x3xf32> to vector<512x1xf32>
    %slice3A_2 = vector.extract_strided_slice %get3A_1 {offsets = [0, 1], sizes = [512, 1], strides = [1, 1]} : vector<512x3xf32> to vector<512x1xf32>
    %slice3A_3 = vector.extract_strided_slice %get3A_1 {offsets = [0, 2], sizes = [512, 1], strides = [1, 1]} : vector<512x3xf32> to vector<512x1xf32>
    %iota3A = tpu.iota {dimensions = array<i32: 1>} : vector<1x10xi32>
    %convert_element_type3A = arith.sitofp %iota3A : vector<1x10xi32> to vector<1x10xf32>
    %exp23A = math.exp2 %convert_element_type3A : vector<1x10xf32>
    %iota3A_4 = tpu.iota {dimensions = array<i32: 1>} : vector<1x6xi32>
    %convert_element_type3A_5 = arith.sitofp %iota3A_4 : vector<1x6xi32> to vector<1x6xf32>
    %exp23A_6 = math.exp2 %convert_element_type3A_5 : vector<1x6xf32>
    %get3A_7 = arith.constant 0 : index
    %get3A_8 = arith.constant 0 : index
    %get3A_9 = vector.load %arg1[%get3A_7, %get3A_8] : memref<1x1xf32, #tpu.memory_space<vmem>>, vector<1x1xf32>
    %get3A_10 = vector.extract %get3A_9[0, 0] : f32 from vector<1x1xf32>
    %broadcast_in_dim3A = vector.broadcast %get3A_10 : f32 to vector<512x1xf32>
    %mul3A = vector.broadcast %slice3A : vector<512x1xf32> to vector<512x10xf32>
    %mul3A_11 = vector.broadcast %exp23A : vector<1x10xf32> to vector<512x10xf32>
    %mul3A_12 = arith.mulf %mul3A, %mul3A_11 : vector<512x10xf32>
    %sin3A = math.sin %mul3A_12 : vector<512x10xf32>
    %mul3A_13 = vector.broadcast %slice3A_2 : vector<512x1xf32> to vector<512x10xf32>
    %mul3A_14 = vector.broadcast %exp23A : vector<1x10xf32> to vector<512x10xf32>
    %mul3A_15 = arith.mulf %mul3A_13, %mul3A_14 : vector<512x10xf32>
    %sin3A_16 = math.sin %mul3A_15 : vector<512x10xf32>
    %mul3A_17 = vector.broadcast %slice3A_3 : vector<512x1xf32> to vector<512x10xf32>
    %mul3A_18 = vector.broadcast %exp23A : vector<1x10xf32> to vector<512x10xf32>
    %mul3A_19 = arith.mulf %mul3A_17, %mul3A_18 : vector<512x10xf32>
    %sin3A_20 = math.sin %mul3A_19 : vector<512x10xf32>
    %mul3A_21 = vector.broadcast %slice3A : vector<512x1xf32> to vector<512x10xf32>
    %mul3A_22 = vector.broadcast %exp23A : vector<1x10xf32> to vector<512x10xf32>
    %mul3A_23 = arith.mulf %mul3A_21, %mul3A_22 : vector<512x10xf32>
    %cos3A = math.cos %mul3A_23 : vector<512x10xf32>
    %mul3A_24 = vector.broadcast %slice3A_2 : vector<512x1xf32> to vector<512x10xf32>
    %mul3A_25 = vector.broadcast %exp23A : vector<1x10xf32> to vector<512x10xf32>
    %mul3A_26 = arith.mulf %mul3A_24, %mul3A_25 : vector<512x10xf32>
    %cos3A_27 = math.cos %mul3A_26 : vector<512x10xf32>
    %mul3A_28 = vector.broadcast %slice3A_3 : vector<512x1xf32> to vector<512x10xf32>
    %mul3A_29 = vector.broadcast %exp23A : vector<1x10xf32> to vector<512x10xf32>
    %mul3A_30 = arith.mulf %mul3A_28, %mul3A_29 : vector<512x10xf32>
    %cos3A_31 = math.cos %mul3A_30 : vector<512x10xf32>
    %mul3A_32 = vector.broadcast %broadcast_in_dim3A : vector<512x1xf32> to vector<512x6xf32>
    %mul3A_33 = vector.broadcast %exp23A_6 : vector<1x6xf32> to vector<512x6xf32>
    %mul3A_34 = arith.mulf %mul3A_32, %mul3A_33 : vector<512x6xf32>
    %sin3A_35 = math.sin %mul3A_34 : vector<512x6xf32>
    %mul3A_36 = vector.broadcast %broadcast_in_dim3A : vector<512x1xf32> to vector<512x6xf32>
    %mul3A_37 = vector.broadcast %exp23A_6 : vector<1x6xf32> to vector<512x6xf32>
    %mul3A_38 = arith.mulf %mul3A_36, %mul3A_37 : vector<512x6xf32>
    %cos3A_39 = math.cos %mul3A_38 : vector<512x6xf32>
    %concatenate3A = tpu.concatenate %get3A_1, %sin3A, %sin3A_16, %sin3A_20, %cos3A, %cos3A_27, %cos3A_31, %broadcast_in_dim3A, %sin3A_35, %cos3A_39 in 1 : vector<512x3xf32>, vector<512x10xf32>, vector<512x10xf32>, vector<512x10xf32>, vector<512x10xf32>, vector<512x10xf32>, vector<512x10xf32>, vector<512x1xf32>, vector<512x6xf32>, vector<512x6xf32> -> vector<512x76xf32>
    %get3A_40 = arith.constant 0 : index
    %get3A_41 = arith.constant 0 : index
    %get3A_42 = vector.load %arg3[%get3A_40, %get3A_41] : memref<76x256xf32, #tpu.memory_space<vmem>>, vector<76x256xf32>
    %dot_general3A = arith.constant dense<0.000000e+00> : vector<512x256xf32>
    %dot_general3A_43 = tpu.matmul %concatenate3A, %get3A_42, %dot_general3A {dimension_numbers = #tpu.dot_dimension_numbers<[1], [0], [0], [1], [0, 0, 1, 1], [], []>, precision = #tpu.contract_precision<fp32>, transpose_lhs_hint = false} : vector<512x76xf32>, vector<76x256xf32>, vector<512x256xf32> -> vector<512x256xf32>
    %get3A_44 = arith.constant 0 : index
    %get3A_45 = arith.constant 0 : index
    %get3A_46 = vector.load %arg4[%get3A_44, %get3A_45] : memref<1x256xf32, #tpu.memory_space<vmem>>, vector<1x256xf32>
    %add3A = vector.broadcast %get3A_46 : vector<1x256xf32> to vector<512x256xf32>
    %add3A_47 = arith.addf %dot_general3A_43, %add3A : vector<512x256xf32>
    %max3A = arith.constant 0.000000e+00 : f32
    %max3A_48 = vector.broadcast %max3A : f32 to vector<512x256xf32>
    %max3A_49 = arith.maximumf %add3A_47, %max3A_48 : vector<512x256xf32>
    %get3A_50 = arith.constant 0 : index
    %get3A_51 = arith.constant 0 : index
    %get3A_52 = vector.load %arg5[%get3A_50, %get3A_51] : memref<256x256xf32, #tpu.memory_space<vmem>>, vector<256x256xf32>
    %dot_general3A_53 = arith.constant dense<0.000000e+00> : vector<512x256xf32>
    %dot_general3A_54 = tpu.matmul %max3A_49, %get3A_52, %dot_general3A_53 {dimension_numbers = #tpu.dot_dimension_numbers<[1], [0], [0], [1], [0, 0, 1, 1], [], []>, precision = #tpu.contract_precision<fp32>, transpose_lhs_hint = false} : vector<512x256xf32>, vector<256x256xf32>, vector<512x256xf32> -> vector<512x256xf32>
    %get3A_55 = arith.constant 0 : index
    %get3A_56 = arith.constant 0 : index
    %get3A_57 = vector.load %arg6[%get3A_55, %get3A_56] : memref<1x256xf32, #tpu.memory_space<vmem>>, vector<1x256xf32>
    %add3A_58 = vector.broadcast %get3A_57 : vector<1x256xf32> to vector<512x256xf32>
    %add3A_59 = arith.addf %dot_general3A_54, %add3A_58 : vector<512x256xf32>
    %max3A_60 = arith.constant 0.000000e+00 : f32
    %max3A_61 = vector.broadcast %max3A_60 : f32 to vector<512x256xf32>
    %max3A_62 = arith.maximumf %add3A_59, %max3A_61 : vector<512x256xf32>
    %get3A_63 = arith.constant 0 : index
    %get3A_64 = arith.constant 0 : index
    %get3A_65 = vector.load %arg7[%get3A_63, %get3A_64] : memref<256x256xf32, #tpu.memory_space<vmem>>, vector<256x256xf32>
    %dot_general3A_66 = arith.constant dense<0.000000e+00> : vector<512x256xf32>
    %dot_general3A_67 = tpu.matmul %max3A_62, %get3A_65, %dot_general3A_66 {dimension_numbers = #tpu.dot_dimension_numbers<[1], [0], [0], [1], [0, 0, 1, 1], [], []>, precision = #tpu.contract_precision<fp32>, transpose_lhs_hint = false} : vector<512x256xf32>, vector<256x256xf32>, vector<512x256xf32> -> vector<512x256xf32>
    %get3A_68 = arith.constant 0 : index
    %get3A_69 = arith.constant 0 : index
    %get3A_70 = vector.load %arg8[%get3A_68, %get3A_69] : memref<1x256xf32, #tpu.memory_space<vmem>>, vector<1x256xf32>
    %add3A_71 = vector.broadcast %get3A_70 : vector<1x256xf32> to vector<512x256xf32>
    %add3A_72 = arith.addf %dot_general3A_67, %add3A_71 : vector<512x256xf32>
    %max3A_73 = arith.constant 0.000000e+00 : f32
    %max3A_74 = vector.broadcast %max3A_73 : f32 to vector<512x256xf32>
    %max3A_75 = arith.maximumf %add3A_72, %max3A_74 : vector<512x256xf32>
    %concatenate3A_76 = tpu.concatenate %max3A_75, %concatenate3A in 1 : vector<512x256xf32>, vector<512x76xf32> -> vector<512x332xf32>
    %get3A_77 = arith.constant 0 : index
    %get3A_78 = arith.constant 0 : index
    %get3A_79 = vector.load %arg9[%get3A_77, %get3A_78] : memref<332x256xf32, #tpu.memory_space<vmem>>, vector<332x256xf32>
    %dot_general3A_80 = arith.constant dense<0.000000e+00> : vector<512x256xf32>
    %dot_general3A_81 = tpu.matmul %concatenate3A_76, %get3A_79, %dot_general3A_80 {dimension_numbers = #tpu.dot_dimension_numbers<[1], [0], [0], [1], [0, 0, 1, 1], [], []>, precision = #tpu.contract_precision<fp32>, transpose_lhs_hint = false} : vector<512x332xf32>, vector<332x256xf32>, vector<512x256xf32> -> vector<512x256xf32>
    %get3A_82 = arith.constant 0 : index
    %get3A_83 = arith.constant 0 : index
    %get3A_84 = vector.load %arg10[%get3A_82, %get3A_83] : memref<1x256xf32, #tpu.memory_space<vmem>>, vector<1x256xf32>
    %add3A_85 = vector.broadcast %get3A_84 : vector<1x256xf32> to vector<512x256xf32>
    %add3A_86 = arith.addf %dot_general3A_81, %add3A_85 : vector<512x256xf32>
    %max3A_87 = arith.constant 0.000000e+00 : f32
    %max3A_88 = vector.broadcast %max3A_87 : f32 to vector<512x256xf32>
    %max3A_89 = arith.maximumf %add3A_86, %max3A_88 : vector<512x256xf32>
    %get3A_90 = arith.constant 0 : index
    %get3A_91 = arith.constant 0 : index
    %get3A_92 = vector.load %arg11[%get3A_90, %get3A_91] : memref<256x256xf32, #tpu.memory_space<vmem>>, vector<256x256xf32>
    %dot_general3A_93 = arith.constant dense<0.000000e+00> : vector<512x256xf32>
    %dot_general3A_94 = tpu.matmul %max3A_89, %get3A_92, %dot_general3A_93 {dimension_numbers = #tpu.dot_dimension_numbers<[1], [0], [0], [1], [0, 0, 1, 1], [], []>, precision = #tpu.contract_precision<fp32>, transpose_lhs_hint = false} : vector<512x256xf32>, vector<256x256xf32>, vector<512x256xf32> -> vector<512x256xf32>
    %get3A_95 = arith.constant 0 : index
    %get3A_96 = arith.constant 0 : index
    %get3A_97 = vector.load %arg12[%get3A_95, %get3A_96] : memref<1x256xf32, #tpu.memory_space<vmem>>, vector<1x256xf32>
    %add3A_98 = vector.broadcast %get3A_97 : vector<1x256xf32> to vector<512x256xf32>
    %add3A_99 = arith.addf %dot_general3A_94, %add3A_98 : vector<512x256xf32>
    %max3A_100 = arith.constant 0.000000e+00 : f32
    %max3A_101 = vector.broadcast %max3A_100 : f32 to vector<512x256xf32>
    %max3A_102 = arith.maximumf %add3A_99, %max3A_101 : vector<512x256xf32>
    %get3A_103 = arith.constant 0 : index
    %get3A_104 = arith.constant 0 : index
    %get3A_105 = vector.load %arg13[%get3A_103, %get3A_104] : memref<256x7xf32, #tpu.memory_space<vmem>>, vector<256x7xf32>
    %dot_general3A_106 = arith.constant dense<0.000000e+00> : vector<512x7xf32>
    %dot_general3A_107 = tpu.matmul %max3A_102, %get3A_105, %dot_general3A_106 {dimension_numbers = #tpu.dot_dimension_numbers<[1], [0], [0], [1], [0, 0, 1, 1], [], []>, precision = #tpu.contract_precision<fp32>, transpose_lhs_hint = false} : vector<512x256xf32>, vector<256x7xf32>, vector<512x7xf32> -> vector<512x7xf32>
    %get3A_108 = arith.constant 0 : index
    %get3A_109 = arith.constant 0 : index
    %get3A_110 = vector.load %arg14[%get3A_108, %get3A_109] : memref<1x7xf32, #tpu.memory_space<vmem>>, vector<1x7xf32>
    %add3A_111 = vector.broadcast %get3A_110 : vector<1x7xf32> to vector<512x7xf32>
    %add3A_112 = arith.addf %dot_general3A_107, %add3A_111 : vector<512x7xf32>
    %slice3A_113 = vector.extract_strided_slice %add3A_112 {offsets = [0, 0], sizes = [512, 1], strides = [1, 1]} : vector<512x7xf32> to vector<512x1xf32>
    %slice3A_114 = vector.extract_strided_slice %add3A_112 {offsets = [0, 1], sizes = [512, 1], strides = [1, 1]} : vector<512x7xf32> to vector<512x1xf32>
    %slice3A_115 = vector.extract_strided_slice %add3A_112 {offsets = [0, 2], sizes = [512, 1], strides = [1, 1]} : vector<512x7xf32> to vector<512x1xf32>
    %slice3A_116 = vector.extract_strided_slice %add3A_112 {offsets = [0, 3], sizes = [512, 1], strides = [1, 1]} : vector<512x7xf32> to vector<512x1xf32>
    %add3A_117 = arith.constant 1.000000e+00 : f32
    %add3A_118 = vector.broadcast %add3A_117 : f32 to vector<512x1xf32>
    %add3A_119 = arith.addf %slice3A_116, %add3A_118 : vector<512x1xf32>
    %slice3A_120 = vector.extract_strided_slice %add3A_112 {offsets = [0, 4], sizes = [512, 1], strides = [1, 1]} : vector<512x7xf32> to vector<512x1xf32>
    %slice3A_121 = vector.extract_strided_slice %add3A_112 {offsets = [0, 5], sizes = [512, 1], strides = [1, 1]} : vector<512x7xf32> to vector<512x1xf32>
    %slice3A_122 = vector.extract_strided_slice %add3A_112 {offsets = [0, 6], sizes = [512, 1], strides = [1, 1]} : vector<512x7xf32> to vector<512x1xf32>
    %mul3A_123 = arith.mulf %add3A_119, %add3A_119 : vector<512x1xf32>
    %mul3A_124 = arith.mulf %slice3A_120, %slice3A_120 : vector<512x1xf32>
    %add3A_125 = arith.addf %mul3A_123, %mul3A_124 : vector<512x1xf32>
    %mul3A_126 = arith.mulf %slice3A_121, %slice3A_121 : vector<512x1xf32>
    %add3A_127 = arith.addf %add3A_125, %mul3A_126 : vector<512x1xf32>
    %mul3A_128 = arith.mulf %slice3A_122, %slice3A_122 : vector<512x1xf32>
    %add3A_129 = arith.addf %add3A_127, %mul3A_128 : vector<512x1xf32>
    %add3A_130 = arith.constant 9.99999993E-9 : f32
    %add3A_131 = vector.broadcast %add3A_130 : f32 to vector<512x1xf32>
    %add3A_132 = arith.addf %add3A_129, %add3A_131 : vector<512x1xf32>
    %div3A = arith.constant 2.000000e+00 : f32
    %div3A_133 = vector.broadcast %div3A : f32 to vector<512x1xf32>
    %div3A_134 = arith.divf %div3A_133, %add3A_132 : vector<512x1xf32>
    %mul3A_135 = arith.mulf %slice3A_121, %slice3A_121 : vector<512x1xf32>
    %mul3A_136 = arith.mulf %slice3A_122, %slice3A_122 : vector<512x1xf32>
    %add3A_137 = arith.addf %mul3A_135, %mul3A_136 : vector<512x1xf32>
    %mul3A_138 = arith.mulf %div3A_134, %add3A_137 : vector<512x1xf32>
    %sub3A = arith.constant 1.000000e+00 : f32
    %sub3A_139 = vector.broadcast %sub3A : f32 to vector<512x1xf32>
    %sub3A_140 = arith.subf %sub3A_139, %mul3A_138 : vector<512x1xf32>
    %mul3A_141 = arith.mulf %slice3A_120, %slice3A_121 : vector<512x1xf32>
    %mul3A_142 = arith.mulf %slice3A_122, %add3A_119 : vector<512x1xf32>
    %sub3A_143 = arith.subf %mul3A_141, %mul3A_142 : vector<512x1xf32>
    %mul3A_144 = arith.mulf %div3A_134, %sub3A_143 : vector<512x1xf32>
    %mul3A_145 = arith.mulf %slice3A_120, %slice3A_122 : vector<512x1xf32>
    %mul3A_146 = arith.mulf %slice3A_121, %add3A_119 : vector<512x1xf32>
    %add3A_147 = arith.addf %mul3A_145, %mul3A_146 : vector<512x1xf32>
    %mul3A_148 = arith.mulf %div3A_134, %add3A_147 : vector<512x1xf32>
    %mul3A_149 = arith.mulf %slice3A_120, %slice3A_121 : vector<512x1xf32>
    %mul3A_150 = arith.mulf %slice3A_122, %add3A_119 : vector<512x1xf32>
    %add3A_151 = arith.addf %mul3A_149, %mul3A_150 : vector<512x1xf32>
    %mul3A_152 = arith.mulf %div3A_134, %add3A_151 : vector<512x1xf32>
    %mul3A_153 = arith.mulf %slice3A_120, %slice3A_120 : vector<512x1xf32>
    %mul3A_154 = arith.mulf %slice3A_122, %slice3A_122 : vector<512x1xf32>
    %add3A_155 = arith.addf %mul3A_153, %mul3A_154 : vector<512x1xf32>
    %mul3A_156 = arith.mulf %div3A_134, %add3A_155 : vector<512x1xf32>
    %sub3A_157 = arith.constant 1.000000e+00 : f32
    %sub3A_158 = vector.broadcast %sub3A_157 : f32 to vector<512x1xf32>
    %sub3A_159 = arith.subf %sub3A_158, %mul3A_156 : vector<512x1xf32>
    %mul3A_160 = arith.mulf %slice3A_121, %slice3A_122 : vector<512x1xf32>
    %mul3A_161 = arith.mulf %slice3A_120, %add3A_119 : vector<512x1xf32>
    %sub3A_162 = arith.subf %mul3A_160, %mul3A_161 : vector<512x1xf32>
    %mul3A_163 = arith.mulf %div3A_134, %sub3A_162 : vector<512x1xf32>
    %mul3A_164 = arith.mulf %slice3A_120, %slice3A_122 : vector<512x1xf32>
    %mul3A_165 = arith.mulf %slice3A_121, %add3A_119 : vector<512x1xf32>
    %sub3A_166 = arith.subf %mul3A_164, %mul3A_165 : vector<512x1xf32>
    %mul3A_167 = arith.mulf %div3A_134, %sub3A_166 : vector<512x1xf32>
    %mul3A_168 = arith.mulf %slice3A_121, %slice3A_122 : vector<512x1xf32>
    %mul3A_169 = arith.mulf %slice3A_120, %add3A_119 : vector<512x1xf32>
    %add3A_170 = arith.addf %mul3A_168, %mul3A_169 : vector<512x1xf32>
    %mul3A_171 = arith.mulf %div3A_134, %add3A_170 : vector<512x1xf32>
    %mul3A_172 = arith.mulf %slice3A_120, %slice3A_120 : vector<512x1xf32>
    %mul3A_173 = arith.mulf %slice3A_121, %slice3A_121 : vector<512x1xf32>
    %add3A_174 = arith.addf %mul3A_172, %mul3A_173 : vector<512x1xf32>
    %mul3A_175 = arith.mulf %div3A_134, %add3A_174 : vector<512x1xf32>
    %sub3A_176 = arith.constant 1.000000e+00 : f32
    %sub3A_177 = vector.broadcast %sub3A_176 : f32 to vector<512x1xf32>
    %sub3A_178 = arith.subf %sub3A_177, %mul3A_175 : vector<512x1xf32>
    %add3A_179 = arith.addf %slice3A, %slice3A_113 : vector<512x1xf32>
    %mul3A_180 = arith.mulf %sub3A_140, %slice3A : vector<512x1xf32>
    %mul3A_181 = arith.mulf %mul3A_144, %slice3A_2 : vector<512x1xf32>
    %add3A_182 = arith.addf %mul3A_180, %mul3A_181 : vector<512x1xf32>
    %mul3A_183 = arith.mulf %mul3A_148, %slice3A_3 : vector<512x1xf32>
    %add3A_184 = arith.addf %add3A_182, %mul3A_183 : vector<512x1xf32>
    %sub3A_185 = arith.subf %add3A_179, %add3A_184 : vector<512x1xf32>
    %add3A_186 = arith.addf %slice3A_2, %slice3A_114 : vector<512x1xf32>
    %mul3A_187 = arith.mulf %mul3A_152, %slice3A : vector<512x1xf32>
    %mul3A_188 = arith.mulf %sub3A_159, %slice3A_2 : vector<512x1xf32>
    %add3A_189 = arith.addf %mul3A_187, %mul3A_188 : vector<512x1xf32>
    %mul3A_190 = arith.mulf %mul3A_163, %slice3A_3 : vector<512x1xf32>
    %add3A_191 = arith.addf %add3A_189, %mul3A_190 : vector<512x1xf32>
    %sub3A_192 = arith.subf %add3A_186, %add3A_191 : vector<512x1xf32>
    %add3A_193 = arith.addf %slice3A_3, %slice3A_115 : vector<512x1xf32>
    %mul3A_194 = arith.mulf %mul3A_167, %slice3A : vector<512x1xf32>
    %mul3A_195 = arith.mulf %mul3A_171, %slice3A_2 : vector<512x1xf32>
    %add3A_196 = arith.addf %mul3A_194, %mul3A_195 : vector<512x1xf32>
    %mul3A_197 = arith.mulf %sub3A_178, %slice3A_3 : vector<512x1xf32>
    %add3A_198 = arith.addf %add3A_196, %mul3A_197 : vector<512x1xf32>
    %sub3A_199 = arith.subf %add3A_193, %add3A_198 : vector<512x1xf32>
    %concatenate3A_200 = tpu.concatenate %sub3A_140, %mul3A_144, %mul3A_148, %mul3A_152, %sub3A_159, %mul3A_163, %mul3A_167, %mul3A_171, %sub3A_178, %sub3A_185, %sub3A_192, %sub3A_199 in 1 : vector<512x1xf32>, vector<512x1xf32>, vector<512x1xf32>, vector<512x1xf32>, vector<512x1xf32>, vector<512x1xf32>, vector<512x1xf32>, vector<512x1xf32>, vector<512x1xf32>, vector<512x1xf32>, vector<512x1xf32>, vector<512x1xf32> -> vector<512x12xf32>
    %swap3A = arith.constant 0 : index
    %swap3A_201 = arith.constant 0 : index
    %swap3A_202 = vector.load %arg15[%swap3A, %swap3A_201] : memref<512x12xf32, #tpu.memory_space<vmem>>, vector<512x12xf32>
    tpu.vector_store %arg15[%swap3A, %swap3A_201], %concatenate3A_200 {strides = array<i32>} : memref<512x12xf32, #tpu.memory_space<vmem>>, vector<512x12xf32>,
    %get3A_203 = arith.constant 0 : index
    %get3A_204 = arith.constant 0 : index
    %get3A_205 = vector.load %arg2[%get3A_203, %get3A_204] : memref<1x512xf32, #tpu.memory_space<vmem>>, vector<1x512xf32>
    %mul3A_206 = arith.constant 2.000000e+00 : f32
    %mul3A_207 = vector.broadcast %mul3A_206 : f32 to vector<1x512xf32>
    %mul3A_208 = arith.mulf %mul3A_207, %get3A_205 : vector<1x512xf32>
    %mul3A_209 = arith.mulf %mul3A_208, %get3A_205 : vector<1x512xf32>
    %add3A_210 = arith.constant 9.99999993E-9 : f32
    %add3A_211 = vector.broadcast %add3A_210 : f32 to vector<1x512xf32>
    %add3A_212 = arith.addf %mul3A_209, %add3A_211 : vector<1x512xf32>
    %div3A_213 = arith.constant 1.000000e+00 : f32
    %div3A_214 = vector.broadcast %div3A_213 : f32 to vector<1x512xf32>
    %div3A_215 = arith.divf %div3A_214, %add3A_212 : vector<1x512xf32>
    %swap3A_216 = arith.constant 0 : index
    %swap3A_217 = arith.constant 0 : index
    %swap3A_218 = vector.load %arg16[%swap3A_216, %swap3A_217] : memref<1x512xf32, #tpu.memory_space<vmem>>, vector<1x512xf32>
    tpu.vector_store %arg16[%swap3A_216, %swap3A_217], %div3A_215 {strides = array<i32>} : memref<1x512xf32, #tpu.memory_space<vmem>>, vector<1x512xf32>,
    %broadcast_in_dim3A_219 = arith.constant 1.000000e+00 : f32
    %broadcast_in_dim3A_220 = vector.broadcast %broadcast_in_dim3A_219 : f32 to vector<1x16xf32>
    %mul3A_221 = vector.broadcast %slice3A : vector<512x1xf32> to vector<512x16xf32>
    %mul3A_222 = vector.broadcast %broadcast_in_dim3A_220 : vector<1x16xf32> to vector<512x16xf32>
    %mul3A_223 = arith.mulf %mul3A_221, %mul3A_222 : vector<512x16xf32>
    %mul3A_224 = vector.broadcast %slice3A_2 : vector<512x1xf32> to vector<512x16xf32>
    %mul3A_225 = vector.broadcast %broadcast_in_dim3A_220 : vector<1x16xf32> to vector<512x16xf32>
    %mul3A_226 = arith.mulf %mul3A_224, %mul3A_225 : vector<512x16xf32>
    %mul3A_227 = vector.broadcast %slice3A_3 : vector<512x1xf32> to vector<512x16xf32>
    %mul3A_228 = vector.broadcast %broadcast_in_dim3A_220 : vector<1x16xf32> to vector<512x16xf32>
    %mul3A_229 = arith.mulf %mul3A_227, %mul3A_228 : vector<512x16xf32>
    %concatenate3A_230 = tpu.concatenate %mul3A_223, %mul3A_226, %mul3A_229 in 1 : vector<512x16xf32>, vector<512x16xf32>, vector<512x16xf32> -> vector<512x48xf32>
    %swap3A_231 = arith.constant 0 : index
    %swap3A_232 = arith.constant 0 : index
    %swap3A_233 = vector.load %arg17[%swap3A_231, %swap3A_232] : memref<512x48xf32, #tpu.memory_space<vmem>>, vector<512x48xf32>
    tpu.vector_store %arg17[%swap3A_231, %swap3A_232], %concatenate3A_230 {strides = array<i32>} : memref<512x48xf32, #tpu.memory_space<vmem>>, vector<512x48xf32>,
    return
  }
}

</mosaic_0001>

<sc_bundles>
// kernel: kernel.4.cloned.1.call-start
scs
__scs_entry_jumppad:
0x0: {  	(pc) =	sbr.rel $0x88, $3  }
0x1: {  	(tag) =	ssettag $0x0;
	lr =	simm.s32 $0x1  }
0x2: {  	[smem:$0x3F91] =	sst lr;
	_ =	strace $0xD0000000  }
0x3: {  	_ = 	snop  }
0x4: {  	_ = 	snop  }
0x5: {  	_ = 	snop  }
0x6: {  	_ = 	snop  }
0x7: {  	_ = 	snop  }
__scs_overlays_trampoline_lowered:
0x8: {  	[smem:$0x3FA0] =	sst s0  }
0x9: {  	[smem:$0x3FA1] =	sst s1  }
0xa: {  	[smem:$0x3FA2] =	sst s2  }
0xb: {  	[smem:$0x3FA3] =	sst s3  }
0xc: {  	[smem:$0x3FA4] =	sst s4  }
0xd: {  	[smem:$0x3FA5] =	sst s5  }
0xe: {  	[smem:$0x3FA6] =	sst s6  }
0xf: {  	[smem:$0x3FA7] =	sst s7  }
0x10: {  	[smem:$0x3FA8] =	sst s8  }
0x11: {  	[smem:$0x3FA9] =	sst s9;
	s0 =	simm.s32 @!p0 $0x0  }
0x12: {  	s1 =	sld [smem:$0x3F8F];
	s0 =	simm.s32 @p0 $0x1  }
0x13: {  	[smem:$0x3FAA] =	sst s0;
	s0 =	simm.s32 @!p1 $0x0  }
0x14: {  	s2 =	sld [smem:$0x3F8E];
	s0 =	simm.s32 @p1 $0x1  }
0x15: {  	[smem:$0x3FAB] =	sst s0;
	s0 =	simm.s32 @!p2 $0x0  }
0x16: {  	s3 =	sld [smem:$0x3FDB];
	s0 =	simm.s32 @p2 $0x1  }
0x17: {  	s4 =	simm.s32 $0x1BF5;
	[smem:$0x3FAD] =	sst s0  }
0x18: {  	s0 =	sld [smem:$0x3F90];
	_ =	swait.ge [sflag:s4], $0x0  }
0x19: {  	s7 =	sld [smem:$0x3F91]  }
0x1a: {  	s8 =	sadd.s32 $0xFFFFE003, lr  }
0x1b: {  	s9 =	sadd.s32 $0xFFFFFEF7, lr;
	s5 =	simm.s32 $0xFFFFFFFF;
	p2 =	slt.u32 s8, $0xFFFFF086  }
0x1c: {  	p1 =	slt.u32 s9, $0xF7A;
	s5 =	simm.s32 @!p2 $0x0  }
0x1d: {  	s5 =	simm.s32 @p1 $0x1;
	p0 =	seq.s32 s7, s2  }
0x1e: {  	s7 =	smul.u32 @!p0 $0xF7A, s2;
	p2 =	seq.s32 @!p0 s5, $0x0  }
0x1f: {  	s9 =	smul.u32 $0xF7A, s1;
	s8 =	simm.s32 @!p0 $0x1BF5;
	p2 =	por !p2, p0  }
0x20: {  	[sflag:s8] =	ssyncset.s32 @!p0 $0xFFFFF086;
	s6 =	sadd.s32 @!p0 s3, s7;
	s7 =	simm.s32 @!p0 $0x108  }
0x21: {  	s3 =	sadd.s32 s3, s9;
	s6 =	sadd.s32 @!p0 $0x88, s6;
	s7 =	simm.s32 @p2 $0x1082  }
0x22: {  	[simem:s7], [sflag:s8] =	dma.local @!p0 [hbm:s6], $0xF7A  }
0x23: {  	s9 =	sor.u32 $0xD0000000, s2;
	s6 =	simm.s32 $0x108;
	_ =	swait.ge @!p0 [sflag:s8], $0x0  }
0x24: {  	s3 =	sadd.s32 $0x88, s3;
	s6 =	simm.s32 @!p1 $0x1082;
	[sflag:s4] =	ssyncset.s32 $0xFFFFF086  }
0x25: {  	[simem:s6], [sflag:s4] =	dma.local [hbm:s3], $0xF7A  }
0x26: {  	[smem:$0x3F91] =	sst s1;
	(tag) =	ssettag s2;
	_ =	strace s9  }
0x27: {  	s1 =	sld [smem:$0x3FA1]  }
0x28: {  	s2 =	sld [smem:$0x3FA2]  }
0x29: {  	s4 =	sld [smem:$0x3FA4]  }
0x2a: {  	p0 =	seq.s32 s5, $0x0;
	s5 =	sld [smem:$0x3FA5]  }
0x2b: {  	s6 =	sld [smem:$0x3FA6]  }
0x2c: {  	s7 =	sld [smem:$0x3FA7]  }
0x2d: {  	s3 =	simm.s32 $0x108;
	s8 =	sld [smem:$0x3FA8]  }
0x2e: {  	s3 =	simm.s32 @!p0 $0x1082;
	s9 =	sld [smem:$0x3FA9]  }
0x2f: {  	lr =	sadd.s32 s0, s3;
	s0 =	sld [smem:$0x3FA0]  }
0x30: {  	s3 =	sld [smem:$0x3FA3]  }
0x31: {  	[smem:$0x3FAC] =	sst s10  }
0x32: {  	s10 =	sld [smem:$0x3FAA];
	_ =	sdelay $0x3  }
0x33: {  	p0 =	seq.s32 s10, $0x1;
	s10 =	sld [smem:$0x3FAC];
	_ =	sdelay $0x3  }
0x34: {  	[smem:$0x3FAC] =	sst s10  }
0x35: {  	s10 =	sld [smem:$0x3FAB];
	_ =	sdelay $0x3  }
0x36: {  	p1 =	seq.s32 s10, $0x1;
	s10 =	sld [smem:$0x3FAC];
	_ =	sdelay $0x3  }
0x37: {  	[smem:$0x3FAC] =	sst s10  }
0x38: {  	s10 =	sld [smem:$0x3FAD]  }
0x39: {  	_ = 	snop;
	(pc) =	sbr.ind lr, $3  }
0x3a: {  	_ = 	snop  }
0x3b: {  	_ = 	snop  }
0x3c: {  	p2 =	seq.s32 s10, $0x1;
	s10 =	sld [smem:$0x3FAC]  }
0x3d: {  	_ =	shalt  }
0x3e: {  	_ =	shalt  }
0x3f: {  	_ =	shalt  }
0x40: {  	_ =	shalt  }
0x41: {  	_ =	shalt  }
0x42: {  	_ =	shalt  }
0x43: {  	_ =	shalt  }
0x44: {  	_ =	shalt  }
0x45: {  	_ =	shalt  }
0x46: {  	_ =	shalt  }
0x47: {  	_ =	shalt  }
0x48: {  	_ =	shalt  }
0x49: {  	_ =	shalt  }
0x4a: {  	_ =	shalt  }
0x4b: {  	_ =	shalt  }
0x4c: {  	_ =	shalt  }
0x4d: {  	_ =	shalt  }
0x4e: {  	_ =	shalt  }
0x4f: {  	_ =	shalt  }
0x50: {  	_ =	shalt  }
0x51: {  	_ =	shalt  }
0x52: {  	_ =	shalt  }
0x53: {  	_ =	shalt  }
0x54: {  	_ =	shalt  }
0x55: {  	_ =	shalt  }
0x56: {  	_ =	shalt  }
0x57: {  	_ =	shalt  }
0x58: {  	_ =	shalt  }
0x59: {  	_ =	shalt  }
0x5a: {  	_ =	shalt  }
0x5b: {  	_ =	shalt  }
0x5c: {  	_ =	shalt  }
0x5d: {  	_ =	shalt  }
0x5e: {  	_ =	shalt  }
0x5f: {  	_ =	shalt  }
0x60: {  	_ =	shalt  }
0x61: {  	_ =	shalt  }
0x62: {  	_ =	shalt  }
0x63: {  	_ =	shalt  }
0x64: {  	_ =	shalt  }
0x65: {  	_ =	shalt  }
0x66: {  	_ =	shalt  }
0x67: {  	_ =	shalt  }
0x68: {  	_ =	shalt  }
0x69: {  	_ =	shalt  }
0x6a: {  	_ =	shalt  }
0x6b: {  	_ =	shalt  }
0x6c: {  	_ =	shalt  }
0x6d: {  	_ =	shalt  }
0x6e: {  	_ =	shalt  }
0x6f: {  	_ =	shalt  }
0x70: {  	_ =	shalt  }
0x71: {  	_ =	shalt  }
0x72: {  	_ =	shalt  }
0x73: {  	_ =	shalt  }
0x74: {  	_ =	shalt  }
0x75: {  	_ =	shalt  }
0x76: {  	_ =	shalt  }
0x77: {  	_ =	shalt  }
0x78: {  	_ =	shalt  }
0x79: {  	_ =	shalt  }
0x7a: {  	_ =	shalt  }
0x7b: {  	_ =	shalt  }
0x7c: {  	_ =	shalt  }
0x7d: {  	_ =	shalt  }
0x7e: {  	_ =	shalt  }
0x7f: {  	_ =	shalt  }
0x80: {  	_ =	shalt  }
0x81: {  	_ =	shalt  }
0x82: {  	_ =	shalt  }
0x83: {  	_ =	shalt  }
0x84: {  	_ =	shalt  }
0x85: {  	_ =	shalt  }
0x86: {  	_ =	shalt  }
0x87: {  	_ =	shalt  }
.Lfunc_end0:
.L_simem_size_0:
called_computation_lowered:
.L_overlay_start_0:
0x88: {  	s2 =	sld [smem:$0x3FD9]  }
0x89: {  	s3 =	sld [smem:$0x3FFE];
	_ =	sdelay $0x1  }
0x8a: {  	s1 =	srdreg.scid  }
0x8b: {  	s0 =	sand.u32 $0x1, s1  }
0x8c: {  	s17 =	sshll.u32 s0, $0xA;
	s2 =	sadd.s32 s3, s2  }
0x8d: {  	s2 =	sadd.s32 s2, s17  }
0x8e: {  	[smem:$0x3FB8] =	sst s2  }
0x8f: {  	_ = 	snop  }
0x90: {  	s2 =	sld [smem:$0x3FD0];
	(tm) =	ssettm $0x1  }
0x91: {  	s18 =	sld [smem:$0x3FFB];
	_ =	sdelay $0x3  }
0x92: {  	_ =	strace s18  }
0x93: {  	s3 =	sld [smem:$0x3FFC];
	_ =	sdelay $0x3  }
0x94: {  	_ =	strace s3  }
0x95: {  	s3 =	sld [smem:$0x3FFD];
	_ =	sdelay $0x3  }
0x96: {  	_ =	strace s3  }
0x97: {  	_ =	strace $0x8FFFFFFF  }
0x98: {  	s19 =	sld [smem:$0x3FDB];
	_ =	sdelay $0x1  }
0x99: {  	s4 =	simm.s32 $_scs_section_size  }
0x9a: {  	s5 =	simm.s32 $_size__tile_overlayer_lowered;
	s6 =	simm.s32 $_tile_overlayer_lowered  }
0x9b: {  	s22 =	simm.s32 $0x1BFF;
	s21 =	sshll.u32 s6, $0x1;
	s3 =	sadd.s32 s4, s19  }
0x9c: {  	s7 =	simm.s32 $0x0;
	s20 =	sshll.u32 s5, $0x1;
	s5 =	sadd.s32 s21, s3  }
0x9d: {  	[timem:s7], [sflag:s22] =	dma.local [hbm:s5], s20  }
0x9e: {  	_ =	swait.ge [sflag:s22], s20  }
0x9f: {  	s4 =	ssub.s32 $0x0, s20;
	[sflag:s22] =	ssyncset.done $0x0  }
0xa0: {  	[sflag:s22] =	ssyncadd.s32 s4;
	_ =	sdelay $0x1  }
0xa1: {  	s23 =	simm.s32 $0x1B8B  }
0xa2: {  	_ =	swait.ge [sflag:s23], $0x1  }
0xa3: {  	[sflag:s23] =	ssyncset.done $0x0  }
0xa4: {  	s25 =	simm.s32 $0x1B8E;
	s24 =	sld [smem:$0x3FFE];
	[sflag:s23] =	ssyncadd.s32 $0xFFFFFFFF  }
0xa5: {  	s26 =	simm.s32 $execute0_lowered;
	[smem:$0x3FD2] =	sst s25  }
0xa6: {  	s5 =	sshll.u32 s26, $0x1;
	_ =	strace $0x80000046;
	[dreg:$0x1] =	wrdreg $0xFFFFFFFF  }
0xa7: {  	s28 =	simm.s32 $_size_execute0_lowered;
	s3 =	sadd.s32 s3, s5;
	[dreg:$0x0] =	wrdreg $0x0  }
0xa8: {  	s5 =	sshll.u32 s28, $0x1;
	[dreg:$0x2] =	wrdreg s3  }
0xa9: {  	[dreg:$0x3] =	wrdreg s5  }
0xaa: {  	[dreg:$0x4] =	wrdreg $0xC0  }
0xab: {  	_ =	task [dreg:s7], $0x5FFFF  }
0xac: {  	[dreg:$0x1] =	wrdreg $0xFFFFFFFF  }
0xad: {  	[dreg:$0x0] =	wrdreg $0x60  }
0xae: {  	[dreg:$0x2] =	wrdreg s2  }
0xaf: {  	[dreg:$0x3] =	wrdreg s24  }
0xb0: {  	[dreg:$0x4] =	wrdreg $0x9  }
0xb1: {  	_ =	task.clear_ibuf [dreg:s7], $0x5FFFF;
	_ =	strace $0x90000046  }
0xb2: {  	s29 =	simm.s32 $0x9;
	_ =	strace $0x80000048  }
0xb3: {  	_ =	swait.ge [sflag:s29], $0x1  }
0xb4: {  	[sflag:s29] =	ssyncadd.s32 $0xFFFFFFFF  }
0xb5: {  	_ =	strace $0x90000048  }
0xb6: {  	_ =	sfence  }
0xb7: {  	s30 =	sld [smem:$0x0];
	_ =	sdelay $0x2  }
0xb8: {  	s31 =	sshll.u32 s1, $0xD;
	s1 =	sshrl.u32 s1, $0x2  }
0xb9: {  	s3 =	sand.u32 $0x4000, s31;
	s1 =	sadd.s32 s1, s30  }
0xba: {  	s0 =	sor.u32 s3, s0;
	s1 =	sshll.u32 s1, $0x11  }
0xbb: {  	s0 =	sor.u32 s1, s0  }
0xbc: {  	s0 =	sadd.s32 $0x8F2B, s0  }
0xbd: {  	[sflag:s0] =	ssyncadd.remote.s32 $0x1  }
0xbe: {  	_ =	sfence.sel $0xFFFF  }
0xbf: {  	[dreg:$0x0] =	wrdreg $0xFFFFFFFF;
	(pc) =	sbr.abs _section_cstart, $3  }
0xc0: {  	[dreg:$0x1] =	wrdreg $0xFFFFFFFF  }
0xc1: {  	_ =	task.clear_ibuf [dreg:s7], $0x2FFFF;
	_ =	strace $0x9FFFFFFF  }
0xc2: {  	(tm) =	ssettm $0x7FFFFFFF  }
0xc3: {  	_ =	shalt  }
tec
execute0_lowered:
.L_overlay_start_1:
0x0: {  	(tag) =	ssettag $0x1  }
0x1: {  	s6 =	rddreg [dreg:$0x0]  }
0x2: {  	s1 =	srdreg.scid;
	s0 =	stileid.u32  }
0x3: {  	s7 =	rddreg [dreg:$0x1];
	s2 =	simm.s32 $0x0;
	s11 =	simm.s32 $0x8500  }
0x4: {  	s12 =	simm.s32 $0x9D00;
	s4 =	sand.u32 $0x1, s1;
	s3 =	sshll.u32 s0, $0x1  }
0x5: {  	s13 =	simm.s32 $0x1280;
	s1 =	rddreg [dreg:$0x2];
	s3 =	sor.u32 s4, s3  }
0x6: {  	s14 =	simm.s32 $0x0;
	[smem:$0x7FF] =	sst s2;
	s5 =	smul.u32 $0x1260, s3  }
0x7: {  	_ =	strace $0x80000047;
	s8 =	ssub.s32 $0x2, s4;
	s4 =	sadd.s32 $0x2E00, s7  }
0x8: {  	v0 =	vlaneseq.u32;
	s3 =	sadd.s32 $0x2200, s7;
	s10 =	sshrl.u32 s8, $0x1;
	s5 =	smin.u32 s5, $0x23790  }
0x9: {  	v0 =	vmul.u32 $0x3, v0;
	s8 =	ssub.s32 s8, s10;
	s10 =	simm.s32 $0x2500;
	s9 =	sshrl.u32 s5, $0x3  }
0xa: {  	s8 =	smax.u32 s8, $0x1;
	s5 =	sadd.s32 $0x2000, s7;
	s7 =	sadd.s32 s9, s7  }
0xb: {  	v1 =	vadd.s32 $0x1, v0;
	v2 =	vadd.s32 $0x2, v0;
	s6 =	sadd.s32 s6, s9;
	s9 =	simm.s32 $0x1;
	s7 =	sadd.s32 $0x3200, s7  }
.LBB2_1:
0xc: {  	[tilespmem:s2], [sflag:$0x1] =	stream.linear.gather [hbm4b:s6+s2], $0x1260, $0x38;
	[tilespmem:$0x9F00] =	vst v63  }
0xd: {  	_ =	swait.ge [sflag:s9], $0x1260  }
0xe: {  	[sflag:s9] =	ssyncset.done $0x0  }
0xf: {  	[sflag:s9] =	ssyncadd.s32 $0xFFFFEDA0  }
0x10: {  	[tilespmem:s10], [sflag:$0x1] =	stream.linear.gather [hbm4b:s3+s2], $0x6000, $0x38;
	[tilespmem:$0x9F00] =	vst v63  }
0x11: {  	_ =	swait.ge [sflag:s9], $0x6000  }
0x12: {  	[sflag:s9] =	ssyncset.done $0x0  }
0x13: {  	[sflag:s9] =	ssyncadd.s32 $0xFFFFA000  }
0x14: {  	[tilespmem:s11], [sflag:$0x1] =	stream.linear.gather [hbm4b:s4+s2], $0x1800, $0x38;
	[tilespmem:$0x9F00] =	vst v63  }
0x15: {  	_ =	swait.ge [sflag:s9], $0x1800  }
0x16: {  	[sflag:s9] =	ssyncset.done $0x0  }
0x17: {  	[sflag:s9] =	ssyncadd.s32 $0xFFFFE800  }
0x18: {  	[tilespmem:s12], [sflag:$0x1] =	stream.linear.gather [hbm4b:s5+s2], $0x200, $0x38;
	[tilespmem:$0x9F00] =	vst v63  }
0x19: {  	_ =	swait.ge [sflag:s9], $0x200  }
0x1a: {  	[sflag:s9] =	ssyncset.done $0x0  }
0x1b: {  	s15 =	simm.s32 $0x0;
	[sflag:s9] =	ssyncadd.s32 $0xFFFFFE00  }
.LBB2_2:
0x1c: {  	s16 =	sshll.u32 s15, $0x4  }
0x1d: {  	v3 =	vmov s16  }
0x1e: {  	v3 =	vmul.u32 $0x3, v3;
	_ =	sdelay $0x1  }
0x1f: {  	v3 =	vbroadcast v3, $0x0;
	_ =	sdelay $0x1  }
0x20: {  	v5 =	vadd.s32 v0, v3  }
0x21: {  	v4 =	vadd.s32 v1, v3  }
0x22: {  	v9 =	vimm.s32 $0xFFFFFFFF;
	v3 =	vadd.s32 v2, v3  }
0x23: {  	v10 =	vimm.s32 $0xFFFFFFFF;
	v11 =	vimm.s32 $0xFFFFFFFF;
	v12 =	vimm.s32 $0xFFFFFFFF  }
0x24: {  	v15 =	vimm.s32 $0xFFFFFFFF;
	v14 =	vimm.s32 $0xFFFFFFFF;
	v22 =	vimm.s32 $0xFFFFFFFF  }
0x25: {  	v19 =	vimm.s32 $0xFFFFFFFF;
	v23 =	vimm.s32 $0xFFFFFFFF;
	v24 =	vimm.s32 $0xFFFFFFFF;
	v7 =	vld.idx.msk [tilespmem:v5+s2+$0x0], $0xffff  }
0x26: {  	v16 =	vimm.s32 $0xFFFFFFFF;
	v17 =	vimm.s32 $0xFFFFFFFF;
	v13 =	vimm.s32 $0xFFFFFFFF;
	s17 =	simm.s32 $0x1F;
	v8 =	vld.idx.msk [tilespmem:v4+s2+$0x0], $0xffff  }
0x27: {  	s18 =	simm.s32 $0x5D0;
	s19 =	simm.s32 $0x27F0;
	v18 =	vimm.s32 $0xFFFFFFFF;
	v20 =	vimm.s32 $0xFFFFFFFF;
	v30 =	vimm.s32 $0xFFFFFFFF;
	s16 =	simm.s32 $0xFFFFFFFC;
	v6 =	vld.idx.msk [tilespmem:v3+s2+$0x0], $0xffff  }
.LBB2_3:
0x28: {  	v21 =	vld [tilespmem:s19+$0xFFFFFD10]  }
0x29: {  	v25 =	vld [tilespmem:s19+$0xFFFFFD20]  }
0x2a: {  	v26 =	vld [tilespmem:s19+$0xFFFFFD40]  }
0x2b: {  	v27 =	vld [tilespmem:s19+$0xFFFFFD50]  }
0x2c: {  	v28 =	vld [tilespmem:s19+$0xFFFFFD30]  }
0x2d: {  	v29 =	vld [tilespmem:s19+$0xFFFFFD60]  }
0x2e: {  	v33 =	vld [tilespmem:s19+$0xFFFFFDA0]  }
0x2f: {  	v34 =	vld [tilespmem:s19+$0xFFFFFDB0]  }
0x30: {  	v35 =	vld [tilespmem:s19+$0xFFFFFD90]  }
0x31: {  	v50 =	vld [tilespmem:s19+$0xFFFFFE60]  }
0x32: {  	v36 =	vld [tilespmem:s19+$0xFFFFFE70];
	v21 =	vsub.f32 v7, v21  }
0x33: {  	v37 =	vld [tilespmem:s19+$0xFFFFFE50];
	v25 =	vsub.f32 v8, v25;
	v26 =	vsub.f32 v7, v26  }
0x34: {  	v57 =	vld [tilespmem:s19+$0xFFFFFEC0];
	v27 =	vsub.f32 v8, v27;
	v28 =	vsub.f32 v6, v28  }
0x35: {  	s20 =	sadd.s32 $0xFFFFFA90, s18;
	v62 =	vld [tilespmem:s19+$0xFFFFFF30];
	v29 =	vsub.f32 v6, v29;
	v44 =	vsub.f32 v7, v33  }
0x36: {  	v31 =	vld [tilespmem:s19+$0xFFFFFD70];
	s20 =	sor.u32 $0x70, s20;
	v45 =	vsub.f32 v8, v34;
	v46 =	vsub.f32 v6, v35  }
0x37: {  	v32 =	vld [tilespmem:s20+$0x2500];
	v52 =	vsub.f32 v7, v50;
	v53 =	vsub.f32 v8, v36  }
0x38: {  	s25 =	sadd.s32 $0xFFFFFAC0, s18;
	v63 =	vld [tilespmem:s19+$0xFFFFFF10];
	v54 =	vsub.f32 v6, v37;
	v21 =	vmul.f32 v21, v21;
	v25 =	vmul.f32 v25, v25  }
0x39: {  	v59 =	vld [tilespmem:s19+$0xFFFFFEE0];
	s20 =	sor.u32 $0x30, s25;
	v60 =	vsub.f32 v7, v57;
	v26 =	vmul.f32 v26, v26;
	v27 =	vmul.f32 v27, v27  }
0x3a: {  	v42 =	vsub.f32 v8, v62;
	v21 =	vadd.f32 v25, v21;
	v25 =	vld [tilespmem:s20+$0x2500]  }
0x3b: {  	v34 =	vmul.f32 v52, v52;
	v35 =	vmul.f32 v53, v53;
	v26 =	vadd.f32 v27, v26  }
0x3c: {  	v27 =	vmul.f32 v28, v28;
	v28 =	vsub.f32 v7, v31;
	v31 =	vsub.f32 v8, v32  }
0x3d: {  	v43 =	vsub.f32 v6, v63;
	v50 =	vld [tilespmem:s19+$0xFFFFFFF0];
	v29 =	vmul.f32 v29, v29;
	v33 =	vmul.f32 v45, v45  }
0x3e: {  	v55 =	vadd.f32 v35, v34;
	v28 =	vmul.f32 v28, v28;
	v31 =	vmul.f32 v31, v31  }
0x3f: {  	v32 =	vmul.f32 v44, v44;
	v35 =	vsub.f32 v6, v59;
	v25 =	vsub.f32 v6, v25  }
0x40: {  	s26 =	sadd.s32 $0xFFFFFAF0, s18;
	v47 =	vld [tilespmem:s19+$0xFFFFFE20];
	v21 =	vadd.f32 v27, v21;
	v27 =	vadd.f32 v31, v28;
	v28 =	vmul.f32 v46, v46  }
0x41: {  	s21 =	sor.u32 $0x50, s26;
	v26 =	vadd.f32 v29, v26;
	v29 =	vadd.f32 v33, v32;
	v25 =	vmul.f32 v25, v25  }
0x42: {  	v53 =	vsub.f32 v8, v50;
	v27 =	vadd.f32 v28, v27;
	v28 =	vld [tilespmem:s21+$0x2500]  }
0x43: {  	s28 =	sadd.s32 $0xFFFFFFE1, s17;
	s22 =	sadd.s32 $0xFFFFFFE2, s17;
	v21 =	vand.u32 $0xFFFFFE00, v21;
	v26 =	vand.u32 $0xFFFFFE00, v26;
	v25 =	vadd.f32 v25, v29;
	v29 =	vld [tilespmem:s19+$0xFFFFFDD0]  }
0x44: {  	s29 =	sadd.s32 $0xFFFFFFE3, s17;
	v31 =	vld [tilespmem:s19+$0xFFFFFE00];
	v21 =	vor.u32 s28, v21;
	v26 =	vor.u32 s22, v26;
	v27 =	vand.u32 $0xFFFFFE00, v27  }
0x45: {  	v32 =	vsub.f32 v6, v47;
	v21 =	vmin.u32 v21, v26;
	v26 =	vor.u32 s29, v27;
	v27 =	vld [tilespmem:s19+$0xFFFFFE10]  }
0x46: {  	s30 =	sadd.s32 $0xFFFFFFE4, s17;
	s31 =	sadd.s32 $0xFFFFFB50, s18;
	s20 =	sor.u32 $0x60, s26;
	v59 =	vld [tilespmem:s19+$0xA0];
	v41 =	vmul.f32 v35, v35;
	v35 =	vmul.f32 v42, v42;
	v25 =	vand.u32 $0xFFFFFE00, v25  }
0x47: {  	v21 =	vmin.u32 v21, v26;
	v26 =	vld [tilespmem:s20+$0x2500];
	s20 =	sor.u32 $0x30, s31;
	v28 =	vsub.f32 v8, v28;
	v25 =	vor.u32 s30, v25  }
0x48: {  	v32 =	vmul.f32 v32, v32;
	v49 =	vld [tilespmem:s20+$0x2500];
	v25 =	vmin.u32 v21, v25;
	v29 =	vsub.f32 v7, v29  }
0x49: {  	v48 =	vld [tilespmem:s19+$0xFFFFFE30];
	v31 =	vsub.f32 v7, v31;
	v28 =	vmul.f32 v28, v28;
	v21 =	vmin.u32 v30, v25  }
0x4a: {  	v46 =	vld [tilespmem:s19+$0xFFFFFF70];
	s21 =	sadd.s32 $0xFFFFFB80, s18;
	v30 =	vmax.u32 v30, v25;
	v27 =	vsub.f32 v8, v27;
	v29 =	vmul.f32 v29, v29  }
0x4b: {  	v63 =	vsub.f32 v7, v59;
	v31 =	vmul.f32 v31, v31;
	s20 =	sor.u32 $0x70, s21;
	v25 =	vmin.u32 v20, v30  }
0x4c: {  	v30 =	vmax.u32 v20, v30;
	v27 =	vmul.f32 v27, v27;
	v28 =	vadd.f32 v28, v29;
	v29 =	vld [tilespmem:s20+$0x2500]  }
0x4d: {  	v26 =	vsub.f32 v6, v26;
	v20 =	vmin.u32 v18, v30;
	v51 =	vsub.f32 v8, v49  }
0x4e: {  	v18 =	vmax.u32 v18, v30;
	v27 =	vadd.f32 v27, v31;
	v31 =	vsub.f32 v7, v48  }
0x4f: {  	v61 =	vld [tilespmem:s19+$0xFFFFFF20];
	v34 =	vsub.f32 v6, v46;
	v30 =	vmax.u32 v13, v18;
	v26 =	vmul.f32 v26, v26  }
0x50: {  	v13 =	vmin.u32 v13, v18;
	v33 =	vmul.f32 v51, v51;
	v31 =	vmul.f32 v31, v31  }
0x51: {  	v18 =	vmin.u32 v17, v30;
	v51 =	vld [tilespmem:s19+$0xFFFFFFD0];
	v26 =	vadd.f32 v26, v28;
	v29 =	vsub.f32 v6, v29  }
0x52: {  	v27 =	vadd.f32 v32, v27;
	v28 =	vadd.f32 v33, v31;
	v31 =	vmul.f32 v54, v54  }
0x53: {  	v32 =	vmul.f32 v60, v60;
	v26 =	vand.u32 $0xFFFFFE00, v26;
	v29 =	vmul.f32 v29, v29  }
0x54: {  	s23 =	sadd.s32 $0xFFFFFFE6, s17;
	s22 =	sadd.s32 $0xFFFFFFE5, s17;
	v27 =	vand.u32 $0xFFFFFE00, v27;
	v33 =	vsub.f32 v7, v61;
	v28 =	vadd.f32 v31, v28  }
0x55: {  	v56 =	vld [tilespmem:s19+$0xFFFFFEA0];
	v26 =	vor.u32 s22, v26;
	v27 =	vor.u32 s23, v27;
	v29 =	vadd.f32 v29, v55  }
0x56: {  	s24 =	sadd.s32 $0xFFFFFFE7, s17;
	v58 =	vld [tilespmem:s19+$0xFFFFFEB0];
	v54 =	vsub.f32 v6, v51;
	v26 =	vmin.u32 v26, v27;
	v28 =	vand.u32 $0xFFFFFE00, v28  }
0x57: {  	s25 =	sadd.s32 $0xFFFFFFE8, s17;
	v31 =	vld [tilespmem:s19+$0xFFFFFE90];
	v33 =	vmul.f32 v33, v33;
	v27 =	vor.u32 s24, v28;
	v28 =	vand.u32 $0xFFFFFE00, v29  }
0x58: {  	v60 =	vld [tilespmem:s19+$0xB0];
	v26 =	vmin.u32 v26, v27;
	v29 =	vmax.u32 v17, v30;
	v27 =	vor.u32 s25, v28  }
0x59: {  	v61 =	vld [tilespmem:s19+$0x90];
	v17 =	vmin.u32 v16, v29;
	v16 =	vmax.u32 v16, v29;
	v27 =	vmin.u32 v26, v27  }
0x5a: {  	v30 =	vld [tilespmem:s19+$0xFFFFFED0];
	v26 =	vmin.u32 v24, v16;
	v16 =	vmax.u32 v24, v16;
	v24 =	vmax.u32 v19, v27  }
0x5b: {  	s26 =	sadd.s32 $0xFFFFFC10, s18;
	v59 =	vld [tilespmem:s19+$0x2B0];
	v29 =	vmin.u32 v23, v16;
	v27 =	vmin.u32 v19, v27;
	v23 =	vmin.u32 v22, v24  }
0x5c: {  	s20 =	sor.u32 $0x70, s26;
	v16 =	vld [tilespmem:s19+$0xFFFFFEF0];
	v19 =	vmax.u32 v22, v24;
	v22 =	vsub.f32 v7, v31;
	v24 =	vsub.f32 v8, v56  }
0x5d: {  	v36 =	vsub.f32 v8, v60;
	v33 =	vadd.f32 v35, v33;
	v31 =	vld [tilespmem:s20+$0x2500];
	v28 =	vmin.u32 v14, v19  }
0x5e: {  	v14 =	vmax.u32 v14, v19;
	v19 =	vmul.f32 v22, v22;
	v22 =	vmul.f32 v24, v24  }
0x5f: {  	v37 =	vsub.f32 v6, v61;
	v30 =	vsub.f32 v8, v30;
	v24 =	vmin.u32 v15, v14  }
0x60: {  	v14 =	vmax.u32 v15, v14;
	v15 =	vsub.f32 v6, v58;
	v19 =	vadd.f32 v22, v19;
	v22 =	vld [tilespmem:s19+$0xFFFFFF40]  }
0x61: {  	v61 =	vsub.f32 v7, v59;
	v30 =	vmul.f32 v30, v30;
	v16 =	vsub.f32 v7, v16  }
0x62: {  	v58 =	vld [tilespmem:s19+$0x80];
	v40 =	vmax.u32 v12, v14;
	v15 =	vmul.f32 v15, v15;
	v31 =	vsub.f32 v8, v31  }
0x63: {  	v45 =	vmax.u32 v11, v40;
	v30 =	vadd.f32 v30, v32;
	v16 =	vmul.f32 v16, v16  }
0x64: {  	v49 =	vld [tilespmem:s19+$0xFFFFFFE0];
	v19 =	vadd.f32 v15, v19;
	v15 =	vmin.u32 v11, v40;
	v31 =	vmul.f32 v31, v31  }
0x65: {  	v32 =	vadd.f32 v41, v30;
	v30 =	vmin.u32 v12, v14;
	v14 =	vld [tilespmem:s19+$0xFFFFFF50];
	v22 =	vsub.f32 v6, v22  }
0x66: {  	v11 =	vmin.u32 v10, v45;
	v16 =	vadd.f32 v31, v16;
	v31 =	vmul.f32 v43, v43  }
0x67: {  	v10 =	vmax.u32 v10, v45;
	v62 =	vsub.f32 v8, v58;
	v22 =	vmul.f32 v22, v22  }
0x68: {  	s28 =	sadd.s32 $0xFFFFFFE9, s17;
	v12 =	vadd.f32 v31, v16;
	v16 =	vand.u32 $0xFFFFFE00, v19;
	v19 =	vand.u32 $0xFFFFFE00, v32;
	v31 =	vld [tilespmem:s19+$0xFFFFFF60]  }
0x69: {  	v44 =	vld [tilespmem:s19+$0xFFFFFF80];
	s29 =	sadd.s32 $0xFFFFFFEA, s17;
	v32 =	vsub.f32 v7, v49;
	v16 =	vor.u32 s28, v16;
	v22 =	vadd.f32 v22, v33  }
0x6a: {  	s30 =	sadd.s32 $0xFFFFFFEB, s17;
	v45 =	vld [tilespmem:s19+$0x150];
	v19 =	vor.u32 s29, v19;
	v47 =	vsub.f32 v7, v14;
	v12 =	vand.u32 $0xFFFFFE00, v12  }
0x6b: {  	s31 =	sadd.s32 $0xFFFFFFEC, s17;
	v16 =	vmin.u32 v16, v19;
	v12 =	vor.u32 s30, v12;
	v19 =	vand.u32 $0xFFFFFE00, v22;
	v22 =	vld [tilespmem:s19+$0xFFFFFF90]  }
0x6c: {  	v57 =	vld [tilespmem:s19+$0x50];
	v32 =	vmul.f32 v32, v32;
	v12 =	vmin.u32 v16, v12;
	v16 =	vor.u32 s31, v19  }
0x6d: {  	v52 =	vld [tilespmem:s19+$0x0];
	v33 =	vmul.f32 v47, v47;
	v31 =	vsub.f32 v8, v31;
	v12 =	vmin.u32 v12, v16  }
0x6e: {  	v19 =	vmin.u32 v9, v10;
	v16 =	vld [tilespmem:s19+$0xFFFFFFA0];
	v9 =	vmin.u32 v21, v12;
	v12 =	vmax.u32 v21, v12  }
0x6f: {  	v47 =	vsub.f32 v6, v45;
	v21 =	vld [tilespmem:s19+$0xFFFFFFB0];
	v31 =	vmul.f32 v31, v31;
	v10 =	vmin.u32 v25, v12  }
0x70: {  	v48 =	vld [tilespmem:s19+$0xFFFFFFC0];
	v12 =	vmax.u32 v25, v12;
	v25 =	vsub.f32 v7, v44;
	v22 =	vsub.f32 v8, v22  }
0x71: {  	v44 =	vld [tilespmem:s19+$0x170];
	v14 =	vmin.u32 v20, v12;
	v20 =	vmax.u32 v20, v12;
	v31 =	vadd.f32 v31, v33  }
0x72: {  	v33 =	vsub.f32 v6, v52;
	v25 =	vmul.f32 v25, v25;
	v12 =	vmin.u32 v13, v20  }
0x73: {  	v20 =	vmax.u32 v13, v20;
	v22 =	vmul.f32 v22, v22;
	v13 =	vsub.f32 v6, v16  }
0x74: {  	v55 =	vmul.f32 v33, v33;
	v33 =	vsub.f32 v8, v57;
	v21 =	vsub.f32 v7, v21  }
0x75: {  	v56 =	vld [tilespmem:s19+$0x40];
	v16 =	vadd.f32 v22, v25;
	v22 =	vmul.f32 v34, v34;
	v25 =	vsub.f32 v8, v48  }
0x76: {  	v13 =	vmul.f32 v13, v13;
	v34 =	vmul.f32 v53, v53;
	v46 =	vsub.f32 v8, v44  }
0x77: {  	v21 =	vmul.f32 v21, v21;
	v25 =	vmul.f32 v25, v25;
	v22 =	vadd.f32 v22, v31  }
0x78: {  	v33 =	vmul.f32 v33, v33;
	v16 =	vadd.f32 v13, v16;
	v31 =	vadd.f32 v34, v32  }
0x79: {  	v13 =	vmin.u32 v18, v20;
	v21 =	vadd.f32 v25, v21;
	v25 =	vmul.f32 v54, v54  }
0x7a: {  	v18 =	vmax.u32 v18, v20;
	v32 =	vsub.f32 v7, v56;
	v34 =	vmul.f32 v36, v36  }
0x7b: {  	s21 =	sadd.s32 $0xFFFFFFED, s17;
	s22 =	sadd.s32 $0xFFFFFFEE, s17;
	v16 =	vand.u32 $0xFFFFFE00, v16;
	v20 =	vadd.f32 v25, v21;
	v21 =	vand.u32 $0xFFFFFE00, v22;
	v25 =	vld [tilespmem:s19+$0x10]  }
0x7c: {  	v16 =	vor.u32 s22, v16;
	v22 =	vadd.f32 v55, v31;
	v31 =	vld [tilespmem:s19+$0x20];
	v21 =	vor.u32 s21, v21  }
0x7d: {  	s23 =	sadd.s32 $0xFFFFFFEF, s17;
	v32 =	vmul.f32 v32, v32;
	v20 =	vand.u32 $0xFFFFFE00, v20;
	v16 =	vmin.u32 v21, v16  }
0x7e: {  	s24 =	sadd.s32 $0xFFFFFFF0, s17;
	v21 =	vand.u32 $0xFFFFFE00, v22;
	v22 =	vmax.u32 v17, v18;
	v20 =	vor.u32 s23, v20  }
0x7f: {  	v53 =	vld [tilespmem:s19+$0x250];
	v21 =	vor.u32 s24, v21;
	v20 =	vmin.u32 v16, v20;
	v16 =	vmin.u32 v17, v18  }
0x80: {  	v52 =	vld [tilespmem:s19+$0x220];
	v18 =	vmax.u32 v26, v22;
	v17 =	vmin.u32 v26, v22;
	v20 =	vmin.u32 v20, v21  }
0x81: {  	v21 =	vld [tilespmem:s19+$0x30];
	v25 =	vsub.f32 v7, v25;
	v31 =	vsub.f32 v8, v31;
	v26 =	vmax.u32 v27, v20  }
0x82: {  	v18 =	vmin.u32 v29, v18;
	v29 =	vld [tilespmem:s19+$0x60];
	v20 =	vmin.u32 v27, v20;
	v22 =	vmin.u32 v23, v26  }
0x83: {  	s25 =	sadd.s32 $0xFFFFFDC0, s18;
	v27 =	vld [tilespmem:s19+$0x70];
	v26 =	vmax.u32 v23, v26;
	v25 =	vmul.f32 v25, v25;
	v31 =	vmul.f32 v31, v31  }
0x84: {  	s20 =	sor.u32 $0x30, s25;
	v54 =	vld [tilespmem:s19+$0x280];
	v58 =	vsub.f32 v7, v53;
	v23 =	vmin.u32 v28, v26;
	v26 =	vmax.u32 v28, v26  }
0x85: {  	v28 =	vmin.u32 v24, v26;
	v26 =	vmax.u32 v24, v26;
	v25 =	vadd.f32 v31, v25;
	v31 =	vld [tilespmem:s20+$0x2500]  }
0x86: {  	v24 =	vmin.u32 v30, v26;
	v21 =	vsub.f32 v6, v21;
	v26 =	vmax.u32 v30, v26  }
0x87: {  	v29 =	vsub.f32 v6, v29;
	v30 =	vadd.f32 v33, v32;
	v33 =	vmul.f32 v63, v63  }
0x88: {  	v55 =	vsub.f32 v7, v52;
	v32 =	vmul.f32 v62, v62;
	v27 =	vsub.f32 v7, v27  }
0x89: {  	v21 =	vmul.f32 v21, v21;
	v29 =	vmul.f32 v29, v29;
	v38 =	vadd.f32 v34, v33  }
0x8a: {  	v33 =	vsub.f32 v7, v54;
	v27 =	vmul.f32 v27, v27;
	v31 =	vsub.f32 v6, v31  }
0x8b: {  	v21 =	vadd.f32 v21, v25;
	v29 =	vadd.f32 v29, v30;
	v30 =	vmin.u32 v15, v26  }
0x8c: {  	v39 =	vld [tilespmem:s19+$0xD0];
	s26 =	sadd.s32 $0xFFFFFDF0, s18;
	v15 =	vmax.u32 v15, v26;
	v25 =	vadd.f32 v32, v27;
	v27 =	vmul.f32 v37, v37  }
0x8d: {  	v40 =	vld [tilespmem:s19+$0x110];
	s28 =	sor.u32 $0x50, s26;
	v33 =	vmul.f32 v33, v33;
	v41 =	vmax.u32 v11, v15;
	v31 =	vmul.f32 v31, v31  }
0x8e: {  	v26 =	vld [tilespmem:s28+$0x2500];
	v42 =	vmin.u32 v11, v15;
	v21 =	vand.u32 $0xFFFFFE00, v21;
	v25 =	vadd.f32 v27, v25  }
0x8f: {  	s29 =	sadd.s32 $0xFFFFFFF1, s17;
	s30 =	sadd.s32 $0xFFFFFFF2, s17;
	v34 =	vmin.u32 v19, v41;
	v27 =	vand.u32 $0xFFFFFE00, v29;
	v29 =	vadd.f32 v31, v38  }
0x90: {  	s31 =	sadd.s32 $0xFFFFFFF3, s17;
	v21 =	vor.u32 s29, v21;
	v31 =	vld [tilespmem:s19+$0x100];
	v27 =	vor.u32 s30, v27;
	v25 =	vand.u32 $0xFFFFFE00, v25  }
0x91: {  	s22 =	sadd.s32 $0xFFFFFFF4, s17;
	s20 =	sor.u32 $0x60, s26;
	v19 =	vld [tilespmem:s19+$0x130];
	v21 =	vmin.u32 v21, v27;
	v25 =	vor.u32 s31, v25;
	v27 =	vand.u32 $0xFFFFFE00, v29  }
0x92: {  	v32 =	vsub.f32 v8, v40;
	v29 =	vld [tilespmem:s20+$0x2500];
	v21 =	vmin.u32 v21, v25;
	v25 =	vor.u32 s22, v27  }
0x93: {  	v27 =	vld [tilespmem:s19+$0x120];
	v15 =	vmin.u32 v21, v25;
	v21 =	vsub.f32 v7, v39;
	v25 =	vsub.f32 v8, v26  }
0x94: {  	v32 =	vmul.f32 v32, v32;
	v26 =	vld [tilespmem:s19+$0x140];
	v11 =	vmin.u32 v9, v15;
	v15 =	vmax.u32 v9, v15  }
0x95: {  	v43 =	vld [tilespmem:s19+$0x160];
	v31 =	vsub.f32 v7, v31;
	v21 =	vmul.f32 v21, v21;
	v25 =	vmul.f32 v25, v25  }
0x96: {  	v19 =	vsub.f32 v7, v19;
	v39 =	vld [tilespmem:s19+$0x2F0];
	v9 =	vmin.u32 v10, v15;
	v15 =	vmax.u32 v10, v15  }
0x97: {  	v31 =	vmul.f32 v31, v31;
	v10 =	vmin.u32 v14, v15;
	v21 =	vadd.f32 v25, v21;
	v25 =	vld [tilespmem:s19+$0x180]  }
0x98: {  	s28 =	sadd.s32 $0xFFFFFF10, s18;
	v29 =	vsub.f32 v6, v29;
	v15 =	vmax.u32 v14, v15;
	v14 =	vsub.f32 v6, v27  }
0x99: {  	s20 =	sor.u32 $0x70, s28;
	v19 =	vmul.f32 v19, v19;
	v27 =	vadd.f32 v32, v31;
	v26 =	vsub.f32 v8, v26  }
0x9a: {  	v50 =	vld [tilespmem:s20+$0x2500];
	v29 =	vmul.f32 v29, v29;
	v31 =	vsub.f32 v7, v43;
	v32 =	vmul.f32 v46, v46  }
0x9b: {  	v63 =	vsub.f32 v8, v39;
	v14 =	vmul.f32 v14, v14;
	v26 =	vmul.f32 v26, v26  }
0x9c: {  	v31 =	vmul.f32 v31, v31;
	v21 =	vadd.f32 v29, v21;
	v25 =	vsub.f32 v6, v25  }
0x9d: {  	v27 =	vadd.f32 v14, v27;
	v19 =	vadd.f32 v26, v19;
	v26 =	vmul.f32 v47, v47  }
0x9e: {  	v14 =	vmin.u32 v12, v15;
	v29 =	vadd.f32 v32, v31;
	v25 =	vmul.f32 v25, v25  }
0x9f: {  	v12 =	vmax.u32 v12, v15;
	v32 =	vsub.f32 v8, v50;
	v15 =	vadd.f32 v26, v19  }
0xa0: {  	s23 =	sadd.s32 $0xFFFFFFF5, s17;
	s24 =	sadd.s32 $0xFFFFFFF6, s17;
	v19 =	vand.u32 $0xFFFFFE00, v21;
	v21 =	vand.u32 $0xFFFFFE00, v27;
	v25 =	vadd.f32 v25, v29  }
0xa1: {  	s25 =	sadd.s32 $0xFFFFFFF7, s17;
	v19 =	vor.u32 s23, v19;
	v21 =	vor.u32 s24, v21;
	v15 =	vand.u32 $0xFFFFFE00, v15  }
0xa2: {  	s26 =	sadd.s32 $0xFFFFFFF8, s17;
	v31 =	vld [tilespmem:s19+$0x1A0];
	v19 =	vmin.u32 v19, v21;
	v15 =	vor.u32 s25, v15;
	v21 =	vand.u32 $0xFFFFFE00, v25  }
0xa3: {  	v49 =	vld [tilespmem:s19+$0x1D0];
	v25 =	vmax.u32 v13, v12;
	v15 =	vmin.u32 v19, v15;
	v19 =	vor.u32 s26, v21  }
0xa4: {  	v29 =	vld [tilespmem:s19+$0x190];
	v12 =	vmin.u32 v13, v12;
	v13 =	vmax.u32 v16, v25;
	v26 =	vmin.u32 v15, v19  }
0xa5: {  	v48 =	vld [tilespmem:s19+$0x1C0];
	v15 =	vmin.u32 v16, v25;
	v16 =	vmax.u32 v17, v13;
	v25 =	vmax.u32 v20, v26  }
0xa6: {  	v21 =	vmin.u32 v17, v13;
	v19 =	vmin.u32 v18, v16;
	v16 =	vld [tilespmem:s19+$0x1B0];
	v13 =	vmax.u32 v22, v25  }
0xa7: {  	v26 =	vmin.u32 v20, v26;
	v18 =	vld [tilespmem:s19+$0x1E0];
	v20 =	vsub.f32 v8, v31;
	v17 =	vmax.u32 v23, v13  }
0xa8: {  	v22 =	vmin.u32 v22, v25;
	v27 =	vmin.u32 v23, v13;
	v25 =	vmin.u32 v28, v17  }
0xa9: {  	v23 =	vld [tilespmem:s19+$0x1F0];
	v13 =	vmax.u32 v28, v17;
	v17 =	vsub.f32 v7, v29;
	v29 =	vsub.f32 v8, v49  }
0xaa: {  	v28 =	vmin.u32 v24, v13;
	v13 =	vmax.u32 v24, v13;
	v24 =	vsub.f32 v7, v48  }
0xab: {  	v51 =	vld [tilespmem:s19+$0x210];
	v20 =	vmul.f32 v20, v20;
	v16 =	vsub.f32 v6, v16;
	v17 =	vmul.f32 v17, v17  }
0xac: {  	v18 =	vsub.f32 v6, v18;
	v31 =	vmul.f32 v29, v29;
	v24 =	vmul.f32 v24, v24  }
0xad: {  	s29 =	sadd.s32 $0xFFFFFF40, s18;
	v32 =	vmul.f32 v32, v32;
	v17 =	vadd.f32 v20, v17;
	v16 =	vmul.f32 v16, v16  }
0xae: {  	s20 =	sor.u32 $0x30, s29;
	v20 =	vld [tilespmem:s19+$0x230];
	v18 =	vmul.f32 v18, v18;
	v23 =	vsub.f32 v7, v23;
	v24 =	vadd.f32 v31, v24  }
0xaf: {  	s30 =	sadd.s32 $0xFFFFFF70, s18;
	v29 =	vmin.u32 v30, v13;
	v13 =	vmax.u32 v30, v13;
	v30 =	vld [tilespmem:s20+$0x2500];
	v16 =	vadd.f32 v16, v17  }
0xb0: {  	s31 =	sor.u32 $0x50, s30;
	v23 =	vmul.f32 v23, v23;
	v17 =	vadd.f32 v18, v24;
	v24 =	vsub.f32 v6, v51  }
0xb1: {  	v35 =	vmul.f32 v63, v63;
	v31 =	vmin.u32 v42, v13;
	v13 =	vmax.u32 v42, v13;
	v18 =	vld [tilespmem:s31+$0x2500]  }
0xb2: {  	v34 =	vmin.u32 v34, v13;
	v23 =	vadd.f32 v32, v23;
	v24 =	vmul.f32 v24, v24  }
0xb3: {  	s22 =	sadd.s32 $0xFFFFFFF9, s17;
	v13 =	vand.u32 $0xFFFFFE00, v16;
	v16 =	vand.u32 $0xFFFFFE00, v17;
	v17 =	vld [tilespmem:s19+$0x290];
	v20 =	vsub.f32 v8, v20  }
0xb4: {  	v57 =	vld [tilespmem:s19+$0x2A0];
	s23 =	sadd.s32 $0xFFFFFFFA, s17;
	s24 =	sadd.s32 $0xFFFFFFD0, s18;
	s20 =	sor.u32 $0x60, s30;
	v13 =	vor.u32 s22, v13;
	v23 =	vadd.f32 v24, v23;
	v24 =	vsub.f32 v6, v30  }
0xb5: {  	v56 =	vld [tilespmem:s20+$0x2500];
	s20 =	sor.u32 $0x30, s24;
	v16 =	vor.u32 s23, v16;
	v30 =	vmul.f32 v55, v55;
	v20 =	vmul.f32 v20, v20  }
0xb6: {  	v38 =	vld [tilespmem:s20+$0x2500];
	v13 =	vmin.u32 v13, v16;
	v18 =	vsub.f32 v8, v18;
	v24 =	vmul.f32 v24, v24  }
0xb7: {  	s25 =	sadd.s32 $0xFFFFFFFB, s17;
	v20 =	vadd.f32 v20, v30;
	v30 =	vmul.f32 v58, v58;
	v23 =	vand.u32 $0xFFFFFE00, v23  }
0xb8: {  	v60 =	vld [tilespmem:s19+$0x2E0];
	v17 =	vsub.f32 v8, v17;
	v18 =	vmul.f32 v18, v18;
	v16 =	vor.u32 s25, v23  }
0xb9: {  	s26 =	sor.u32 $0x70, s18;
	v32 =	vmul.f32 v61, v61;
	v23 =	vld [tilespmem:s19+$0x2D0];
	v20 =	vadd.f32 v24, v20;
	v13 =	vmin.u32 v13, v16  }
0xba: {  	v24 =	vsub.f32 v6, v56;
	v17 =	vmul.f32 v17, v17;
	v16 =	vadd.f32 v18, v30;
	v18 =	vld [tilespmem:s26+$0x2500]  }
0xbb: {  	s28 =	sadd.s32 $0xFFFFFFFC, s17;
	v62 =	vsub.f32 v8, v38;
	v30 =	vsub.f32 v6, v57;
	v20 =	vand.u32 $0xFFFFFE00, v20  }
0xbc: {  	v24 =	vmul.f32 v24, v24;
	v17 =	vadd.f32 v17, v33;
	v20 =	vor.u32 s28, v20  }
0xbd: {  	v33 =	vmul.f32 v62, v62;
	v13 =	vmin.u32 v13, v20;
	v20 =	vsub.f32 v7, v60  }
0xbe: {  	v30 =	vmul.f32 v30, v30;
	v23 =	vsub.f32 v6, v23;
	v16 =	vadd.f32 v24, v16  }
0xbf: {  	v32 =	vadd.f32 v33, v32;
	v18 =	vsub.f32 v6, v18;
	v20 =	vmul.f32 v20, v20  }
0xc0: {  	v17 =	vadd.f32 v30, v17;
	v30 =	vmin.u32 v11, v13;
	v23 =	vmul.f32 v23, v23  }
0xc1: {  	v11 =	vmax.u32 v11, v13;
	v20 =	vadd.f32 v35, v20;
	v18 =	vmul.f32 v18, v18  }
0xc2: {  	s29 =	sadd.s32 $0xFFFFFFFD, s17;
	s30 =	sadd.s32 $0xFFFFFFFE, s17;
	v16 =	vand.u32 $0xFFFFFE00, v16;
	v17 =	vand.u32 $0xFFFFFE00, v17;
	v13 =	vadd.f32 v23, v32  }
0xc3: {  	v16 =	vor.u32 s29, v16;
	v17 =	vor.u32 s30, v17;
	v18 =	vadd.f32 v18, v20  }
0xc4: {  	s31 =	sadd.s32 $0xFFFFFFFF, s17;
	v16 =	vmin.u32 v16, v17;
	v13 =	vand.u32 $0xFFFFFE00, v13  }
0xc5: {  	v20 =	vmin.u32 v9, v11;
	v13 =	vor.u32 s31, v13;
	v17 =	vand.u32 $0xFFFFFE00, v18  }
0xc6: {  	v9 =	vmax.u32 v9, v11;
	v11 =	vmin.u32 v16, v13;
	v13 =	vor.u32 s17, v17  }
0xc7: {  	v18 =	vmin.u32 v10, v9;
	v9 =	vmax.u32 v10, v9;
	v10 =	vmin.u32 v11, v13  }
0xc8: {  	v13 =	vmin.u32 v14, v9;
	v9 =	vmax.u32 v14, v9;
	v11 =	vmax.u32 v26, v10  }
0xc9: {  	s16 =	sadd.s32 $0x4, s16;
	v17 =	vmin.u32 v12, v9;
	v9 =	vmax.u32 v12, v9;
	v12 =	vmax.u32 v22, v11  }
0xca: {  	p0 =	slt.u32 s16, $0x3C;
	v16 =	vmin.u32 v15, v9;
	v9 =	vmax.u32 v15, v9;
	v15 =	vmax.u32 v27, v12  }
.Ltmp0:
0xcb: {  	v24 =	vmin.u32 v21, v9;
	v9 =	vmax.u32 v21, v9;
	v21 =	vmax.u32 v25, v15;
	(pc) =	sbr.rel @p0 .LBB2_3-.Ltmp0, $4  }
0xcc: {  	v22 =	vmin.u32 v22, v11;
	v23 =	vmin.u32 v19, v9;
	v9 =	vmax.u32 v28, v21  }
0xcd: {  	v14 =	vmin.u32 v27, v12;
	v19 =	vmin.u32 v26, v10;
	v10 =	vmax.u32 v29, v9  }
0xce: {  	v15 =	vmin.u32 v25, v15;
	v12 =	vmin.u32 v28, v21;
	v21 =	vmax.u32 v31, v10  }
0xcf: {  	s18 =	sadd.s32 $0x600, s18;
	s19 =	sadd.s32 $0x600, s19;
	s17 =	sadd.s32 $0x20, s17;
	v11 =	vmin.u32 v29, v9;
	v10 =	vmin.u32 v31, v10;
	v9 =	vmin.u32 v34, v21  }
0xd0: {  	v9 =	vmin.u32 v30, v9  }
0xd1: {  	v21 =	vand.u32 $0x1FC, v9  }
0xd2: {  	v25 =	vmul.u32 $0x30, v21;
	_ =	sdelay $0x1  }
0xd3: {  	v27 =	vor.u32 $0x1, v21;
	v26 =	vor.u32 $0x10, v25  }
0xd4: {  	v32 =	vor.u32 $0x2, v21;
	v29 =	vmul.u32 $0x30, v27;
	v28 =	vor.u32 $0x20, v25  }
0xd5: {  	v33 =	vmul.u32 $0x30, v32;
	_ =	sdelay $0x1  }
0xd6: {  	v52 =	vadd.s32 $0x10, v29;
	v25 =	vld.idx.msk [tilespmem:v25+s10+$0x0], $0xffff  }
0xd7: {  	v34 =	vor.u32 $0x3, v21;
	v31 =	vadd.s32 $0x20, v29;
	v26 =	vld.idx.msk [tilespmem:v26+s10+$0x0], $0xffff  }
0xd8: {  	v36 =	vmul.u32 $0x30, v34;
	v35 =	vadd.s32 $0x20, v33;
	v28 =	vld.idx.msk [tilespmem:v28+s10+$0x0], $0xffff  }
0xd9: {  	v29 =	vld.idx.msk [tilespmem:v29+s10+$0x0], $0xffff  }
0xda: {  	v56 =	vadd.s32 $0x10, v36;
	v55 =	vld.idx.msk [tilespmem:v33+s10+$0x0], $0xffff  }
0xdb: {  	v30 =	vld.idx.msk [tilespmem:v52+s10+$0x0], $0xffff  }
0xdc: {  	v31 =	vld.idx.msk [tilespmem:v31+s10+$0x0], $0xffff  }
0xdd: {  	v10 =	vmin.u32 v20, v10;
	v61 =	vld.idx.msk [tilespmem:v35+s10+$0x0], $0xffff  }
0xde: {  	v53 =	vor.u32 $0x10, v33;
	v33 =	vand.u32 $0x1FC, v10;
	v35 =	vld.idx.msk [tilespmem:v36+s10+$0x0], $0xffff  }
0xdf: {  	v11 =	vmin.u32 v18, v11;
	v13 =	vmin.u32 v13, v12;
	v62 =	vmul.u32 $0x30, v33;
	v37 =	vld.idx.msk [tilespmem:v56+s10+$0x0], $0xffff  }
0xe0: {  	v12 =	vmin.u32 v17, v15;
	v14 =	vmin.u32 v16, v14;
	v58 =	vor.u32 $0x20, v36  }
0xe1: {  	v38 =	vor.u32 $0x10, v62;
	v25 =	vsub.f32 v7, v25;
	v26 =	vsub.f32 v8, v26  }
0xe2: {  	v40 =	vor.u32 $0x20, v62;
	v28 =	vsub.f32 v6, v28;
	v29 =	vsub.f32 v7, v29  }
0xe3: {  	v25 =	vmul.f32 v25, v25;
	v30 =	vsub.f32 v8, v30;
	v31 =	vsub.f32 v6, v31  }
0xe4: {  	v17 =	vsub.f32 v7, v35;
	v20 =	vsub.f32 v8, v37;
	v26 =	vmul.f32 v26, v26  }
0xe5: {  	v39 =	vld.idx.msk [tilespmem:v58+s10+$0x0], $0xffff;
	v44 =	vsub.f32 v6, v61;
	v29 =	vmul.f32 v29, v29;
	v30 =	vmul.f32 v30, v30  }
0xe6: {  	v35 =	vor.u32 $0x2, v33;
	v17 =	vmul.f32 v17, v17;
	v20 =	vmul.f32 v20, v20  }
0xe7: {  	v28 =	vmul.f32 v28, v28;
	v50 =	vmul.u32 $0x30, v35;
	v47 =	vld.idx.msk [tilespmem:v40+s10+$0x0], $0xffff;
	v25 =	vadd.f32 v26, v25  }
0xe8: {  	v57 =	vmul.f32 v31, v31;
	v26 =	vld.idx.msk [tilespmem:v53+s10+$0x0], $0xffff;
	v29 =	vadd.f32 v30, v29;
	v17 =	vadd.f32 v20, v17  }
0xe9: {  	v52 =	vor.u32 $0x10, v50;
	v54 =	vadd.f32 v28, v25;
	v25 =	vsub.f32 v7, v55  }
0xea: {  	v45 =	vld.idx.msk [tilespmem:v62+s10+$0x0], $0xffff;
	v37 =	vadd.s32 $0x20, v50;
	v28 =	vsub.f32 v6, v39;
	v60 =	vadd.f32 v57, v29  }
0xeb: {  	v29 =	vor.u32 $0x1, v33;
	v59 =	vand.u32 $0xFFFFFE00, v54;
	v42 =	vmul.f32 v25, v25  }
0xec: {  	v46 =	vmul.u32 $0x30, v29;
	v51 =	vmul.f32 v28, v28;
	v30 =	vsub.f32 v6, v47  }
0xed: {  	v63 =	vor.u32 v21, v59;
	v36 =	vand.u32 $0xFFFFFE00, v60;
	v26 =	vsub.f32 v8, v26  }
0xee: {  	v21 =	vld.idx.msk [tilespmem:v38+s10+$0x0], $0xffff;
	v38 =	vor.u32 $0x3, v33;
	vm0 =	veq.s32 v63, v9;
	v41 =	vor.u32 v27, v36  }
0xef: {  	v48 =	vadd.s32 $0x10, v46;
	v49 =	vadd.s32 $0x20, v46;
	v27 =	vsub.f32 v7, v45  }
0xf0: {  	v57 =	vld.idx.msk [tilespmem:v50+s10+$0x0], $0xffff;
	v20 =	vadd.f32 v51, v17;
	v55 =	vmul.u32 $0x30, v38;
	v56 =	vmul.f32 v30, v30  }
0xf1: {  	v28 =	vld.idx.msk [tilespmem:v52+s10+$0x0], $0xffff;
	v15 =	vsel vm0, $0xFFFFFFFF, v63;
	vm9 =	veq.s32 v41, v9;
	v43 =	vmul.f32 v26, v26  }
0xf2: {  	v26 =	vmul.f32 v44, v44;
	v27 =	vmul.f32 v27, v27;
	v17 =	vsel vm9, $0xFFFFFFFF, v41  }
0xf3: {  	v20 =	vand.u32 $0xFFFFFE00, v20;
	v58 =	vadd.s32 $0x10, v55;
	v61 =	vor.u32 $0x20, v55  }
0xf4: {  	v18 =	vadd.f32 v43, v42;
	v20 =	vor.u32 v34, v20;
	v34 =	vand.u32 $0x1FC, v11  }
0xf5: {  	v60 =	vld.idx.msk [tilespmem:v37+s10+$0x0], $0xffff;
	v30 =	vsub.f32 v7, v57;
	v21 =	vsub.f32 v8, v21;
	vm11 =	veq.s32 v20, v9  }
0xf6: {  	v25 =	vld.idx.msk [tilespmem:v46+s10+$0x0], $0xffff;
	v62 =	vmul.u32 $0x30, v34;
	v28 =	vsub.f32 v8, v28;
	v37 =	vor.u32 $0x2, v34  }
0xf7: {  	v36 =	vor.u32 $0x3, v34;
	v18 =	vadd.f32 v26, v18;
	v31 =	vld.idx.msk [tilespmem:v48+s10+$0x0], $0xffff;
	v30 =	vmul.f32 v30, v30  }
0xf8: {  	v54 =	vld.idx.msk [tilespmem:v49+s10+$0x0], $0xffff;
	v57 =	vmul.u32 $0x30, v37;
	v21 =	vmul.f32 v21, v21;
	v39 =	vor.u32 $0x10, v62  }
0xf9: {  	v26 =	vld.idx.msk [tilespmem:v55+s10+$0x0], $0xffff;
	v40 =	vor.u32 $0x20, v62;
	v28 =	vmul.f32 v28, v28;
	v18 =	vand.u32 $0xFFFFFE00, v18  }
0xfa: {  	v46 =	vld.idx.msk [tilespmem:v61+s10+$0x0], $0xffff;
	v61 =	vadd.s32 $0x20, v57;
	v53 =	vor.u32 v32, v18;
	v21 =	vadd.f32 v21, v27  }
0xfb: {  	v47 =	vadd.f32 v28, v30;
	vm10 =	veq.s32 v53, v9;
	v25 =	vsub.f32 v7, v25  }
0xfc: {  	v32 =	vld.idx.msk [tilespmem:v58+s10+$0x0], $0xffff;
	v16 =	vsel vm10, $0xFFFFFFFF, v53;
	v21 =	vadd.f32 v56, v21;
	v59 =	vsub.f32 v8, v31  }
0xfd: {  	v18 =	vsub.f32 v6, v54;
	v31 =	vsub.f32 v6, v60;
	v49 =	vld.idx.msk [tilespmem:v62+s10+$0x0], $0xffff;
	v62 =	vmul.u32 $0x30, v36  }
0xfe: {  	v25 =	vmul.f32 v25, v25;
	v26 =	vsub.f32 v7, v26;
	v21 =	vand.u32 $0xFFFFFE00, v21  }
0xff: {  	v27 =	vmul.f32 v59, v59;
	v63 =	vmul.f32 v18, v18;
	v18 =	vsel vm11, $0xFFFFFFFF, v20  }
0x100: {  	v51 =	vld.idx.msk [tilespmem:v39+s10+$0x0], $0xffff;
	v48 =	vmul.f32 v31, v31;
	v59 =	vor.u32 $0x10, v57;
	v44 =	vor.u32 v33, v21  }
0x101: {  	v52 =	vld.idx.msk [tilespmem:v40+s10+$0x0], $0xffff;
	v50 =	vsub.f32 v8, v32;
	v33 =	vor.u32 $0x1, v34;
	v26 =	vmul.f32 v26, v26  }
0x102: {  	v25 =	vadd.f32 v27, v25;
	vm12 =	veq.s32 v44, v10;
	v27 =	vadd.f32 v48, v47  }
0x103: {  	v54 =	vmul.u32 $0x30, v33;
	v53 =	vmul.f32 v50, v50;
	v20 =	vsel vm12, $0xFFFFFFFF, v44  }
0x104: {  	v30 =	vsub.f32 v7, v49;
	v49 =	vor.u32 $0x20, v62;
	v45 =	vadd.f32 v63, v25  }
0x105: {  	v27 =	vand.u32 $0xFFFFFE00, v27;
	v25 =	vsub.f32 v6, v46;
	v55 =	vadd.s32 $0x10, v54  }
0x106: {  	v32 =	vsub.f32 v8, v51;
	v56 =	vadd.s32 $0x20, v54;
	v28 =	vsub.f32 v6, v52  }
0x107: {  	v46 =	vadd.s32 $0x10, v62;
	v26 =	vadd.f32 v53, v26;
	v30 =	vmul.f32 v30, v30  }
0x108: {  	v47 =	vld.idx.msk [tilespmem:v61+s10+$0x0], $0xffff;
	v27 =	vor.u32 v35, v27;
	v35 =	vand.u32 $0x1FC, v13;
	v25 =	vmul.f32 v25, v25  }
0x109: {  	v50 =	vld.idx.msk [tilespmem:v62+s10+$0x0], $0xffff;
	v21 =	vand.u32 $0xFFFFFE00, v45;
	v32 =	vmul.f32 v32, v32;
	v28 =	vmul.f32 v28, v28  }
0x10a: {  	vm14 =	veq.s32 v27, v10;
	v45 =	vld.idx.msk [tilespmem:v57+s10+$0x0], $0xffff;
	v41 =	vmul.u32 $0x30, v35;
	v21 =	vor.u32 v29, v21  }
0x10b: {  	v42 =	vor.u32 $0x2, v35;
	vm13 =	veq.s32 v21, v10;
	v25 =	vadd.f32 v25, v26;
	v31 =	vld.idx.msk [tilespmem:v54+s10+$0x0], $0xffff  }
0x10c: {  	v58 =	vadd.f32 v32, v30;
	v26 =	vmin.u32 v24, v22;
	v22 =	vsel vm14, $0xFFFFFFFF, v27;
	v30 =	vld.idx.msk [tilespmem:v59+s10+$0x0], $0xffff  }
0x10d: {  	v51 =	vor.u32 $0x10, v41;
	v52 =	vor.u32 $0x20, v41;
	v54 =	vsub.f32 v6, v47;
	v29 =	vld.idx.msk [tilespmem:v55+s10+$0x0], $0xffff  }
0x10e: {  	v47 =	vand.u32 $0x1FC, v12;
	v60 =	vld.idx.msk [tilespmem:v56+s10+$0x0], $0xffff;
	v24 =	vsub.f32 v7, v50;
	v28 =	vadd.f32 v28, v58  }
0x10f: {  	v21 =	vsel vm13, $0xFFFFFFFF, v21;
	v55 =	vld.idx.msk [tilespmem:v49+s10+$0x0], $0xffff;
	v49 =	vmul.u32 $0x30, v47;
	v25 =	vand.u32 $0xFFFFFE00, v25  }
0x110: {  	v63 =	vor.u32 v38, v25;
	v24 =	vmul.f32 v24, v24;
	v43 =	vand.u32 $0xFFFFFE00, v28  }
0x111: {  	vm15 =	veq.s32 v63, v10;
	v28 =	vsub.f32 v7, v45;
	v44 =	vsub.f32 v7, v31  }
0x112: {  	v56 =	vld.idx.msk [tilespmem:v41+s10+$0x0], $0xffff;
	v25 =	vor.u32 v34, v43;
	v30 =	vsub.f32 v8, v30;
	v34 =	vor.u32 $0x1, v35  }
0x113: {  	v31 =	vld.idx.msk [tilespmem:v46+s10+$0x0], $0xffff;
	v29 =	vsub.f32 v8, v29;
	v32 =	vsub.f32 v6, v60;
	vm4 =	veq.s32 v25, v11  }
0x114: {  	v59 =	vld.idx.msk [tilespmem:v51+s10+$0x0], $0xffff;
	v28 =	vmul.f32 v28, v28;
	v57 =	vmul.u32 $0x30, v34;
	v62 =	vsub.f32 v6, v55  }
0x115: {  	v60 =	vld.idx.msk [tilespmem:v52+s10+$0x0], $0xffff;
	v27 =	vmul.f32 v44, v44;
	v30 =	vmul.f32 v30, v30;
	v44 =	vmul.u32 $0x30, v42  }
0x116: {  	v48 =	vmul.f32 v29, v29;
	v29 =	vmin.u32 v23, v19;
	v23 =	vsel vm15, $0xFFFFFFFF, v63  }
0x117: {  	v32 =	vmul.f32 v32, v32;
	v19 =	vsel vm4, $0xFFFFFFFF, v25;
	v61 =	vadd.s32 $0x10, v57  }
0x118: {  	v43 =	vadd.s32 $0x20, v57;
	v28 =	vadd.f32 v30, v28;
	v52 =	vsub.f32 v7, v56  }
0x119: {  	v63 =	vor.u32 $0x10, v44;
	v27 =	vadd.f32 v48, v27;
	v58 =	vsub.f32 v8, v31  }
0x11a: {  	v31 =	vsub.f32 v8, v59;
	v59 =	vor.u32 $0x10, v49;
	v38 =	vsub.f32 v6, v60  }
0x11b: {  	v53 =	vadd.f32 v32, v27;
	v27 =	vmul.f32 v54, v54;
	v30 =	vmul.f32 v58, v58  }
0x11c: {  	v32 =	vor.u32 $0x3, v35;
	v54 =	vadd.s32 $0x20, v44;
	v31 =	vmul.f32 v31, v31;
	v40 =	vld.idx.msk [tilespmem:v61+s10+$0x0], $0xffff  }
0x11d: {  	v45 =	vmul.u32 $0x30, v32;
	v43 =	vld.idx.msk [tilespmem:v43+s10+$0x0], $0xffff;
	v25 =	vand.u32 $0xFFFFFE00, v53;
	v27 =	vadd.f32 v27, v28  }
0x11e: {  	v24 =	vadd.f32 v30, v24;
	v53 =	vld.idx.msk [tilespmem:v57+s10+$0x0], $0xffff;
	v28 =	vmul.f32 v62, v62;
	v57 =	vmul.f32 v38, v38  }
0x11f: {  	v44 =	vld.idx.msk [tilespmem:v44+s10+$0x0], $0xffff;
	v25 =	vor.u32 v33, v25;
	v33 =	vmul.f32 v52, v52;
	v46 =	vadd.s32 $0x10, v45  }
0x120: {  	v55 =	vld.idx.msk [tilespmem:v63+s10+$0x0], $0xffff;
	v48 =	vor.u32 $0x20, v45;
	v52 =	vor.u32 $0x20, v49;
	v24 =	vadd.f32 v28, v24  }
0x121: {  	v38 =	vld.idx.msk [tilespmem:v59+s10+$0x0], $0xffff;
	vm5 =	veq.s32 v25, v11;
	v27 =	vand.u32 $0xFFFFFE00, v27;
	v56 =	vadd.f32 v31, v33  }
0x122: {  	v27 =	vor.u32 v37, v27;
	v61 =	vsub.f32 v8, v40;
	v24 =	vand.u32 $0xFFFFFE00, v24  }
0x123: {  	v58 =	vld.idx.msk [tilespmem:v54+s10+$0x0], $0xffff;
	v63 =	vsub.f32 v6, v43;
	vm6 =	veq.s32 v27, v11;
	v60 =	vsub.f32 v7, v53  }
0x124: {  	v54 =	vld.idx.msk [tilespmem:v49+s10+$0x0], $0xffff;
	v30 =	vadd.f32 v57, v56;
	v24 =	vor.u32 v36, v24;
	v53 =	vsub.f32 v7, v44  }
0x125: {  	v62 =	vld.idx.msk [tilespmem:v45+s10+$0x0], $0xffff;
	v28 =	vsub.f32 v8, v55;
	v45 =	vor.u32 $0x3, v47;
	v39 =	vmul.f32 v61, v61  }
0x126: {  	v51 =	vld.idx.msk [tilespmem:v48+s10+$0x0], $0xffff;
	v31 =	vmul.f32 v63, v63;
	v38 =	vsub.f32 v8, v38;
	v48 =	vor.u32 $0x2, v47  }
0x127: {  	v57 =	vld.idx.msk [tilespmem:v52+s10+$0x0], $0xffff;
	v52 =	vmul.u32 $0x30, v45;
	vm7 =	veq.s32 v24, v11;
	v37 =	vmul.f32 v60, v60  }
0x128: {  	v36 =	vmul.f32 v53, v53;
	v28 =	vmul.f32 v28, v28;
	v30 =	vand.u32 $0xFFFFFE00, v30  }
0x129: {  	v50 =	vld.idx.msk [tilespmem:v46+s10+$0x0], $0xffff;
	v60 =	vmul.u32 $0x30, v48;
	v33 =	vsub.f32 v6, v58;
	v44 =	vsub.f32 v7, v54  }
0x12a: {  	v38 =	vmul.f32 v38, v38;
	v37 =	vadd.f32 v39, v37;
	v39 =	vor.u32 $0x1, v47  }
0x12b: {  	v54 =	vadd.s32 $0x10, v52;
	v36 =	vadd.f32 v28, v36;
	v55 =	vmul.u32 $0x30, v39  }
0x12c: {  	v63 =	vor.u32 $0x10, v60;
	v33 =	vmul.f32 v33, v33;
	v56 =	vsub.f32 v7, v62  }
0x12d: {  	v44 =	vmul.f32 v44, v44;
	v43 =	vsub.f32 v6, v51;
	v51 =	vadd.s32 $0x20, v60  }
0x12e: {  	v31 =	vadd.f32 v31, v37;
	v41 =	vsub.f32 v8, v50;
	v58 =	vadd.s32 $0x10, v55  }
0x12f: {  	v61 =	vsub.f32 v6, v57;
	v59 =	vadd.s32 $0x20, v55;
	v28 =	vmul.f32 v56, v56  }
0x130: {  	v38 =	vadd.f32 v38, v44;
	v33 =	vadd.f32 v33, v36;
	v41 =	vmul.f32 v41, v41;
	v56 =	vld.idx.msk [tilespmem:v60+s10+$0x0], $0xffff  }
0x131: {  	v43 =	vmul.f32 v43, v43;
	v50 =	vmul.f32 v61, v61;
	v61 =	vor.u32 $0x20, v52;
	v37 =	vld.idx.msk [tilespmem:v55+s10+$0x0], $0xffff  }
0x132: {  	v33 =	vand.u32 $0xFFFFFE00, v33;
	v41 =	vadd.f32 v41, v28;
	v28 =	vor.u32 v35, v30;
	v60 =	vld.idx.msk [tilespmem:v51+s10+$0x0], $0xffff  }
0x133: {  	v53 =	vadd.f32 v50, v38;
	v33 =	vor.u32 v42, v33;
	vm8 =	veq.s32 v28, v13;
	v62 =	vld.idx.msk [tilespmem:v58+s10+$0x0], $0xffff  }
0x134: {  	vm10 =	veq.s32 v33, v13;
	v46 =	vld.idx.msk [tilespmem:v59+s10+$0x0], $0xffff;
	v41 =	vadd.f32 v43, v41;
	v43 =	vand.u32 $0xFFFFFE00, v31  }
0x135: {  	v31 =	vand.u32 $0xFFFFFE00, v53;
	v58 =	vld.idx.msk [tilespmem:v63+s10+$0x0], $0xffff;
	v30 =	vor.u32 v34, v43;
	v35 =	vsub.f32 v7, v56  }
0x136: {  	v31 =	vor.u32 v47, v31;
	v55 =	vand.u32 $0xFFFFFE00, v41;
	vm9 =	veq.s32 v30, v13  }
0x137: {  	vm12 =	veq.s32 v31, v12;
	v32 =	vor.u32 v32, v55;
	v35 =	vmul.f32 v35, v35  }
0x138: {  	v37 =	vsub.f32 v7, v37;
	v43 =	vsub.f32 v6, v60;
	vm11 =	veq.s32 v32, v13  }
0x139: {  	v57 =	vsub.f32 v8, v62;
	v59 =	vsub.f32 v6, v46;
	v46 =	vand.u32 $0x1FC, v14;
	v62 =	vld.idx.msk [tilespmem:v52+s10+$0x0], $0xffff  }
0x13a: {  	v52 =	vld.idx.msk [tilespmem:v54+s10+$0x0], $0xffff;
	v40 =	vsub.f32 v8, v58;
	v37 =	vmul.f32 v37, v37;
	v63 =	vmul.u32 $0x30, v46  }
0x13b: {  	v56 =	vld.idx.msk [tilespmem:v61+s10+$0x0], $0xffff;
	v41 =	vor.u32 $0x1, v46;
	v61 =	vmul.f32 v43, v43;
	v38 =	vmul.f32 v57, v57  }
0x13c: {  	v44 =	vmul.u32 $0x30, v41;
	v40 =	vmul.f32 v40, v40;
	v55 =	vor.u32 $0x10, v63  }
0x13d: {  	v51 =	vor.u32 $0x3, v46;
	v54 =	vmul.f32 v59, v59;
	v57 =	vor.u32 $0x20, v63  }
0x13e: {  	v53 =	vadd.f32 v38, v37;
	v60 =	vadd.s32 $0x10, v44;
	v35 =	vadd.f32 v40, v35  }
0x13f: {  	v58 =	vsub.f32 v7, v62;
	v34 =	vsub.f32 v8, v52;
	v62 =	vadd.s32 $0x20, v44  }
0x140: {  	v52 =	vor.u32 $0x2, v46;
	v36 =	vadd.f32 v54, v53;
	v54 =	vsub.f32 v6, v56;
	v59 =	vld.idx.msk [tilespmem:v63+s10+$0x0], $0xffff  }
0x141: {  	v56 =	vmul.u32 $0x30, v52;
	v35 =	vadd.f32 v61, v35;
	v47 =	vmul.f32 v58, v58;
	v38 =	vld.idx.msk [tilespmem:v55+s10+$0x0], $0xffff  }
0x142: {  	v63 =	vmul.f32 v34, v34;
	v53 =	vand.u32 $0xFFFFFE00, v36;
	v55 =	vld.idx.msk [tilespmem:v57+s10+$0x0], $0xffff;
	v36 =	vmul.f32 v54, v54  }
0x143: {  	v58 =	vld.idx.msk [tilespmem:v44+s10+$0x0], $0xffff;
	v61 =	vor.u32 $0x10, v56;
	v35 =	vand.u32 $0xFFFFFE00, v35;
	v54 =	vand.u32 $0x1FC, v26  }
0x144: {  	v34 =	vor.u32 v39, v53;
	v57 =	vadd.f32 v63, v47;
	v60 =	vld.idx.msk [tilespmem:v60+s10+$0x0], $0xffff;
	v63 =	vmul.u32 $0x30, v51  }
0x145: {  	v35 =	vor.u32 v48, v35;
	v50 =	vor.u32 $0x1, v54;
	v43 =	vld.idx.msk [tilespmem:v62+s10+$0x0], $0xffff;
	v62 =	vadd.s32 $0x20, v56  }
0x146: {  	vm13 =	veq.s32 v34, v12;
	vm14 =	veq.s32 v35, v12;
	v36 =	vadd.f32 v36, v57  }
0x147: {  	v53 =	vadd.s32 $0x10, v63;
	v59 =	vsub.f32 v7, v59;
	v38 =	vsub.f32 v8, v38  }
0x148: {  	v42 =	vld.idx.msk [tilespmem:v56+s10+$0x0], $0xffff;
	v56 =	vmul.u32 $0x30, v54;
	v37 =	vsub.f32 v6, v55;
	v40 =	vsub.f32 v7, v58  }
0x149: {  	v49 =	vld.idx.msk [tilespmem:v61+s10+$0x0], $0xffff;
	v55 =	vor.u32 $0x20, v63;
	v36 =	vand.u32 $0xFFFFFE00, v36;
	v44 =	vmul.f32 v59, v59  }
0x14a: {  	v47 =	vsub.f32 v8, v60;
	v60 =	vor.u32 $0x10, v56;
	v61 =	vor.u32 $0x20, v56;
	v59 =	vld.idx.msk [tilespmem:v62+s10+$0x0], $0xffff  }
0x14b: {  	v36 =	vor.u32 v45, v36;
	v38 =	vmul.f32 v38, v38;
	v37 =	vmul.f32 v37, v37;
	v39 =	vld.idx.msk [tilespmem:v63+s10+$0x0], $0xffff  }
0x14c: {  	v43 =	vsub.f32 v6, v43;
	v40 =	vmul.f32 v40, v40;
	v47 =	vmul.f32 v47, v47;
	v53 =	vld.idx.msk [tilespmem:v53+s10+$0x0], $0xffff  }
0x14d: {  	vm15 =	veq.s32 v36, v12;
	v38 =	vadd.f32 v38, v44;
	v42 =	vsub.f32 v7, v42  }
0x14e: {  	v63 =	vmul.f32 v43, v43;
	v62 =	vadd.f32 v47, v40;
	v57 =	vsub.f32 v8, v49;
	v58 =	vld.idx.msk [tilespmem:v55+s10+$0x0], $0xffff  }
0x14f: {  	v37 =	vadd.f32 v37, v38;
	v42 =	vmul.f32 v42, v42;
	v49 =	vld.idx.msk [tilespmem:v60+s10+$0x0], $0xffff;
	v60 =	vmul.u32 $0x30, v50  }
0x150: {  	v44 =	vld.idx.msk [tilespmem:v56+s10+$0x0], $0xffff;
	v38 =	vadd.f32 v63, v62;
	v59 =	vsub.f32 v6, v59;
	v45 =	vmul.f32 v57, v57  }
0x151: {  	v39 =	vsub.f32 v7, v39;
	v37 =	vand.u32 $0xFFFFFE00, v37;
	v43 =	vsub.f32 v8, v53  }
0x152: {  	v53 =	vor.u32 $0x2, v54;
	v62 =	vadd.s32 $0x20, v60;
	v37 =	vor.u32 v46, v37  }
0x153: {  	v38 =	vand.u32 $0xFFFFFE00, v38;
	v42 =	vadd.f32 v45, v42;
	v40 =	vmul.f32 v59, v59  }
0x154: {  	v46 =	vld.idx.msk [tilespmem:v61+s10+$0x0], $0xffff;
	v61 =	vadd.s32 $0x10, v60;
	v63 =	vmul.u32 $0x30, v53;
	v39 =	vmul.f32 v39, v39  }
0x155: {  	v45 =	vand.u32 $0x1FC, v29;
	v47 =	vsub.f32 v6, v58;
	v44 =	vsub.f32 v7, v44  }
0x156: {  	v43 =	vmul.f32 v43, v43;
	v55 =	vor.u32 v41, v38;
	vm4 =	veq.s32 v37, v14  }
0x157: {  	v49 =	vsub.f32 v8, v49;
	v57 =	vor.u32 $0x10, v63;
	v58 =	vadd.s32 $0x20, v63  }
0x158: {  	v40 =	vadd.f32 v40, v42;
	v48 =	vld.idx.msk [tilespmem:v60+s10+$0x0], $0xffff;
	v39 =	vadd.f32 v43, v39;
	v59 =	vmul.f32 v47, v47  }
0x159: {  	v44 =	vmul.f32 v44, v44;
	v49 =	vmul.f32 v49, v49;
	v46 =	vsub.f32 v6, v46;
	v43 =	vld.idx.msk [tilespmem:v61+s10+$0x0], $0xffff  }
0x15a: {  	v47 =	vor.u32 $0x3, v54;
	v40 =	vand.u32 $0xFFFFFE00, v40;
	v39 =	vadd.f32 v59, v39;
	v42 =	vld.idx.msk [tilespmem:v63+s10+$0x0], $0xffff  }
0x15b: {  	v44 =	vadd.f32 v49, v44;
	v49 =	vmul.u32 $0x30, v47;
	v60 =	vmul.f32 v46, v46;
	v46 =	vld.idx.msk [tilespmem:v62+s10+$0x0], $0xffff  }
0x15c: {  	v37 =	vsel vm4, $0xFFFFFFFF, v37;
	v52 =	vor.u32 v52, v40;
	v63 =	vmul.u32 $0x30, v45;
	v40 =	vld.idx.msk [tilespmem:v57+s10+$0x0], $0xffff  }
0x15d: {  	v39 =	vand.u32 $0xFFFFFE00, v39;
	v41 =	vld.idx.msk [tilespmem:v58+s10+$0x0], $0xffff;
	v62 =	vor.u32 $0x20, v49;
	v61 =	vadd.f32 v60, v44  }
0x15e: {  	v59 =	vor.u32 $0x1, v45;
	v51 =	vor.u32 v51, v39;
	v44 =	vadd.s32 $0x10, v49  }
0x15f: {  	v58 =	vor.u32 $0x20, v63;
	v60 =	vsub.f32 v7, v48;
	v38 =	vand.u32 $0xFFFFFE00, v61  }
0x160: {  	v61 =	vsub.f32 v8, v43;
	v42 =	vsub.f32 v7, v42;
	v43 =	vor.u32 $0x10, v63  }
0x161: {  	v54 =	vor.u32 v54, v38;
	v46 =	vsub.f32 v6, v46;
	v40 =	vsub.f32 v8, v40;
	v48 =	vld.idx.msk [tilespmem:v49+s10+$0x0], $0xffff  }
0x162: {  	v38 =	vmul.f32 v60, v60;
	v41 =	vsub.f32 v6, v41;
	v39 =	vmul.f32 v61, v61;
	v56 =	vld.idx.msk [tilespmem:v62+s10+$0x0], $0xffff  }
0x163: {  	v60 =	vmul.u32 $0x30, v59;
	v42 =	vmul.f32 v42, v42;
	v49 =	vld.idx.msk [tilespmem:v44+s10+$0x0], $0xffff;
	v40 =	vmul.f32 v40, v40  }
0x164: {  	v57 =	vld.idx.msk [tilespmem:v63+s10+$0x0], $0xffff;
	v62 =	vmul.f32 v41, v41;
	v38 =	vadd.f32 v39, v38;
	v39 =	vmul.f32 v46, v46  }
0x165: {  	v44 =	vsel vm6, $0xFFFFFFFF, v27;
	vm6 =	veq.s32 v52, v14;
	v40 =	vadd.f32 v40, v42  }
0x166: {  	v46 =	vsel vm5, $0xFFFFFFFF, v25;
	v41 =	vld.idx.msk [tilespmem:v43+s10+$0x0], $0xffff;
	v42 =	vadd.s32 $0x20, v60;
	v38 =	vadd.f32 v39, v38  }
0x167: {  	v43 =	vld.idx.msk [tilespmem:v58+s10+$0x0], $0xffff;
	v39 =	vadd.s32 $0x10, v60;
	v63 =	vsub.f32 v7, v48;
	v25 =	vadd.f32 v62, v40  }
0x168: {  	vm5 =	veq.s32 v55, v14;
	v62 =	vsub.f32 v6, v56;
	v61 =	vsub.f32 v8, v49  }
0x169: {  	v38 =	vand.u32 $0xFFFFFE00, v38;
	v40 =	vmul.f32 v63, v63;
	v63 =	vsub.f32 v7, v57  }
0x16a: {  	v49 =	vor.u32 $0x2, v45;
	v25 =	vand.u32 $0xFFFFFE00, v25;
	v27 =	vmul.f32 v61, v61;
	v61 =	vld.idx.msk [tilespmem:v60+s10+$0x0], $0xffff  }
0x16b: {  	v62 =	vmul.f32 v62, v62;
	v41 =	vsub.f32 v8, v41;
	v63 =	vmul.f32 v63, v63;
	v42 =	vld.idx.msk [tilespmem:v42+s10+$0x0], $0xffff  }
0x16c: {  	v25 =	vor.u32 v53, v25;
	v43 =	vsub.f32 v6, v43;
	v53 =	vor.u32 $0x3, v45;
	v39 =	vld.idx.msk [tilespmem:v39+s10+$0x0], $0xffff  }
0x16d: {  	v57 =	vmul.u32 $0x30, v53;
	v27 =	vadd.f32 v27, v40;
	v41 =	vmul.f32 v41, v41  }
0x16e: {  	v50 =	vor.u32 v50, v38;
	v40 =	vmul.u32 $0x30, v49;
	v60 =	vmul.f32 v43, v43  }
0x16f: {  	v58 =	vadd.s32 $0x10, v57;
	v27 =	vadd.f32 v62, v27;
	v48 =	vadd.f32 v41, v63  }
0x170: {  	v56 =	vor.u32 $0x10, v40;
	v41 =	vsel vm12, $0xFFFFFFFF, v31;
	v61 =	vsub.f32 v7, v61  }
0x171: {  	v62 =	vsub.f32 v6, v42;
	v39 =	vsub.f32 v8, v39;
	v27 =	vand.u32 $0xFFFFFE00, v27  }
0x172: {  	v38 =	vadd.f32 v60, v48;
	v48 =	vsel vm7, $0xFFFFFFFF, v24;
	vm7 =	veq.s32 v51, v14  }
0x173: {  	v63 =	vmul.f32 v61, v61;
	v27 =	vor.u32 v47, v27;
	v61 =	vor.u32 $0x20, v57  }
0x174: {  	v43 =	vmul.f32 v62, v62;
	v39 =	vmul.f32 v39, v39;
	v47 =	vand.u32 $0xFFFFFE00, v38;
	v38 =	vld.idx.msk [tilespmem:v57+s10+$0x0], $0xffff  }
0x175: {  	v24 =	vor.u32 v45, v47;
	v47 =	vsel vm8, $0xFFFFFFFF, v28;
	v28 =	vld.idx.msk [tilespmem:v56+s10+$0x0], $0xffff;
	v45 =	vsel vm9, $0xFFFFFFFF, v30  }
0x176: {  	v56 =	vld.idx.msk [tilespmem:v58+s10+$0x0], $0xffff;
	vm8 =	veq.s32 v54, v26;
	v42 =	vadd.f32 v39, v63;
	v63 =	vadd.s32 $0x20, v40  }
0x177: {  	v60 =	vld.idx.msk [tilespmem:v40+s10+$0x0], $0xffff;
	vm9 =	veq.s32 v50, v26;
	v40 =	vsel vm13, $0xFFFFFFFF, v34;
	v39 =	vsel vm14, $0xFFFFFFFF, v35  }
0x178: {  	v35 =	vsel vm6, $0xFFFFFFFF, v52;
	v62 =	vadd.f32 v43, v42;
	v42 =	vsel vm11, $0xFFFFFFFF, v32;
	v32 =	vld.idx.msk [tilespmem:v61+s10+$0x0], $0xffff  }
0x179: {  	vm12 =	veq.s32 v24, v29;
	v43 =	vsel vm10, $0xFFFFFFFF, v33;
	vm10 =	veq.s32 v25, v26  }
0x17a: {  	vm11 =	veq.s32 v27, v26;
	v58 =	vsub.f32 v7, v38;
	v30 =	vand.u32 $0xFFFFFE00, v62  }
0x17b: {  	v38 =	vsel vm15, $0xFFFFFFFF, v36;
	v57 =	vor.u32 v59, v30;
	v63 =	vld.idx.msk [tilespmem:v63+s10+$0x0], $0xffff;
	v59 =	vsub.f32 v8, v56  }
0x17c: {  	v36 =	vsel vm5, $0xFFFFFFFF, v55;
	v62 =	vsub.f32 v7, v60;
	v28 =	vsub.f32 v8, v28  }
0x17d: {  	v33 =	vmul.f32 v58, v58;
	v34 =	vmul.f32 v59, v59;
	v61 =	vsub.f32 v6, v32  }
0x17e: {  	v31 =	vsel vm10, $0xFFFFFFFF, v25;
	v30 =	vmul.f32 v62, v62;
	v28 =	vmul.f32 v28, v28  }
0x17f: {  	vm13 =	veq.s32 v57, v29;
	v56 =	vadd.f32 v34, v33;
	v62 =	vmul.f32 v61, v61  }
0x180: {  	v32 =	vsel vm9, $0xFFFFFFFF, v50;
	v28 =	vadd.f32 v28, v30;
	v60 =	vsub.f32 v6, v63  }
0x181: {  	v34 =	vsel vm7, $0xFFFFFFFF, v51;
	v33 =	vsel vm8, $0xFFFFFFFF, v54;
	v52 =	vadd.f32 v62, v56  }
0x182: {  	v56 =	vmax.u32 v9, v15;
	v9 =	vmin.u32 v9, v15;
	v30 =	vmul.f32 v60, v60  }
0x183: {  	v61 =	vmax.u32 v9, v17;
	v9 =	vmin.u32 v9, v17;
	v25 =	vand.u32 $0xFFFFFE00, v52  }
0x184: {  	v63 =	vadd.f32 v30, v28;
	v30 =	vsel vm11, $0xFFFFFFFF, v27;
	v28 =	vsel vm12, $0xFFFFFFFF, v24  }
0x185: {  	v27 =	vsel vm13, $0xFFFFFFFF, v57;
	v55 =	vor.u32 v53, v25;
	v57 =	vmax.u32 v10, v56  }
0x186: {  	v10 =	vmin.u32 v10, v56;
	vm15 =	veq.s32 v55, v29;
	v58 =	vmax.u32 v11, v57  }
0x187: {  	v11 =	vmin.u32 v11, v57;
	v54 =	vand.u32 $0xFFFFFE00, v63;
	v59 =	vmax.u32 v13, v58  }
0x188: {  	v13 =	vmin.u32 v13, v58;
	v63 =	vmax.u32 v10, v61;
	v10 =	vmin.u32 v10, v61  }
0x189: {  	v24 =	vor.u32 v49, v54;
	v60 =	vmin.u32 v12, v59;
	v12 =	vmax.u32 v12, v59  }
0x18a: {  	v51 =	vmax.u32 v11, v63;
	v11 =	vmin.u32 v11, v63;
	v54 =	vmax.u32 v9, v16  }
0x18b: {  	v9 =	vmin.u32 v9, v16;
	vm14 =	veq.s32 v24, v29;
	v49 =	vmin.u32 v14, v12  }
0x18c: {  	v12 =	vmax.u32 v14, v12;
	v52 =	vmax.u32 v13, v51;
	v13 =	vmin.u32 v13, v51  }
0x18d: {  	v56 =	vmax.u32 v10, v54;
	v10 =	vmin.u32 v10, v54;
	v25 =	vsel vm14, $0xFFFFFFFF, v24  }
0x18e: {  	v24 =	vsel vm15, $0xFFFFFFFF, v55;
	v62 =	vmin.u32 v26, v12;
	v12 =	vmax.u32 v26, v12  }
0x18f: {  	v53 =	vmin.u32 v60, v52;
	v14 =	vmax.u32 v60, v52;
	v57 =	vmax.u32 v11, v56  }
0x190: {  	v11 =	vmin.u32 v11, v56;
	v60 =	vmax.u32 v9, v18;
	v9 =	vmin.u32 v9, v18  }
0x191: {  	v12 =	vmin.u32 v29, v12;
	v15 =	vmin.u32 v49, v14;
	v14 =	vmax.u32 v49, v14  }
0x192: {  	v58 =	vmax.u32 v13, v57;
	v13 =	vmin.u32 v13, v57;
	v51 =	vmax.u32 v9, v20  }
0x193: {  	v9 =	vmin.u32 v9, v20;
	v55 =	vmin.u32 v62, v14;
	v14 =	vmax.u32 v62, v14  }
0x194: {  	v59 =	vmin.u32 v53, v58;
	v16 =	vmax.u32 v53, v58;
	v62 =	vmax.u32 v10, v60  }
0x195: {  	v10 =	vmin.u32 v10, v60;
	v57 =	vmax.u32 v9, v21;
	v9 =	vmin.u32 v9, v21  }
0x196: {  	v12 =	vmin.u32 v12, v14;
	v17 =	vmin.u32 v15, v16;
	v15 =	vmax.u32 v15, v16  }
0x197: {  	v63 =	vmax.u32 v11, v62;
	v11 =	vmin.u32 v11, v62;
	v53 =	vmax.u32 v10, v51  }
0x198: {  	v10 =	vmin.u32 v10, v51;
	v61 =	vmin.u32 v55, v15;
	v15 =	vmax.u32 v55, v15  }
0x199: {  	v49 =	vmax.u32 v13, v63;
	v13 =	vmin.u32 v13, v63;
	v54 =	vmax.u32 v11, v53  }
0x19a: {  	v11 =	vmin.u32 v11, v53;
	v63 =	vmax.u32 v9, v22;
	v9 =	vmin.u32 v9, v22  }
0x19b: {  	v12 =	vmin.u32 v12, v15;
	v50 =	vmin.u32 v59, v49;
	v14 =	vmax.u32 v59, v49  }
0x19c: {  	v55 =	vmax.u32 v13, v54;
	v13 =	vmin.u32 v13, v54;
	v59 =	vmax.u32 v10, v57  }
0x19d: {  	v10 =	vmin.u32 v10, v57;
	v16 =	vmin.u32 v17, v14;
	v14 =	vmax.u32 v17, v14  }
0x19e: {  	v56 =	vmin.u32 v50, v55;
	v15 =	vmax.u32 v50, v55;
	v60 =	vmax.u32 v11, v59  }
0x19f: {  	v11 =	vmin.u32 v11, v59;
	v29 =	vmax.u32 v10, v63;
	v10 =	vmin.u32 v10, v63  }
0x1a0: {  	v52 =	vmin.u32 v61, v14;
	v14 =	vmax.u32 v61, v14;
	v17 =	vmin.u32 v16, v15  }
0x1a1: {  	v15 =	vmax.u32 v16, v15;
	v61 =	vmax.u32 v13, v60;
	v13 =	vmin.u32 v13, v60  }
0x1a2: {  	v49 =	vmax.u32 v11, v29;
	v11 =	vmin.u32 v11, v29;
	v12 =	vmin.u32 v12, v14  }
0x1a3: {  	v58 =	vmin.u32 v52, v15;
	v15 =	vmax.u32 v52, v15;
	v62 =	vmin.u32 v56, v61  }
0x1a4: {  	v14 =	vmax.u32 v56, v61;
	v50 =	vmax.u32 v13, v49;
	v13 =	vmin.u32 v13, v49  }
0x1a5: {  	v52 =	vmax.u32 v9, v23;
	v9 =	vmin.u32 v9, v23;
	v12 =	vmin.u32 v12, v15  }
0x1a6: {  	v16 =	vmin.u32 v17, v14;
	v14 =	vmax.u32 v17, v14;
	v51 =	vmin.u32 v62, v50  }
0x1a7: {  	v15 =	vmax.u32 v62, v50;
	v54 =	vmax.u32 v10, v52;
	v10 =	vmin.u32 v10, v52  }
0x1a8: {  	v26 =	vmin.u32 v58, v14;
	v14 =	vmax.u32 v58, v14;
	v17 =	vmin.u32 v16, v15  }
0x1a9: {  	v15 =	vmax.u32 v16, v15;
	v55 =	vmax.u32 v11, v54;
	v11 =	vmin.u32 v11, v54  }
0x1aa: {  	v58 =	vmax.u32 v9, v19;
	v9 =	vmin.u32 v9, v19;
	v12 =	vmin.u32 v12, v14  }
0x1ab: {  	v53 =	vmin.u32 v26, v15;
	v15 =	vmax.u32 v26, v15;
	v56 =	vmax.u32 v13, v55  }
0x1ac: {  	v13 =	vmin.u32 v13, v55;
	v60 =	vmax.u32 v10, v58;
	v10 =	vmin.u32 v10, v58  }
0x1ad: {  	v21 =	vmax.u32 v9, v46;
	v9 =	vmin.u32 v9, v46;
	v12 =	vmin.u32 v12, v15  }
0x1ae: {  	v57 =	vmin.u32 v51, v56;
	v14 =	vmax.u32 v51, v56;
	v61 =	vmax.u32 v11, v60  }
0x1af: {  	v11 =	vmin.u32 v11, v60;
	v23 =	vmax.u32 v10, v21;
	v10 =	vmin.u32 v10, v21  }
0x1b0: {  	v49 =	vmax.u32 v9, v44;
	v9 =	vmin.u32 v9, v44;
	v16 =	vmin.u32 v17, v14  }
0x1b1: {  	v14 =	vmax.u32 v17, v14;
	v62 =	vmax.u32 v13, v61;
	v13 =	vmin.u32 v13, v61  }
0x1b2: {  	v26 =	vmax.u32 v11, v23;
	v11 =	vmin.u32 v11, v23;
	v51 =	vmax.u32 v10, v49  }
0x1b3: {  	v10 =	vmin.u32 v10, v49;
	v55 =	vmax.u32 v9, v48;
	v9 =	vmin.u32 v9, v48  }
0x1b4: {  	v59 =	vmin.u32 v53, v14;
	v14 =	vmax.u32 v53, v14;
	v63 =	vmin.u32 v57, v62  }
0x1b5: {  	v15 =	vmax.u32 v57, v62;
	v29 =	vmax.u32 v13, v26;
	v13 =	vmin.u32 v13, v26  }
0x1b6: {  	v52 =	vmax.u32 v11, v51;
	v11 =	vmin.u32 v11, v51;
	v57 =	vmax.u32 v10, v55  }
0x1b7: {  	v10 =	vmin.u32 v10, v55;
	v61 =	vmax.u32 v9, v47;
	v9 =	vmin.u32 v9, v47  }
0x1b8: {  	v12 =	vmin.u32 v12, v14;
	v17 =	vmin.u32 v16, v15;
	v15 =	vmax.u32 v16, v15  }
0x1b9: {  	v46 =	vmin.u32 v63, v29;
	v14 =	vmax.u32 v63, v29;
	v53 =	vmax.u32 v13, v52  }
0x1ba: {  	v13 =	vmin.u32 v13, v52;
	v58 =	vmax.u32 v11, v57;
	v11 =	vmin.u32 v11, v57  }
0x1bb: {  	v63 =	vmax.u32 v10, v61;
	v10 =	vmin.u32 v10, v61;
	v26 =	vmax.u32 v9, v45  }
0x1bc: {  	v9 =	vmin.u32 v9, v45;
	v22 =	vmin.u32 v59, v15;
	v15 =	vmax.u32 v59, v15  }
0x1bd: {  	v16 =	vmin.u32 v17, v14;
	v14 =	vmax.u32 v17, v14;
	v54 =	vmin.u32 v46, v53  }
0x1be: {  	v59 =	vmax.u32 v13, v58;
	v13 =	vmin.u32 v13, v58;
	v21 =	vmax.u32 v11, v63  }
0x1bf: {  	v11 =	vmin.u32 v11, v63;
	v44 =	vmax.u32 v10, v26;
	v10 =	vmin.u32 v10, v26  }
0x1c0: {  	v49 =	vmax.u32 v9, v43;
	v9 =	vmin.u32 v9, v43;
	v12 =	vmin.u32 v12, v15  }
0x1c1: {  	v50 =	vmin.u32 v22, v14;
	v14 =	vmax.u32 v22, v14;
	v15 =	vmax.u32 v46, v53  }
0x1c2: {  	v60 =	vmin.u32 v54, v59;
	v22 =	vmax.u32 v13, v21;
	v13 =	vmin.u32 v13, v21  }
0x1c3: {  	v46 =	vmax.u32 v11, v44;
	v11 =	vmin.u32 v11, v44;
	v51 =	vmax.u32 v10, v49  }
0x1c4: {  	v10 =	vmin.u32 v10, v49;
	v55 =	vmax.u32 v9, v42;
	v9 =	vmin.u32 v9, v42  }
0x1c5: {  	v12 =	vmin.u32 v12, v14;
	v17 =	vmin.u32 v16, v15;
	v15 =	vmax.u32 v16, v15  }
0x1c6: {  	v14 =	vmax.u32 v54, v59;
	v23 =	vmin.u32 v60, v22;
	v47 =	vmax.u32 v13, v46  }
0x1c7: {  	v13 =	vmin.u32 v13, v46;
	v52 =	vmax.u32 v11, v51;
	v11 =	vmin.u32 v11, v51  }
0x1c8: {  	v57 =	vmax.u32 v10, v55;
	v10 =	vmin.u32 v10, v55;
	v61 =	vmax.u32 v9, v41  }
0x1c9: {  	v9 =	vmin.u32 v9, v41;
	v56 =	vmin.u32 v50, v15;
	v15 =	vmax.u32 v50, v15  }
0x1ca: {  	v16 =	vmin.u32 v17, v14;
	v14 =	vmax.u32 v17, v14;
	v48 =	vmin.u32 v23, v47  }
0x1cb: {  	v53 =	vmax.u32 v13, v52;
	v13 =	vmin.u32 v13, v52;
	v58 =	vmax.u32 v11, v57  }
0x1cc: {  	v11 =	vmin.u32 v11, v57;
	v63 =	vmax.u32 v10, v61;
	v10 =	vmin.u32 v10, v61  }
0x1cd: {  	v26 =	vmax.u32 v9, v40;
	v9 =	vmin.u32 v9, v40;
	v12 =	vmin.u32 v12, v15  }
0x1ce: {  	v62 =	vmin.u32 v56, v14;
	v14 =	vmax.u32 v56, v14;
	v15 =	vmax.u32 v60, v22  }
0x1cf: {  	v54 =	vmin.u32 v48, v53;
	v59 =	vmax.u32 v13, v58;
	v13 =	vmin.u32 v13, v58  }
0x1d0: {  	v21 =	vmax.u32 v11, v63;
	v11 =	vmin.u32 v11, v63;
	v41 =	vmax.u32 v10, v26  }
0x1d1: {  	v10 =	vmin.u32 v10, v26;
	v45 =	vmax.u32 v9, v39;
	v9 =	vmin.u32 v9, v39  }
0x1d2: {  	v12 =	vmin.u32 v12, v14;
	v17 =	vmin.u32 v16, v15;
	v15 =	vmax.u32 v16, v15  }
0x1d3: {  	v14 =	vmax.u32 v23, v47;
	v60 =	vmin.u32 v54, v59;
	v22 =	vmax.u32 v13, v21  }
0x1d4: {  	v13 =	vmin.u32 v13, v21;
	v42 =	vmax.u32 v11, v41;
	v11 =	vmin.u32 v11, v41  }
0x1d5: {  	v47 =	vmax.u32 v10, v45;
	v10 =	vmin.u32 v10, v45;
	v51 =	vmax.u32 v9, v38  }
0x1d6: {  	v9 =	vmin.u32 v9, v38;
	v29 =	vmin.u32 v62, v15;
	v15 =	vmax.u32 v62, v15  }
0x1d7: {  	v16 =	vmin.u32 v17, v14;
	v14 =	vmax.u32 v17, v14;
	v23 =	vmin.u32 v60, v22  }
0x1d8: {  	v43 =	vmax.u32 v13, v42;
	v13 =	vmin.u32 v13, v42;
	v57 =	vmax.u32 v9, v37  }
0x1d9: {  	v9 =	vmin.u32 v9, v37;
	v12 =	vmin.u32 v12, v15;
	v50 =	vmin.u32 v29, v14  }
0x1da: {  	v14 =	vmax.u32 v29, v14;
	v15 =	vmax.u32 v48, v53;
	v44 =	vmin.u32 v23, v43  }
0x1db: {  	v48 =	vmax.u32 v11, v47;
	v11 =	vmin.u32 v11, v47;
	v53 =	vmax.u32 v10, v51  }
0x1dc: {  	v10 =	vmin.u32 v10, v51;
	v63 =	vmax.u32 v9, v36;
	v9 =	vmin.u32 v9, v36  }
0x1dd: {  	v12 =	vmin.u32 v12, v14;
	v17 =	vmin.u32 v16, v15;
	v15 =	vmax.u32 v16, v15  }
0x1de: {  	v14 =	vmax.u32 v54, v59;
	v49 =	vmax.u32 v13, v48;
	v13 =	vmin.u32 v13, v48  }
0x1df: {  	v54 =	vmax.u32 v11, v53;
	v11 =	vmin.u32 v11, v53;
	v59 =	vmax.u32 v10, v57  }
0x1e0: {  	v10 =	vmin.u32 v10, v57;
	v36 =	vmax.u32 v9, v35;
	v9 =	vmin.u32 v9, v35  }
0x1e1: {  	v56 =	vmin.u32 v50, v15;
	v15 =	vmax.u32 v50, v15;
	v16 =	vmin.u32 v17, v14  }
0x1e2: {  	v14 =	vmax.u32 v17, v14;
	v50 =	vmin.u32 v44, v49;
	v55 =	vmax.u32 v13, v54  }
0x1e3: {  	v13 =	vmin.u32 v13, v54;
	v42 =	vmax.u32 v9, v34;
	v9 =	vmin.u32 v9, v34  }
0x1e4: {  	v12 =	vmin.u32 v12, v15;
	v62 =	vmin.u32 v56, v14;
	v14 =	vmax.u32 v56, v14  }
0x1e5: {  	v15 =	vmax.u32 v60, v22;
	v56 =	vmin.u32 v50, v55;
	v60 =	vmax.u32 v11, v59  }
0x1e6: {  	v11 =	vmin.u32 v11, v59;
	v22 =	vmax.u32 v10, v63;
	v10 =	vmin.u32 v10, v63  }
0x1e7: {  	v48 =	vmax.u32 v9, v33;
	v9 =	vmin.u32 v9, v33;
	v12 =	vmin.u32 v12, v14  }
0x1e8: {  	v17 =	vmin.u32 v16, v15;
	v15 =	vmax.u32 v16, v15;
	v14 =	vmax.u32 v23, v43  }
0x1e9: {  	v61 =	vmax.u32 v13, v60;
	v13 =	vmin.u32 v13, v60;
	v23 =	vmax.u32 v11, v22  }
0x1ea: {  	v11 =	vmin.u32 v11, v22;
	v38 =	vmax.u32 v10, v36;
	v10 =	vmin.u32 v10, v36  }
0x1eb: {  	v54 =	vmax.u32 v9, v32;
	v9 =	vmin.u32 v9, v32;
	v29 =	vmin.u32 v62, v15  }
0x1ec: {  	v15 =	vmax.u32 v62, v15;
	v16 =	vmin.u32 v17, v14;
	v14 =	vmax.u32 v17, v14  }
0x1ed: {  	v62 =	vmin.u32 v56, v61;
	v26 =	vmax.u32 v13, v23;
	v13 =	vmin.u32 v13, v23  }
0x1ee: {  	v39 =	vmax.u32 v11, v38;
	v11 =	vmin.u32 v11, v38;
	v60 =	vmax.u32 v9, v31  }
0x1ef: {  	v9 =	vmin.u32 v9, v31;
	v12 =	vmin.u32 v12, v15;
	v46 =	vmin.u32 v29, v14  }
0x1f0: {  	v14 =	vmax.u32 v29, v14;
	v15 =	vmax.u32 v44, v49;
	v29 =	vmin.u32 v62, v26  }
0x1f1: {  	v40 =	vmax.u32 v13, v39;
	v13 =	vmin.u32 v13, v39;
	v44 =	vmax.u32 v10, v42  }
0x1f2: {  	v10 =	vmin.u32 v10, v42;
	v22 =	vmax.u32 v9, v30;
	v9 =	vmin.u32 v9, v30  }
0x1f3: {  	v12 =	vmin.u32 v12, v14;
	v17 =	vmin.u32 v16, v15;
	v15 =	vmax.u32 v16, v15  }
0x1f4: {  	v14 =	vmax.u32 v50, v55;
	v41 =	vmin.u32 v29, v40;
	v45 =	vmax.u32 v11, v44  }
0x1f5: {  	v11 =	vmin.u32 v11, v44;
	v50 =	vmax.u32 v10, v48;
	v10 =	vmin.u32 v10, v48  }
0x1f6: {  	v32 =	vmax.u32 v9, v28;
	v9 =	vmin.u32 v9, v28;
	v52 =	vmin.u32 v46, v15  }
0x1f7: {  	v15 =	vmax.u32 v46, v15;
	v16 =	vmin.u32 v17, v14;
	v14 =	vmax.u32 v17, v14  }
0x1f8: {  	v46 =	vmax.u32 v13, v45;
	v13 =	vmin.u32 v13, v45;
	v51 =	vmax.u32 v11, v50  }
0x1f9: {  	v11 =	vmin.u32 v11, v50;
	v38 =	vmax.u32 v9, v27;
	v9 =	vmin.u32 v9, v27  }
0x1fa: {  	v12 =	vmin.u32 v12, v15;
	v58 =	vmin.u32 v52, v14;
	v14 =	vmax.u32 v52, v14  }
0x1fb: {  	v15 =	vmax.u32 v56, v61;
	v47 =	vmin.u32 v41, v46;
	v52 =	vmax.u32 v13, v51  }
0x1fc: {  	v13 =	vmin.u32 v13, v51;
	v56 =	vmax.u32 v10, v54;
	v10 =	vmin.u32 v10, v54  }
0x1fd: {  	v44 =	vmin.u32 v9, v25;
	v9 =	vmax.u32 v9, v25;
	v12 =	vmin.u32 v12, v14  }
0x1fe: {  	v17 =	vmin.u32 v16, v15;
	v15 =	vmax.u32 v16, v15;
	v14 =	vmax.u32 v62, v26  }
0x1ff: {  	v53 =	vmin.u32 v47, v52;
	v57 =	vmax.u32 v11, v56;
	v11 =	vmin.u32 v11, v56  }
0x200: {  	v62 =	vmax.u32 v10, v60;
	v10 =	vmin.u32 v10, v60;
	v56 =	vmax.u32 v44, v24  }
0x201: {  	v21 =	vmin.u32 v58, v15;
	v15 =	vmax.u32 v58, v15;
	v16 =	vmin.u32 v17, v14  }
0x202: {  	v14 =	vmax.u32 v17, v14;
	v58 =	vmax.u32 v13, v57;
	v13 =	vmin.u32 v13, v57  }
0x203: {  	v63 =	vmax.u32 v11, v62;
	v11 =	vmin.u32 v11, v62;
	v26 =	vmax.u32 v10, v22  }
0x204: {  	v10 =	vmin.u32 v10, v22;
	v12 =	vmin.u32 v12, v15;
	v37 =	vmin.u32 v21, v14  }
0x205: {  	v14 =	vmax.u32 v21, v14;
	v15 =	vmax.u32 v29, v40;
	v59 =	vmin.u32 v53, v58  }
0x206: {  	v20 =	vmax.u32 v13, v63;
	v13 =	vmin.u32 v13, v63;
	v29 =	vmax.u32 v11, v26  }
0x207: {  	v11 =	vmin.u32 v11, v26;
	v34 =	vmax.u32 v10, v32;
	v10 =	vmin.u32 v10, v32  }
0x208: {  	v12 =	vmin.u32 v12, v14;
	v17 =	vmin.u32 v16, v15;
	v15 =	vmax.u32 v16, v15  }
0x209: {  	v14 =	vmax.u32 v41, v46;
	v21 =	vmin.u32 v59, v20;
	v30 =	vmax.u32 v13, v29  }
0x20a: {  	v13 =	vmin.u32 v13, v29;
	v35 =	vmax.u32 v11, v34;
	v11 =	vmin.u32 v11, v34  }
0x20b: {  	v40 =	vmax.u32 v10, v38;
	v10 =	vmin.u32 v10, v38;
	v46 =	vmin.u32 v44, v24  }
0x20c: {  	v43 =	vmin.u32 v37, v15;
	v15 =	vmax.u32 v37, v15;
	v16 =	vmin.u32 v17, v14  }
0x20d: {  	v14 =	vmax.u32 v17, v14;
	v31 =	vmin.u32 v21, v30;
	v36 =	vmax.u32 v13, v35  }
0x20e: {  	v13 =	vmin.u32 v13, v35;
	v41 =	vmax.u32 v11, v40;
	v11 =	vmin.u32 v11, v40  }
0x20f: {  	v48 =	vand.u32 $0x1FF, v46;
	v62 =	vand.u32 $0xFFFFFE00, v46;
	v12 =	vmin.u32 v12, v15  }
0x210: {  	v49 =	vmin.u32 v43, v14;
	v14 =	vmax.u32 v43, v14;
	v15 =	vmax.u32 v47, v52  }
0x211: {  	v37 =	vmin.u32 v31, v36;
	v42 =	vmax.u32 v13, v41;
	v13 =	vmin.u32 v13, v41  }
0x212: {  	v47 =	vmax.u32 v10, v9;
	v50 =	vmul.u32 $0xC, v48;
	v9 =	vmin.u32 v10, v9  }
0x213: {  	v12 =	vmin.u32 v12, v14;
	v17 =	vmin.u32 v16, v15;
	v15 =	vmax.u32 v16, v15  }
0x214: {  	v14 =	vmax.u32 v53, v58;
	v43 =	vmin.u32 v37, v42;
	v58 =	vmin.u32 v9, v56  }
0x215: {  	v9 =	vmax.u32 v9, v56;
	v55 =	vmin.u32 v49, v15;
	v15 =	vmax.u32 v49, v15  }
0x216: {  	v16 =	vmin.u32 v17, v14;
	v14 =	vmax.u32 v17, v14;
	v49 =	vmax.u32 v11, v47  }
0x217: {  	v11 =	vmin.u32 v11, v47;
	v53 =	vor.u32 $0x1, v50;
	v60 =	vor.u32 $0x2, v50  }
0x218: {  	v34 =	vadd.s32 $0x4, v50;
	v35 =	vadd.s32 $0x6, v50;
	v38 =	vadd.s32 $0x7, v50  }
0x219: {  	v41 =	vadd.s32 $0x8, v50;
	v46 =	vadd.s32 $0xA, v50;
	v47 =	vadd.s32 $0xB, v50  }
0x21a: {  	v12 =	vmin.u32 v12, v15;
	v61 =	vmin.u32 v55, v14;
	v14 =	vmax.u32 v55, v14  }
0x21b: {  	v15 =	vmax.u32 v59, v20;
	v51 =	vmax.u32 v13, v49;
	v13 =	vmin.u32 v13, v49  }
0x21c: {  	v27 =	vmin.u32 v11, v9;
	v9 =	vmax.u32 v11, v9;
	v12 =	vmin.u32 v12, v14  }
0x21d: {  	v17 =	vmin.u32 v16, v15;
	v15 =	vmax.u32 v16, v15;
	v14 =	vmax.u32 v21, v30  }
0x21e: {  	v52 =	vmax.u32 v43, v51;
	v54 =	vmin.u32 v43, v51;
	v23 =	vmin.u32 v61, v15  }
0x21f: {  	v15 =	vmax.u32 v61, v15;
	v16 =	vmin.u32 v17, v14;
	v14 =	vmax.u32 v17, v14  }
0x220: {  	v61 =	vand.u32 $0x1FF, v58;
	v12 =	vmin.u32 v12, v15;
	v33 =	vmin.u32 v23, v14  }
0x221: {  	v14 =	vmax.u32 v23, v14;
	v15 =	vmax.u32 v31, v36;
	v36 =	vmax.u32 v13, v9  }
0x222: {  	v18 =	vmul.u32 $0xC, v61;
	v12 =	vmin.u32 v12, v14;
	v17 =	vmin.u32 v16, v15  }
0x223: {  	v15 =	vmax.u32 v16, v15;
	v14 =	vmax.u32 v37, v42;
	v42 =	vadd.s32 $0x9, v50  }
0x224: {  	v59 =	vld.idx.msk [tilespmem:v48+s12+$0x0], $0xffff;
	v23 =	vmax.u32 v54, v36;
	v39 =	vmin.u32 v33, v15;
	v15 =	vmax.u32 v33, v15  }
0x225: {  	v63 =	vld.idx.msk [tilespmem:v50+s11+$0x0], $0xffff;
	v16 =	vmin.u32 v17, v14;
	v14 =	vmax.u32 v17, v14;
	v33 =	vor.u32 $0x3, v50  }
0x226: {  	v19 =	vld.idx.msk [tilespmem:v53+s11+$0x0], $0xffff;
	v51 =	vor.u32 $0x1, v18;
	v53 =	vor.u32 $0x3, v18;
	v56 =	vadd.s32 $0x5, v18  }
0x227: {  	v37 =	vld.idx.msk [tilespmem:v60+s11+$0x0], $0xffff;
	v12 =	vmin.u32 v12, v15;
	v45 =	vmin.u32 v39, v14;
	v14 =	vmax.u32 v39, v14  }
0x228: {  	v26 =	vld.idx.msk [tilespmem:v34+s11+$0x0], $0xffff;
	v55 =	vmin.u32 v16, v52;
	v57 =	vmax.u32 v16, v52;
	v15 =	vmin.u32 v13, v9  }
0x229: {  	v43 =	vld.idx.msk [tilespmem:v35+s11+$0x0], $0xffff;
	v13 =	vmin.u32 v54, v36;
	v39 =	vadd.s32 $0x5, v50;
	v16 =	vand.u32 $0xFFFFFE00, v58  }
0x22a: {  	v49 =	vld.idx.msk [tilespmem:v41+s11+$0x0], $0xffff;
	v52 =	vor.u32 $0x2, v18;
	v54 =	vadd.s32 $0x4, v18;
	v14 =	vmin.u32 v12, v14  }
0x22b: {  	v12 =	vmin.u32 v45, v57;
	v10 =	vmax.u32 v45, v57;
	v40 =	vld.idx.msk [tilespmem:v61+s12+$0x0], $0xffff;
	v44 =	vsub.f32 $0.0e+00, v16  }
0x22c: {  	v45 =	vld.idx.msk [tilespmem:v38+s11+$0x0], $0xffff;
	v10 =	vmin.u32 v14, v10;
	v14 =	vsub.f32 $0.0e+00, v62;
	v20 =	vmul.f32 v63, v7  }
0x22d: {  	v21 =	vld.idx.msk [tilespmem:v46+s11+$0x0], $0xffff;
	v11 =	vmin.u32 v55, v23;
	v19 =	vmul.f32 v19, v8;
	v17 =	vmul.f32 v37, v6  }
0x22e: {  	v62 =	vadd.s32 $0x9, v18;
	v50 =	vld.idx.msk [tilespmem:v42+s11+$0x0], $0xffff;
	v26 =	vmul.f32 v26, v8;
	v14 =	vmul.f32 v14, v59  }
0x22f: {  	v28 =	vmul.f32 v43, v7;
	v43 =	vadd.s32 $0x7, v18;
	v24 =	vld.idx.msk [tilespmem:v33+s11+$0x0], $0xffff;
	v59 =	vadd.s32 $0x6, v18  }
0x230: {  	v58 =	vld.idx.msk [tilespmem:v51+s11+$0x0], $0xffff;
	v19 =	vadd.f32 v19, v20;
	v14 =	vmul.f32 $1.442695020e+00, v14;
	v48 =	vmul.f32 v40, v44  }
0x231: {  	v30 =	vld.idx.msk [tilespmem:v56+s11+$0x0], $0xffff;
	v16 =	vmul.f32 v45, v8;
	v40 =	vand.u32 $0x1FF, v27;
	v44 =	vadd.s32 $0x8, v18  }
0x232: {  	v9 =	vld.idx.msk [tilespmem:v39+s11+$0x0], $0xffff;
	v45 =	vadd.s32 $0xA, v18;
	v27 =	vand.u32 $0xFFFFFE00, v27;
	v17 =	vadd.f32 v17, v19  }
0x233: {  	v20 =	vld.idx.msk [tilespmem:v47+s11+$0x0], $0xffff;
	v34 =	vmul.u32 $0xC, v40;
	(erf) = vpow2.f32 v14;
	v14 =	vmax.u32 v55, v23  }
0x234: {  	v61 =	vld.idx.msk [tilespmem:v52+s11+$0x0], $0xffff;
	v22 =	vmul.f32 $1.442695020e+00, v48;
	v16 =	vadd.f32 v16, v28;
	v23 =	vmul.f32 v49, v6  }
0x235: {  	v55 =	vld.idx.msk [tilespmem:v18+s11+$0x0], $0xffff;
	v18 =	vadd.s32 $0xB, v18;
	v49 =	vsub.f32 $0.0e+00, v27;
	v24 =	vmul.f32 v24, v7  }
0x236: {  	v42 =	vld.idx.msk [tilespmem:v54+s11+$0x0], $0xffff;
	v17 =	vadd.f32 v50, v17;
	v46 =	vor.u32 $0x1, v34;
	v48 =	vor.u32 $0x2, v34  }
0x237: {  	v29 =	vld.idx.msk [tilespmem:v62+s11+$0x0], $0xffff;
	v50 =	vmul.f32 v30, v6;
	v52 =	vor.u32 $0x3, v34;
	v54 =	vadd.s32 $0x4, v34  }
0x238: {  	v25 =	vld.idx.msk [tilespmem:v59+s11+$0x0], $0xffff;
	v56 =	vadd.s32 $0x5, v34;
	v62 =	vadd.s32 $0x6, v34;
	v16 =	vadd.f32 v23, v16  }
0x239: {  	v63 =	vld.idx.msk [tilespmem:v53+s11+$0x0], $0xffff;
	(erf) = vpow2.f32 v22;
	v9 =	vmul.f32 v9, v6;
	v24 =	vadd.f32 v26, v24  }
0x23a: {  	v23 =	vmul.f32 v61, v6;
	v26 =	vld.idx.msk [tilespmem:v43+s11+$0x0], $0xffff;
	v43 =	vadd.s32 $0x8, v34;
	v16 =	vadd.f32 v20, v16  }
0x23b: {  	v22 =	vld.idx.msk [tilespmem:v40+s12+$0x0], $0xffff;
	v20 =	vmul.f32 v42, v8;
	v57 =	vadd.f32 v9, v24;
	v9 =	vmin.u32 v12, v14  }
0x23c: {  	v47 =	vld.idx.msk [tilespmem:v44+s11+$0x0], $0xffff;
	v28 =	vmul.f32 v55, v7;
	v24 =	vmul.f32 v58, v8;
	v58 =	vand.u32 $0x1FF, v15  }
0x23d: {  	v51 =	vld.idx.msk [tilespmem:v34+s11+$0x0], $0xffff;
	v15 =	vand.u32 $0xFFFFFE00, v15;
	v12 =	vmax.u32 v12, v14;
	v55 =	vmul.f32 v25, v7  }
0x23e: {  	v53 =	vld.idx.msk [tilespmem:v46+s11+$0x0], $0xffff;
	v46 =	vmul.u32 $0xC, v58;
	v15 =	vsub.f32 $0.0e+00, v15;
	v10 =	vmin.u32 v10, v12  }
0x23f: {  	v33 =	vld.idx.msk [tilespmem:v48+s11+$0x0], $0xffff;
	v19 =	vadd.f32 v21, v57;
	v24 =	vadd.f32 v24, v28;
	v21 =	vmul.f32 v63, v7  }
0x240: {  	v61 =	vld.idx.msk [tilespmem:v54+s11+$0x0], $0xffff;
	v57 =	vadd.s32 $0x9, v34;
	v63 =	vadd.s32 $0x7, v34;
	v22 =	vmul.f32 v22, v49  }
0x241: {  	v25 =	vld.idx.msk [tilespmem:v56+s11+$0x0], $0xffff;
	v26 =	vmul.f32 v26, v8;
	v59 =	vmul.f32 v47, v6;
	v48 =	vor.u32 $0x1, v46  }
0x242: {  	v47 =	vld.idx.msk [tilespmem:v62+s11+$0x0], $0xffff;
	v54 =	vor.u32 $0x3, v46;
	v56 =	vadd.s32 $0x4, v46;
	v62 =	vadd.s32 $0x7, v46  }
0x243: {  	v36 =	vadd.s32 $0x5, v46;
	v38 =	vadd.s32 $0x8, v46;
	v39 =	vadd.s32 $0xA, v46;
	v60 =	vpop (erf)  }
0x244: {  	v23 =	vadd.f32 v23, v24;
	v20 =	vadd.f32 v20, v21;
	v17 =	vmul.f32 v60, v17  }
0x245: {  	v41 =	vadd.f32 $0.0e+00, v60;
	v19 =	vmul.f32 v60, v19;
	v16 =	vmul.f32 v60, v16  }
0x246: {  	v22 =	vmul.f32 $1.442695020e+00, v22;
	v21 =	vadd.f32 v26, v55;
	v60 =	vld.idx.msk [tilespmem:v52+s11+$0x0], $0xffff;
	v27 =	vmul.f32 v51, v7  }
0x247: {  	v44 =	vld.idx.msk [tilespmem:v58+s12+$0x0], $0xffff;
	v52 =	vor.u32 $0x2, v46;
	v58 =	vadd.s32 $0x9, v46;
	v23 =	vadd.f32 v29, v23  }
0x248: {  	v31 =	vld.idx.msk [tilespmem:v45+s11+$0x0], $0xffff;
	v20 =	vadd.f32 v50, v20;
	v24 =	vmul.f32 v53, v8;
	v42 =	vmul.f32 v33, v6  }
0x249: {  	v18 =	vld.idx.msk [tilespmem:v18+s11+$0x0], $0xffff;
	v28 =	vmul.f32 v61, v8;
	v50 =	vadd.s32 $0xB, v34;
	v17 =	vadd.f32 $0.0e+00, v17  }
0x24a: {  	v35 =	vpop (erf);
	v25 =	vmul.f32 v25, v6;
	v19 =	vadd.f32 $0.0e+00, v19;
	v16 =	vadd.f32 $0.0e+00, v16;
	v40 =	vld.idx.msk [tilespmem:v57+s11+$0x0], $0xffff  }
0x24b: {  	v32 =	vadd.f32 v35, v41;
	(erf) = vpow2.f32 v22;
	v21 =	vadd.f32 v59, v21;
	v26 =	vld.idx.msk [tilespmem:v63+s11+$0x0], $0xffff  }
0x24c: {  	v41 =	vadd.s32 $0xA, v34;
	v55 =	vld.idx.msk [tilespmem:v46+s11+$0x0], $0xffff;
	v57 =	vadd.s32 $0x6, v46;
	v59 =	vand.u32 $0x1FF, v13  }
0x24d: {  	v13 =	vand.u32 $0xFFFFFE00, v13;
	v23 =	vmul.f32 v23, v35;
	v20 =	vadd.f32 v31, v20;
	v29 =	vld.idx.msk [tilespmem:v48+s11+$0x0], $0xffff  }
0x24e: {  	v24 =	vadd.f32 v24, v27;
	v27 =	vmul.f32 v47, v7;
	v61 =	vld.idx.msk [tilespmem:v54+s11+$0x0], $0xffff;
	v13 =	vsub.f32 $0.0e+00, v13  }
0x24f: {  	v63 =	vld.idx.msk [tilespmem:v56+s11+$0x0], $0xffff;
	v18 =	vadd.f32 v18, v21;
	v20 =	vmul.f32 v20, v35;
	v17 =	vadd.f32 v23, v17  }
0x250: {  	v45 =	vadd.f32 v42, v24;
	v22 =	vmul.f32 v60, v7;
	v15 =	vmul.f32 v44, v15;
	v23 =	vld.idx.msk [tilespmem:v52+s11+$0x0], $0xffff  }
0x251: {  	v24 =	vadd.s32 $0xB, v46;
	v18 =	vmul.f32 v18, v35;
	v19 =	vadd.f32 v20, v19;
	v49 =	vld.idx.msk [tilespmem:v41+s11+$0x0], $0xffff  }
0x252: {  	v35 =	vmul.u32 $0xC, v59;
	v21 =	vadd.f32 v40, v45;
	v22 =	vadd.f32 v28, v22;
	v20 =	vld.idx.msk [tilespmem:v43+s11+$0x0], $0xffff  }
0x253: {  	v15 =	vmul.f32 $1.442695020e+00, v15;
	v26 =	vmul.f32 v26, v8;
	v37 =	vld.idx.msk [tilespmem:v57+s11+$0x0], $0xffff;
	v16 =	vadd.f32 v18, v16  }
0x254: {  	v41 =	vld.idx.msk [tilespmem:v59+s12+$0x0], $0xffff;
	v29 =	vmul.f32 v29, v8;
	v42 =	vor.u32 $0x1, v35;
	v18 =	vmul.f32 v61, v7  }
0x255: {  	v43 =	vld.idx.msk [tilespmem:v36+s11+$0x0], $0xffff;
	v46 =	vor.u32 $0x2, v35;
	v54 =	vadd.s32 $0x9, v35;
	v57 =	vadd.s32 $0x4, v35  }
0x256: {  	v45 =	vld.idx.msk [tilespmem:v38+s11+$0x0], $0xffff;
	v59 =	vadd.s32 $0x6, v35;
	v22 =	vadd.f32 v25, v22;
	v25 =	vmul.f32 v55, v7  }
0x257: {  	v33 =	vld.idx.msk [tilespmem:v50+s11+$0x0], $0xffff;
	v34 =	vadd.s32 $0x8, v35;
	v36 =	vadd.s32 $0xA, v35;
	v26 =	vadd.f32 v26, v27  }
0x258: {  	v23 =	vmul.f32 v23, v6;
	v51 =	vpop (erf);
	(erf) = vpow2.f32 v15;
	v15 =	vld.idx.msk [tilespmem:v58+s11+$0x0], $0xffff;
	v40 =	vadd.f32 v29, v25  }
0x259: {  	v58 =	vadd.s32 $0x5, v35;
	v53 =	vmul.f32 v21, v51;
	v20 =	vmul.f32 v20, v6;
	v21 =	vld.idx.msk [tilespmem:v62+s11+$0x0], $0xffff  }
0x25a: {  	v22 =	vadd.f32 v49, v22;
	v60 =	vadd.f32 v51, v32;
	v13 =	vmul.f32 v41, v13;
	v50 =	vld.idx.msk [tilespmem:v35+s11+$0x0], $0xffff  }
0x25b: {  	v28 =	vmul.f32 v43, v6;
	v55 =	vmul.f32 v45, v6;
	v52 =	vld.idx.msk [tilespmem:v42+s11+$0x0], $0xffff;
	v20 =	vadd.f32 v20, v26  }
0x25c: {  	v62 =	vadd.s32 $0x7, v35;
	v41 =	vadd.s32 $0xB, v35;
	v56 =	vld.idx.msk [tilespmem:v46+s11+$0x0], $0xffff;
	v22 =	vmul.f32 v22, v51  }
0x25d: {  	v25 =	vld.idx.msk [tilespmem:v59+s11+$0x0], $0xffff;
	v17 =	vadd.f32 v53, v17;
	v26 =	vmul.f32 v63, v8;
	v20 =	vadd.f32 v33, v20  }
0x25e: {  	v49 =	vld.idx.msk [tilespmem:v39+s11+$0x0], $0xffff;
	v53 =	vor.u32 $0x3, v35;
	v19 =	vadd.f32 v22, v19;
	v22 =	vadd.f32 v23, v40  }
0x25f: {  	v13 =	vmul.f32 $1.442695020e+00, v13;
	v18 =	vadd.f32 v26, v18;
	v21 =	vmul.f32 v21, v8  }
0x260: {  	v20 =	vmul.f32 v20, v51;
	v15 =	vadd.f32 v15, v22;
	v51 =	vmul.f32 v37, v7  }
0x261: {  	v24 =	vld.idx.msk [tilespmem:v24+s11+$0x0], $0xffff;
	v18 =	vadd.f32 v28, v18;
	v22 =	vmul.f32 v50, v7;
	v26 =	vmul.f32 v52, v8  }
0x262: {  	v23 =	vld.idx.msk [tilespmem:v34+s11+$0x0], $0xffff;
	v33 =	vmul.f32 v56, v6;
	v25 =	vmul.f32 v25, v7;
	v47 =	vadd.f32 v20, v16  }
0x263: {  	v32 =	vld.idx.msk [tilespmem:v57+s11+$0x0], $0xffff;
	v44 =	vpop (erf);
	v21 =	vadd.f32 v21, v51;
	(erf) = vpow2.f32 v13;
	v18 =	vadd.f32 v49, v18  }
0x264: {  	v22 =	vadd.f32 v26, v22;
	v13 =	vld.idx.msk [tilespmem:v58+s11+$0x0], $0xffff;
	v58 =	vand.u32 $0x1FF, v9;
	v9 =	vand.u32 $0xFFFFFE00, v9  }
0x265: {  	v63 =	vld.idx.msk [tilespmem:v54+s11+$0x0], $0xffff;
	v48 =	vadd.f32 v44, v60;
	v15 =	vmul.f32 v15, v44;
	v60 =	vand.u32 $0x1FF, v11  }
0x266: {  	v27 =	vld.idx.msk [tilespmem:v53+s11+$0x0], $0xffff;
	v11 =	vand.u32 $0xFFFFFE00, v11;
	v21 =	vadd.f32 v55, v21;
	v37 =	vmul.u32 $0xC, v60  }
0x267: {  	v40 =	vld.idx.msk [tilespmem:v62+s11+$0x0], $0xffff;
	v23 =	vmul.f32 v23, v6;
	v9 =	vsub.f32 $0.0e+00, v9;
	v22 =	vadd.f32 v33, v22  }
0x268: {  	v18 =	vmul.f32 v18, v44;
	v11 =	vsub.f32 $0.0e+00, v11;
	v61 =	vadd.f32 v24, v21  }
0x269: {  	v29 =	vld.idx.msk [tilespmem:v36+s11+$0x0], $0xffff;
	v15 =	vadd.f32 v15, v17;
	v17 =	vmul.f32 v32, v8;
	v43 =	vor.u32 $0x1, v37  }
0x26a: {  	v42 =	vadd.f32 v63, v22;
	v45 =	vor.u32 $0x2, v37;
	v63 =	vld.idx.msk [tilespmem:v58+s12+$0x0], $0xffff;
	v20 =	vmul.f32 v61, v44  }
0x26b: {  	v38 =	vadd.f32 v18, v19;
	v27 =	vmul.f32 v27, v7;
	v46 =	vor.u32 $0x3, v37;
	v39 =	vld.idx.msk [tilespmem:v60+s12+$0x0], $0xffff  }
0x26c: {  	v19 =	vmul.f32 v40, v8;
	v49 =	vadd.s32 $0x5, v37;
	v14 =	vadd.f32 v20, v47;
	v47 =	vld.idx.msk [tilespmem:v37+s11+$0x0], $0xffff  }
0x26d: {  	v50 =	vadd.s32 $0x9, v37;
	v52 =	vadd.s32 $0x6, v37;
	v54 =	vadd.s32 $0x7, v37;
	v20 =	vld.idx.msk [tilespmem:v41+s11+$0x0], $0xffff  }
0x26e: {  	v56 =	vadd.s32 $0x8, v37;
	v59 =	vadd.s32 $0xA, v37;
	v26 =	vadd.s32 $0xB, v37;
	v22 =	vld.idx.msk [tilespmem:v43+s11+$0x0], $0xffff  }
0x26f: {  	v24 =	vmul.u32 $0xC, v58;
	v13 =	vmul.f32 v13, v6;
	v17 =	vadd.f32 v17, v27;
	v51 =	vld.idx.msk [tilespmem:v45+s11+$0x0], $0xffff  }
0x270: {  	v19 =	vadd.f32 v19, v25;
	v61 =	vand.u32 $0x1FF, v10;
	v10 =	vand.u32 $0xFFFFFE00, v10;
	v53 =	vld.idx.msk [tilespmem:v46+s11+$0x0], $0xffff  }
0x271: {  	v36 =	vor.u32 $0x1, v24;
	v10 =	vsub.f32 $0.0e+00, v10;
	v25 =	vmul.u32 $0xC, v61;
	v57 =	vld.idx.msk [tilespmem:v49+s11+$0x0], $0xffff  }
0x272: {  	v13 =	vadd.f32 v13, v17;
	v19 =	vadd.f32 v23, v19;
	v41 =	vor.u32 $0x3, v24;
	v17 =	vld.idx.msk [tilespmem:v50+s11+$0x0], $0xffff  }
0x273: {  	v28 =	vld.idx.msk [tilespmem:v52+s11+$0x0], $0xffff;
	v45 =	vadd.s32 $0x5, v24;
	v49 =	vadd.s32 $0x8, v24;
	v50 =	vadd.s32 $0x9, v24  }
0x274: {  	v44 =	vpop (erf);
	v27 =	vld.idx.msk [tilespmem:v56+s11+$0x0], $0xffff;
	v52 =	vadd.s32 $0xA, v24;
	v56 =	vor.u32 $0x2, v25;
	v58 =	vor.u32 $0x3, v25  }
0x275: {  	v16 =	vadd.f32 v44, v48;
	v21 =	vmul.f32 v42, v44;
	v11 =	vmul.f32 v39, v11;
	v39 =	vld.idx.msk [tilespmem:v26+s11+$0x0], $0xffff  }
0x276: {  	v48 =	vadd.s32 $0x4, v37;
	v13 =	vadd.f32 v29, v13;
	v37 =	vor.u32 $0x2, v24;
	v43 =	vld.idx.msk [tilespmem:v61+s12+$0x0], $0xffff  }
0x277: {  	v42 =	vadd.s32 $0x4, v24;
	v9 =	vmul.f32 v63, v9;
	v63 =	vadd.s32 $0x6, v25;
	v46 =	vld.idx.msk [tilespmem:v36+s11+$0x0], $0xffff  }
0x278: {  	v61 =	vadd.s32 $0x4, v25;
	v15 =	vadd.f32 v21, v15;
	v21 =	vld.idx.msk [tilespmem:v54+s11+$0x0], $0xffff;
	v11 =	vmul.f32 $1.442695020e+00, v11  }
0x279: {  	v13 =	vmul.f32 v13, v44;
	v9 =	vmul.f32 $1.442695020e+00, v9;
	v19 =	vadd.f32 v20, v19;
	v20 =	vld.idx.msk [tilespmem:v59+s11+$0x0], $0xffff  }
0x27a: {  	v36 =	vadd.s32 $0x7, v25;
	v18 =	vmul.f32 v47, v7;
	v29 =	vld.idx.msk [tilespmem:v41+s11+$0x0], $0xffff;
	(erf) = vpow2.f32 v11  }
0x27b: {  	v54 =	vor.u32 $0x1, v25;
	v22 =	vmul.f32 v22, v8;
	v60 =	vmul.f32 v51, v6;
	v55 =	vld.idx.msk [tilespmem:v48+s11+$0x0], $0xffff  }
0x27c: {  	v47 =	vadd.s32 $0x6, v24;
	v40 =	vmul.f32 v57, v6;
	v28 =	vmul.f32 v28, v7;
	v51 =	vld.idx.msk [tilespmem:v45+s11+$0x0], $0xffff  }
0x27d: {  	v12 =	vadd.f32 v13, v38;
	v27 =	vmul.f32 v27, v6;
	v57 =	vld.idx.msk [tilespmem:v50+s11+$0x0], $0xffff;
	v19 =	vmul.f32 v19, v44  }
0x27e: {  	v11 =	vmul.f32 v53, v7;
	v48 =	vadd.s32 $0x7, v24;
	v30 =	vld.idx.msk [tilespmem:v42+s11+$0x0], $0xffff;
	v42 =	vadd.s32 $0xB, v24  }
0x27f: {  	v44 =	vld.idx.msk [tilespmem:v24+s11+$0x0], $0xffff;
	v18 =	vadd.f32 v22, v18;
	v10 =	vmul.f32 v43, v10;
	(erf) = vpow2.f32 v9  }
0x280: {  	v23 =	vld.idx.msk [tilespmem:v61+s11+$0x0], $0xffff;
	v13 =	vadd.f32 v19, v14;
	v21 =	vmul.f32 v21, v8;
	v62 =	vmul.f32 v55, v8  }
0x281: {  	v43 =	vld.idx.msk [tilespmem:v63+s11+$0x0], $0xffff;
	v14 =	vmul.f32 v46, v8;
	v18 =	vadd.f32 v60, v18;
	v10 =	vmul.f32 $1.442695020e+00, v10  }
0x282: {  	v19 =	vld.idx.msk [tilespmem:v47+s11+$0x0], $0xffff;
	v29 =	vmul.f32 v29, v7;
	v47 =	vadd.s32 $0xA, v25;
	v11 =	vadd.f32 v62, v11  }
0x283: {  	v46 =	vld.idx.msk [tilespmem:v36+s11+$0x0], $0xffff;
	v21 =	vadd.f32 v21, v28;
	v9 =	vmul.f32 v51, v6;
	v38 =	vpop (erf);
	(erf) = vpow2.f32 v10  }
0x284: {  	v60 =	vld.idx.msk [tilespmem:v52+s11+$0x0], $0xffff;
	v17 =	vadd.f32 v17, v18;
	v26 =	vmul.f32 v44, v7;
	v11 =	vadd.f32 v40, v11  }
0x285: {  	v18 =	vld.idx.msk [tilespmem:v37+s11+$0x0], $0xffff;
	v30 =	vmul.f32 v30, v8;
	v37 =	vadd.s32 $0x5, v25;
	v44 =	vadd.s32 $0x9, v25  }
0x286: {  	v53 =	vld.idx.msk [tilespmem:v48+s11+$0x0], $0xffff;
	v21 =	vadd.f32 v27, v21;
	v23 =	vmul.f32 v23, v8;
	v11 =	vadd.f32 v20, v11  }
0x287: {  	v55 =	vld.idx.msk [tilespmem:v49+s11+$0x0], $0xffff;
	v50 =	vmul.f32 v43, v7;
	v14 =	vadd.f32 v14, v26;
	v29 =	vadd.f32 v30, v29  }
0x288: {  	v62 =	vld.idx.msk [tilespmem:v25+s11+$0x0], $0xffff;
	v59 =	vadd.f32 v39, v21;
	v40 =	vadd.s32 $0x8, v25;
	v11 =	vmul.f32 v11, v38  }
0x289: {  	v39 =	vld.idx.msk [tilespmem:v58+s11+$0x0], $0xffff;
	v9 =	vadd.f32 v9, v29;
	v16 =	vadd.f32 v38, v16;
	v17 =	vmul.f32 v17, v38  }
0x28a: {  	v18 =	vmul.f32 v18, v6;
	v20 =	vld.idx.msk [tilespmem:v54+s11+$0x0], $0xffff;
	v11 =	vadd.f32 v11, v12;
	v12 =	vmul.f32 v59, v38;
	v38 =	vpop (erf)  }
0x28b: {  	v52 =	vmul.f32 v46, v8;
	v19 =	vmul.f32 v19, v7;
	v10 =	vld.idx.msk [tilespmem:v56+s11+$0x0], $0xffff;
	v41 =	vadd.f32 v38, v16  }
0x28c: {  	v25 =	vadd.s32 $0xB, v25;
	v9 =	vadd.f32 v60, v9;
	v14 =	vadd.f32 v18, v14;
	v18 =	vld.idx.msk [tilespmem:v37+s11+$0x0], $0xffff;
	v45 =	vpop (erf)  }
0x28d: {  	v27 =	vmul.f32 v55, v6;
	v48 =	vld.idx.msk [tilespmem:v40+s11+$0x0], $0xffff;
	v12 =	vadd.f32 v12, v13;
	v13 =	vadd.f32 v45, v41  }
0x28e: {  	v15 =	vadd.f32 v17, v15;
	v17 =	vmul.f32 v53, v8;
	v26 =	vmul.f32 v62, v7  }
0x28f: {  	v49 =	vld.idx.msk [tilespmem:v44+s11+$0x0], $0xffff;
	v30 =	vmul.f32 v39, v7;
	v20 =	vmul.f32 v20, v8;
	v13 =	vadd.f32 $9.999999930e-09, v13  }
0x290: {  	v7 =	vadd.f32 v52, v50;
	v14 =	vadd.f32 v57, v14;
	v10 =	vmul.f32 v10, v6;
	v16 =	vld.idx.msk [tilespmem:v42+s11+$0x0], $0xffff  }
0x291: {  	v51 =	vld.idx.msk [tilespmem:v47+s11+$0x0], $0xffff;
	v17 =	vadd.f32 v17, v19;
	v20 =	vadd.f32 v20, v26;
	(erf) = vrcp.f32 v13  }
0x292: {  	v54 =	vld.idx.msk [tilespmem:v25+s11+$0x0], $0xffff;
	v23 =	vadd.f32 v23, v30;
	v18 =	vmul.f32 v18, v6;
	v55 =	vmul.f32 v48, v6  }
0x293: {  	v53 =	vadd.f32 v27, v17;
	v10 =	vadd.f32 v10, v20  }
0x294: {  	v56 =	vmul.f32 v14, v38;
	v57 =	vadd.f32 v18, v23;
	v6 =	vadd.f32 v55, v7  }
0x295: {  	v10 =	vadd.f32 v49, v10;
	v13 =	vadd.f32 v16, v53  }
0x296: {  	v59 =	vmul.f32 v9, v38;
	v58 =	vadd.f32 v56, v15;
	v60 =	vadd.f32 v51, v57  }
0x297: {  	v6 =	vadd.f32 v54, v6;
	v10 =	vmul.f32 v10, v45;
	v13 =	vmul.f32 v13, v38  }
0x298: {  	v8 =	vadd.f32 v59, v11;
	v9 =	vmul.f32 v60, v45  }
0x299: {  	s15 =	sadd.s32 $0x1, s15;
	v6 =	vmul.f32 v6, v45;
	v7 =	vadd.f32 v10, v58;
	v61 =	vadd.f32 v13, v12  }
0x29a: {  	p0 =	sne.s32 s15, $0x62;
	v8 =	vadd.f32 v9, v8;
	v62 =	vpop (erf)  }
.Ltmp1:
0x29b: {  	v6 =	vadd.f32 v6, v61;
	v7 =	vmul.f32 v7, v62;
	(pc) =	sbr.rel @p0 .LBB2_2-.Ltmp1, $4  }
0x29c: {  	v8 =	vmul.f32 v8, v62  }
0x29d: {  	v63 =	vmul.f32 v6, v62;
	[tilespmem:v5+s13+$0x0] =	vst.idx.msk $0xffff, v7  }
0x29e: {  	[tilespmem:v4+s13+$0x0] =	vst.idx.msk $0xffff, v8  }
0x29f: {  	[tilespmem:v3+s13+$0x0] =	vst.idx.msk $0xffff, v63  }
0x2a0: {  	s14 =	sadd.s32 $0x1, s14  }
0x2a1: {  	p0 =	sne.s32 s14, s8  }
.Ltmp2:
0x2a2: {  	_ = 	snop;
	(pc) =	sbr.rel @p0 .LBB2_1-.Ltmp2, $4  }
0x2a3: {  	[hbm4b:s7+s2] =	stream.linear.scatter [tilespmem:s13], [sflag:$0x1], $0x1260, $0x38;
	[tilespmem:$0x9F00] =	vst v63  }
0x2a4: {  	_ =	swait.ge [sflag:s9], $0x1260  }
0x2a5: {  	[sflag:s9] =	ssyncset.done $0x0  }
0x2a6: {  	[sflag:s9] =	ssyncadd.s32 $0xFFFFEDA0  }
0x2a7: {  	_ =	sfence.sel $0x180000  }
0x2a8: {  	[bflag:$0x0] =	sbarrier.arrive $0xFFFF  }
0x2a9: {  	p0 =	sne.s32 s0, $0x0;
	_ =	strace $0x90000047  }
0x2aa: {  	s0 =	sadd.s32 @!p0 $0x100000, s1;
	[bflag:$0x2] =	sbarrier.arrive $0xFFFF  }
0x2ab: {  	[sflag:s0] =	ssyncadd.tile.s32 @!p0 $0x1;
	_ =	shalt  }
.Lfunc_end2:
_tile_overlayer_lowered:
.L_overlay_start_2:
0x2ac: {  	(tag) =	ssettag $0x2  }
0x2ad: {  	s0 =	rddreg [dreg:$0x0];
	s2 =	stileid.u32  }
0x2ae: {  	s1 =	rddreg [dreg:$0x1];
	p0 =	sne.s32 s2, $0x0  }
0x2af: {  	s3 =	rddreg [dreg:$0x2];
	[bflag:$0x3] =	sbarrier.arrive $0xFFFF;
	s2 =	simm.s32 @!p0 $0x1C01  }
0x2b0: {  	[timem:s3], [sflag:s2] =	dma.local @!p0 [hbm:s0], s1  }
0x2b1: {  	s0 =	simm.s32 @!p0 $0x1  }
0x2b2: {  	_ =	swait.ge @!p0 [sflag:s0], s1  }
0x2b3: {  	s1 =	ssub.s32 @!p0 $0x0, s1;
	[sflag:s0] =	ssyncset.done @!p0 $0x0  }
0x2b4: {  	[sflag:s0] =	ssyncadd.s32 @!p0 s1  }
0x2b5: {  	[bflag:$0x3] =	sbarrier.arrive $0xFFFF  }
0x2b6: {  	_ =	shalt  }

</sc_bundles>
